<compile_context>
chip_gen: v7x
topology: tpu7x:2x2x1
jax: 0.10.2.dev20260603
libtpu: 0.0.44.dev20260713+nightly
codegen_flags: <defaults>
</compile_context>

<pallas_src>
import functools

import jax
import jax.numpy as jnp
from jax import lax
from jax.experimental import pallas as pl
from jax.experimental.pallas import tpu as pltpu
from jax.experimental.pallas import tpu_sc as plsc

N, DIM, PD, K = 4096, 256, 3, 16
PDP = 16
PPAD = 128
GCOLS = DIM + PPAD
KNN_BLK = 512
MAIN_BLK = 256
NW = 32
GCHUNK = 128
INV_SQRT_D = 1.0 / 16.0
H = DIM // 2
NSPLIT = 4


def _pack(a):
    bits = lax.bitcast_convert_type(a, jnp.int32)
    hi = jnp.bitwise_and(bits[:, :H], jnp.int32(-65536))
    lo = lax.shift_right_logical(bits[:, H:], 16)
    return lax.bitcast_convert_type(jnp.bitwise_or(hi, lo), jnp.float32)


def _unpack(p):
    bits = lax.bitcast_convert_type(p, jnp.int32)
    hi = lax.bitcast_convert_type(
        jnp.bitwise_and(bits, jnp.int32(-65536)), jnp.float32)
    lo = lax.bitcast_convert_type(
        lax.shift_left(bits, 16), jnp.float32)
    return jnp.concatenate([hi, lo], axis=1)


PREP_BLK = 1024


def _prep_body(x_ref, pospad_ref, Wq_ref, Wk_ref, Wv_ref, Wm1_ref, Wp2_ref,
               bm1_ref, bp2_ref, A_ref, G_ref, Wmix_ref, c0_ref):
    x = x_ref[...]
    Wm1 = Wm1_ref[...]
    A_ref[...] = (Wq_ref[...] @ Wm1).astype(jnp.bfloat16)
    kx = (x @ (Wk_ref[...] @ Wm1)).astype(jnp.bfloat16).astype(jnp.float32)
    v = (x @ Wv_ref[...]).astype(jnp.bfloat16).astype(jnp.float32)
    G_ref[...] = jnp.concatenate(
        [_pack(kx), _pack(v), pospad_ref[...]], axis=1)
    Wp2 = Wp2_ref[...]
    Wmix_ref[...] = jnp.concatenate(
        [Wp2 @ Wm1, Wp2], axis=1).astype(jnp.bfloat16)
    c0_ref[...] = bp2_ref[...] @ Wm1 + bm1_ref[...]


def _prep(x, pospad, Wq, Wk, Wv, Wm1, Wp2, bm1, bp2):
    blk = lambda r, c: pl.BlockSpec((r, c), lambda i: (i, 0))
    full = lambda r, c: pl.BlockSpec((r, c), lambda i: (0, 0))
    return pl.pallas_call(
        _prep_body,
        grid=(N // PREP_BLK,),
        in_specs=[
            blk(PREP_BLK, DIM),
            blk(PREP_BLK, PPAD),
            full(DIM, DIM), full(DIM, DIM), full(DIM, DIM),
            full(DIM, DIM), full(DIM, DIM),
            full(1, DIM), full(1, DIM),
        ],
        out_specs=(
            full(DIM, DIM),
            blk(PREP_BLK, GCOLS),
            full(DIM, 2 * DIM),
            full(1, DIM),
        ),
        out_shape=(
            jax.ShapeDtypeStruct((DIM, DIM), jnp.bfloat16),
            jax.ShapeDtypeStruct((N, GCOLS), jnp.float32),
            jax.ShapeDtypeStruct((DIM, 2 * DIM), jnp.bfloat16),
            jax.ShapeDtypeStruct((1, DIM), jnp.float32),
        ),
    )(x, pospad, Wq, Wk, Wv, Wm1, Wp2, bm1, bp2)


def _batcher_pairs(n):
    pairs = []
    p = 1
    while p < n:
        k = p
        while k >= 1:
            for j in range(k % p, n - k, 2 * k):
                for i in range(0, min(k, n - j - k)):
                    if (i + j) // (2 * p) == (i + j + k) // (2 * p):
                        pairs.append((i + j, i + j + k))
            k //= 2
        p *= 2
    return pairs


_SORT16 = _batcher_pairs(K)


def _knn_body(posb_ref, pospadT_ref, ind_ref):
    posb = posb_ref[...]
    pT = pospadT_ref[...]
    sqb = jnp.sum(posb * posb, axis=1, keepdims=True)
    sqf = jnp.sum(pT * pT, axis=0, keepdims=True)
    d2 = sqb + sqf - 2.0 * jnp.dot(posb, pT, preferred_element_type=jnp.float32)
    bits = lax.bitcast_convert_type(jnp.maximum(d2, 0.0), jnp.int32)
    iota = lax.broadcasted_iota(jnp.int32, (KNN_BLK, N), 1)
    keys = jnp.bitwise_or(jnp.bitwise_and(bits, jnp.int32(-4096)), iota)
    imax = jnp.int32(2147483647)
    ng = N // K
    S = [keys[:, i * ng:(i + 1) * ng] for i in range(K)]
    for a, b in _SORT16:
        lo = jnp.minimum(S[a], S[b])
        hi = jnp.maximum(S[a], S[b])
        S[a], S[b] = lo, hi
    hw = ng // 2
    S = [jnp.minimum(S[i][:, :hw], S[K - 1 - i][:, hw:]) for i in range(K)]
    for d in (8, 4, 2, 1):
        for i in range(K):
            if i & d == 0:
                lo = jnp.minimum(S[i], S[i + d])
                hi = jnp.maximum(S[i], S[i + d])
                S[i], S[i + d] = lo, hi
    cols = []
    for _ in range(K):
        mk = jnp.min(S[0], axis=1, keepdims=True)
        cols.append(jnp.bitwise_and(mk, jnp.int32(4095)))
        m = S[0] == mk
        for i in range(K - 1):
            S[i] = jnp.where(m, S[i + 1], S[i])
        S[K - 1] = jnp.where(m, imax, S[K - 1])
    ind_ref[...] = jnp.concatenate(cols, axis=1)


def _knn(pospad_rows, pospadT):
    nr = pospad_rows.shape[0]
    return pl.pallas_call(
        _knn_body,
        grid=(nr // KNN_BLK,),
        in_specs=[
            pl.BlockSpec((KNN_BLK, PDP), lambda i: (i, 0)),
            pl.BlockSpec((PDP, N), lambda i: (0, 0)),
        ],
        out_specs=pl.BlockSpec((KNN_BLK, K), lambda i: (i, 0)),
        out_shape=jax.ShapeDtypeStruct((nr, K), jnp.int32),
    )(pospad_rows, pospadT)


def _gather_body(rows_per_w, G_hbm, ind_hbm, Gg_hbm, idx_v, rows0,
                 rows1, sem0, sem1):
    wid = lax.axis_index("s") * 2 + lax.axis_index("c")
    base = wid * rows_per_w
    pltpu.sync_copy(ind_hbm.at[pl.ds(base, rows_per_w)], idx_v)
    bufs = (rows0, rows1)
    sems = (sem0, sem1)
    nch = rows_per_w // GCHUNK
    cps = [None, None]
    cps[0] = pltpu.async_copy(
        G_hbm.at[idx_v.at[pl.ds(0, GCHUNK)]], bufs[0], sems[0])
    for c in range(nch):
        if c + 1 < nch:
            p = (c + 1) % 2
            cps[p] = pltpu.async_copy(
                G_hbm.at[idx_v.at[pl.ds((c + 1) * GCHUNK, GCHUNK)]],
                bufs[p], sems[p])
        cps[c % 2].wait()
        pltpu.sync_copy(bufs[c % 2],
                        Gg_hbm.at[pl.ds(base + c * GCHUNK, GCHUNK)])


def _gather(G, ind_flat):
    nrows = ind_flat.shape[0]
    rows_per_w = nrows // NW
    mesh = plsc.VectorSubcoreMesh(core_axis_name="c", subcore_axis_name="s")
    run = pl.kernel(
        functools.partial(_gather_body, rows_per_w),
        mesh=mesh,
        out_type=jax.ShapeDtypeStruct((nrows, GCOLS), jnp.float32),
        scratch_types=[
            pltpu.VMEM((rows_per_w,), jnp.int32),
            pltpu.VMEM((GCHUNK, GCOLS), jnp.float32),
            pltpu.VMEM((GCHUNK, GCOLS), jnp.float32),
            pltpu.SemaphoreType.DMA,
            pltpu.SemaphoreType.DMA,
        ],
    )
    return run(G, ind_flat)


def _main_body(Wqm_ref, x_ref, posb_ref, Gg_ref, Wp1_ref, bp1_ref,
               Wmix_ref, c0_ref, Wm2_ref, bm2_ref, bp2_ref, Wf_ref, bf_ref,
               out_ref):
    Gg = Gg_ref[...]
    Bg = _unpack(Gg[:, :H])
    Vg = _unpack(Gg[:, H:DIM])
    posg = Gg[:, DIM:]
    posb = posb_ref[...]
    A = jnp.dot(x_ref[...].astype(jnp.bfloat16), Wqm_ref[...],
                preferred_element_type=jnp.float32)
    relb = jnp.broadcast_to(
        posb.reshape(MAIN_BLK, 1, PPAD), (MAIN_BLK, K, PPAD)
    ).reshape(MAIN_BLK * K, PPAD)
    rel = (relb - posg).astype(jnp.bfloat16)
    h = jnp.maximum(
        jnp.dot(rel, Wp1_ref[...], preferred_element_type=jnp.float32)
        + bp1_ref[...], 0.0).astype(jnp.bfloat16)
    pemix = jnp.dot(h, Wmix_ref[...], preferred_element_type=jnp.float32)
    a = jnp.broadcast_to(
        A.reshape(MAIN_BLK, 1, DIM), (MAIN_BLK, K, DIM)
    ).reshape(MAIN_BLK * K, DIM)
    u = a - Bg + pemix[:, :DIM] + c0_ref[...]
    w2 = (Wm2_ref[...] * INV_SQRT_D).astype(jnp.bfloat16)
    l = jnp.dot(jnp.maximum(u, 0.0).astype(jnp.bfloat16), w2,
                preferred_element_type=jnp.float32) + bm2_ref[...] * INV_SQRT_D
    e = jnp.exp(l)
    z = Vg + pemix[:, DIM:] + bp2_ref[...]
    ez3 = (e * z).reshape(MAIN_BLK, K, DIM)
    e3 = e.reshape(MAIN_BLK, K, DIM)
    o = jnp.sum(ez3, axis=1) / jnp.sum(e3, axis=1)
    out_ref[...] = (
        jnp.dot(o.astype(jnp.bfloat16), Wf_ref[...].astype(jnp.bfloat16),
                preferred_element_type=jnp.float32)
        + bf_ref[...] + x_ref[...])


def _main(Wqm, x, pospad, Gg, half, Wp1pad, bp1, Wmix, c0, Wm2, bm2, bp2,
          Wf, bf):
    hn = N // NSPLIT
    nb = hn // MAIN_BLK
    off = half * nb
    full = lambda r, c: pl.BlockSpec((r, c), lambda i: (0, 0))
    rows = lambda r, c: pl.BlockSpec((r, c), lambda i: (i + off, 0))
    return pl.pallas_call(
        _main_body,
        grid=(nb,),
        in_specs=[
            full(DIM, DIM),
            rows(MAIN_BLK, DIM),
            rows(MAIN_BLK, PPAD),
            pl.BlockSpec((MAIN_BLK * K, GCOLS), lambda i: (i, 0)),
            full(PPAD, DIM),
            full(1, DIM),
            full(DIM, 2 * DIM),
            full(1, DIM),
            full(DIM, DIM),
            full(1, DIM),
            full(1, DIM),
            full(DIM, DIM),
            full(1, DIM),
        ],
        out_specs=pl.BlockSpec((MAIN_BLK, DIM), lambda i: (i, 0)),
        out_shape=jax.ShapeDtypeStruct((hn, DIM), jnp.float32),
    )(Wqm, x, pospad, Gg, Wp1pad, bp1, Wmix, c0, Wm2, bm2, bp2, Wf, bf)


def kernel(x, pos, Wq, Wk, Wv, Wm1, bm1, Wm2, bm2, Wp1, bp1, Wp2, bp2, Wf, bf):
    pospad16 = jnp.pad(pos, ((0, 0), (0, PDP - PD)))
    pospadT = pospad16.T
    pospad = jnp.pad(pos, ((0, 0), (0, PPAD - PD)))
    Wp1pad = jnp.pad(Wp1, ((0, PPAD - PD), (0, 0))).astype(jnp.bfloat16)
    r = lambda b: b.reshape(1, DIM)

    Wqm, G, Wmix, c0 = _prep(x, pospad, Wq, Wk, Wv, Wm1, Wp2, r(bm1), r(bp2))
    hn = N // NSPLIT
    outs = []
    inds = [_knn(pospad16[i * hn:(i + 1) * hn], pospadT)
            for i in range(NSPLIT)]
    ggs = [_gather(G, ind.reshape(hn * K)) for ind in inds]
    for i in range(NSPLIT):
        outs.append(_main(Wqm, x, pospad, ggs[i], i, Wp1pad, r(bp1),
                          Wmix, c0, Wm2, r(bm2), r(bp2), Wf, r(bf)))
    return jnp.concatenate(outs, axis=0)

# --- scband reference (transcript-rebuilt; emitter-appended) ---
"""Pipeline reference for scband-point-transformer-block-44332652430155 (READ-ONLY COPY).

The authoritative reference and input builder live on the scoring server;
editing this copy changes nothing except your own understanding.
"""

import jax, jax.numpy as jnp
import numpy as np

N, DIM, PD, K = 4096, 256, 3, 16

def setup_inputs(seed: int = 0) -> dict:
    key = jax.random.key(seed)
    ks = jax.random.split(key, 16)
    s = 0.02
    inp = {}
    inp['x'] = jax.random.normal(ks[0], (N, DIM), dtype=jnp.float32)
    inp['pos'] = jax.random.uniform(ks[1], (N, PD), dtype=jnp.float32)
    inp['Wq'] = jax.random.normal(ks[2], (DIM, DIM), dtype=jnp.float32) * s
    inp['Wk'] = jax.random.normal(ks[3], (DIM, DIM), dtype=jnp.float32) * s
    inp['Wv'] = jax.random.normal(ks[4], (DIM, DIM), dtype=jnp.float32) * s
    inp['Wm1'] = jax.random.normal(ks[5], (DIM, DIM), dtype=jnp.float32) * s
    inp['bm1'] = jnp.zeros((DIM,), dtype=jnp.float32)
    inp['Wm2'] = jax.random.normal(ks[6], (DIM, DIM), dtype=jnp.float32) * s
    inp['bm2'] = jnp.zeros((DIM,), dtype=jnp.float32)
    inp['Wp1'] = jax.random.normal(ks[7], (PD, DIM), dtype=jnp.float32) * s
    inp['bp1'] = jnp.zeros((DIM,), dtype=jnp.float32)
    inp['Wp2'] = jax.random.normal(ks[8], (DIM, DIM), dtype=jnp.float32) * s
    inp['bp2'] = jnp.zeros((DIM,), dtype=jnp.float32)
    inp['Wf'] = jax.random.normal(ks[9], (DIM, DIM), dtype=jnp.float32) * s
    inp['bf'] = jnp.zeros((DIM,), dtype=jnp.float32)
    return inp

def _knn_indices(pos, k):
    # squared pairwise distances pos->pos, take k nearest (includes self)
    sq = jnp.sum(pos * pos, axis=-1)
    d2 = sq[:, None] + sq[None, :] - 2.0 * (pos @ pos.T)
    _, ind = jax.lax.top_k(-d2, k)
    return ind

def reference(x, pos, Wq, Wk, Wv, Wm1, bm1, Wm2, bm2, Wp1, bp1, Wp2, bp2, Wf, bf):
    ind = _knn_indices(pos, K)                 # [N, K]
    x_k = jnp.take(x, ind, axis=0)             # [N, K, DIM]
    pos_k = jnp.take(pos, ind, axis=0)         # [N, K, PD]
    rel = pos[:, None, :] - pos_k              # [N, K, PD]
    pe = jnp.maximum(rel @ Wp1 + bp1, 0.0) @ Wp2 + bp2   # [N, K, DIM]
    q = (x @ Wq)[:, None, :]                   # [N, 1, DIM]
    kx = x_k @ Wk                              # [N, K, DIM]
    y = q - kx + pe
    y = jnp.maximum(y @ Wm1 + bm1, 0.0) @ Wm2 + bm2
    y = jax.nn.softmax(y / np.sqrt(y.shape[-1]), axis=-2)
    z = x_k @ Wv + pe
    out = jnp.sum(y * z, axis=-2)              # [N, DIM]
    out = out @ Wf + bf + x
    return out

if __name__ == "__main__":
    import jax
    _d = setup_inputs()
    print(jax.jit(kernel)(*tuple(_d.values())))

</pallas_src>

<mosaic_0001>
#map = affine_map<(d0, d1) -> (0, 0)>
#map1 = affine_map<(d0, d1) -> (0)>
module attributes {stable_mosaic.version = 14 : i64} {
  func.func @_gather_body(%arg0: i32, %arg1: i32, %arg2: memref<4096x384xf32, #tpu.memory_space<hbm>>, %arg3: memref<16384xi32, #tpu.memory_space<hbm>>, %arg4: memref<16384x384xf32, #tpu.memory_space<hbm>>, %arg5: memref<512xi32, #tpu.memory_space<vmem>>, %arg6: memref<128x384xf32, #tpu.memory_space<vmem>>, %arg7: memref<128x384xf32, #tpu.memory_space<vmem>>, %arg8: memref<!tpu.dma_semaphore, #tpu.memory_space<semaphore_mem>>, %arg9: memref<!tpu.dma_semaphore, #tpu.memory_space<semaphore_mem>>) attributes {dimension_semantics = [#tpu.dimension_semantics<core_parallel>, #tpu.dimension_semantics<subcore_parallel>], iteration_bounds = array<i64: 2, 16>, scalar_prefetch = 0 : i64, scratch_operands = 5 : i64, tpu.core_type = #tpu.core_type<sc_vector_subcore>, window_params = [{transform_indices = #map}, {transform_indices = #map1}, {transform_indices = #map}]} {
    %mul3A = arith.constant 2 : i32
    %mul3A_0 = arith.muli %arg1, %mul3A : i32
    %add3A = arith.addi %mul3A_0, %arg0 : i32
    %mul3A_1 = arith.constant 512 : i32
    %mul3A_2 = arith.muli %add3A, %mul3A_1 : i32
    "tpu.region"() ({
      %run_scoped3A = tpu.sem_alloc : memref<!tpu.dma_semaphore, #tpu.memory_space<semaphore_mem>>
      %dma_start3A_49 = tpu.memref_slice %arg3[%mul3A_2] : memref<16384xi32, #tpu.memory_space<hbm>> -> memref<512xi32, #tpu.memory_space<hbm>>
      %dma_start3A_50 = tpu.memref_slice %arg3[%mul3A_2] : memref<16384xi32, #tpu.memory_space<hbm>> -> memref<512xi32, #tpu.memory_space<hbm>>
      tpu.enqueue_dma source(%dma_start3A_50 : memref<512xi32, #tpu.memory_space<hbm>>) target(%arg5 : memref<512xi32, #tpu.memory_space<vmem>>) target_semaphore(%run_scoped3A : memref<!tpu.dma_semaphore, #tpu.memory_space<semaphore_mem>>)
      %dma_wait3A_51 = tpu.memref_slice %arg3[%mul3A_2] : memref<16384xi32, #tpu.memory_space<hbm>> -> memref<512xi32, #tpu.memory_space<hbm>>
      %dma_wait3A_52 = tpu.memref_slice %arg3[%mul3A_2] : memref<16384xi32, #tpu.memory_space<hbm>> -> memref<512xi32, #tpu.memory_space<hbm>>
      tpu.wait_dma2 semaphore(%run_scoped3A : memref<!tpu.dma_semaphore, #tpu.memory_space<semaphore_mem>>) src(%dma_wait3A_52 : memref<512xi32, #tpu.memory_space<hbm>>) dst(%arg5 : memref<512xi32, #tpu.memory_space<vmem>>)
      tpu.yield
    }) : () -> ()
    %dma_start3A = arith.constant 0 : i32
    %dma_start3A_3 = tpu.memref_slice %arg5[%dma_start3A] : memref<512xi32, #tpu.memory_space<vmem>> -> memref<128xi32, #tpu.memory_space<vmem>>
    %dma_start3A_4 = arith.constant 0 : i32
    %dma_start3A_5 = arith.constant 0 : i32
    %dma_start3A_6 = tpu.memref_slice %arg2[%dma_start3A_4, %dma_start3A_5] : memref<4096x384xf32, #tpu.memory_space<hbm>> -> memref<4096x384xf32, #tpu.memory_space<hbm>>
    tpu.enqueue_indirect_dma source(%dma_start3A_6 : memref<4096x384xf32, #tpu.memory_space<hbm>>) target(%arg6 : memref<128x384xf32, #tpu.memory_space<vmem>>) offsets(%dma_start3A_3 : memref<128xi32, #tpu.memory_space<vmem>>) semaphore(%arg8 : memref<!tpu.dma_semaphore, #tpu.memory_space<semaphore_mem>>)
    %dma_start3A_7 = arith.constant 128 : i32
    %dma_start3A_8 = tpu.memref_slice %arg5[%dma_start3A_7] : memref<512xi32, #tpu.memory_space<vmem>> -> memref<128xi32, #tpu.memory_space<vmem>>
    %dma_start3A_9 = arith.constant 0 : i32
    %dma_start3A_10 = arith.constant 0 : i32
    %dma_start3A_11 = tpu.memref_slice %arg2[%dma_start3A_9, %dma_start3A_10] : memref<4096x384xf32, #tpu.memory_space<hbm>> -> memref<4096x384xf32, #tpu.memory_space<hbm>>
    tpu.enqueue_indirect_dma source(%dma_start3A_11 : memref<4096x384xf32, #tpu.memory_space<hbm>>) target(%arg7 : memref<128x384xf32, #tpu.memory_space<vmem>>) offsets(%dma_start3A_8 : memref<128xi32, #tpu.memory_space<vmem>>) semaphore(%arg9 : memref<!tpu.dma_semaphore, #tpu.memory_space<semaphore_mem>>)
    %dma_wait3A = arith.constant 0 : i32
    %dma_wait3A_12 = tpu.memref_slice %arg5[%dma_wait3A] : memref<512xi32, #tpu.memory_space<vmem>> -> memref<128xi32, #tpu.memory_space<vmem>>
    %dma_wait3A_13 = arith.constant 0 : i32
    %dma_wait3A_14 = arith.constant 0 : i32
    %dma_wait3A_15 = tpu.memref_slice %arg2[%dma_wait3A_13, %dma_wait3A_14] : memref<4096x384xf32, #tpu.memory_space<hbm>> -> memref<4096x384xf32, #tpu.memory_space<hbm>>
    tpu.wait_indirect_dma semaphore(%arg8 : memref<!tpu.dma_semaphore, #tpu.memory_space<semaphore_mem>>) src(%dma_wait3A_15 : memref<4096x384xf32, #tpu.memory_space<hbm>>) dst(%arg6 : memref<128x384xf32, #tpu.memory_space<vmem>>)
    %add3A_16 = arith.constant 0 : i32
    %add3A_17 = arith.addi %mul3A_2, %add3A_16 : i32
    "tpu.region"() ({
      %run_scoped3A = tpu.sem_alloc : memref<!tpu.dma_semaphore, #tpu.memory_space<semaphore_mem>>
      %dma_start3A_49 = arith.constant 0 : i32
      %dma_start3A_50 = tpu.memref_slice %arg4[%add3A_17, %dma_start3A_49] : memref<16384x384xf32, #tpu.memory_space<hbm>> -> memref<128x384xf32, #tpu.memory_space<hbm>>
      %dma_start3A_51 = arith.constant 0 : i32
      %dma_start3A_52 = tpu.memref_slice %arg4[%add3A_17, %dma_start3A_51] : memref<16384x384xf32, #tpu.memory_space<hbm>> -> memref<128x384xf32, #tpu.memory_space<hbm>>
      tpu.enqueue_dma source(%arg6 : memref<128x384xf32, #tpu.memory_space<vmem>>) target(%dma_start3A_52 : memref<128x384xf32, #tpu.memory_space<hbm>>) target_semaphore(%run_scoped3A : memref<!tpu.dma_semaphore, #tpu.memory_space<semaphore_mem>>)
      %dma_wait3A_53 = arith.constant 0 : i32
      %dma_wait3A_54 = tpu.memref_slice %arg4[%add3A_17, %dma_wait3A_53] : memref<16384x384xf32, #tpu.memory_space<hbm>> -> memref<128x384xf32, #tpu.memory_space<hbm>>
      %dma_wait3A_55 = arith.constant 0 : i32
      %dma_wait3A_56 = tpu.memref_slice %arg4[%add3A_17, %dma_wait3A_55] : memref<16384x384xf32, #tpu.memory_space<hbm>> -> memref<128x384xf32, #tpu.memory_space<hbm>>
      tpu.wait_dma2 semaphore(%run_scoped3A : memref<!tpu.dma_semaphore, #tpu.memory_space<semaphore_mem>>) src(%arg6 : memref<128x384xf32, #tpu.memory_space<vmem>>) dst(%dma_wait3A_56 : memref<128x384xf32, #tpu.memory_space<hbm>>)
      tpu.yield
    }) : () -> ()
    %dma_start3A_18 = arith.constant 256 : i32
    %dma_start3A_19 = tpu.memref_slice %arg5[%dma_start3A_18] : memref<512xi32, #tpu.memory_space<vmem>> -> memref<128xi32, #tpu.memory_space<vmem>>
    %dma_start3A_20 = arith.constant 0 : i32
    %dma_start3A_21 = arith.constant 0 : i32
    %dma_start3A_22 = tpu.memref_slice %arg2[%dma_start3A_20, %dma_start3A_21] : memref<4096x384xf32, #tpu.memory_space<hbm>> -> memref<4096x384xf32, #tpu.memory_space<hbm>>
    tpu.enqueue_indirect_dma source(%dma_start3A_22 : memref<4096x384xf32, #tpu.memory_space<hbm>>) target(%arg6 : memref<128x384xf32, #tpu.memory_space<vmem>>) offsets(%dma_start3A_19 : memref<128xi32, #tpu.memory_space<vmem>>) semaphore(%arg8 : memref<!tpu.dma_semaphore, #tpu.memory_space<semaphore_mem>>)
    %dma_wait3A_23 = arith.constant 128 : i32
    %dma_wait3A_24 = tpu.memref_slice %arg5[%dma_wait3A_23] : memref<512xi32, #tpu.memory_space<vmem>> -> memref<128xi32, #tpu.memory_space<vmem>>
    %dma_wait3A_25 = arith.constant 0 : i32
    %dma_wait3A_26 = arith.constant 0 : i32
    %dma_wait3A_27 = tpu.memref_slice %arg2[%dma_wait3A_25, %dma_wait3A_26] : memref<4096x384xf32, #tpu.memory_space<hbm>> -> memref<4096x384xf32, #tpu.memory_space<hbm>>
    tpu.wait_indirect_dma semaphore(%arg9 : memref<!tpu.dma_semaphore, #tpu.memory_space<semaphore_mem>>) src(%dma_wait3A_27 : memref<4096x384xf32, #tpu.memory_space<hbm>>) dst(%arg7 : memref<128x384xf32, #tpu.memory_space<vmem>>)
    %add3A_28 = arith.constant 128 : i32
    %add3A_29 = arith.addi %mul3A_2, %add3A_28 : i32
    "tpu.region"() ({
      %run_scoped3A = tpu.sem_alloc : memref<!tpu.dma_semaphore, #tpu.memory_space<semaphore_mem>>
      %dma_start3A_49 = arith.constant 0 : i32
      %dma_start3A_50 = tpu.memref_slice %arg4[%add3A_29, %dma_start3A_49] : memref<16384x384xf32, #tpu.memory_space<hbm>> -> memref<128x384xf32, #tpu.memory_space<hbm>>
      %dma_start3A_51 = arith.constant 0 : i32
      %dma_start3A_52 = tpu.memref_slice %arg4[%add3A_29, %dma_start3A_51] : memref<16384x384xf32, #tpu.memory_space<hbm>> -> memref<128x384xf32, #tpu.memory_space<hbm>>
      tpu.enqueue_dma source(%arg7 : memref<128x384xf32, #tpu.memory_space<vmem>>) target(%dma_start3A_52 : memref<128x384xf32, #tpu.memory_space<hbm>>) target_semaphore(%run_scoped3A : memref<!tpu.dma_semaphore, #tpu.memory_space<semaphore_mem>>)
      %dma_wait3A_53 = arith.constant 0 : i32
      %dma_wait3A_54 = tpu.memref_slice %arg4[%add3A_29, %dma_wait3A_53] : memref<16384x384xf32, #tpu.memory_space<hbm>> -> memref<128x384xf32, #tpu.memory_space<hbm>>
      %dma_wait3A_55 = arith.constant 0 : i32
      %dma_wait3A_56 = tpu.memref_slice %arg4[%add3A_29, %dma_wait3A_55] : memref<16384x384xf32, #tpu.memory_space<hbm>> -> memref<128x384xf32, #tpu.memory_space<hbm>>
      tpu.wait_dma2 semaphore(%run_scoped3A : memref<!tpu.dma_semaphore, #tpu.memory_space<semaphore_mem>>) src(%arg7 : memref<128x384xf32, #tpu.memory_space<vmem>>) dst(%dma_wait3A_56 : memref<128x384xf32, #tpu.memory_space<hbm>>)
      tpu.yield
    }) : () -> ()
    %dma_start3A_30 = arith.constant 384 : i32
    %dma_start3A_31 = tpu.memref_slice %arg5[%dma_start3A_30] : memref<512xi32, #tpu.memory_space<vmem>> -> memref<128xi32, #tpu.memory_space<vmem>>
    %dma_start3A_32 = arith.constant 0 : i32
    %dma_start3A_33 = arith.constant 0 : i32
    %dma_start3A_34 = tpu.memref_slice %arg2[%dma_start3A_32, %dma_start3A_33] : memref<4096x384xf32, #tpu.memory_space<hbm>> -> memref<4096x384xf32, #tpu.memory_space<hbm>>
    tpu.enqueue_indirect_dma source(%dma_start3A_34 : memref<4096x384xf32, #tpu.memory_space<hbm>>) target(%arg7 : memref<128x384xf32, #tpu.memory_space<vmem>>) offsets(%dma_start3A_31 : memref<128xi32, #tpu.memory_space<vmem>>) semaphore(%arg9 : memref<!tpu.dma_semaphore, #tpu.memory_space<semaphore_mem>>)
    %dma_wait3A_35 = arith.constant 256 : i32
    %dma_wait3A_36 = tpu.memref_slice %arg5[%dma_wait3A_35] : memref<512xi32, #tpu.memory_space<vmem>> -> memref<128xi32, #tpu.memory_space<vmem>>
    %dma_wait3A_37 = arith.constant 0 : i32
    %dma_wait3A_38 = arith.constant 0 : i32
    %dma_wait3A_39 = tpu.memref_slice %arg2[%dma_wait3A_37, %dma_wait3A_38] : memref<4096x384xf32, #tpu.memory_space<hbm>> -> memref<4096x384xf32, #tpu.memory_space<hbm>>
    tpu.wait_indirect_dma semaphore(%arg8 : memref<!tpu.dma_semaphore, #tpu.memory_space<semaphore_mem>>) src(%dma_wait3A_39 : memref<4096x384xf32, #tpu.memory_space<hbm>>) dst(%arg6 : memref<128x384xf32, #tpu.memory_space<vmem>>)
    %add3A_40 = arith.constant 256 : i32
    %add3A_41 = arith.addi %mul3A_2, %add3A_40 : i32
    "tpu.region"() ({
      %run_scoped3A = tpu.sem_alloc : memref<!tpu.dma_semaphore, #tpu.memory_space<semaphore_mem>>
      %dma_start3A_49 = arith.constant 0 : i32
      %dma_start3A_50 = tpu.memref_slice %arg4[%add3A_41, %dma_start3A_49] : memref<16384x384xf32, #tpu.memory_space<hbm>> -> memref<128x384xf32, #tpu.memory_space<hbm>>
      %dma_start3A_51 = arith.constant 0 : i32
      %dma_start3A_52 = tpu.memref_slice %arg4[%add3A_41, %dma_start3A_51] : memref<16384x384xf32, #tpu.memory_space<hbm>> -> memref<128x384xf32, #tpu.memory_space<hbm>>
      tpu.enqueue_dma source(%arg6 : memref<128x384xf32, #tpu.memory_space<vmem>>) target(%dma_start3A_52 : memref<128x384xf32, #tpu.memory_space<hbm>>) target_semaphore(%run_scoped3A : memref<!tpu.dma_semaphore, #tpu.memory_space<semaphore_mem>>)
      %dma_wait3A_53 = arith.constant 0 : i32
      %dma_wait3A_54 = tpu.memref_slice %arg4[%add3A_41, %dma_wait3A_53] : memref<16384x384xf32, #tpu.memory_space<hbm>> -> memref<128x384xf32, #tpu.memory_space<hbm>>
      %dma_wait3A_55 = arith.constant 0 : i32
      %dma_wait3A_56 = tpu.memref_slice %arg4[%add3A_41, %dma_wait3A_55] : memref<16384x384xf32, #tpu.memory_space<hbm>> -> memref<128x384xf32, #tpu.memory_space<hbm>>
      tpu.wait_dma2 semaphore(%run_scoped3A : memref<!tpu.dma_semaphore, #tpu.memory_space<semaphore_mem>>) src(%arg6 : memref<128x384xf32, #tpu.memory_space<vmem>>) dst(%dma_wait3A_56 : memref<128x384xf32, #tpu.memory_space<hbm>>)
      tpu.yield
    }) : () -> ()
    %dma_wait3A_42 = arith.constant 384 : i32
    %dma_wait3A_43 = tpu.memref_slice %arg5[%dma_wait3A_42] : memref<512xi32, #tpu.memory_space<vmem>> -> memref<128xi32, #tpu.memory_space<vmem>>
    %dma_wait3A_44 = arith.constant 0 : i32
    %dma_wait3A_45 = arith.constant 0 : i32
    %dma_wait3A_46 = tpu.memref_slice %arg2[%dma_wait3A_44, %dma_wait3A_45] : memref<4096x384xf32, #tpu.memory_space<hbm>> -> memref<4096x384xf32, #tpu.memory_space<hbm>>
    tpu.wait_indirect_dma semaphore(%arg9 : memref<!tpu.dma_semaphore, #tpu.memory_space<semaphore_mem>>) src(%dma_wait3A_46 : memref<4096x384xf32, #tpu.memory_space<hbm>>) dst(%arg7 : memref<128x384xf32, #tpu.memory_space<vmem>>)
    %add3A_47 = arith.constant 384 : i32
    %add3A_48 = arith.addi %mul3A_2, %add3A_47 : i32
    "tpu.region"() ({
      %run_scoped3A = tpu.sem_alloc : memref<!tpu.dma_semaphore, #tpu.memory_space<semaphore_mem>>
      %dma_start3A_49 = arith.constant 0 : i32
      %dma_start3A_50 = tpu.memref_slice %arg4[%add3A_48, %dma_start3A_49] : memref<16384x384xf32, #tpu.memory_space<hbm>> -> memref<128x384xf32, #tpu.memory_space<hbm>>
      %dma_start3A_51 = arith.constant 0 : i32
      %dma_start3A_52 = tpu.memref_slice %arg4[%add3A_48, %dma_start3A_51] : memref<16384x384xf32, #tpu.memory_space<hbm>> -> memref<128x384xf32, #tpu.memory_space<hbm>>
      tpu.enqueue_dma source(%arg7 : memref<128x384xf32, #tpu.memory_space<vmem>>) target(%dma_start3A_52 : memref<128x384xf32, #tpu.memory_space<hbm>>) target_semaphore(%run_scoped3A : memref<!tpu.dma_semaphore, #tpu.memory_space<semaphore_mem>>)
      %dma_wait3A_53 = arith.constant 0 : i32
      %dma_wait3A_54 = tpu.memref_slice %arg4[%add3A_48, %dma_wait3A_53] : memref<16384x384xf32, #tpu.memory_space<hbm>> -> memref<128x384xf32, #tpu.memory_space<hbm>>
      %dma_wait3A_55 = arith.constant 0 : i32
      %dma_wait3A_56 = tpu.memref_slice %arg4[%add3A_48, %dma_wait3A_55] : memref<16384x384xf32, #tpu.memory_space<hbm>> -> memref<128x384xf32, #tpu.memory_space<hbm>>
      tpu.wait_dma2 semaphore(%run_scoped3A : memref<!tpu.dma_semaphore, #tpu.memory_space<semaphore_mem>>) src(%arg7 : memref<128x384xf32, #tpu.memory_space<vmem>>) dst(%dma_wait3A_56 : memref<128x384xf32, #tpu.memory_space<hbm>>)
      tpu.yield
    }) : () -> ()
    return
  }
}

#map = affine_map<(d0, d1) -> (0, 0)>
#map1 = affine_map<(d0, d1) -> (0)>
module attributes {stable_mosaic.version = 14 : i64} {
  func.func @_gather_body(%arg0: i32, %arg1: i32, %arg2: memref<4096x384xf32, #tpu.memory_space<hbm>>, %arg3: memref<16384xi32, #tpu.memory_space<hbm>>, %arg4: memref<16384x384xf32, #tpu.memory_space<hbm>>, %arg5: memref<512xi32, #tpu.memory_space<vmem>>, %arg6: memref<128x384xf32, #tpu.memory_space<vmem>>, %arg7: memref<128x384xf32, #tpu.memory_space<vmem>>, %arg8: memref<!tpu.dma_semaphore, #tpu.memory_space<semaphore_mem>>, %arg9: memref<!tpu.dma_semaphore, #tpu.memory_space<semaphore_mem>>) attributes {dimension_semantics = [#tpu.dimension_semantics<core_parallel>, #tpu.dimension_semantics<subcore_parallel>], iteration_bounds = array<i64: 2, 16>, scalar_prefetch = 0 : i64, scratch_operands = 5 : i64, tpu.core_type = #tpu.core_type<sc_vector_subcore>, window_params = [{transform_indices = #map}, {transform_indices = #map1}, {transform_indices = #map}]} {
    %mul3A = arith.constant 2 : i32
    %mul3A_0 = arith.muli %arg1, %mul3A : i32
    %add3A = arith.addi %mul3A_0, %arg0 : i32
    %mul3A_1 = arith.constant 512 : i32
    %mul3A_2 = arith.muli %add3A, %mul3A_1 : i32
    "tpu.region"() ({
      %run_scoped3A = tpu.sem_alloc : memref<!tpu.dma_semaphore, #tpu.memory_space<semaphore_mem>>
      %dma_start3A_49 = tpu.memref_slice %arg3[%mul3A_2] : memref<16384xi32, #tpu.memory_space<hbm>> -> memref<512xi32, #tpu.memory_space<hbm>>
      %dma_start3A_50 = tpu.memref_slice %arg3[%mul3A_2] : memref<16384xi32, #tpu.memory_space<hbm>> -> memref<512xi32, #tpu.memory_space<hbm>>
      tpu.enqueue_dma source(%dma_start3A_50 : memref<512xi32, #tpu.memory_space<hbm>>) target(%arg5 : memref<512xi32, #tpu.memory_space<vmem>>) target_semaphore(%run_scoped3A : memref<!tpu.dma_semaphore, #tpu.memory_space<semaphore_mem>>)
      %dma_wait3A_51 = tpu.memref_slice %arg3[%mul3A_2] : memref<16384xi32, #tpu.memory_space<hbm>> -> memref<512xi32, #tpu.memory_space<hbm>>
      %dma_wait3A_52 = tpu.memref_slice %arg3[%mul3A_2] : memref<16384xi32, #tpu.memory_space<hbm>> -> memref<512xi32, #tpu.memory_space<hbm>>
      tpu.wait_dma2 semaphore(%run_scoped3A : memref<!tpu.dma_semaphore, #tpu.memory_space<semaphore_mem>>) src(%dma_wait3A_52 : memref<512xi32, #tpu.memory_space<hbm>>) dst(%arg5 : memref<512xi32, #tpu.memory_space<vmem>>)
      tpu.yield
    }) : () -> ()
    %dma_start3A = arith.constant 0 : i32
    %dma_start3A_3 = tpu.memref_slice %arg5[%dma_start3A] : memref<512xi32, #tpu.memory_space<vmem>> -> memref<128xi32, #tpu.memory_space<vmem>>
    %dma_start3A_4 = arith.constant 0 : i32
    %dma_start3A_5 = arith.constant 0 : i32
    %dma_start3A_6 = tpu.memref_slice %arg2[%dma_start3A_4, %dma_start3A_5] : memref<4096x384xf32, #tpu.memory_space<hbm>> -> memref<4096x384xf32, #tpu.memory_space<hbm>>
    tpu.enqueue_indirect_dma source(%dma_start3A_6 : memref<4096x384xf32, #tpu.memory_space<hbm>>) target(%arg6 : memref<128x384xf32, #tpu.memory_space<vmem>>) offsets(%dma_start3A_3 : memref<128xi32, #tpu.memory_space<vmem>>) semaphore(%arg8 : memref<!tpu.dma_semaphore, #tpu.memory_space<semaphore_mem>>)
    %dma_start3A_7 = arith.constant 128 : i32
    %dma_start3A_8 = tpu.memref_slice %arg5[%dma_start3A_7] : memref<512xi32, #tpu.memory_space<vmem>> -> memref<128xi32, #tpu.memory_space<vmem>>
    %dma_start3A_9 = arith.constant 0 : i32
    %dma_start3A_10 = arith.constant 0 : i32
    %dma_start3A_11 = tpu.memref_slice %arg2[%dma_start3A_9, %dma_start3A_10] : memref<4096x384xf32, #tpu.memory_space<hbm>> -> memref<4096x384xf32, #tpu.memory_space<hbm>>
    tpu.enqueue_indirect_dma source(%dma_start3A_11 : memref<4096x384xf32, #tpu.memory_space<hbm>>) target(%arg7 : memref<128x384xf32, #tpu.memory_space<vmem>>) offsets(%dma_start3A_8 : memref<128xi32, #tpu.memory_space<vmem>>) semaphore(%arg9 : memref<!tpu.dma_semaphore, #tpu.memory_space<semaphore_mem>>)
    %dma_wait3A = arith.constant 0 : i32
    %dma_wait3A_12 = tpu.memref_slice %arg5[%dma_wait3A] : memref<512xi32, #tpu.memory_space<vmem>> -> memref<128xi32, #tpu.memory_space<vmem>>
    %dma_wait3A_13 = arith.constant 0 : i32
    %dma_wait3A_14 = arith.constant 0 : i32
    %dma_wait3A_15 = tpu.memref_slice %arg2[%dma_wait3A_13, %dma_wait3A_14] : memref<4096x384xf32, #tpu.memory_space<hbm>> -> memref<4096x384xf32, #tpu.memory_space<hbm>>
    tpu.wait_indirect_dma semaphore(%arg8 : memref<!tpu.dma_semaphore, #tpu.memory_space<semaphore_mem>>) src(%dma_wait3A_15 : memref<4096x384xf32, #tpu.memory_space<hbm>>) dst(%arg6 : memref<128x384xf32, #tpu.memory_space<vmem>>)
    %add3A_16 = arith.constant 0 : i32
    %add3A_17 = arith.addi %mul3A_2, %add3A_16 : i32
    "tpu.region"() ({
      %run_scoped3A = tpu.sem_alloc : memref<!tpu.dma_semaphore, #tpu.memory_space<semaphore_mem>>
      %dma_start3A_49 = arith.constant 0 : i32
      %dma_start3A_50 = tpu.memref_slice %arg4[%add3A_17, %dma_start3A_49] : memref<16384x384xf32, #tpu.memory_space<hbm>> -> memref<128x384xf32, #tpu.memory_space<hbm>>
      %dma_start3A_51 = arith.constant 0 : i32
      %dma_start3A_52 = tpu.memref_slice %arg4[%add3A_17, %dma_start3A_51] : memref<16384x384xf32, #tpu.memory_space<hbm>> -> memref<128x384xf32, #tpu.memory_space<hbm>>
      tpu.enqueue_dma source(%arg6 : memref<128x384xf32, #tpu.memory_space<vmem>>) target(%dma_start3A_52 : memref<128x384xf32, #tpu.memory_space<hbm>>) target_semaphore(%run_scoped3A : memref<!tpu.dma_semaphore, #tpu.memory_space<semaphore_mem>>)
      %dma_wait3A_53 = arith.constant 0 : i32
      %dma_wait3A_54 = tpu.memref_slice %arg4[%add3A_17, %dma_wait3A_53] : memref<16384x384xf32, #tpu.memory_space<hbm>> -> memref<128x384xf32, #tpu.memory_space<hbm>>
      %dma_wait3A_55 = arith.constant 0 : i32
      %dma_wait3A_56 = tpu.memref_slice %arg4[%add3A_17, %dma_wait3A_55] : memref<16384x384xf32, #tpu.memory_space<hbm>> -> memref<128x384xf32, #tpu.memory_space<hbm>>
      tpu.wait_dma2 semaphore(%run_scoped3A : memref<!tpu.dma_semaphore, #tpu.memory_space<semaphore_mem>>) src(%arg6 : memref<128x384xf32, #tpu.memory_space<vmem>>) dst(%dma_wait3A_56 : memref<128x384xf32, #tpu.memory_space<hbm>>)
      tpu.yield
    }) : () -> ()
    %dma_start3A_18 = arith.constant 256 : i32
    %dma_start3A_19 = tpu.memref_slice %arg5[%dma_start3A_18] : memref<512xi32, #tpu.memory_space<vmem>> -> memref<128xi32, #tpu.memory_space<vmem>>
    %dma_start3A_20 = arith.constant 0 : i32
    %dma_start3A_21 = arith.constant 0 : i32
    %dma_start3A_22 = tpu.memref_slice %arg2[%dma_start3A_20, %dma_start3A_21] : memref<4096x384xf32, #tpu.memory_space<hbm>> -> memref<4096x384xf32, #tpu.memory_space<hbm>>
    tpu.enqueue_indirect_dma source(%dma_start3A_22 : memref<4096x384xf32, #tpu.memory_space<hbm>>) target(%arg6 : memref<128x384xf32, #tpu.memory_space<vmem>>) offsets(%dma_start3A_19 : memref<128xi32, #tpu.memory_space<vmem>>) semaphore(%arg8 : memref<!tpu.dma_semaphore, #tpu.memory_space<semaphore_mem>>)
    %dma_wait3A_23 = arith.constant 128 : i32
    %dma_wait3A_24 = tpu.memref_slice %arg5[%dma_wait3A_23] : memref<512xi32, #tpu.memory_space<vmem>> -> memref<128xi32, #tpu.memory_space<vmem>>
    %dma_wait3A_25 = arith.constant 0 : i32
    %dma_wait3A_26 = arith.constant 0 : i32
    %dma_wait3A_27 = tpu.memref_slice %arg2[%dma_wait3A_25, %dma_wait3A_26] : memref<4096x384xf32, #tpu.memory_space<hbm>> -> memref<4096x384xf32, #tpu.memory_space<hbm>>
    tpu.wait_indirect_dma semaphore(%arg9 : memref<!tpu.dma_semaphore, #tpu.memory_space<semaphore_mem>>) src(%dma_wait3A_27 : memref<4096x384xf32, #tpu.memory_space<hbm>>) dst(%arg7 : memref<128x384xf32, #tpu.memory_space<vmem>>)
    %add3A_28 = arith.constant 128 : i32
    %add3A_29 = arith.addi %mul3A_2, %add3A_28 : i32
    "tpu.region"() ({
      %run_scoped3A = tpu.sem_alloc : memref<!tpu.dma_semaphore, #tpu.memory_space<semaphore_mem>>
      %dma_start3A_49 = arith.constant 0 : i32
      %dma_start3A_50 = tpu.memref_slice %arg4[%add3A_29, %dma_start3A_49] : memref<16384x384xf32, #tpu.memory_space<hbm>> -> memref<128x384xf32, #tpu.memory_space<hbm>>
      %dma_start3A_51 = arith.constant 0 : i32
      %dma_start3A_52 = tpu.memref_slice %arg4[%add3A_29, %dma_start3A_51] : memref<16384x384xf32, #tpu.memory_space<hbm>> -> memref<128x384xf32, #tpu.memory_space<hbm>>
      tpu.enqueue_dma source(%arg7 : memref<128x384xf32, #tpu.memory_space<vmem>>) target(%dma_start3A_52 : memref<128x384xf32, #tpu.memory_space<hbm>>) target_semaphore(%run_scoped3A : memref<!tpu.dma_semaphore, #tpu.memory_space<semaphore_mem>>)
      %dma_wait3A_53 = arith.constant 0 : i32
      %dma_wait3A_54 = tpu.memref_slice %arg4[%add3A_29, %dma_wait3A_53] : memref<16384x384xf32, #tpu.memory_space<hbm>> -> memref<128x384xf32, #tpu.memory_space<hbm>>
      %dma_wait3A_55 = arith.constant 0 : i32
      %dma_wait3A_56 = tpu.memref_slice %arg4[%add3A_29, %dma_wait3A_55] : memref<16384x384xf32, #tpu.memory_space<hbm>> -> memref<128x384xf32, #tpu.memory_space<hbm>>
      tpu.wait_dma2 semaphore(%run_scoped3A : memref<!tpu.dma_semaphore, #tpu.memory_space<semaphore_mem>>) src(%arg7 : memref<128x384xf32, #tpu.memory_space<vmem>>) dst(%dma_wait3A_56 : memref<128x384xf32, #tpu.memory_space<hbm>>)
      tpu.yield
    }) : () -> ()
    %dma_start3A_30 = arith.constant 384 : i32
    %dma_start3A_31 = tpu.memref_slice %arg5[%dma_start3A_30] : memref<512xi32, #tpu.memory_space<vmem>> -> memref<128xi32, #tpu.memory_space<vmem>>
    %dma_start3A_32 = arith.constant 0 : i32
    %dma_start3A_33 = arith.constant 0 : i32
    %dma_start3A_34 = tpu.memref_slice %arg2[%dma_start3A_32, %dma_start3A_33] : memref<4096x384xf32, #tpu.memory_space<hbm>> -> memref<4096x384xf32, #tpu.memory_space<hbm>>
    tpu.enqueue_indirect_dma source(%dma_start3A_34 : memref<4096x384xf32, #tpu.memory_space<hbm>>) target(%arg7 : memref<128x384xf32, #tpu.memory_space<vmem>>) offsets(%dma_start3A_31 : memref<128xi32, #tpu.memory_space<vmem>>) semaphore(%arg9 : memref<!tpu.dma_semaphore, #tpu.memory_space<semaphore_mem>>)
    %dma_wait3A_35 = arith.constant 256 : i32
    %dma_wait3A_36 = tpu.memref_slice %arg5[%dma_wait3A_35] : memref<512xi32, #tpu.memory_space<vmem>> -> memref<128xi32, #tpu.memory_space<vmem>>
    %dma_wait3A_37 = arith.constant 0 : i32
    %dma_wait3A_38 = arith.constant 0 : i32
    %dma_wait3A_39 = tpu.memref_slice %arg2[%dma_wait3A_37, %dma_wait3A_38] : memref<4096x384xf32, #tpu.memory_space<hbm>> -> memref<4096x384xf32, #tpu.memory_space<hbm>>
    tpu.wait_indirect_dma semaphore(%arg8 : memref<!tpu.dma_semaphore, #tpu.memory_space<semaphore_mem>>) src(%dma_wait3A_39 : memref<4096x384xf32, #tpu.memory_space<hbm>>) dst(%arg6 : memref<128x384xf32, #tpu.memory_space<vmem>>)
    %add3A_40 = arith.constant 256 : i32
    %add3A_41 = arith.addi %mul3A_2, %add3A_40 : i32
    "tpu.region"() ({
      %run_scoped3A = tpu.sem_alloc : memref<!tpu.dma_semaphore, #tpu.memory_space<semaphore_mem>>
      %dma_start3A_49 = arith.constant 0 : i32
      %dma_start3A_50 = tpu.memref_slice %arg4[%add3A_41, %dma_start3A_49] : memref<16384x384xf32, #tpu.memory_space<hbm>> -> memref<128x384xf32, #tpu.memory_space<hbm>>
      %dma_start3A_51 = arith.constant 0 : i32
      %dma_start3A_52 = tpu.memref_slice %arg4[%add3A_41, %dma_start3A_51] : memref<16384x384xf32, #tpu.memory_space<hbm>> -> memref<128x384xf32, #tpu.memory_space<hbm>>
      tpu.enqueue_dma source(%arg6 : memref<128x384xf32, #tpu.memory_space<vmem>>) target(%dma_start3A_52 : memref<128x384xf32, #tpu.memory_space<hbm>>) target_semaphore(%run_scoped3A : memref<!tpu.dma_semaphore, #tpu.memory_space<semaphore_mem>>)
      %dma_wait3A_53 = arith.constant 0 : i32
      %dma_wait3A_54 = tpu.memref_slice %arg4[%add3A_41, %dma_wait3A_53] : memref<16384x384xf32, #tpu.memory_space<hbm>> -> memref<128x384xf32, #tpu.memory_space<hbm>>
      %dma_wait3A_55 = arith.constant 0 : i32
      %dma_wait3A_56 = tpu.memref_slice %arg4[%add3A_41, %dma_wait3A_55] : memref<16384x384xf32, #tpu.memory_space<hbm>> -> memref<128x384xf32, #tpu.memory_space<hbm>>
      tpu.wait_dma2 semaphore(%run_scoped3A : memref<!tpu.dma_semaphore, #tpu.memory_space<semaphore_mem>>) src(%arg6 : memref<128x384xf32, #tpu.memory_space<vmem>>) dst(%dma_wait3A_56 : memref<128x384xf32, #tpu.memory_space<hbm>>)
      tpu.yield
    }) : () -> ()
    %dma_wait3A_42 = arith.constant 384 : i32
    %dma_wait3A_43 = tpu.memref_slice %arg5[%dma_wait3A_42] : memref<512xi32, #tpu.memory_space<vmem>> -> memref<128xi32, #tpu.memory_space<vmem>>
    %dma_wait3A_44 = arith.constant 0 : i32
    %dma_wait3A_45 = arith.constant 0 : i32
    %dma_wait3A_46 = tpu.memref_slice %arg2[%dma_wait3A_44, %dma_wait3A_45] : memref<4096x384xf32, #tpu.memory_space<hbm>> -> memref<4096x384xf32, #tpu.memory_space<hbm>>
    tpu.wait_indirect_dma semaphore(%arg9 : memref<!tpu.dma_semaphore, #tpu.memory_space<semaphore_mem>>) src(%dma_wait3A_46 : memref<4096x384xf32, #tpu.memory_space<hbm>>) dst(%arg7 : memref<128x384xf32, #tpu.memory_space<vmem>>)
    %add3A_47 = arith.constant 384 : i32
    %add3A_48 = arith.addi %mul3A_2, %add3A_47 : i32
    "tpu.region"() ({
      %run_scoped3A = tpu.sem_alloc : memref<!tpu.dma_semaphore, #tpu.memory_space<semaphore_mem>>
      %dma_start3A_49 = arith.constant 0 : i32
      %dma_start3A_50 = tpu.memref_slice %arg4[%add3A_48, %dma_start3A_49] : memref<16384x384xf32, #tpu.memory_space<hbm>> -> memref<128x384xf32, #tpu.memory_space<hbm>>
      %dma_start3A_51 = arith.constant 0 : i32
      %dma_start3A_52 = tpu.memref_slice %arg4[%add3A_48, %dma_start3A_51] : memref<16384x384xf32, #tpu.memory_space<hbm>> -> memref<128x384xf32, #tpu.memory_space<hbm>>
      tpu.enqueue_dma source(%arg7 : memref<128x384xf32, #tpu.memory_space<vmem>>) target(%dma_start3A_52 : memref<128x384xf32, #tpu.memory_space<hbm>>) target_semaphore(%run_scoped3A : memref<!tpu.dma_semaphore, #tpu.memory_space<semaphore_mem>>)
      %dma_wait3A_53 = arith.constant 0 : i32
      %dma_wait3A_54 = tpu.memref_slice %arg4[%add3A_48, %dma_wait3A_53] : memref<16384x384xf32, #tpu.memory_space<hbm>> -> memref<128x384xf32, #tpu.memory_space<hbm>>
      %dma_wait3A_55 = arith.constant 0 : i32
      %dma_wait3A_56 = tpu.memref_slice %arg4[%add3A_48, %dma_wait3A_55] : memref<16384x384xf32, #tpu.memory_space<hbm>> -> memref<128x384xf32, #tpu.memory_space<hbm>>
      tpu.wait_dma2 semaphore(%run_scoped3A : memref<!tpu.dma_semaphore, #tpu.memory_space<semaphore_mem>>) src(%arg7 : memref<128x384xf32, #tpu.memory_space<vmem>>) dst(%dma_wait3A_56 : memref<128x384xf32, #tpu.memory_space<hbm>>)
      tpu.yield
    }) : () -> ()
    return
  }
}

#map = affine_map<(d0, d1) -> (0, 0)>
#map1 = affine_map<(d0, d1) -> (0)>
module attributes {stable_mosaic.version = 14 : i64} {
  func.func @_gather_body(%arg0: i32, %arg1: i32, %arg2: memref<4096x384xf32, #tpu.memory_space<hbm>>, %arg3: memref<16384xi32, #tpu.memory_space<hbm>>, %arg4: memref<16384x384xf32, #tpu.memory_space<hbm>>, %arg5: memref<512xi32, #tpu.memory_space<vmem>>, %arg6: memref<128x384xf32, #tpu.memory_space<vmem>>, %arg7: memref<128x384xf32, #tpu.memory_space<vmem>>, %arg8: memref<!tpu.dma_semaphore, #tpu.memory_space<semaphore_mem>>, %arg9: memref<!tpu.dma_semaphore, #tpu.memory_space<semaphore_mem>>) attributes {dimension_semantics = [#tpu.dimension_semantics<core_parallel>, #tpu.dimension_semantics<subcore_parallel>], iteration_bounds = array<i64: 2, 16>, scalar_prefetch = 0 : i64, scratch_operands = 5 : i64, tpu.core_type = #tpu.core_type<sc_vector_subcore>, window_params = [{transform_indices = #map}, {transform_indices = #map1}, {transform_indices = #map}]} {
    %mul3A = arith.constant 2 : i32
    %mul3A_0 = arith.muli %arg1, %mul3A : i32
    %add3A = arith.addi %mul3A_0, %arg0 : i32
    %mul3A_1 = arith.constant 512 : i32
    %mul3A_2 = arith.muli %add3A, %mul3A_1 : i32
    "tpu.region"() ({
      %run_scoped3A = tpu.sem_alloc : memref<!tpu.dma_semaphore, #tpu.memory_space<semaphore_mem>>
      %dma_start3A_49 = tpu.memref_slice %arg3[%mul3A_2] : memref<16384xi32, #tpu.memory_space<hbm>> -> memref<512xi32, #tpu.memory_space<hbm>>
      %dma_start3A_50 = tpu.memref_slice %arg3[%mul3A_2] : memref<16384xi32, #tpu.memory_space<hbm>> -> memref<512xi32, #tpu.memory_space<hbm>>
      tpu.enqueue_dma source(%dma_start3A_50 : memref<512xi32, #tpu.memory_space<hbm>>) target(%arg5 : memref<512xi32, #tpu.memory_space<vmem>>) target_semaphore(%run_scoped3A : memref<!tpu.dma_semaphore, #tpu.memory_space<semaphore_mem>>)
      %dma_wait3A_51 = tpu.memref_slice %arg3[%mul3A_2] : memref<16384xi32, #tpu.memory_space<hbm>> -> memref<512xi32, #tpu.memory_space<hbm>>
      %dma_wait3A_52 = tpu.memref_slice %arg3[%mul3A_2] : memref<16384xi32, #tpu.memory_space<hbm>> -> memref<512xi32, #tpu.memory_space<hbm>>
      tpu.wait_dma2 semaphore(%run_scoped3A : memref<!tpu.dma_semaphore, #tpu.memory_space<semaphore_mem>>) src(%dma_wait3A_52 : memref<512xi32, #tpu.memory_space<hbm>>) dst(%arg5 : memref<512xi32, #tpu.memory_space<vmem>>)
      tpu.yield
    }) : () -> ()
    %dma_start3A = arith.constant 0 : i32
    %dma_start3A_3 = tpu.memref_slice %arg5[%dma_start3A] : memref<512xi32, #tpu.memory_space<vmem>> -> memref<128xi32, #tpu.memory_space<vmem>>
    %dma_start3A_4 = arith.constant 0 : i32
    %dma_start3A_5 = arith.constant 0 : i32
    %dma_start3A_6 = tpu.memref_slice %arg2[%dma_start3A_4, %dma_start3A_5] : memref<4096x384xf32, #tpu.memory_space<hbm>> -> memref<4096x384xf32, #tpu.memory_space<hbm>>
    tpu.enqueue_indirect_dma source(%dma_start3A_6 : memref<4096x384xf32, #tpu.memory_space<hbm>>) target(%arg6 : memref<128x384xf32, #tpu.memory_space<vmem>>) offsets(%dma_start3A_3 : memref<128xi32, #tpu.memory_space<vmem>>) semaphore(%arg8 : memref<!tpu.dma_semaphore, #tpu.memory_space<semaphore_mem>>)
    %dma_start3A_7 = arith.constant 128 : i32
    %dma_start3A_8 = tpu.memref_slice %arg5[%dma_start3A_7] : memref<512xi32, #tpu.memory_space<vmem>> -> memref<128xi32, #tpu.memory_space<vmem>>
    %dma_start3A_9 = arith.constant 0 : i32
    %dma_start3A_10 = arith.constant 0 : i32
    %dma_start3A_11 = tpu.memref_slice %arg2[%dma_start3A_9, %dma_start3A_10] : memref<4096x384xf32, #tpu.memory_space<hbm>> -> memref<4096x384xf32, #tpu.memory_space<hbm>>
    tpu.enqueue_indirect_dma source(%dma_start3A_11 : memref<4096x384xf32, #tpu.memory_space<hbm>>) target(%arg7 : memref<128x384xf32, #tpu.memory_space<vmem>>) offsets(%dma_start3A_8 : memref<128xi32, #tpu.memory_space<vmem>>) semaphore(%arg9 : memref<!tpu.dma_semaphore, #tpu.memory_space<semaphore_mem>>)
    %dma_wait3A = arith.constant 0 : i32
    %dma_wait3A_12 = tpu.memref_slice %arg5[%dma_wait3A] : memref<512xi32, #tpu.memory_space<vmem>> -> memref<128xi32, #tpu.memory_space<vmem>>
    %dma_wait3A_13 = arith.constant 0 : i32
    %dma_wait3A_14 = arith.constant 0 : i32
    %dma_wait3A_15 = tpu.memref_slice %arg2[%dma_wait3A_13, %dma_wait3A_14] : memref<4096x384xf32, #tpu.memory_space<hbm>> -> memref<4096x384xf32, #tpu.memory_space<hbm>>
    tpu.wait_indirect_dma semaphore(%arg8 : memref<!tpu.dma_semaphore, #tpu.memory_space<semaphore_mem>>) src(%dma_wait3A_15 : memref<4096x384xf32, #tpu.memory_space<hbm>>) dst(%arg6 : memref<128x384xf32, #tpu.memory_space<vmem>>)
    %add3A_16 = arith.constant 0 : i32
    %add3A_17 = arith.addi %mul3A_2, %add3A_16 : i32
    "tpu.region"() ({
      %run_scoped3A = tpu.sem_alloc : memref<!tpu.dma_semaphore, #tpu.memory_space<semaphore_mem>>
      %dma_start3A_49 = arith.constant 0 : i32
      %dma_start3A_50 = tpu.memref_slice %arg4[%add3A_17, %dma_start3A_49] : memref<16384x384xf32, #tpu.memory_space<hbm>> -> memref<128x384xf32, #tpu.memory_space<hbm>>
      %dma_start3A_51 = arith.constant 0 : i32
      %dma_start3A_52 = tpu.memref_slice %arg4[%add3A_17, %dma_start3A_51] : memref<16384x384xf32, #tpu.memory_space<hbm>> -> memref<128x384xf32, #tpu.memory_space<hbm>>
      tpu.enqueue_dma source(%arg6 : memref<128x384xf32, #tpu.memory_space<vmem>>) target(%dma_start3A_52 : memref<128x384xf32, #tpu.memory_space<hbm>>) target_semaphore(%run_scoped3A : memref<!tpu.dma_semaphore, #tpu.memory_space<semaphore_mem>>)
      %dma_wait3A_53 = arith.constant 0 : i32
      %dma_wait3A_54 = tpu.memref_slice %arg4[%add3A_17, %dma_wait3A_53] : memref<16384x384xf32, #tpu.memory_space<hbm>> -> memref<128x384xf32, #tpu.memory_space<hbm>>
      %dma_wait3A_55 = arith.constant 0 : i32
      %dma_wait3A_56 = tpu.memref_slice %arg4[%add3A_17, %dma_wait3A_55] : memref<16384x384xf32, #tpu.memory_space<hbm>> -> memref<128x384xf32, #tpu.memory_space<hbm>>
      tpu.wait_dma2 semaphore(%run_scoped3A : memref<!tpu.dma_semaphore, #tpu.memory_space<semaphore_mem>>) src(%arg6 : memref<128x384xf32, #tpu.memory_space<vmem>>) dst(%dma_wait3A_56 : memref<128x384xf32, #tpu.memory_space<hbm>>)
      tpu.yield
    }) : () -> ()
    %dma_start3A_18 = arith.constant 256 : i32
    %dma_start3A_19 = tpu.memref_slice %arg5[%dma_start3A_18] : memref<512xi32, #tpu.memory_space<vmem>> -> memref<128xi32, #tpu.memory_space<vmem>>
    %dma_start3A_20 = arith.constant 0 : i32
    %dma_start3A_21 = arith.constant 0 : i32
    %dma_start3A_22 = tpu.memref_slice %arg2[%dma_start3A_20, %dma_start3A_21] : memref<4096x384xf32, #tpu.memory_space<hbm>> -> memref<4096x384xf32, #tpu.memory_space<hbm>>
    tpu.enqueue_indirect_dma source(%dma_start3A_22 : memref<4096x384xf32, #tpu.memory_space<hbm>>) target(%arg6 : memref<128x384xf32, #tpu.memory_space<vmem>>) offsets(%dma_start3A_19 : memref<128xi32, #tpu.memory_space<vmem>>) semaphore(%arg8 : memref<!tpu.dma_semaphore, #tpu.memory_space<semaphore_mem>>)
    %dma_wait3A_23 = arith.constant 128 : i32
    %dma_wait3A_24 = tpu.memref_slice %arg5[%dma_wait3A_23] : memref<512xi32, #tpu.memory_space<vmem>> -> memref<128xi32, #tpu.memory_space<vmem>>
    %dma_wait3A_25 = arith.constant 0 : i32
    %dma_wait3A_26 = arith.constant 0 : i32
    %dma_wait3A_27 = tpu.memref_slice %arg2[%dma_wait3A_25, %dma_wait3A_26] : memref<4096x384xf32, #tpu.memory_space<hbm>> -> memref<4096x384xf32, #tpu.memory_space<hbm>>
    tpu.wait_indirect_dma semaphore(%arg9 : memref<!tpu.dma_semaphore, #tpu.memory_space<semaphore_mem>>) src(%dma_wait3A_27 : memref<4096x384xf32, #tpu.memory_space<hbm>>) dst(%arg7 : memref<128x384xf32, #tpu.memory_space<vmem>>)
    %add3A_28 = arith.constant 128 : i32
    %add3A_29 = arith.addi %mul3A_2, %add3A_28 : i32
    "tpu.region"() ({
      %run_scoped3A = tpu.sem_alloc : memref<!tpu.dma_semaphore, #tpu.memory_space<semaphore_mem>>
      %dma_start3A_49 = arith.constant 0 : i32
      %dma_start3A_50 = tpu.memref_slice %arg4[%add3A_29, %dma_start3A_49] : memref<16384x384xf32, #tpu.memory_space<hbm>> -> memref<128x384xf32, #tpu.memory_space<hbm>>
      %dma_start3A_51 = arith.constant 0 : i32
      %dma_start3A_52 = tpu.memref_slice %arg4[%add3A_29, %dma_start3A_51] : memref<16384x384xf32, #tpu.memory_space<hbm>> -> memref<128x384xf32, #tpu.memory_space<hbm>>
      tpu.enqueue_dma source(%arg7 : memref<128x384xf32, #tpu.memory_space<vmem>>) target(%dma_start3A_52 : memref<128x384xf32, #tpu.memory_space<hbm>>) target_semaphore(%run_scoped3A : memref<!tpu.dma_semaphore, #tpu.memory_space<semaphore_mem>>)
      %dma_wait3A_53 = arith.constant 0 : i32
      %dma_wait3A_54 = tpu.memref_slice %arg4[%add3A_29, %dma_wait3A_53] : memref<16384x384xf32, #tpu.memory_space<hbm>> -> memref<128x384xf32, #tpu.memory_space<hbm>>
      %dma_wait3A_55 = arith.constant 0 : i32
      %dma_wait3A_56 = tpu.memref_slice %arg4[%add3A_29, %dma_wait3A_55] : memref<16384x384xf32, #tpu.memory_space<hbm>> -> memref<128x384xf32, #tpu.memory_space<hbm>>
      tpu.wait_dma2 semaphore(%run_scoped3A : memref<!tpu.dma_semaphore, #tpu.memory_space<semaphore_mem>>) src(%arg7 : memref<128x384xf32, #tpu.memory_space<vmem>>) dst(%dma_wait3A_56 : memref<128x384xf32, #tpu.memory_space<hbm>>)
      tpu.yield
    }) : () -> ()
    %dma_start3A_30 = arith.constant 384 : i32
    %dma_start3A_31 = tpu.memref_slice %arg5[%dma_start3A_30] : memref<512xi32, #tpu.memory_space<vmem>> -> memref<128xi32, #tpu.memory_space<vmem>>
    %dma_start3A_32 = arith.constant 0 : i32
    %dma_start3A_33 = arith.constant 0 : i32
    %dma_start3A_34 = tpu.memref_slice %arg2[%dma_start3A_32, %dma_start3A_33] : memref<4096x384xf32, #tpu.memory_space<hbm>> -> memref<4096x384xf32, #tpu.memory_space<hbm>>
    tpu.enqueue_indirect_dma source(%dma_start3A_34 : memref<4096x384xf32, #tpu.memory_space<hbm>>) target(%arg7 : memref<128x384xf32, #tpu.memory_space<vmem>>) offsets(%dma_start3A_31 : memref<128xi32, #tpu.memory_space<vmem>>) semaphore(%arg9 : memref<!tpu.dma_semaphore, #tpu.memory_space<semaphore_mem>>)
    %dma_wait3A_35 = arith.constant 256 : i32
    %dma_wait3A_36 = tpu.memref_slice %arg5[%dma_wait3A_35] : memref<512xi32, #tpu.memory_space<vmem>> -> memref<128xi32, #tpu.memory_space<vmem>>
    %dma_wait3A_37 = arith.constant 0 : i32
    %dma_wait3A_38 = arith.constant 0 : i32
    %dma_wait3A_39 = tpu.memref_slice %arg2[%dma_wait3A_37, %dma_wait3A_38] : memref<4096x384xf32, #tpu.memory_space<hbm>> -> memref<4096x384xf32, #tpu.memory_space<hbm>>
    tpu.wait_indirect_dma semaphore(%arg8 : memref<!tpu.dma_semaphore, #tpu.memory_space<semaphore_mem>>) src(%dma_wait3A_39 : memref<4096x384xf32, #tpu.memory_space<hbm>>) dst(%arg6 : memref<128x384xf32, #tpu.memory_space<vmem>>)
    %add3A_40 = arith.constant 256 : i32
    %add3A_41 = arith.addi %mul3A_2, %add3A_40 : i32
    "tpu.region"() ({
      %run_scoped3A = tpu.sem_alloc : memref<!tpu.dma_semaphore, #tpu.memory_space<semaphore_mem>>
      %dma_start3A_49 = arith.constant 0 : i32
      %dma_start3A_50 = tpu.memref_slice %arg4[%add3A_41, %dma_start3A_49] : memref<16384x384xf32, #tpu.memory_space<hbm>> -> memref<128x384xf32, #tpu.memory_space<hbm>>
      %dma_start3A_51 = arith.constant 0 : i32
      %dma_start3A_52 = tpu.memref_slice %arg4[%add3A_41, %dma_start3A_51] : memref<16384x384xf32, #tpu.memory_space<hbm>> -> memref<128x384xf32, #tpu.memory_space<hbm>>
      tpu.enqueue_dma source(%arg6 : memref<128x384xf32, #tpu.memory_space<vmem>>) target(%dma_start3A_52 : memref<128x384xf32, #tpu.memory_space<hbm>>) target_semaphore(%run_scoped3A : memref<!tpu.dma_semaphore, #tpu.memory_space<semaphore_mem>>)
      %dma_wait3A_53 = arith.constant 0 : i32
      %dma_wait3A_54 = tpu.memref_slice %arg4[%add3A_41, %dma_wait3A_53] : memref<16384x384xf32, #tpu.memory_space<hbm>> -> memref<128x384xf32, #tpu.memory_space<hbm>>
      %dma_wait3A_55 = arith.constant 0 : i32
      %dma_wait3A_56 = tpu.memref_slice %arg4[%add3A_41, %dma_wait3A_55] : memref<16384x384xf32, #tpu.memory_space<hbm>> -> memref<128x384xf32, #tpu.memory_space<hbm>>
      tpu.wait_dma2 semaphore(%run_scoped3A : memref<!tpu.dma_semaphore, #tpu.memory_space<semaphore_mem>>) src(%arg6 : memref<128x384xf32, #tpu.memory_space<vmem>>) dst(%dma_wait3A_56 : memref<128x384xf32, #tpu.memory_space<hbm>>)
      tpu.yield
    }) : () -> ()
    %dma_wait3A_42 = arith.constant 384 : i32
    %dma_wait3A_43 = tpu.memref_slice %arg5[%dma_wait3A_42] : memref<512xi32, #tpu.memory_space<vmem>> -> memref<128xi32, #tpu.memory_space<vmem>>
    %dma_wait3A_44 = arith.constant 0 : i32
    %dma_wait3A_45 = arith.constant 0 : i32
    %dma_wait3A_46 = tpu.memref_slice %arg2[%dma_wait3A_44, %dma_wait3A_45] : memref<4096x384xf32, #tpu.memory_space<hbm>> -> memref<4096x384xf32, #tpu.memory_space<hbm>>
    tpu.wait_indirect_dma semaphore(%arg9 : memref<!tpu.dma_semaphore, #tpu.memory_space<semaphore_mem>>) src(%dma_wait3A_46 : memref<4096x384xf32, #tpu.memory_space<hbm>>) dst(%arg7 : memref<128x384xf32, #tpu.memory_space<vmem>>)
    %add3A_47 = arith.constant 384 : i32
    %add3A_48 = arith.addi %mul3A_2, %add3A_47 : i32
    "tpu.region"() ({
      %run_scoped3A = tpu.sem_alloc : memref<!tpu.dma_semaphore, #tpu.memory_space<semaphore_mem>>
      %dma_start3A_49 = arith.constant 0 : i32
      %dma_start3A_50 = tpu.memref_slice %arg4[%add3A_48, %dma_start3A_49] : memref<16384x384xf32, #tpu.memory_space<hbm>> -> memref<128x384xf32, #tpu.memory_space<hbm>>
      %dma_start3A_51 = arith.constant 0 : i32
      %dma_start3A_52 = tpu.memref_slice %arg4[%add3A_48, %dma_start3A_51] : memref<16384x384xf32, #tpu.memory_space<hbm>> -> memref<128x384xf32, #tpu.memory_space<hbm>>
      tpu.enqueue_dma source(%arg7 : memref<128x384xf32, #tpu.memory_space<vmem>>) target(%dma_start3A_52 : memref<128x384xf32, #tpu.memory_space<hbm>>) target_semaphore(%run_scoped3A : memref<!tpu.dma_semaphore, #tpu.memory_space<semaphore_mem>>)
      %dma_wait3A_53 = arith.constant 0 : i32
      %dma_wait3A_54 = tpu.memref_slice %arg4[%add3A_48, %dma_wait3A_53] : memref<16384x384xf32, #tpu.memory_space<hbm>> -> memref<128x384xf32, #tpu.memory_space<hbm>>
      %dma_wait3A_55 = arith.constant 0 : i32
      %dma_wait3A_56 = tpu.memref_slice %arg4[%add3A_48, %dma_wait3A_55] : memref<16384x384xf32, #tpu.memory_space<hbm>> -> memref<128x384xf32, #tpu.memory_space<hbm>>
      tpu.wait_dma2 semaphore(%run_scoped3A : memref<!tpu.dma_semaphore, #tpu.memory_space<semaphore_mem>>) src(%arg7 : memref<128x384xf32, #tpu.memory_space<vmem>>) dst(%dma_wait3A_56 : memref<128x384xf32, #tpu.memory_space<hbm>>)
      tpu.yield
    }) : () -> ()
    return
  }
}

#map = affine_map<(d0, d1) -> (0, 0)>
#map1 = affine_map<(d0, d1) -> (0)>
module attributes {stable_mosaic.version = 14 : i64} {
  func.func @_gather_body(%arg0: i32, %arg1: i32, %arg2: memref<4096x384xf32, #tpu.memory_space<hbm>>, %arg3: memref<16384xi32, #tpu.memory_space<hbm>>, %arg4: memref<16384x384xf32, #tpu.memory_space<hbm>>, %arg5: memref<512xi32, #tpu.memory_space<vmem>>, %arg6: memref<128x384xf32, #tpu.memory_space<vmem>>, %arg7: memref<128x384xf32, #tpu.memory_space<vmem>>, %arg8: memref<!tpu.dma_semaphore, #tpu.memory_space<semaphore_mem>>, %arg9: memref<!tpu.dma_semaphore, #tpu.memory_space<semaphore_mem>>) attributes {dimension_semantics = [#tpu.dimension_semantics<core_parallel>, #tpu.dimension_semantics<subcore_parallel>], iteration_bounds = array<i64: 2, 16>, scalar_prefetch = 0 : i64, scratch_operands = 5 : i64, tpu.core_type = #tpu.core_type<sc_vector_subcore>, window_params = [{transform_indices = #map}, {transform_indices = #map1}, {transform_indices = #map}]} {
    %mul3A = arith.constant 2 : i32
    %mul3A_0 = arith.muli %arg1, %mul3A : i32
    %add3A = arith.addi %mul3A_0, %arg0 : i32
    %mul3A_1 = arith.constant 512 : i32
    %mul3A_2 = arith.muli %add3A, %mul3A_1 : i32
    "tpu.region"() ({
      %run_scoped3A = tpu.sem_alloc : memref<!tpu.dma_semaphore, #tpu.memory_space<semaphore_mem>>
      %dma_start3A_49 = tpu.memref_slice %arg3[%mul3A_2] : memref<16384xi32, #tpu.memory_space<hbm>> -> memref<512xi32, #tpu.memory_space<hbm>>
      %dma_start3A_50 = tpu.memref_slice %arg3[%mul3A_2] : memref<16384xi32, #tpu.memory_space<hbm>> -> memref<512xi32, #tpu.memory_space<hbm>>
      tpu.enqueue_dma source(%dma_start3A_50 : memref<512xi32, #tpu.memory_space<hbm>>) target(%arg5 : memref<512xi32, #tpu.memory_space<vmem>>) target_semaphore(%run_scoped3A : memref<!tpu.dma_semaphore, #tpu.memory_space<semaphore_mem>>)
      %dma_wait3A_51 = tpu.memref_slice %arg3[%mul3A_2] : memref<16384xi32, #tpu.memory_space<hbm>> -> memref<512xi32, #tpu.memory_space<hbm>>
      %dma_wait3A_52 = tpu.memref_slice %arg3[%mul3A_2] : memref<16384xi32, #tpu.memory_space<hbm>> -> memref<512xi32, #tpu.memory_space<hbm>>
      tpu.wait_dma2 semaphore(%run_scoped3A : memref<!tpu.dma_semaphore, #tpu.memory_space<semaphore_mem>>) src(%dma_wait3A_52 : memref<512xi32, #tpu.memory_space<hbm>>) dst(%arg5 : memref<512xi32, #tpu.memory_space<vmem>>)
      tpu.yield
    }) : () -> ()
    %dma_start3A = arith.constant 0 : i32
    %dma_start3A_3 = tpu.memref_slice %arg5[%dma_start3A] : memref<512xi32, #tpu.memory_space<vmem>> -> memref<128xi32, #tpu.memory_space<vmem>>
    %dma_start3A_4 = arith.constant 0 : i32
    %dma_start3A_5 = arith.constant 0 : i32
    %dma_start3A_6 = tpu.memref_slice %arg2[%dma_start3A_4, %dma_start3A_5] : memref<4096x384xf32, #tpu.memory_space<hbm>> -> memref<4096x384xf32, #tpu.memory_space<hbm>>
    tpu.enqueue_indirect_dma source(%dma_start3A_6 : memref<4096x384xf32, #tpu.memory_space<hbm>>) target(%arg6 : memref<128x384xf32, #tpu.memory_space<vmem>>) offsets(%dma_start3A_3 : memref<128xi32, #tpu.memory_space<vmem>>) semaphore(%arg8 : memref<!tpu.dma_semaphore, #tpu.memory_space<semaphore_mem>>)
    %dma_start3A_7 = arith.constant 128 : i32
    %dma_start3A_8 = tpu.memref_slice %arg5[%dma_start3A_7] : memref<512xi32, #tpu.memory_space<vmem>> -> memref<128xi32, #tpu.memory_space<vmem>>
    %dma_start3A_9 = arith.constant 0 : i32
    %dma_start3A_10 = arith.constant 0 : i32
    %dma_start3A_11 = tpu.memref_slice %arg2[%dma_start3A_9, %dma_start3A_10] : memref<4096x384xf32, #tpu.memory_space<hbm>> -> memref<4096x384xf32, #tpu.memory_space<hbm>>
    tpu.enqueue_indirect_dma source(%dma_start3A_11 : memref<4096x384xf32, #tpu.memory_space<hbm>>) target(%arg7 : memref<128x384xf32, #tpu.memory_space<vmem>>) offsets(%dma_start3A_8 : memref<128xi32, #tpu.memory_space<vmem>>) semaphore(%arg9 : memref<!tpu.dma_semaphore, #tpu.memory_space<semaphore_mem>>)
    %dma_wait3A = arith.constant 0 : i32
    %dma_wait3A_12 = tpu.memref_slice %arg5[%dma_wait3A] : memref<512xi32, #tpu.memory_space<vmem>> -> memref<128xi32, #tpu.memory_space<vmem>>
    %dma_wait3A_13 = arith.constant 0 : i32
    %dma_wait3A_14 = arith.constant 0 : i32
    %dma_wait3A_15 = tpu.memref_slice %arg2[%dma_wait3A_13, %dma_wait3A_14] : memref<4096x384xf32, #tpu.memory_space<hbm>> -> memref<4096x384xf32, #tpu.memory_space<hbm>>
    tpu.wait_indirect_dma semaphore(%arg8 : memref<!tpu.dma_semaphore, #tpu.memory_space<semaphore_mem>>) src(%dma_wait3A_15 : memref<4096x384xf32, #tpu.memory_space<hbm>>) dst(%arg6 : memref<128x384xf32, #tpu.memory_space<vmem>>)
    %add3A_16 = arith.constant 0 : i32
    %add3A_17 = arith.addi %mul3A_2, %add3A_16 : i32
    "tpu.region"() ({
      %run_scoped3A = tpu.sem_alloc : memref<!tpu.dma_semaphore, #tpu.memory_space<semaphore_mem>>
      %dma_start3A_49 = arith.constant 0 : i32
      %dma_start3A_50 = tpu.memref_slice %arg4[%add3A_17, %dma_start3A_49] : memref<16384x384xf32, #tpu.memory_space<hbm>> -> memref<128x384xf32, #tpu.memory_space<hbm>>
      %dma_start3A_51 = arith.constant 0 : i32
      %dma_start3A_52 = tpu.memref_slice %arg4[%add3A_17, %dma_start3A_51] : memref<16384x384xf32, #tpu.memory_space<hbm>> -> memref<128x384xf32, #tpu.memory_space<hbm>>
      tpu.enqueue_dma source(%arg6 : memref<128x384xf32, #tpu.memory_space<vmem>>) target(%dma_start3A_52 : memref<128x384xf32, #tpu.memory_space<hbm>>) target_semaphore(%run_scoped3A : memref<!tpu.dma_semaphore, #tpu.memory_space<semaphore_mem>>)
      %dma_wait3A_53 = arith.constant 0 : i32
      %dma_wait3A_54 = tpu.memref_slice %arg4[%add3A_17, %dma_wait3A_53] : memref<16384x384xf32, #tpu.memory_space<hbm>> -> memref<128x384xf32, #tpu.memory_space<hbm>>
      %dma_wait3A_55 = arith.constant 0 : i32
      %dma_wait3A_56 = tpu.memref_slice %arg4[%add3A_17, %dma_wait3A_55] : memref<16384x384xf32, #tpu.memory_space<hbm>> -> memref<128x384xf32, #tpu.memory_space<hbm>>
      tpu.wait_dma2 semaphore(%run_scoped3A : memref<!tpu.dma_semaphore, #tpu.memory_space<semaphore_mem>>) src(%arg6 : memref<128x384xf32, #tpu.memory_space<vmem>>) dst(%dma_wait3A_56 : memref<128x384xf32, #tpu.memory_space<hbm>>)
      tpu.yield
    }) : () -> ()
    %dma_start3A_18 = arith.constant 256 : i32
    %dma_start3A_19 = tpu.memref_slice %arg5[%dma_start3A_18] : memref<512xi32, #tpu.memory_space<vmem>> -> memref<128xi32, #tpu.memory_space<vmem>>
    %dma_start3A_20 = arith.constant 0 : i32
    %dma_start3A_21 = arith.constant 0 : i32
    %dma_start3A_22 = tpu.memref_slice %arg2[%dma_start3A_20, %dma_start3A_21] : memref<4096x384xf32, #tpu.memory_space<hbm>> -> memref<4096x384xf32, #tpu.memory_space<hbm>>
    tpu.enqueue_indirect_dma source(%dma_start3A_22 : memref<4096x384xf32, #tpu.memory_space<hbm>>) target(%arg6 : memref<128x384xf32, #tpu.memory_space<vmem>>) offsets(%dma_start3A_19 : memref<128xi32, #tpu.memory_space<vmem>>) semaphore(%arg8 : memref<!tpu.dma_semaphore, #tpu.memory_space<semaphore_mem>>)
    %dma_wait3A_23 = arith.constant 128 : i32
    %dma_wait3A_24 = tpu.memref_slice %arg5[%dma_wait3A_23] : memref<512xi32, #tpu.memory_space<vmem>> -> memref<128xi32, #tpu.memory_space<vmem>>
    %dma_wait3A_25 = arith.constant 0 : i32
    %dma_wait3A_26 = arith.constant 0 : i32
    %dma_wait3A_27 = tpu.memref_slice %arg2[%dma_wait3A_25, %dma_wait3A_26] : memref<4096x384xf32, #tpu.memory_space<hbm>> -> memref<4096x384xf32, #tpu.memory_space<hbm>>
    tpu.wait_indirect_dma semaphore(%arg9 : memref<!tpu.dma_semaphore, #tpu.memory_space<semaphore_mem>>) src(%dma_wait3A_27 : memref<4096x384xf32, #tpu.memory_space<hbm>>) dst(%arg7 : memref<128x384xf32, #tpu.memory_space<vmem>>)
    %add3A_28 = arith.constant 128 : i32
    %add3A_29 = arith.addi %mul3A_2, %add3A_28 : i32
    "tpu.region"() ({
      %run_scoped3A = tpu.sem_alloc : memref<!tpu.dma_semaphore, #tpu.memory_space<semaphore_mem>>
      %dma_start3A_49 = arith.constant 0 : i32
      %dma_start3A_50 = tpu.memref_slice %arg4[%add3A_29, %dma_start3A_49] : memref<16384x384xf32, #tpu.memory_space<hbm>> -> memref<128x384xf32, #tpu.memory_space<hbm>>
      %dma_start3A_51 = arith.constant 0 : i32
      %dma_start3A_52 = tpu.memref_slice %arg4[%add3A_29, %dma_start3A_51] : memref<16384x384xf32, #tpu.memory_space<hbm>> -> memref<128x384xf32, #tpu.memory_space<hbm>>
      tpu.enqueue_dma source(%arg7 : memref<128x384xf32, #tpu.memory_space<vmem>>) target(%dma_start3A_52 : memref<128x384xf32, #tpu.memory_space<hbm>>) target_semaphore(%run_scoped3A : memref<!tpu.dma_semaphore, #tpu.memory_space<semaphore_mem>>)
      %dma_wait3A_53 = arith.constant 0 : i32
      %dma_wait3A_54 = tpu.memref_slice %arg4[%add3A_29, %dma_wait3A_53] : memref<16384x384xf32, #tpu.memory_space<hbm>> -> memref<128x384xf32, #tpu.memory_space<hbm>>
      %dma_wait3A_55 = arith.constant 0 : i32
      %dma_wait3A_56 = tpu.memref_slice %arg4[%add3A_29, %dma_wait3A_55] : memref<16384x384xf32, #tpu.memory_space<hbm>> -> memref<128x384xf32, #tpu.memory_space<hbm>>
      tpu.wait_dma2 semaphore(%run_scoped3A : memref<!tpu.dma_semaphore, #tpu.memory_space<semaphore_mem>>) src(%arg7 : memref<128x384xf32, #tpu.memory_space<vmem>>) dst(%dma_wait3A_56 : memref<128x384xf32, #tpu.memory_space<hbm>>)
      tpu.yield
    }) : () -> ()
    %dma_start3A_30 = arith.constant 384 : i32
    %dma_start3A_31 = tpu.memref_slice %arg5[%dma_start3A_30] : memref<512xi32, #tpu.memory_space<vmem>> -> memref<128xi32, #tpu.memory_space<vmem>>
    %dma_start3A_32 = arith.constant 0 : i32
    %dma_start3A_33 = arith.constant 0 : i32
    %dma_start3A_34 = tpu.memref_slice %arg2[%dma_start3A_32, %dma_start3A_33] : memref<4096x384xf32, #tpu.memory_space<hbm>> -> memref<4096x384xf32, #tpu.memory_space<hbm>>
    tpu.enqueue_indirect_dma source(%dma_start3A_34 : memref<4096x384xf32, #tpu.memory_space<hbm>>) target(%arg7 : memref<128x384xf32, #tpu.memory_space<vmem>>) offsets(%dma_start3A_31 : memref<128xi32, #tpu.memory_space<vmem>>) semaphore(%arg9 : memref<!tpu.dma_semaphore, #tpu.memory_space<semaphore_mem>>)
    %dma_wait3A_35 = arith.constant 256 : i32
    %dma_wait3A_36 = tpu.memref_slice %arg5[%dma_wait3A_35] : memref<512xi32, #tpu.memory_space<vmem>> -> memref<128xi32, #tpu.memory_space<vmem>>
    %dma_wait3A_37 = arith.constant 0 : i32
    %dma_wait3A_38 = arith.constant 0 : i32
    %dma_wait3A_39 = tpu.memref_slice %arg2[%dma_wait3A_37, %dma_wait3A_38] : memref<4096x384xf32, #tpu.memory_space<hbm>> -> memref<4096x384xf32, #tpu.memory_space<hbm>>
    tpu.wait_indirect_dma semaphore(%arg8 : memref<!tpu.dma_semaphore, #tpu.memory_space<semaphore_mem>>) src(%dma_wait3A_39 : memref<4096x384xf32, #tpu.memory_space<hbm>>) dst(%arg6 : memref<128x384xf32, #tpu.memory_space<vmem>>)
    %add3A_40 = arith.constant 256 : i32
    %add3A_41 = arith.addi %mul3A_2, %add3A_40 : i32
    "tpu.region"() ({
      %run_scoped3A = tpu.sem_alloc : memref<!tpu.dma_semaphore, #tpu.memory_space<semaphore_mem>>
      %dma_start3A_49 = arith.constant 0 : i32
      %dma_start3A_50 = tpu.memref_slice %arg4[%add3A_41, %dma_start3A_49] : memref<16384x384xf32, #tpu.memory_space<hbm>> -> memref<128x384xf32, #tpu.memory_space<hbm>>
      %dma_start3A_51 = arith.constant 0 : i32
      %dma_start3A_52 = tpu.memref_slice %arg4[%add3A_41, %dma_start3A_51] : memref<16384x384xf32, #tpu.memory_space<hbm>> -> memref<128x384xf32, #tpu.memory_space<hbm>>
      tpu.enqueue_dma source(%arg6 : memref<128x384xf32, #tpu.memory_space<vmem>>) target(%dma_start3A_52 : memref<128x384xf32, #tpu.memory_space<hbm>>) target_semaphore(%run_scoped3A : memref<!tpu.dma_semaphore, #tpu.memory_space<semaphore_mem>>)
      %dma_wait3A_53 = arith.constant 0 : i32
      %dma_wait3A_54 = tpu.memref_slice %arg4[%add3A_41, %dma_wait3A_53] : memref<16384x384xf32, #tpu.memory_space<hbm>> -> memref<128x384xf32, #tpu.memory_space<hbm>>
      %dma_wait3A_55 = arith.constant 0 : i32
      %dma_wait3A_56 = tpu.memref_slice %arg4[%add3A_41, %dma_wait3A_55] : memref<16384x384xf32, #tpu.memory_space<hbm>> -> memref<128x384xf32, #tpu.memory_space<hbm>>
      tpu.wait_dma2 semaphore(%run_scoped3A : memref<!tpu.dma_semaphore, #tpu.memory_space<semaphore_mem>>) src(%arg6 : memref<128x384xf32, #tpu.memory_space<vmem>>) dst(%dma_wait3A_56 : memref<128x384xf32, #tpu.memory_space<hbm>>)
      tpu.yield
    }) : () -> ()
    %dma_wait3A_42 = arith.constant 384 : i32
    %dma_wait3A_43 = tpu.memref_slice %arg5[%dma_wait3A_42] : memref<512xi32, #tpu.memory_space<vmem>> -> memref<128xi32, #tpu.memory_space<vmem>>
    %dma_wait3A_44 = arith.constant 0 : i32
    %dma_wait3A_45 = arith.constant 0 : i32
    %dma_wait3A_46 = tpu.memref_slice %arg2[%dma_wait3A_44, %dma_wait3A_45] : memref<4096x384xf32, #tpu.memory_space<hbm>> -> memref<4096x384xf32, #tpu.memory_space<hbm>>
    tpu.wait_indirect_dma semaphore(%arg9 : memref<!tpu.dma_semaphore, #tpu.memory_space<semaphore_mem>>) src(%dma_wait3A_46 : memref<4096x384xf32, #tpu.memory_space<hbm>>) dst(%arg7 : memref<128x384xf32, #tpu.memory_space<vmem>>)
    %add3A_47 = arith.constant 384 : i32
    %add3A_48 = arith.addi %mul3A_2, %add3A_47 : i32
    "tpu.region"() ({
      %run_scoped3A = tpu.sem_alloc : memref<!tpu.dma_semaphore, #tpu.memory_space<semaphore_mem>>
      %dma_start3A_49 = arith.constant 0 : i32
      %dma_start3A_50 = tpu.memref_slice %arg4[%add3A_48, %dma_start3A_49] : memref<16384x384xf32, #tpu.memory_space<hbm>> -> memref<128x384xf32, #tpu.memory_space<hbm>>
      %dma_start3A_51 = arith.constant 0 : i32
      %dma_start3A_52 = tpu.memref_slice %arg4[%add3A_48, %dma_start3A_51] : memref<16384x384xf32, #tpu.memory_space<hbm>> -> memref<128x384xf32, #tpu.memory_space<hbm>>
      tpu.enqueue_dma source(%arg7 : memref<128x384xf32, #tpu.memory_space<vmem>>) target(%dma_start3A_52 : memref<128x384xf32, #tpu.memory_space<hbm>>) target_semaphore(%run_scoped3A : memref<!tpu.dma_semaphore, #tpu.memory_space<semaphore_mem>>)
      %dma_wait3A_53 = arith.constant 0 : i32
      %dma_wait3A_54 = tpu.memref_slice %arg4[%add3A_48, %dma_wait3A_53] : memref<16384x384xf32, #tpu.memory_space<hbm>> -> memref<128x384xf32, #tpu.memory_space<hbm>>
      %dma_wait3A_55 = arith.constant 0 : i32
      %dma_wait3A_56 = tpu.memref_slice %arg4[%add3A_48, %dma_wait3A_55] : memref<16384x384xf32, #tpu.memory_space<hbm>> -> memref<128x384xf32, #tpu.memory_space<hbm>>
      tpu.wait_dma2 semaphore(%run_scoped3A : memref<!tpu.dma_semaphore, #tpu.memory_space<semaphore_mem>>) src(%arg7 : memref<128x384xf32, #tpu.memory_space<vmem>>) dst(%dma_wait3A_56 : memref<128x384xf32, #tpu.memory_space<hbm>>)
      tpu.yield
    }) : () -> ()
    return
  }
}

module attributes {stable_mosaic.version = 14 : i64} {
  func.func @_knn_body(%arg0: i32, %arg1: memref<512x16xf32, #tpu.memory_space<vmem>>, %arg2: memref<16x4096xf32, #tpu.memory_space<vmem>>, %arg3: memref<512x16xi32, #tpu.memory_space<vmem>>) attributes {dimension_semantics = [#tpu.dimension_semantics<arbitrary>], iteration_bounds = array<i64: 2>, scalar_prefetch = 0 : i64, scratch_operands = 0 : i64, tpu.core_type = #tpu.core_type<tc>, window_params = [{transform_indices = @transform_0, window_bounds = array<i64: 512, 16>}, {pipeline_mode = #tpu.pipeline_mode<synchronous>, transform_indices = @transform_1, window_bounds = array<i64: 16, 4096>}, {transform_indices = @transform_2, window_bounds = array<i64: 512, 16>}]} {
    %get3A = arith.constant 0 : index
    %get3A_0 = arith.constant 0 : index
    %get3A_1 = vector.load %arg1[%get3A, %get3A_0] : memref<512x16xf32, #tpu.memory_space<vmem>>, vector<512x16xf32>
    %get3A_2 = arith.constant 0 : index
    %get3A_3 = arith.constant 0 : index
    %get3A_4 = vector.load %arg2[%get3A_2, %get3A_3] : memref<16x4096xf32, #tpu.memory_space<vmem>>, vector<16x4096xf32>
    %mul3A = arith.mulf %get3A_1, %get3A_1 : vector<512x16xf32>
    %reduce_sum3A = arith.constant dense<0.000000e+00> : vector<512xf32>
    %reduce_sum3A_5 = vector.multi_reduction <add>, %mul3A, %reduce_sum3A [1] : vector<512x16xf32> to vector<512xf32>
    %broadcast_in_dim3A = vector.shape_cast %reduce_sum3A_5 : vector<512xf32> to vector<512x1xf32>
    %mul3A_6 = arith.mulf %get3A_4, %get3A_4 : vector<16x4096xf32>
    %reduce_sum3A_7 = arith.constant dense<0.000000e+00> : vector<4096xf32>
    %reduce_sum3A_8 = vector.multi_reduction <add>, %mul3A_6, %reduce_sum3A_7 [0] : vector<16x4096xf32> to vector<4096xf32>
    %broadcast_in_dim3A_9 = vector.shape_cast %reduce_sum3A_8 : vector<4096xf32> to vector<1x4096xf32>
    %add3A = vector.broadcast %broadcast_in_dim3A : vector<512x1xf32> to vector<512x4096xf32>
    %add3A_10 = vector.broadcast %broadcast_in_dim3A_9 : vector<1x4096xf32> to vector<512x4096xf32>
    %add3A_11 = arith.addf %add3A, %add3A_10 : vector<512x4096xf32>
    %dot_general3A = arith.constant dense<0.000000e+00> : vector<512x4096xf32>
    %dot_general3A_12 = tpu.matmul %get3A_1, %get3A_4, %dot_general3A {dimension_numbers = #tpu.dot_dimension_numbers<[1], [0], [0], [1], [0, 0, 1, 1], [], []>, transpose_lhs_hint = false} : vector<512x16xf32>, vector<16x4096xf32>, vector<512x4096xf32> -> vector<512x4096xf32>
    %mul3A_13 = arith.constant 2.000000e+00 : f32
    %mul3A_14 = vector.broadcast %mul3A_13 : f32 to vector<512x4096xf32>
    %mul3A_15 = arith.mulf %mul3A_14, %dot_general3A_12 : vector<512x4096xf32>
    %sub3A = arith.subf %add3A_11, %mul3A_15 : vector<512x4096xf32>
    %max3A = arith.constant 0.000000e+00 : f32
    %max3A_16 = vector.broadcast %max3A : f32 to vector<512x4096xf32>
    %max3A_17 = arith.maximumf %sub3A, %max3A_16 : vector<512x4096xf32>
    %bitcast_convert_type3A = tpu.bitcast %max3A_17 : vector<512x4096xf32> -> vector<512x4096xi32>
    %iota3A = tpu.iota {dimensions = array<i32: 1>} : vector<512x4096xi32>
    %and3A = arith.constant -4096 : i32
    %and3A_18 = vector.broadcast %and3A : i32 to vector<512x4096xi32>
    %and3A_19 = arith.andi %bitcast_convert_type3A, %and3A_18 : vector<512x4096xi32>
    %or3A = arith.ori %and3A_19, %iota3A : vector<512x4096xi32>
    %slice3A = vector.extract_strided_slice %or3A {offsets = [0, 0], sizes = [512, 256], strides = [1, 1]} : vector<512x4096xi32> to vector<512x256xi32>
    %slice3A_20 = vector.extract_strided_slice %or3A {offsets = [0, 256], sizes = [512, 256], strides = [1, 1]} : vector<512x4096xi32> to vector<512x256xi32>
    %slice3A_21 = vector.extract_strided_slice %or3A {offsets = [0, 512], sizes = [512, 256], strides = [1, 1]} : vector<512x4096xi32> to vector<512x256xi32>
    %slice3A_22 = vector.extract_strided_slice %or3A {offsets = [0, 768], sizes = [512, 256], strides = [1, 1]} : vector<512x4096xi32> to vector<512x256xi32>
    %slice3A_23 = vector.extract_strided_slice %or3A {offsets = [0, 1024], sizes = [512, 256], strides = [1, 1]} : vector<512x4096xi32> to vector<512x256xi32>
    %slice3A_24 = vector.extract_strided_slice %or3A {offsets = [0, 1280], sizes = [512, 256], strides = [1, 1]} : vector<512x4096xi32> to vector<512x256xi32>
    %slice3A_25 = vector.extract_strided_slice %or3A {offsets = [0, 1536], sizes = [512, 256], strides = [1, 1]} : vector<512x4096xi32> to vector<512x256xi32>
    %slice3A_26 = vector.extract_strided_slice %or3A {offsets = [0, 1792], sizes = [512, 256], strides = [1, 1]} : vector<512x4096xi32> to vector<512x256xi32>
    %slice3A_27 = vector.extract_strided_slice %or3A {offsets = [0, 2048], sizes = [512, 256], strides = [1, 1]} : vector<512x4096xi32> to vector<512x256xi32>
    %slice3A_28 = vector.extract_strided_slice %or3A {offsets = [0, 2304], sizes = [512, 256], strides = [1, 1]} : vector<512x4096xi32> to vector<512x256xi32>
    %slice3A_29 = vector.extract_strided_slice %or3A {offsets = [0, 2560], sizes = [512, 256], strides = [1, 1]} : vector<512x4096xi32> to vector<512x256xi32>
    %slice3A_30 = vector.extract_strided_slice %or3A {offsets = [0, 2816], sizes = [512, 256], strides = [1, 1]} : vector<512x4096xi32> to vector<512x256xi32>
    %slice3A_31 = vector.extract_strided_slice %or3A {offsets = [0, 3072], sizes = [512, 256], strides = [1, 1]} : vector<512x4096xi32> to vector<512x256xi32>
    %slice3A_32 = vector.extract_strided_slice %or3A {offsets = [0, 3328], sizes = [512, 256], strides = [1, 1]} : vector<512x4096xi32> to vector<512x256xi32>
    %slice3A_33 = vector.extract_strided_slice %or3A {offsets = [0, 3584], sizes = [512, 256], strides = [1, 1]} : vector<512x4096xi32> to vector<512x256xi32>
    %slice3A_34 = vector.extract_strided_slice %or3A {offsets = [0, 3840], sizes = [512, 256], strides = [1, 1]} : vector<512x4096xi32> to vector<512x256xi32>
    %min3A = arith.minsi %slice3A, %slice3A_20 : vector<512x256xi32>
    %max3A_35 = arith.maxsi %slice3A, %slice3A_20 : vector<512x256xi32>
    %min3A_36 = arith.minsi %slice3A_21, %slice3A_22 : vector<512x256xi32>
    %max3A_37 = arith.maxsi %slice3A_21, %slice3A_22 : vector<512x256xi32>
    %min3A_38 = arith.minsi %slice3A_23, %slice3A_24 : vector<512x256xi32>
    %max3A_39 = arith.maxsi %slice3A_23, %slice3A_24 : vector<512x256xi32>
    %min3A_40 = arith.minsi %slice3A_25, %slice3A_26 : vector<512x256xi32>
    %max3A_41 = arith.maxsi %slice3A_25, %slice3A_26 : vector<512x256xi32>
    %min3A_42 = arith.minsi %slice3A_27, %slice3A_28 : vector<512x256xi32>
    %max3A_43 = arith.maxsi %slice3A_27, %slice3A_28 : vector<512x256xi32>
    %min3A_44 = arith.minsi %slice3A_29, %slice3A_30 : vector<512x256xi32>
    %max3A_45 = arith.maxsi %slice3A_29, %slice3A_30 : vector<512x256xi32>
    %min3A_46 = arith.minsi %slice3A_31, %slice3A_32 : vector<512x256xi32>
    %max3A_47 = arith.maxsi %slice3A_31, %slice3A_32 : vector<512x256xi32>
    %min3A_48 = arith.minsi %slice3A_33, %slice3A_34 : vector<512x256xi32>
    %max3A_49 = arith.maxsi %slice3A_33, %slice3A_34 : vector<512x256xi32>
    %min3A_50 = arith.minsi %min3A, %min3A_36 : vector<512x256xi32>
    %max3A_51 = arith.maxsi %min3A, %min3A_36 : vector<512x256xi32>
    %min3A_52 = arith.minsi %max3A_35, %max3A_37 : vector<512x256xi32>
    %max3A_53 = arith.maxsi %max3A_35, %max3A_37 : vector<512x256xi32>
    %min3A_54 = arith.minsi %min3A_38, %min3A_40 : vector<512x256xi32>
    %max3A_55 = arith.maxsi %min3A_38, %min3A_40 : vector<512x256xi32>
    %min3A_56 = arith.minsi %max3A_39, %max3A_41 : vector<512x256xi32>
    %max3A_57 = arith.maxsi %max3A_39, %max3A_41 : vector<512x256xi32>
    %min3A_58 = arith.minsi %min3A_42, %min3A_44 : vector<512x256xi32>
    %max3A_59 = arith.maxsi %min3A_42, %min3A_44 : vector<512x256xi32>
    %min3A_60 = arith.minsi %max3A_43, %max3A_45 : vector<512x256xi32>
    %max3A_61 = arith.maxsi %max3A_43, %max3A_45 : vector<512x256xi32>
    %min3A_62 = arith.minsi %min3A_46, %min3A_48 : vector<512x256xi32>
    %max3A_63 = arith.maxsi %min3A_46, %min3A_48 : vector<512x256xi32>
    %min3A_64 = arith.minsi %max3A_47, %max3A_49 : vector<512x256xi32>
    %max3A_65 = arith.maxsi %max3A_47, %max3A_49 : vector<512x256xi32>
    %min3A_66 = arith.minsi %min3A_52, %max3A_51 : vector<512x256xi32>
    %max3A_67 = arith.maxsi %min3A_52, %max3A_51 : vector<512x256xi32>
    %min3A_68 = arith.minsi %min3A_56, %max3A_55 : vector<512x256xi32>
    %max3A_69 = arith.maxsi %min3A_56, %max3A_55 : vector<512x256xi32>
    %min3A_70 = arith.minsi %min3A_60, %max3A_59 : vector<512x256xi32>
    %max3A_71 = arith.maxsi %min3A_60, %max3A_59 : vector<512x256xi32>
    %min3A_72 = arith.minsi %min3A_64, %max3A_63 : vector<512x256xi32>
    %max3A_73 = arith.maxsi %min3A_64, %max3A_63 : vector<512x256xi32>
    %min3A_74 = arith.minsi %min3A_50, %min3A_54 : vector<512x256xi32>
    %max3A_75 = arith.maxsi %min3A_50, %min3A_54 : vector<512x256xi32>
    %min3A_76 = arith.minsi %min3A_66, %min3A_68 : vector<512x256xi32>
    %max3A_77 = arith.maxsi %min3A_66, %min3A_68 : vector<512x256xi32>
    %min3A_78 = arith.minsi %max3A_67, %max3A_69 : vector<512x256xi32>
    %max3A_79 = arith.maxsi %max3A_67, %max3A_69 : vector<512x256xi32>
    %min3A_80 = arith.minsi %max3A_53, %max3A_57 : vector<512x256xi32>
    %max3A_81 = arith.maxsi %max3A_53, %max3A_57 : vector<512x256xi32>
    %min3A_82 = arith.minsi %min3A_58, %min3A_62 : vector<512x256xi32>
    %max3A_83 = arith.maxsi %min3A_58, %min3A_62 : vector<512x256xi32>
    %min3A_84 = arith.minsi %min3A_70, %min3A_72 : vector<512x256xi32>
    %max3A_85 = arith.maxsi %min3A_70, %min3A_72 : vector<512x256xi32>
    %min3A_86 = arith.minsi %max3A_71, %max3A_73 : vector<512x256xi32>
    %max3A_87 = arith.maxsi %max3A_71, %max3A_73 : vector<512x256xi32>
    %min3A_88 = arith.minsi %max3A_61, %max3A_65 : vector<512x256xi32>
    %max3A_89 = arith.maxsi %max3A_61, %max3A_65 : vector<512x256xi32>
    %min3A_90 = arith.minsi %min3A_78, %max3A_75 : vector<512x256xi32>
    %max3A_91 = arith.maxsi %min3A_78, %max3A_75 : vector<512x256xi32>
    %min3A_92 = arith.minsi %min3A_80, %max3A_77 : vector<512x256xi32>
    %max3A_93 = arith.maxsi %min3A_80, %max3A_77 : vector<512x256xi32>
    %min3A_94 = arith.minsi %min3A_86, %max3A_83 : vector<512x256xi32>
    %max3A_95 = arith.maxsi %min3A_86, %max3A_83 : vector<512x256xi32>
    %min3A_96 = arith.minsi %min3A_88, %max3A_85 : vector<512x256xi32>
    %max3A_97 = arith.maxsi %min3A_88, %max3A_85 : vector<512x256xi32>
    %min3A_98 = arith.minsi %min3A_76, %min3A_90 : vector<512x256xi32>
    %max3A_99 = arith.maxsi %min3A_76, %min3A_90 : vector<512x256xi32>
    %min3A_100 = arith.minsi %min3A_92, %max3A_91 : vector<512x256xi32>
    %max3A_101 = arith.maxsi %min3A_92, %max3A_91 : vector<512x256xi32>
    %min3A_102 = arith.minsi %max3A_93, %max3A_79 : vector<512x256xi32>
    %max3A_103 = arith.maxsi %max3A_93, %max3A_79 : vector<512x256xi32>
    %min3A_104 = arith.minsi %min3A_84, %min3A_94 : vector<512x256xi32>
    %max3A_105 = arith.maxsi %min3A_84, %min3A_94 : vector<512x256xi32>
    %min3A_106 = arith.minsi %min3A_96, %max3A_95 : vector<512x256xi32>
    %max3A_107 = arith.maxsi %min3A_96, %max3A_95 : vector<512x256xi32>
    %min3A_108 = arith.minsi %max3A_97, %max3A_87 : vector<512x256xi32>
    %max3A_109 = arith.maxsi %max3A_97, %max3A_87 : vector<512x256xi32>
    %min3A_110 = arith.minsi %min3A_74, %min3A_82 : vector<512x256xi32>
    %max3A_111 = arith.maxsi %min3A_74, %min3A_82 : vector<512x256xi32>
    %min3A_112 = arith.minsi %min3A_98, %min3A_104 : vector<512x256xi32>
    %max3A_113 = arith.maxsi %min3A_98, %min3A_104 : vector<512x256xi32>
    %min3A_114 = arith.minsi %max3A_99, %max3A_105 : vector<512x256xi32>
    %max3A_115 = arith.maxsi %max3A_99, %max3A_105 : vector<512x256xi32>
    %min3A_116 = arith.minsi %min3A_100, %min3A_106 : vector<512x256xi32>
    %max3A_117 = arith.maxsi %min3A_100, %min3A_106 : vector<512x256xi32>
    %min3A_118 = arith.minsi %max3A_101, %max3A_107 : vector<512x256xi32>
    %max3A_119 = arith.maxsi %max3A_101, %max3A_107 : vector<512x256xi32>
    %min3A_120 = arith.minsi %min3A_102, %min3A_108 : vector<512x256xi32>
    %max3A_121 = arith.maxsi %min3A_102, %min3A_108 : vector<512x256xi32>
    %min3A_122 = arith.minsi %max3A_103, %max3A_109 : vector<512x256xi32>
    %max3A_123 = arith.maxsi %max3A_103, %max3A_109 : vector<512x256xi32>
    %min3A_124 = arith.minsi %max3A_81, %max3A_89 : vector<512x256xi32>
    %max3A_125 = arith.maxsi %max3A_81, %max3A_89 : vector<512x256xi32>
    %min3A_126 = arith.minsi %min3A_118, %max3A_111 : vector<512x256xi32>
    %max3A_127 = arith.maxsi %min3A_118, %max3A_111 : vector<512x256xi32>
    %min3A_128 = arith.minsi %min3A_120, %max3A_113 : vector<512x256xi32>
    %max3A_129 = arith.maxsi %min3A_120, %max3A_113 : vector<512x256xi32>
    %min3A_130 = arith.minsi %min3A_122, %max3A_115 : vector<512x256xi32>
    %max3A_131 = arith.maxsi %min3A_122, %max3A_115 : vector<512x256xi32>
    %min3A_132 = arith.minsi %min3A_124, %max3A_117 : vector<512x256xi32>
    %max3A_133 = arith.maxsi %min3A_124, %max3A_117 : vector<512x256xi32>
    %min3A_134 = arith.minsi %min3A_114, %min3A_126 : vector<512x256xi32>
    %max3A_135 = arith.maxsi %min3A_114, %min3A_126 : vector<512x256xi32>
    %min3A_136 = arith.minsi %min3A_116, %min3A_128 : vector<512x256xi32>
    %max3A_137 = arith.maxsi %min3A_116, %min3A_128 : vector<512x256xi32>
    %min3A_138 = arith.minsi %min3A_130, %max3A_127 : vector<512x256xi32>
    %max3A_139 = arith.maxsi %min3A_130, %max3A_127 : vector<512x256xi32>
    %min3A_140 = arith.minsi %min3A_132, %max3A_129 : vector<512x256xi32>
    %max3A_141 = arith.maxsi %min3A_132, %max3A_129 : vector<512x256xi32>
    %min3A_142 = arith.minsi %max3A_131, %max3A_119 : vector<512x256xi32>
    %max3A_143 = arith.maxsi %max3A_131, %max3A_119 : vector<512x256xi32>
    %min3A_144 = arith.minsi %max3A_133, %max3A_121 : vector<512x256xi32>
    %max3A_145 = arith.maxsi %max3A_133, %max3A_121 : vector<512x256xi32>
    %min3A_146 = arith.minsi %min3A_112, %min3A_134 : vector<512x256xi32>
    %max3A_147 = arith.maxsi %min3A_112, %min3A_134 : vector<512x256xi32>
    %min3A_148 = arith.minsi %min3A_136, %max3A_135 : vector<512x256xi32>
    %max3A_149 = arith.maxsi %min3A_136, %max3A_135 : vector<512x256xi32>
    %min3A_150 = arith.minsi %max3A_137, %min3A_138 : vector<512x256xi32>
    %max3A_151 = arith.maxsi %max3A_137, %min3A_138 : vector<512x256xi32>
    %min3A_152 = arith.minsi %min3A_140, %max3A_139 : vector<512x256xi32>
    %max3A_153 = arith.maxsi %min3A_140, %max3A_139 : vector<512x256xi32>
    %min3A_154 = arith.minsi %max3A_141, %min3A_142 : vector<512x256xi32>
    %max3A_155 = arith.maxsi %max3A_141, %min3A_142 : vector<512x256xi32>
    %min3A_156 = arith.minsi %min3A_144, %max3A_143 : vector<512x256xi32>
    %max3A_157 = arith.maxsi %min3A_144, %max3A_143 : vector<512x256xi32>
    %min3A_158 = arith.minsi %max3A_145, %max3A_123 : vector<512x256xi32>
    %max3A_159 = arith.maxsi %max3A_145, %max3A_123 : vector<512x256xi32>
    %slice3A_160 = vector.extract_strided_slice %min3A_110 {offsets = [0, 0], sizes = [512, 128], strides = [1, 1]} : vector<512x256xi32> to vector<512x128xi32>
    %slice3A_161 = vector.extract_strided_slice %max3A_125 {offsets = [0, 128], sizes = [512, 128], strides = [1, 1]} : vector<512x256xi32> to vector<512x128xi32>
    %min3A_162 = arith.minsi %slice3A_160, %slice3A_161 : vector<512x128xi32>
    %slice3A_163 = vector.extract_strided_slice %min3A_146 {offsets = [0, 0], sizes = [512, 128], strides = [1, 1]} : vector<512x256xi32> to vector<512x128xi32>
    %slice3A_164 = vector.extract_strided_slice %max3A_159 {offsets = [0, 128], sizes = [512, 128], strides = [1, 1]} : vector<512x256xi32> to vector<512x128xi32>
    %min3A_165 = arith.minsi %slice3A_163, %slice3A_164 : vector<512x128xi32>
    %slice3A_166 = vector.extract_strided_slice %max3A_147 {offsets = [0, 0], sizes = [512, 128], strides = [1, 1]} : vector<512x256xi32> to vector<512x128xi32>
    %slice3A_167 = vector.extract_strided_slice %min3A_158 {offsets = [0, 128], sizes = [512, 128], strides = [1, 1]} : vector<512x256xi32> to vector<512x128xi32>
    %min3A_168 = arith.minsi %slice3A_166, %slice3A_167 : vector<512x128xi32>
    %slice3A_169 = vector.extract_strided_slice %min3A_148 {offsets = [0, 0], sizes = [512, 128], strides = [1, 1]} : vector<512x256xi32> to vector<512x128xi32>
    %slice3A_170 = vector.extract_strided_slice %max3A_157 {offsets = [0, 128], sizes = [512, 128], strides = [1, 1]} : vector<512x256xi32> to vector<512x128xi32>
    %min3A_171 = arith.minsi %slice3A_169, %slice3A_170 : vector<512x128xi32>
    %slice3A_172 = vector.extract_strided_slice %max3A_149 {offsets = [0, 0], sizes = [512, 128], strides = [1, 1]} : vector<512x256xi32> to vector<512x128xi32>
    %slice3A_173 = vector.extract_strided_slice %min3A_156 {offsets = [0, 128], sizes = [512, 128], strides = [1, 1]} : vector<512x256xi32> to vector<512x128xi32>
    %min3A_174 = arith.minsi %slice3A_172, %slice3A_173 : vector<512x128xi32>
    %slice3A_175 = vector.extract_strided_slice %min3A_150 {offsets = [0, 0], sizes = [512, 128], strides = [1, 1]} : vector<512x256xi32> to vector<512x128xi32>
    %slice3A_176 = vector.extract_strided_slice %max3A_155 {offsets = [0, 128], sizes = [512, 128], strides = [1, 1]} : vector<512x256xi32> to vector<512x128xi32>
    %min3A_177 = arith.minsi %slice3A_175, %slice3A_176 : vector<512x128xi32>
    %slice3A_178 = vector.extract_strided_slice %max3A_151 {offsets = [0, 0], sizes = [512, 128], strides = [1, 1]} : vector<512x256xi32> to vector<512x128xi32>
    %slice3A_179 = vector.extract_strided_slice %min3A_154 {offsets = [0, 128], sizes = [512, 128], strides = [1, 1]} : vector<512x256xi32> to vector<512x128xi32>
    %min3A_180 = arith.minsi %slice3A_178, %slice3A_179 : vector<512x128xi32>
    %slice3A_181 = vector.extract_strided_slice %min3A_152 {offsets = [0, 0], sizes = [512, 128], strides = [1, 1]} : vector<512x256xi32> to vector<512x128xi32>
    %slice3A_182 = vector.extract_strided_slice %max3A_153 {offsets = [0, 128], sizes = [512, 128], strides = [1, 1]} : vector<512x256xi32> to vector<512x128xi32>
    %min3A_183 = arith.minsi %slice3A_181, %slice3A_182 : vector<512x128xi32>
    %slice3A_184 = vector.extract_strided_slice %max3A_153 {offsets = [0, 0], sizes = [512, 128], strides = [1, 1]} : vector<512x256xi32> to vector<512x128xi32>
    %slice3A_185 = vector.extract_strided_slice %min3A_152 {offsets = [0, 128], sizes = [512, 128], strides = [1, 1]} : vector<512x256xi32> to vector<512x128xi32>
    %min3A_186 = arith.minsi %slice3A_184, %slice3A_185 : vector<512x128xi32>
    %slice3A_187 = vector.extract_strided_slice %min3A_154 {offsets = [0, 0], sizes = [512, 128], strides = [1, 1]} : vector<512x256xi32> to vector<512x128xi32>
    %slice3A_188 = vector.extract_strided_slice %max3A_151 {offsets = [0, 128], sizes = [512, 128], strides = [1, 1]} : vector<512x256xi32> to vector<512x128xi32>
    %min3A_189 = arith.minsi %slice3A_187, %slice3A_188 : vector<512x128xi32>
    %slice3A_190 = vector.extract_strided_slice %max3A_155 {offsets = [0, 0], sizes = [512, 128], strides = [1, 1]} : vector<512x256xi32> to vector<512x128xi32>
    %slice3A_191 = vector.extract_strided_slice %min3A_150 {offsets = [0, 128], sizes = [512, 128], strides = [1, 1]} : vector<512x256xi32> to vector<512x128xi32>
    %min3A_192 = arith.minsi %slice3A_190, %slice3A_191 : vector<512x128xi32>
    %slice3A_193 = vector.extract_strided_slice %min3A_156 {offsets = [0, 0], sizes = [512, 128], strides = [1, 1]} : vector<512x256xi32> to vector<512x128xi32>
    %slice3A_194 = vector.extract_strided_slice %max3A_149 {offsets = [0, 128], sizes = [512, 128], strides = [1, 1]} : vector<512x256xi32> to vector<512x128xi32>
    %min3A_195 = arith.minsi %slice3A_193, %slice3A_194 : vector<512x128xi32>
    %slice3A_196 = vector.extract_strided_slice %max3A_157 {offsets = [0, 0], sizes = [512, 128], strides = [1, 1]} : vector<512x256xi32> to vector<512x128xi32>
    %slice3A_197 = vector.extract_strided_slice %min3A_148 {offsets = [0, 128], sizes = [512, 128], strides = [1, 1]} : vector<512x256xi32> to vector<512x128xi32>
    %min3A_198 = arith.minsi %slice3A_196, %slice3A_197 : vector<512x128xi32>
    %slice3A_199 = vector.extract_strided_slice %min3A_158 {offsets = [0, 0], sizes = [512, 128], strides = [1, 1]} : vector<512x256xi32> to vector<512x128xi32>
    %slice3A_200 = vector.extract_strided_slice %max3A_147 {offsets = [0, 128], sizes = [512, 128], strides = [1, 1]} : vector<512x256xi32> to vector<512x128xi32>
    %min3A_201 = arith.minsi %slice3A_199, %slice3A_200 : vector<512x128xi32>
    %slice3A_202 = vector.extract_strided_slice %max3A_159 {offsets = [0, 0], sizes = [512, 128], strides = [1, 1]} : vector<512x256xi32> to vector<512x128xi32>
    %slice3A_203 = vector.extract_strided_slice %min3A_146 {offsets = [0, 128], sizes = [512, 128], strides = [1, 1]} : vector<512x256xi32> to vector<512x128xi32>
    %min3A_204 = arith.minsi %slice3A_202, %slice3A_203 : vector<512x128xi32>
    %slice3A_205 = vector.extract_strided_slice %max3A_125 {offsets = [0, 0], sizes = [512, 128], strides = [1, 1]} : vector<512x256xi32> to vector<512x128xi32>
    %slice3A_206 = vector.extract_strided_slice %min3A_110 {offsets = [0, 128], sizes = [512, 128], strides = [1, 1]} : vector<512x256xi32> to vector<512x128xi32>
    %min3A_207 = arith.minsi %slice3A_205, %slice3A_206 : vector<512x128xi32>
    %min3A_208 = arith.minsi %min3A_162, %min3A_186 : vector<512x128xi32>
    %max3A_209 = arith.maxsi %min3A_162, %min3A_186 : vector<512x128xi32>
    %min3A_210 = arith.minsi %min3A_165, %min3A_189 : vector<512x128xi32>
    %max3A_211 = arith.maxsi %min3A_165, %min3A_189 : vector<512x128xi32>
    %min3A_212 = arith.minsi %min3A_168, %min3A_192 : vector<512x128xi32>
    %max3A_213 = arith.maxsi %min3A_168, %min3A_192 : vector<512x128xi32>
    %min3A_214 = arith.minsi %min3A_171, %min3A_195 : vector<512x128xi32>
    %max3A_215 = arith.maxsi %min3A_171, %min3A_195 : vector<512x128xi32>
    %min3A_216 = arith.minsi %min3A_174, %min3A_198 : vector<512x128xi32>
    %max3A_217 = arith.maxsi %min3A_174, %min3A_198 : vector<512x128xi32>
    %min3A_218 = arith.minsi %min3A_177, %min3A_201 : vector<512x128xi32>
    %max3A_219 = arith.maxsi %min3A_177, %min3A_201 : vector<512x128xi32>
    %min3A_220 = arith.minsi %min3A_180, %min3A_204 : vector<512x128xi32>
    %max3A_221 = arith.maxsi %min3A_180, %min3A_204 : vector<512x128xi32>
    %min3A_222 = arith.minsi %min3A_183, %min3A_207 : vector<512x128xi32>
    %max3A_223 = arith.maxsi %min3A_183, %min3A_207 : vector<512x128xi32>
    %min3A_224 = arith.minsi %min3A_208, %min3A_216 : vector<512x128xi32>
    %max3A_225 = arith.maxsi %min3A_208, %min3A_216 : vector<512x128xi32>
    %min3A_226 = arith.minsi %min3A_210, %min3A_218 : vector<512x128xi32>
    %max3A_227 = arith.maxsi %min3A_210, %min3A_218 : vector<512x128xi32>
    %min3A_228 = arith.minsi %min3A_212, %min3A_220 : vector<512x128xi32>
    %max3A_229 = arith.maxsi %min3A_212, %min3A_220 : vector<512x128xi32>
    %min3A_230 = arith.minsi %min3A_214, %min3A_222 : vector<512x128xi32>
    %max3A_231 = arith.maxsi %min3A_214, %min3A_222 : vector<512x128xi32>
    %min3A_232 = arith.minsi %max3A_209, %max3A_217 : vector<512x128xi32>
    %max3A_233 = arith.maxsi %max3A_209, %max3A_217 : vector<512x128xi32>
    %min3A_234 = arith.minsi %max3A_211, %max3A_219 : vector<512x128xi32>
    %max3A_235 = arith.maxsi %max3A_211, %max3A_219 : vector<512x128xi32>
    %min3A_236 = arith.minsi %max3A_213, %max3A_221 : vector<512x128xi32>
    %max3A_237 = arith.maxsi %max3A_213, %max3A_221 : vector<512x128xi32>
    %min3A_238 = arith.minsi %max3A_215, %max3A_223 : vector<512x128xi32>
    %max3A_239 = arith.maxsi %max3A_215, %max3A_223 : vector<512x128xi32>
    %min3A_240 = arith.minsi %min3A_224, %min3A_228 : vector<512x128xi32>
    %max3A_241 = arith.maxsi %min3A_224, %min3A_228 : vector<512x128xi32>
    %min3A_242 = arith.minsi %min3A_226, %min3A_230 : vector<512x128xi32>
    %max3A_243 = arith.maxsi %min3A_226, %min3A_230 : vector<512x128xi32>
    %min3A_244 = arith.minsi %max3A_225, %max3A_229 : vector<512x128xi32>
    %max3A_245 = arith.maxsi %max3A_225, %max3A_229 : vector<512x128xi32>
    %min3A_246 = arith.minsi %max3A_227, %max3A_231 : vector<512x128xi32>
    %max3A_247 = arith.maxsi %max3A_227, %max3A_231 : vector<512x128xi32>
    %min3A_248 = arith.minsi %min3A_232, %min3A_236 : vector<512x128xi32>
    %max3A_249 = arith.maxsi %min3A_232, %min3A_236 : vector<512x128xi32>
    %min3A_250 = arith.minsi %min3A_234, %min3A_238 : vector<512x128xi32>
    %max3A_251 = arith.maxsi %min3A_234, %min3A_238 : vector<512x128xi32>
    %min3A_252 = arith.minsi %max3A_233, %max3A_237 : vector<512x128xi32>
    %max3A_253 = arith.maxsi %max3A_233, %max3A_237 : vector<512x128xi32>
    %min3A_254 = arith.minsi %max3A_235, %max3A_239 : vector<512x128xi32>
    %max3A_255 = arith.maxsi %max3A_235, %max3A_239 : vector<512x128xi32>
    %min3A_256 = arith.minsi %min3A_240, %min3A_242 : vector<512x128xi32>
    %max3A_257 = arith.maxsi %min3A_240, %min3A_242 : vector<512x128xi32>
    %min3A_258 = arith.minsi %max3A_241, %max3A_243 : vector<512x128xi32>
    %max3A_259 = arith.maxsi %max3A_241, %max3A_243 : vector<512x128xi32>
    %min3A_260 = arith.minsi %min3A_244, %min3A_246 : vector<512x128xi32>
    %max3A_261 = arith.maxsi %min3A_244, %min3A_246 : vector<512x128xi32>
    %min3A_262 = arith.minsi %max3A_245, %max3A_247 : vector<512x128xi32>
    %max3A_263 = arith.maxsi %max3A_245, %max3A_247 : vector<512x128xi32>
    %min3A_264 = arith.minsi %min3A_248, %min3A_250 : vector<512x128xi32>
    %max3A_265 = arith.maxsi %min3A_248, %min3A_250 : vector<512x128xi32>
    %min3A_266 = arith.minsi %max3A_249, %max3A_251 : vector<512x128xi32>
    %max3A_267 = arith.maxsi %max3A_249, %max3A_251 : vector<512x128xi32>
    %min3A_268 = arith.minsi %min3A_252, %min3A_254 : vector<512x128xi32>
    %max3A_269 = arith.maxsi %min3A_252, %min3A_254 : vector<512x128xi32>
    %min3A_270 = arith.minsi %max3A_253, %max3A_255 : vector<512x128xi32>
    %max3A_271 = arith.maxsi %max3A_253, %max3A_255 : vector<512x128xi32>
    %reduce_min3A = arith.constant dense<2147483647> : vector<512xi32>
    %reduce_min3A_272 = vector.multi_reduction <minsi>, %min3A_256, %reduce_min3A [1] : vector<512x128xi32> to vector<512xi32>
    %broadcast_in_dim3A_273 = vector.shape_cast %reduce_min3A_272 : vector<512xi32> to vector<512x1xi32>
    %and3A_274 = arith.constant 4095 : i32
    %and3A_275 = vector.broadcast %and3A_274 : i32 to vector<512x1xi32>
    %and3A_276 = arith.andi %broadcast_in_dim3A_273, %and3A_275 : vector<512x1xi32>
    %eq3A = vector.broadcast %broadcast_in_dim3A_273 : vector<512x1xi32> to vector<512x128xi32>
    %eq3A_277 = arith.cmpi eq, %min3A_256, %eq3A : vector<512x128xi32>
    %select_n3A = arith.select %eq3A_277, %max3A_257, %min3A_256 : vector<512x128xi1>, vector<512x128xi32>
    %select_n3A_278 = arith.select %eq3A_277, %min3A_258, %max3A_257 : vector<512x128xi1>, vector<512x128xi32>
    %select_n3A_279 = arith.select %eq3A_277, %max3A_259, %min3A_258 : vector<512x128xi1>, vector<512x128xi32>
    %select_n3A_280 = arith.select %eq3A_277, %min3A_260, %max3A_259 : vector<512x128xi1>, vector<512x128xi32>
    %select_n3A_281 = arith.select %eq3A_277, %max3A_261, %min3A_260 : vector<512x128xi1>, vector<512x128xi32>
    %select_n3A_282 = arith.select %eq3A_277, %min3A_262, %max3A_261 : vector<512x128xi1>, vector<512x128xi32>
    %select_n3A_283 = arith.select %eq3A_277, %max3A_263, %min3A_262 : vector<512x128xi1>, vector<512x128xi32>
    %select_n3A_284 = arith.select %eq3A_277, %min3A_264, %max3A_263 : vector<512x128xi1>, vector<512x128xi32>
    %select_n3A_285 = arith.select %eq3A_277, %max3A_265, %min3A_264 : vector<512x128xi1>, vector<512x128xi32>
    %select_n3A_286 = arith.select %eq3A_277, %min3A_266, %max3A_265 : vector<512x128xi1>, vector<512x128xi32>
    %select_n3A_287 = arith.select %eq3A_277, %max3A_267, %min3A_266 : vector<512x128xi1>, vector<512x128xi32>
    %select_n3A_288 = arith.select %eq3A_277, %min3A_268, %max3A_267 : vector<512x128xi1>, vector<512x128xi32>
    %select_n3A_289 = arith.select %eq3A_277, %max3A_269, %min3A_268 : vector<512x128xi1>, vector<512x128xi32>
    %select_n3A_290 = arith.select %eq3A_277, %min3A_270, %max3A_269 : vector<512x128xi1>, vector<512x128xi32>
    %select_n3A_291 = arith.select %eq3A_277, %max3A_271, %min3A_270 : vector<512x128xi1>, vector<512x128xi32>
    %reduce_min3A_292 = arith.constant dense<2147483647> : vector<512xi32>
    %reduce_min3A_293 = vector.multi_reduction <minsi>, %select_n3A, %reduce_min3A_292 [1] : vector<512x128xi32> to vector<512xi32>
    %broadcast_in_dim3A_294 = vector.shape_cast %reduce_min3A_293 : vector<512xi32> to vector<512x1xi32>
    %and3A_295 = arith.constant 4095 : i32
    %and3A_296 = vector.broadcast %and3A_295 : i32 to vector<512x1xi32>
    %and3A_297 = arith.andi %broadcast_in_dim3A_294, %and3A_296 : vector<512x1xi32>
    %eq3A_298 = vector.broadcast %broadcast_in_dim3A_294 : vector<512x1xi32> to vector<512x128xi32>
    %eq3A_299 = arith.cmpi eq, %select_n3A, %eq3A_298 : vector<512x128xi32>
    %select_n3A_300 = arith.select %eq3A_299, %select_n3A_278, %select_n3A : vector<512x128xi1>, vector<512x128xi32>
    %select_n3A_301 = arith.select %eq3A_299, %select_n3A_279, %select_n3A_278 : vector<512x128xi1>, vector<512x128xi32>
    %select_n3A_302 = arith.select %eq3A_299, %select_n3A_280, %select_n3A_279 : vector<512x128xi1>, vector<512x128xi32>
    %select_n3A_303 = arith.select %eq3A_299, %select_n3A_281, %select_n3A_280 : vector<512x128xi1>, vector<512x128xi32>
    %select_n3A_304 = arith.select %eq3A_299, %select_n3A_282, %select_n3A_281 : vector<512x128xi1>, vector<512x128xi32>
    %select_n3A_305 = arith.select %eq3A_299, %select_n3A_283, %select_n3A_282 : vector<512x128xi1>, vector<512x128xi32>
    %select_n3A_306 = arith.select %eq3A_299, %select_n3A_284, %select_n3A_283 : vector<512x128xi1>, vector<512x128xi32>
    %select_n3A_307 = arith.select %eq3A_299, %select_n3A_285, %select_n3A_284 : vector<512x128xi1>, vector<512x128xi32>
    %select_n3A_308 = arith.select %eq3A_299, %select_n3A_286, %select_n3A_285 : vector<512x128xi1>, vector<512x128xi32>
    %select_n3A_309 = arith.select %eq3A_299, %select_n3A_287, %select_n3A_286 : vector<512x128xi1>, vector<512x128xi32>
    %select_n3A_310 = arith.select %eq3A_299, %select_n3A_288, %select_n3A_287 : vector<512x128xi1>, vector<512x128xi32>
    %select_n3A_311 = arith.select %eq3A_299, %select_n3A_289, %select_n3A_288 : vector<512x128xi1>, vector<512x128xi32>
    %select_n3A_312 = arith.select %eq3A_299, %select_n3A_290, %select_n3A_289 : vector<512x128xi1>, vector<512x128xi32>
    %select_n3A_313 = arith.select %eq3A_299, %select_n3A_291, %select_n3A_290 : vector<512x128xi1>, vector<512x128xi32>
    %reduce_min3A_314 = arith.constant dense<2147483647> : vector<512xi32>
    %reduce_min3A_315 = vector.multi_reduction <minsi>, %select_n3A_300, %reduce_min3A_314 [1] : vector<512x128xi32> to vector<512xi32>
    %broadcast_in_dim3A_316 = vector.shape_cast %reduce_min3A_315 : vector<512xi32> to vector<512x1xi32>
    %and3A_317 = arith.constant 4095 : i32
    %and3A_318 = vector.broadcast %and3A_317 : i32 to vector<512x1xi32>
    %and3A_319 = arith.andi %broadcast_in_dim3A_316, %and3A_318 : vector<512x1xi32>
    %eq3A_320 = vector.broadcast %broadcast_in_dim3A_316 : vector<512x1xi32> to vector<512x128xi32>
    %eq3A_321 = arith.cmpi eq, %select_n3A_300, %eq3A_320 : vector<512x128xi32>
    %select_n3A_322 = arith.select %eq3A_321, %select_n3A_301, %select_n3A_300 : vector<512x128xi1>, vector<512x128xi32>
    %select_n3A_323 = arith.select %eq3A_321, %select_n3A_302, %select_n3A_301 : vector<512x128xi1>, vector<512x128xi32>
    %select_n3A_324 = arith.select %eq3A_321, %select_n3A_303, %select_n3A_302 : vector<512x128xi1>, vector<512x128xi32>
    %select_n3A_325 = arith.select %eq3A_321, %select_n3A_304, %select_n3A_303 : vector<512x128xi1>, vector<512x128xi32>
    %select_n3A_326 = arith.select %eq3A_321, %select_n3A_305, %select_n3A_304 : vector<512x128xi1>, vector<512x128xi32>
    %select_n3A_327 = arith.select %eq3A_321, %select_n3A_306, %select_n3A_305 : vector<512x128xi1>, vector<512x128xi32>
    %select_n3A_328 = arith.select %eq3A_321, %select_n3A_307, %select_n3A_306 : vector<512x128xi1>, vector<512x128xi32>
    %select_n3A_329 = arith.select %eq3A_321, %select_n3A_308, %select_n3A_307 : vector<512x128xi1>, vector<512x128xi32>
    %select_n3A_330 = arith.select %eq3A_321, %select_n3A_309, %select_n3A_308 : vector<512x128xi1>, vector<512x128xi32>
    %select_n3A_331 = arith.select %eq3A_321, %select_n3A_310, %select_n3A_309 : vector<512x128xi1>, vector<512x128xi32>
    %select_n3A_332 = arith.select %eq3A_321, %select_n3A_311, %select_n3A_310 : vector<512x128xi1>, vector<512x128xi32>
    %select_n3A_333 = arith.select %eq3A_321, %select_n3A_312, %select_n3A_311 : vector<512x128xi1>, vector<512x128xi32>
    %select_n3A_334 = arith.select %eq3A_321, %select_n3A_313, %select_n3A_312 : vector<512x128xi1>, vector<512x128xi32>
    %reduce_min3A_335 = arith.constant dense<2147483647> : vector<512xi32>
    %reduce_min3A_336 = vector.multi_reduction <minsi>, %select_n3A_322, %reduce_min3A_335 [1] : vector<512x128xi32> to vector<512xi32>
    %broadcast_in_dim3A_337 = vector.shape_cast %reduce_min3A_336 : vector<512xi32> to vector<512x1xi32>
    %and3A_338 = arith.constant 4095 : i32
    %and3A_339 = vector.broadcast %and3A_338 : i32 to vector<512x1xi32>
    %and3A_340 = arith.andi %broadcast_in_dim3A_337, %and3A_339 : vector<512x1xi32>
    %eq3A_341 = vector.broadcast %broadcast_in_dim3A_337 : vector<512x1xi32> to vector<512x128xi32>
    %eq3A_342 = arith.cmpi eq, %select_n3A_322, %eq3A_341 : vector<512x128xi32>
    %select_n3A_343 = arith.select %eq3A_342, %select_n3A_323, %select_n3A_322 : vector<512x128xi1>, vector<512x128xi32>
    %select_n3A_344 = arith.select %eq3A_342, %select_n3A_324, %select_n3A_323 : vector<512x128xi1>, vector<512x128xi32>
    %select_n3A_345 = arith.select %eq3A_342, %select_n3A_325, %select_n3A_324 : vector<512x128xi1>, vector<512x128xi32>
    %select_n3A_346 = arith.select %eq3A_342, %select_n3A_326, %select_n3A_325 : vector<512x128xi1>, vector<512x128xi32>
    %select_n3A_347 = arith.select %eq3A_342, %select_n3A_327, %select_n3A_326 : vector<512x128xi1>, vector<512x128xi32>
    %select_n3A_348 = arith.select %eq3A_342, %select_n3A_328, %select_n3A_327 : vector<512x128xi1>, vector<512x128xi32>
    %select_n3A_349 = arith.select %eq3A_342, %select_n3A_329, %select_n3A_328 : vector<512x128xi1>, vector<512x128xi32>
    %select_n3A_350 = arith.select %eq3A_342, %select_n3A_330, %select_n3A_329 : vector<512x128xi1>, vector<512x128xi32>
    %select_n3A_351 = arith.select %eq3A_342, %select_n3A_331, %select_n3A_330 : vector<512x128xi1>, vector<512x128xi32>
    %select_n3A_352 = arith.select %eq3A_342, %select_n3A_332, %select_n3A_331 : vector<512x128xi1>, vector<512x128xi32>
    %select_n3A_353 = arith.select %eq3A_342, %select_n3A_333, %select_n3A_332 : vector<512x128xi1>, vector<512x128xi32>
    %select_n3A_354 = arith.select %eq3A_342, %select_n3A_334, %select_n3A_333 : vector<512x128xi1>, vector<512x128xi32>
    %reduce_min3A_355 = arith.constant dense<2147483647> : vector<512xi32>
    %reduce_min3A_356 = vector.multi_reduction <minsi>, %select_n3A_343, %reduce_min3A_355 [1] : vector<512x128xi32> to vector<512xi32>
    %broadcast_in_dim3A_357 = vector.shape_cast %reduce_min3A_356 : vector<512xi32> to vector<512x1xi32>
    %and3A_358 = arith.constant 4095 : i32
    %and3A_359 = vector.broadcast %and3A_358 : i32 to vector<512x1xi32>
    %and3A_360 = arith.andi %broadcast_in_dim3A_357, %and3A_359 : vector<512x1xi32>
    %eq3A_361 = vector.broadcast %broadcast_in_dim3A_357 : vector<512x1xi32> to vector<512x128xi32>
    %eq3A_362 = arith.cmpi eq, %select_n3A_343, %eq3A_361 : vector<512x128xi32>
    %select_n3A_363 = arith.select %eq3A_362, %select_n3A_344, %select_n3A_343 : vector<512x128xi1>, vector<512x128xi32>
    %select_n3A_364 = arith.select %eq3A_362, %select_n3A_345, %select_n3A_344 : vector<512x128xi1>, vector<512x128xi32>
    %select_n3A_365 = arith.select %eq3A_362, %select_n3A_346, %select_n3A_345 : vector<512x128xi1>, vector<512x128xi32>
    %select_n3A_366 = arith.select %eq3A_362, %select_n3A_347, %select_n3A_346 : vector<512x128xi1>, vector<512x128xi32>
    %select_n3A_367 = arith.select %eq3A_362, %select_n3A_348, %select_n3A_347 : vector<512x128xi1>, vector<512x128xi32>
    %select_n3A_368 = arith.select %eq3A_362, %select_n3A_349, %select_n3A_348 : vector<512x128xi1>, vector<512x128xi32>
    %select_n3A_369 = arith.select %eq3A_362, %select_n3A_350, %select_n3A_349 : vector<512x128xi1>, vector<512x128xi32>
    %select_n3A_370 = arith.select %eq3A_362, %select_n3A_351, %select_n3A_350 : vector<512x128xi1>, vector<512x128xi32>
    %select_n3A_371 = arith.select %eq3A_362, %select_n3A_352, %select_n3A_351 : vector<512x128xi1>, vector<512x128xi32>
    %select_n3A_372 = arith.select %eq3A_362, %select_n3A_353, %select_n3A_352 : vector<512x128xi1>, vector<512x128xi32>
    %select_n3A_373 = arith.select %eq3A_362, %select_n3A_354, %select_n3A_353 : vector<512x128xi1>, vector<512x128xi32>
    %reduce_min3A_374 = arith.constant dense<2147483647> : vector<512xi32>
    %reduce_min3A_375 = vector.multi_reduction <minsi>, %select_n3A_363, %reduce_min3A_374 [1] : vector<512x128xi32> to vector<512xi32>
    %broadcast_in_dim3A_376 = vector.shape_cast %reduce_min3A_375 : vector<512xi32> to vector<512x1xi32>
    %and3A_377 = arith.constant 4095 : i32
    %and3A_378 = vector.broadcast %and3A_377 : i32 to vector<512x1xi32>
    %and3A_379 = arith.andi %broadcast_in_dim3A_376, %and3A_378 : vector<512x1xi32>
    %eq3A_380 = vector.broadcast %broadcast_in_dim3A_376 : vector<512x1xi32> to vector<512x128xi32>
    %eq3A_381 = arith.cmpi eq, %select_n3A_363, %eq3A_380 : vector<512x128xi32>
    %select_n3A_382 = arith.select %eq3A_381, %select_n3A_364, %select_n3A_363 : vector<512x128xi1>, vector<512x128xi32>
    %select_n3A_383 = arith.select %eq3A_381, %select_n3A_365, %select_n3A_364 : vector<512x128xi1>, vector<512x128xi32>
    %select_n3A_384 = arith.select %eq3A_381, %select_n3A_366, %select_n3A_365 : vector<512x128xi1>, vector<512x128xi32>
    %select_n3A_385 = arith.select %eq3A_381, %select_n3A_367, %select_n3A_366 : vector<512x128xi1>, vector<512x128xi32>
    %select_n3A_386 = arith.select %eq3A_381, %select_n3A_368, %select_n3A_367 : vector<512x128xi1>, vector<512x128xi32>
    %select_n3A_387 = arith.select %eq3A_381, %select_n3A_369, %select_n3A_368 : vector<512x128xi1>, vector<512x128xi32>
    %select_n3A_388 = arith.select %eq3A_381, %select_n3A_370, %select_n3A_369 : vector<512x128xi1>, vector<512x128xi32>
    %select_n3A_389 = arith.select %eq3A_381, %select_n3A_371, %select_n3A_370 : vector<512x128xi1>, vector<512x128xi32>
    %select_n3A_390 = arith.select %eq3A_381, %select_n3A_372, %select_n3A_371 : vector<512x128xi1>, vector<512x128xi32>
    %select_n3A_391 = arith.select %eq3A_381, %select_n3A_373, %select_n3A_372 : vector<512x128xi1>, vector<512x128xi32>
    %reduce_min3A_392 = arith.constant dense<2147483647> : vector<512xi32>
    %reduce_min3A_393 = vector.multi_reduction <minsi>, %select_n3A_382, %reduce_min3A_392 [1] : vector<512x128xi32> to vector<512xi32>
    %broadcast_in_dim3A_394 = vector.shape_cast %reduce_min3A_393 : vector<512xi32> to vector<512x1xi32>
    %and3A_395 = arith.constant 4095 : i32
    %and3A_396 = vector.broadcast %and3A_395 : i32 to vector<512x1xi32>
    %and3A_397 = arith.andi %broadcast_in_dim3A_394, %and3A_396 : vector<512x1xi32>
    %eq3A_398 = vector.broadcast %broadcast_in_dim3A_394 : vector<512x1xi32> to vector<512x128xi32>
    %eq3A_399 = arith.cmpi eq, %select_n3A_382, %eq3A_398 : vector<512x128xi32>
    %select_n3A_400 = arith.select %eq3A_399, %select_n3A_383, %select_n3A_382 : vector<512x128xi1>, vector<512x128xi32>
    %select_n3A_401 = arith.select %eq3A_399, %select_n3A_384, %select_n3A_383 : vector<512x128xi1>, vector<512x128xi32>
    %select_n3A_402 = arith.select %eq3A_399, %select_n3A_385, %select_n3A_384 : vector<512x128xi1>, vector<512x128xi32>
    %select_n3A_403 = arith.select %eq3A_399, %select_n3A_386, %select_n3A_385 : vector<512x128xi1>, vector<512x128xi32>
    %select_n3A_404 = arith.select %eq3A_399, %select_n3A_387, %select_n3A_386 : vector<512x128xi1>, vector<512x128xi32>
    %select_n3A_405 = arith.select %eq3A_399, %select_n3A_388, %select_n3A_387 : vector<512x128xi1>, vector<512x128xi32>
    %select_n3A_406 = arith.select %eq3A_399, %select_n3A_389, %select_n3A_388 : vector<512x128xi1>, vector<512x128xi32>
    %select_n3A_407 = arith.select %eq3A_399, %select_n3A_390, %select_n3A_389 : vector<512x128xi1>, vector<512x128xi32>
    %select_n3A_408 = arith.select %eq3A_399, %select_n3A_391, %select_n3A_390 : vector<512x128xi1>, vector<512x128xi32>
    %reduce_min3A_409 = arith.constant dense<2147483647> : vector<512xi32>
    %reduce_min3A_410 = vector.multi_reduction <minsi>, %select_n3A_400, %reduce_min3A_409 [1] : vector<512x128xi32> to vector<512xi32>
    %broadcast_in_dim3A_411 = vector.shape_cast %reduce_min3A_410 : vector<512xi32> to vector<512x1xi32>
    %and3A_412 = arith.constant 4095 : i32
    %and3A_413 = vector.broadcast %and3A_412 : i32 to vector<512x1xi32>
    %and3A_414 = arith.andi %broadcast_in_dim3A_411, %and3A_413 : vector<512x1xi32>
    %eq3A_415 = vector.broadcast %broadcast_in_dim3A_411 : vector<512x1xi32> to vector<512x128xi32>
    %eq3A_416 = arith.cmpi eq, %select_n3A_400, %eq3A_415 : vector<512x128xi32>
    %select_n3A_417 = arith.select %eq3A_416, %select_n3A_401, %select_n3A_400 : vector<512x128xi1>, vector<512x128xi32>
    %select_n3A_418 = arith.select %eq3A_416, %select_n3A_402, %select_n3A_401 : vector<512x128xi1>, vector<512x128xi32>
    %select_n3A_419 = arith.select %eq3A_416, %select_n3A_403, %select_n3A_402 : vector<512x128xi1>, vector<512x128xi32>
    %select_n3A_420 = arith.select %eq3A_416, %select_n3A_404, %select_n3A_403 : vector<512x128xi1>, vector<512x128xi32>
    %select_n3A_421 = arith.select %eq3A_416, %select_n3A_405, %select_n3A_404 : vector<512x128xi1>, vector<512x128xi32>
    %select_n3A_422 = arith.select %eq3A_416, %select_n3A_406, %select_n3A_405 : vector<512x128xi1>, vector<512x128xi32>
    %select_n3A_423 = arith.select %eq3A_416, %select_n3A_407, %select_n3A_406 : vector<512x128xi1>, vector<512x128xi32>
    %select_n3A_424 = arith.select %eq3A_416, %select_n3A_408, %select_n3A_407 : vector<512x128xi1>, vector<512x128xi32>
    %reduce_min3A_425 = arith.constant dense<2147483647> : vector<512xi32>
    %reduce_min3A_426 = vector.multi_reduction <minsi>, %select_n3A_417, %reduce_min3A_425 [1] : vector<512x128xi32> to vector<512xi32>
    %broadcast_in_dim3A_427 = vector.shape_cast %reduce_min3A_426 : vector<512xi32> to vector<512x1xi32>
    %and3A_428 = arith.constant 4095 : i32
    %and3A_429 = vector.broadcast %and3A_428 : i32 to vector<512x1xi32>
    %and3A_430 = arith.andi %broadcast_in_dim3A_427, %and3A_429 : vector<512x1xi32>
    %eq3A_431 = vector.broadcast %broadcast_in_dim3A_427 : vector<512x1xi32> to vector<512x128xi32>
    %eq3A_432 = arith.cmpi eq, %select_n3A_417, %eq3A_431 : vector<512x128xi32>
    %select_n3A_433 = arith.select %eq3A_432, %select_n3A_418, %select_n3A_417 : vector<512x128xi1>, vector<512x128xi32>
    %select_n3A_434 = arith.select %eq3A_432, %select_n3A_419, %select_n3A_418 : vector<512x128xi1>, vector<512x128xi32>
    %select_n3A_435 = arith.select %eq3A_432, %select_n3A_420, %select_n3A_419 : vector<512x128xi1>, vector<512x128xi32>
    %select_n3A_436 = arith.select %eq3A_432, %select_n3A_421, %select_n3A_420 : vector<512x128xi1>, vector<512x128xi32>
    %select_n3A_437 = arith.select %eq3A_432, %select_n3A_422, %select_n3A_421 : vector<512x128xi1>, vector<512x128xi32>
    %select_n3A_438 = arith.select %eq3A_432, %select_n3A_423, %select_n3A_422 : vector<512x128xi1>, vector<512x128xi32>
    %select_n3A_439 = arith.select %eq3A_432, %select_n3A_424, %select_n3A_423 : vector<512x128xi1>, vector<512x128xi32>
    %reduce_min3A_440 = arith.constant dense<2147483647> : vector<512xi32>
    %reduce_min3A_441 = vector.multi_reduction <minsi>, %select_n3A_433, %reduce_min3A_440 [1] : vector<512x128xi32> to vector<512xi32>
    %broadcast_in_dim3A_442 = vector.shape_cast %reduce_min3A_441 : vector<512xi32> to vector<512x1xi32>
    %and3A_443 = arith.constant 4095 : i32
    %and3A_444 = vector.broadcast %and3A_443 : i32 to vector<512x1xi32>
    %and3A_445 = arith.andi %broadcast_in_dim3A_442, %and3A_444 : vector<512x1xi32>
    %eq3A_446 = vector.broadcast %broadcast_in_dim3A_442 : vector<512x1xi32> to vector<512x128xi32>
    %eq3A_447 = arith.cmpi eq, %select_n3A_433, %eq3A_446 : vector<512x128xi32>
    %select_n3A_448 = arith.select %eq3A_447, %select_n3A_434, %select_n3A_433 : vector<512x128xi1>, vector<512x128xi32>
    %select_n3A_449 = arith.select %eq3A_447, %select_n3A_435, %select_n3A_434 : vector<512x128xi1>, vector<512x128xi32>
    %select_n3A_450 = arith.select %eq3A_447, %select_n3A_436, %select_n3A_435 : vector<512x128xi1>, vector<512x128xi32>
    %select_n3A_451 = arith.select %eq3A_447, %select_n3A_437, %select_n3A_436 : vector<512x128xi1>, vector<512x128xi32>
    %select_n3A_452 = arith.select %eq3A_447, %select_n3A_438, %select_n3A_437 : vector<512x128xi1>, vector<512x128xi32>
    %select_n3A_453 = arith.select %eq3A_447, %select_n3A_439, %select_n3A_438 : vector<512x128xi1>, vector<512x128xi32>
    %reduce_min3A_454 = arith.constant dense<2147483647> : vector<512xi32>
    %reduce_min3A_455 = vector.multi_reduction <minsi>, %select_n3A_448, %reduce_min3A_454 [1] : vector<512x128xi32> to vector<512xi32>
    %broadcast_in_dim3A_456 = vector.shape_cast %reduce_min3A_455 : vector<512xi32> to vector<512x1xi32>
    %and3A_457 = arith.constant 4095 : i32
    %and3A_458 = vector.broadcast %and3A_457 : i32 to vector<512x1xi32>
    %and3A_459 = arith.andi %broadcast_in_dim3A_456, %and3A_458 : vector<512x1xi32>
    %eq3A_460 = vector.broadcast %broadcast_in_dim3A_456 : vector<512x1xi32> to vector<512x128xi32>
    %eq3A_461 = arith.cmpi eq, %select_n3A_448, %eq3A_460 : vector<512x128xi32>
    %select_n3A_462 = arith.select %eq3A_461, %select_n3A_449, %select_n3A_448 : vector<512x128xi1>, vector<512x128xi32>
    %select_n3A_463 = arith.select %eq3A_461, %select_n3A_450, %select_n3A_449 : vector<512x128xi1>, vector<512x128xi32>
    %select_n3A_464 = arith.select %eq3A_461, %select_n3A_451, %select_n3A_450 : vector<512x128xi1>, vector<512x128xi32>
    %select_n3A_465 = arith.select %eq3A_461, %select_n3A_452, %select_n3A_451 : vector<512x128xi1>, vector<512x128xi32>
    %select_n3A_466 = arith.select %eq3A_461, %select_n3A_453, %select_n3A_452 : vector<512x128xi1>, vector<512x128xi32>
    %reduce_min3A_467 = arith.constant dense<2147483647> : vector<512xi32>
    %reduce_min3A_468 = vector.multi_reduction <minsi>, %select_n3A_462, %reduce_min3A_467 [1] : vector<512x128xi32> to vector<512xi32>
    %broadcast_in_dim3A_469 = vector.shape_cast %reduce_min3A_468 : vector<512xi32> to vector<512x1xi32>
    %and3A_470 = arith.constant 4095 : i32
    %and3A_471 = vector.broadcast %and3A_470 : i32 to vector<512x1xi32>
    %and3A_472 = arith.andi %broadcast_in_dim3A_469, %and3A_471 : vector<512x1xi32>
    %eq3A_473 = vector.broadcast %broadcast_in_dim3A_469 : vector<512x1xi32> to vector<512x128xi32>
    %eq3A_474 = arith.cmpi eq, %select_n3A_462, %eq3A_473 : vector<512x128xi32>
    %select_n3A_475 = arith.select %eq3A_474, %select_n3A_463, %select_n3A_462 : vector<512x128xi1>, vector<512x128xi32>
    %select_n3A_476 = arith.select %eq3A_474, %select_n3A_464, %select_n3A_463 : vector<512x128xi1>, vector<512x128xi32>
    %select_n3A_477 = arith.select %eq3A_474, %select_n3A_465, %select_n3A_464 : vector<512x128xi1>, vector<512x128xi32>
    %select_n3A_478 = arith.select %eq3A_474, %select_n3A_466, %select_n3A_465 : vector<512x128xi1>, vector<512x128xi32>
    %reduce_min3A_479 = arith.constant dense<2147483647> : vector<512xi32>
    %reduce_min3A_480 = vector.multi_reduction <minsi>, %select_n3A_475, %reduce_min3A_479 [1] : vector<512x128xi32> to vector<512xi32>
    %broadcast_in_dim3A_481 = vector.shape_cast %reduce_min3A_480 : vector<512xi32> to vector<512x1xi32>
    %and3A_482 = arith.constant 4095 : i32
    %and3A_483 = vector.broadcast %and3A_482 : i32 to vector<512x1xi32>
    %and3A_484 = arith.andi %broadcast_in_dim3A_481, %and3A_483 : vector<512x1xi32>
    %eq3A_485 = vector.broadcast %broadcast_in_dim3A_481 : vector<512x1xi32> to vector<512x128xi32>
    %eq3A_486 = arith.cmpi eq, %select_n3A_475, %eq3A_485 : vector<512x128xi32>
    %select_n3A_487 = arith.select %eq3A_486, %select_n3A_476, %select_n3A_475 : vector<512x128xi1>, vector<512x128xi32>
    %select_n3A_488 = arith.select %eq3A_486, %select_n3A_477, %select_n3A_476 : vector<512x128xi1>, vector<512x128xi32>
    %select_n3A_489 = arith.select %eq3A_486, %select_n3A_478, %select_n3A_477 : vector<512x128xi1>, vector<512x128xi32>
    %reduce_min3A_490 = arith.constant dense<2147483647> : vector<512xi32>
    %reduce_min3A_491 = vector.multi_reduction <minsi>, %select_n3A_487, %reduce_min3A_490 [1] : vector<512x128xi32> to vector<512xi32>
    %broadcast_in_dim3A_492 = vector.shape_cast %reduce_min3A_491 : vector<512xi32> to vector<512x1xi32>
    %and3A_493 = arith.constant 4095 : i32
    %and3A_494 = vector.broadcast %and3A_493 : i32 to vector<512x1xi32>
    %and3A_495 = arith.andi %broadcast_in_dim3A_492, %and3A_494 : vector<512x1xi32>
    %eq3A_496 = vector.broadcast %broadcast_in_dim3A_492 : vector<512x1xi32> to vector<512x128xi32>
    %eq3A_497 = arith.cmpi eq, %select_n3A_487, %eq3A_496 : vector<512x128xi32>
    %select_n3A_498 = arith.select %eq3A_497, %select_n3A_488, %select_n3A_487 : vector<512x128xi1>, vector<512x128xi32>
    %select_n3A_499 = arith.select %eq3A_497, %select_n3A_489, %select_n3A_488 : vector<512x128xi1>, vector<512x128xi32>
    %reduce_min3A_500 = arith.constant dense<2147483647> : vector<512xi32>
    %reduce_min3A_501 = vector.multi_reduction <minsi>, %select_n3A_498, %reduce_min3A_500 [1] : vector<512x128xi32> to vector<512xi32>
    %broadcast_in_dim3A_502 = vector.shape_cast %reduce_min3A_501 : vector<512xi32> to vector<512x1xi32>
    %and3A_503 = arith.constant 4095 : i32
    %and3A_504 = vector.broadcast %and3A_503 : i32 to vector<512x1xi32>
    %and3A_505 = arith.andi %broadcast_in_dim3A_502, %and3A_504 : vector<512x1xi32>
    %eq3A_506 = vector.broadcast %broadcast_in_dim3A_502 : vector<512x1xi32> to vector<512x128xi32>
    %eq3A_507 = arith.cmpi eq, %select_n3A_498, %eq3A_506 : vector<512x128xi32>
    %select_n3A_508 = arith.select %eq3A_507, %select_n3A_499, %select_n3A_498 : vector<512x128xi1>, vector<512x128xi32>
    %reduce_min3A_509 = arith.constant dense<2147483647> : vector<512xi32>
    %reduce_min3A_510 = vector.multi_reduction <minsi>, %select_n3A_508, %reduce_min3A_509 [1] : vector<512x128xi32> to vector<512xi32>
    %broadcast_in_dim3A_511 = vector.shape_cast %reduce_min3A_510 : vector<512xi32> to vector<512x1xi32>
    %and3A_512 = arith.constant 4095 : i32
    %and3A_513 = vector.broadcast %and3A_512 : i32 to vector<512x1xi32>
    %and3A_514 = arith.andi %broadcast_in_dim3A_511, %and3A_513 : vector<512x1xi32>
    %concatenate3A = tpu.concatenate %and3A_276, %and3A_297, %and3A_319, %and3A_340, %and3A_360, %and3A_379, %and3A_397, %and3A_414, %and3A_430, %and3A_445, %and3A_459, %and3A_472, %and3A_484, %and3A_495, %and3A_505, %and3A_514 in 1 : vector<512x1xi32>, vector<512x1xi32>, vector<512x1xi32>, vector<512x1xi32>, vector<512x1xi32>, vector<512x1xi32>, vector<512x1xi32>, vector<512x1xi32>, vector<512x1xi32>, vector<512x1xi32>, vector<512x1xi32>, vector<512x1xi32>, vector<512x1xi32>, vector<512x1xi32>, vector<512x1xi32>, vector<512x1xi32> -> vector<512x16xi32>
    %swap3A = arith.constant 0 : index
    %swap3A_515 = arith.constant 0 : index
    %swap3A_516 = vector.load %arg3[%swap3A, %swap3A_515] : memref<512x16xi32, #tpu.memory_space<vmem>>, vector<512x16xi32>
    tpu.vector_store %arg3[%swap3A, %swap3A_515], %concatenate3A {strides = array<i32>} : memref<512x16xi32, #tpu.memory_space<vmem>>, vector<512x16xi32>,
    return
  }
  func.func @transform_0(%arg0: i32) -> (i32, i32) {
    %c0_i32 = arith.constant 0 : i32
    %c0_i32_0 = arith.constant 0 : i32
    return %arg0, %c0_i32 : i32, i32
  }
  func.func @transform_1(%arg0: i32) -> (i32, i32) {
    %c0_i32 = arith.constant 0 : i32
    %c0_i32_0 = arith.constant 0 : i32
    %c0_i32_1 = arith.constant 0 : i32
    return %c0_i32, %c0_i32_0 : i32, i32
  }
  func.func @transform_2(%arg0: i32) -> (i32, i32) {
    %c0_i32 = arith.constant 0 : i32
    %c0_i32_0 = arith.constant 0 : i32
    return %arg0, %c0_i32 : i32, i32
  }
}

module attributes {stable_mosaic.version = 14 : i64} {
  func.func @_prep_body(%arg0: i32, %arg1: memref<1024x256xf32, #tpu.memory_space<vmem>>, %arg2: memref<1024x128xf32, #tpu.memory_space<vmem>>, %arg3: memref<256x256xf32, #tpu.memory_space<vmem>>, %arg4: memref<256x256xf32, #tpu.memory_space<vmem>>, %arg5: memref<256x256xf32, #tpu.memory_space<vmem>>, %arg6: memref<256x256xf32, #tpu.memory_space<vmem>>, %arg7: memref<256x256xf32, #tpu.memory_space<vmem>>, %arg8: memref<1x256xf32, #tpu.memory_space<vmem>>, %arg9: memref<1x256xf32, #tpu.memory_space<vmem>>, %arg10: memref<256x256xbf16, #tpu.memory_space<vmem>>, %arg11: memref<1024x384xf32, #tpu.memory_space<vmem>>, %arg12: memref<256x512xbf16, #tpu.memory_space<vmem>>, %arg13: memref<1x256xf32, #tpu.memory_space<vmem>>) attributes {dimension_semantics = [#tpu.dimension_semantics<arbitrary>], iteration_bounds = array<i64: 4>, scalar_prefetch = 0 : i64, scratch_operands = 0 : i64, tpu.core_type = #tpu.core_type<tc>, window_params = [{transform_indices = @transform_0, window_bounds = array<i64: 1024, 256>}, {transform_indices = @transform_1, window_bounds = array<i64: 1024, 128>}, {pipeline_mode = #tpu.pipeline_mode<synchronous>, transform_indices = @transform_2, window_bounds = array<i64: 256, 256>}, {pipeline_mode = #tpu.pipeline_mode<synchronous>, transform_indices = @transform_3, window_bounds = array<i64: 256, 256>}, {pipeline_mode = #tpu.pipeline_mode<synchronous>, transform_indices = @transform_4, window_bounds = array<i64: 256, 256>}, {pipeline_mode = #tpu.pipeline_mode<synchronous>, transform_indices = @transform_5, window_bounds = array<i64: 256, 256>}, {pipeline_mode = #tpu.pipeline_mode<synchronous>, transform_indices = @transform_6, window_bounds = array<i64: 256, 256>}, {pipeline_mode = #tpu.pipeline_mode<synchronous>, transform_indices = @transform_7, window_bounds = array<i64: 1, 256>}, {pipeline_mode = #tpu.pipeline_mode<synchronous>, transform_indices = @transform_8, window_bounds = array<i64: 1, 256>}, {pipeline_mode = #tpu.pipeline_mode<synchronous>, transform_indices = @transform_9, window_bounds = array<i64: 256, 256>}, {transform_indices = @transform_10, window_bounds = array<i64: 1024, 384>}, {pipeline_mode = #tpu.pipeline_mode<synchronous>, transform_indices = @transform_11, window_bounds = array<i64: 256, 512>}, {pipeline_mode = #tpu.pipeline_mode<synchronous>, transform_indices = @transform_12, window_bounds = array<i64: 1, 256>}]} {
    %get3A = arith.constant 0 : index
    %get3A_0 = arith.constant 0 : index
    %get3A_1 = vector.load %arg1[%get3A, %get3A_0] : memref<1024x256xf32, #tpu.memory_space<vmem>>, vector<1024x256xf32>
    %get3A_2 = arith.constant 0 : index
    %get3A_3 = arith.constant 0 : index
    %get3A_4 = vector.load %arg6[%get3A_2, %get3A_3] : memref<256x256xf32, #tpu.memory_space<vmem>>, vector<256x256xf32>
    %get3A_5 = arith.constant 0 : index
    %get3A_6 = arith.constant 0 : index
    %get3A_7 = vector.load %arg3[%get3A_5, %get3A_6] : memref<256x256xf32, #tpu.memory_space<vmem>>, vector<256x256xf32>
    %dot_general3A = arith.constant dense<0.000000e+00> : vector<256x256xf32>
    %dot_general3A_8 = tpu.matmul %get3A_7, %get3A_4, %dot_general3A {dimension_numbers = #tpu.dot_dimension_numbers<[1], [0], [0], [1], [0, 0, 1, 1], [], []>, transpose_lhs_hint = false} : vector<256x256xf32>, vector<256x256xf32>, vector<256x256xf32> -> vector<256x256xf32>
    %convert_element_type3A = arith.truncf %dot_general3A_8 : vector<256x256xf32> to vector<256x256xbf16>
    %swap3A = arith.constant 0 : index
    %swap3A_9 = arith.constant 0 : index
    %swap3A_10 = vector.load %arg10[%swap3A, %swap3A_9] : memref<256x256xbf16, #tpu.memory_space<vmem>>, vector<256x256xbf16>
    tpu.vector_store %arg10[%swap3A, %swap3A_9], %convert_element_type3A {strides = array<i32>} : memref<256x256xbf16, #tpu.memory_space<vmem>>, vector<256x256xbf16>,
    %get3A_11 = arith.constant 0 : index
    %get3A_12 = arith.constant 0 : index
    %get3A_13 = vector.load %arg4[%get3A_11, %get3A_12] : memref<256x256xf32, #tpu.memory_space<vmem>>, vector<256x256xf32>
    %dot_general3A_14 = arith.constant dense<0.000000e+00> : vector<256x256xf32>
    %dot_general3A_15 = tpu.matmul %get3A_13, %get3A_4, %dot_general3A_14 {dimension_numbers = #tpu.dot_dimension_numbers<[1], [0], [0], [1], [0, 0, 1, 1], [], []>, transpose_lhs_hint = false} : vector<256x256xf32>, vector<256x256xf32>, vector<256x256xf32> -> vector<256x256xf32>
    %dot_general3A_16 = arith.constant dense<0.000000e+00> : vector<1024x256xf32>
    %dot_general3A_17 = tpu.matmul %get3A_1, %dot_general3A_15, %dot_general3A_16 {dimension_numbers = #tpu.dot_dimension_numbers<[1], [0], [0], [1], [0, 0, 1, 1], [], []>, transpose_lhs_hint = false} : vector<1024x256xf32>, vector<256x256xf32>, vector<1024x256xf32> -> vector<1024x256xf32>
    %convert_element_type3A_18 = arith.truncf %dot_general3A_17 : vector<1024x256xf32> to vector<1024x256xbf16>
    %convert_element_type3A_19 = arith.extf %convert_element_type3A_18 : vector<1024x256xbf16> to vector<1024x256xf32>
    %get3A_20 = arith.constant 0 : index
    %get3A_21 = arith.constant 0 : index
    %get3A_22 = vector.load %arg5[%get3A_20, %get3A_21] : memref<256x256xf32, #tpu.memory_space<vmem>>, vector<256x256xf32>
    %dot_general3A_23 = arith.constant dense<0.000000e+00> : vector<1024x256xf32>
    %dot_general3A_24 = tpu.matmul %get3A_1, %get3A_22, %dot_general3A_23 {dimension_numbers = #tpu.dot_dimension_numbers<[1], [0], [0], [1], [0, 0, 1, 1], [], []>, transpose_lhs_hint = false} : vector<1024x256xf32>, vector<256x256xf32>, vector<1024x256xf32> -> vector<1024x256xf32>
    %convert_element_type3A_25 = arith.truncf %dot_general3A_24 : vector<1024x256xf32> to vector<1024x256xbf16>
    %convert_element_type3A_26 = arith.extf %convert_element_type3A_25 : vector<1024x256xbf16> to vector<1024x256xf32>
    %bitcast_convert_type3A = tpu.bitcast %convert_element_type3A_19 : vector<1024x256xf32> -> vector<1024x256xi32>
    %slice3A = vector.extract_strided_slice %bitcast_convert_type3A {offsets = [0, 0], sizes = [1024, 128], strides = [1, 1]} : vector<1024x256xi32> to vector<1024x128xi32>
    %and3A = arith.constant -65536 : i32
    %and3A_27 = vector.broadcast %and3A : i32 to vector<1024x128xi32>
    %and3A_28 = arith.andi %slice3A, %and3A_27 : vector<1024x128xi32>
    %slice3A_29 = vector.extract_strided_slice %bitcast_convert_type3A {offsets = [0, 128], sizes = [1024, 128], strides = [1, 1]} : vector<1024x256xi32> to vector<1024x128xi32>
    %shift_right_logical3A = arith.constant 16 : i32
    %shift_right_logical3A_30 = vector.broadcast %shift_right_logical3A : i32 to vector<1024x128xi32>
    %shift_right_logical3A_31 = arith.shrui %slice3A_29, %shift_right_logical3A_30 : vector<1024x128xi32>
    %or3A = arith.ori %and3A_28, %shift_right_logical3A_31 : vector<1024x128xi32>
    %bitcast_convert_type3A_32 = tpu.bitcast %or3A : vector<1024x128xi32> -> vector<1024x128xf32>
    %bitcast_convert_type3A_33 = tpu.bitcast %convert_element_type3A_26 : vector<1024x256xf32> -> vector<1024x256xi32>
    %slice3A_34 = vector.extract_strided_slice %bitcast_convert_type3A_33 {offsets = [0, 0], sizes = [1024, 128], strides = [1, 1]} : vector<1024x256xi32> to vector<1024x128xi32>
    %and3A_35 = arith.constant -65536 : i32
    %and3A_36 = vector.broadcast %and3A_35 : i32 to vector<1024x128xi32>
    %and3A_37 = arith.andi %slice3A_34, %and3A_36 : vector<1024x128xi32>
    %slice3A_38 = vector.extract_strided_slice %bitcast_convert_type3A_33 {offsets = [0, 128], sizes = [1024, 128], strides = [1, 1]} : vector<1024x256xi32> to vector<1024x128xi32>
    %shift_right_logical3A_39 = arith.constant 16 : i32
    %shift_right_logical3A_40 = vector.broadcast %shift_right_logical3A_39 : i32 to vector<1024x128xi32>
    %shift_right_logical3A_41 = arith.shrui %slice3A_38, %shift_right_logical3A_40 : vector<1024x128xi32>
    %or3A_42 = arith.ori %and3A_37, %shift_right_logical3A_41 : vector<1024x128xi32>
    %bitcast_convert_type3A_43 = tpu.bitcast %or3A_42 : vector<1024x128xi32> -> vector<1024x128xf32>
    %get3A_44 = arith.constant 0 : index
    %get3A_45 = arith.constant 0 : index
    %get3A_46 = vector.load %arg2[%get3A_44, %get3A_45] : memref<1024x128xf32, #tpu.memory_space<vmem>>, vector<1024x128xf32>
    %concatenate3A = tpu.concatenate %bitcast_convert_type3A_32, %bitcast_convert_type3A_43, %get3A_46 in 1 : vector<1024x128xf32>, vector<1024x128xf32>, vector<1024x128xf32> -> vector<1024x384xf32>
    %swap3A_47 = arith.constant 0 : index
    %swap3A_48 = arith.constant 0 : index
    %swap3A_49 = vector.load %arg11[%swap3A_47, %swap3A_48] : memref<1024x384xf32, #tpu.memory_space<vmem>>, vector<1024x384xf32>
    tpu.vector_store %arg11[%swap3A_47, %swap3A_48], %concatenate3A {strides = array<i32>} : memref<1024x384xf32, #tpu.memory_space<vmem>>, vector<1024x384xf32>,
    %get3A_50 = arith.constant 0 : index
    %get3A_51 = arith.constant 0 : index
    %get3A_52 = vector.load %arg7[%get3A_50, %get3A_51] : memref<256x256xf32, #tpu.memory_space<vmem>>, vector<256x256xf32>
    %dot_general3A_53 = arith.constant dense<0.000000e+00> : vector<256x256xf32>
    %dot_general3A_54 = tpu.matmul %get3A_52, %get3A_4, %dot_general3A_53 {dimension_numbers = #tpu.dot_dimension_numbers<[1], [0], [0], [1], [0, 0, 1, 1], [], []>, transpose_lhs_hint = false} : vector<256x256xf32>, vector<256x256xf32>, vector<256x256xf32> -> vector<256x256xf32>
    %concatenate3A_55 = tpu.concatenate %dot_general3A_54, %get3A_52 in 1 : vector<256x256xf32>, vector<256x256xf32> -> vector<256x512xf32>
    %convert_element_type3A_56 = arith.truncf %concatenate3A_55 : vector<256x512xf32> to vector<256x512xbf16>
    %swap3A_57 = arith.constant 0 : index
    %swap3A_58 = arith.constant 0 : index
    %swap3A_59 = vector.load %arg12[%swap3A_57, %swap3A_58] : memref<256x512xbf16, #tpu.memory_space<vmem>>, vector<256x512xbf16>
    tpu.vector_store %arg12[%swap3A_57, %swap3A_58], %convert_element_type3A_56 {strides = array<i32>} : memref<256x512xbf16, #tpu.memory_space<vmem>>, vector<256x512xbf16>,
    %get3A_60 = arith.constant 0 : index
    %get3A_61 = arith.constant 0 : index
    %get3A_62 = vector.load %arg9[%get3A_60, %get3A_61] : memref<1x256xf32, #tpu.memory_space<vmem>>, vector<1x256xf32>
    %dot_general3A_63 = arith.constant dense<0.000000e+00> : vector<1x256xf32>
    %dot_general3A_64 = tpu.matmul %get3A_62, %get3A_4, %dot_general3A_63 {dimension_numbers = #tpu.dot_dimension_numbers<[1], [0], [0], [1], [0, 0, 1, 1], [], []>, transpose_lhs_hint = false} : vector<1x256xf32>, vector<256x256xf32>, vector<1x256xf32> -> vector<1x256xf32>
    %get3A_65 = arith.constant 0 : index
    %get3A_66 = arith.constant 0 : index
    %get3A_67 = vector.load %arg8[%get3A_65, %get3A_66] : memref<1x256xf32, #tpu.memory_space<vmem>>, vector<1x256xf32>
    %add3A = arith.addf %dot_general3A_64, %get3A_67 : vector<1x256xf32>
    %swap3A_68 = arith.constant 0 : index
    %swap3A_69 = arith.constant 0 : index
    %swap3A_70 = vector.load %arg13[%swap3A_68, %swap3A_69] : memref<1x256xf32, #tpu.memory_space<vmem>>, vector<1x256xf32>
    tpu.vector_store %arg13[%swap3A_68, %swap3A_69], %add3A {strides = array<i32>} : memref<1x256xf32, #tpu.memory_space<vmem>>, vector<1x256xf32>,
    return
  }
  func.func @transform_0(%arg0: i32) -> (i32, i32) {
    %c0_i32 = arith.constant 0 : i32
    %c0_i32_0 = arith.constant 0 : i32
    return %arg0, %c0_i32 : i32, i32
  }
  func.func @transform_1(%arg0: i32) -> (i32, i32) {
    %c0_i32 = arith.constant 0 : i32
    %c0_i32_0 = arith.constant 0 : i32
    return %arg0, %c0_i32 : i32, i32
  }
  func.func @transform_2(%arg0: i32) -> (i32, i32) {
    %c0_i32 = arith.constant 0 : i32
    %c0_i32_0 = arith.constant 0 : i32
    %c0_i32_1 = arith.constant 0 : i32
    return %c0_i32, %c0_i32_0 : i32, i32
  }
  func.func @transform_3(%arg0: i32) -> (i32, i32) {
    %c0_i32 = arith.constant 0 : i32
    %c0_i32_0 = arith.constant 0 : i32
    %c0_i32_1 = arith.constant 0 : i32
    return %c0_i32, %c0_i32_0 : i32, i32
  }
  func.func @transform_4(%arg0: i32) -> (i32, i32) {
    %c0_i32 = arith.constant 0 : i32
    %c0_i32_0 = arith.constant 0 : i32
    %c0_i32_1 = arith.constant 0 : i32
    return %c0_i32, %c0_i32_0 : i32, i32
  }
  func.func @transform_5(%arg0: i32) -> (i32, i32) {
    %c0_i32 = arith.constant 0 : i32
    %c0_i32_0 = arith.constant 0 : i32
    %c0_i32_1 = arith.constant 0 : i32
    return %c0_i32, %c0_i32_0 : i32, i32
  }
  func.func @transform_6(%arg0: i32) -> (i32, i32) {
    %c0_i32 = arith.constant 0 : i32
    %c0_i32_0 = arith.constant 0 : i32
    %c0_i32_1 = arith.constant 0 : i32
    return %c0_i32, %c0_i32_0 : i32, i32
  }
  func.func @transform_7(%arg0: i32) -> (i32, i32) {
    %c0_i32 = arith.constant 0 : i32
    %c0_i32_0 = arith.constant 0 : i32
    %c0_i32_1 = arith.constant 0 : i32
    return %c0_i32, %c0_i32_0 : i32, i32
  }
  func.func @transform_8(%arg0: i32) -> (i32, i32) {
    %c0_i32 = arith.constant 0 : i32
    %c0_i32_0 = arith.constant 0 : i32
    %c0_i32_1 = arith.constant 0 : i32
    return %c0_i32, %c0_i32_0 : i32, i32
  }
  func.func @transform_9(%arg0: i32) -> (i32, i32) {
    %c0_i32 = arith.constant 0 : i32
    %c0_i32_0 = arith.constant 0 : i32
    %c0_i32_1 = arith.constant 0 : i32
    return %c0_i32, %c0_i32_0 : i32, i32
  }
  func.func @transform_10(%arg0: i32) -> (i32, i32) {
    %c0_i32 = arith.constant 0 : i32
    %c0_i32_0 = arith.constant 0 : i32
    return %arg0, %c0_i32 : i32, i32
  }
  func.func @transform_11(%arg0: i32) -> (i32, i32) {
    %c0_i32 = arith.constant 0 : i32
    %c0_i32_0 = arith.constant 0 : i32
    %c0_i32_1 = arith.constant 0 : i32
    return %c0_i32, %c0_i32_0 : i32, i32
  }
  func.func @transform_12(%arg0: i32) -> (i32, i32) {
    %c0_i32 = arith.constant 0 : i32
    %c0_i32_0 = arith.constant 0 : i32
    %c0_i32_1 = arith.constant 0 : i32
    return %c0_i32, %c0_i32_0 : i32, i32
  }
}

module attributes {stable_mosaic.version = 14 : i64} {
  func.func @_main_body(%arg0: i32, %arg1: memref<256x256xbf16, #tpu.memory_space<vmem>>, %arg2: memref<256x256xf32, #tpu.memory_space<vmem>>, %arg3: memref<256x128xf32, #tpu.memory_space<vmem>>, %arg4: memref<4096x384xf32, #tpu.memory_space<vmem>>, %arg5: memref<128x256xbf16, #tpu.memory_space<vmem>>, %arg6: memref<1x256xf32, #tpu.memory_space<vmem>>, %arg7: memref<256x512xbf16, #tpu.memory_space<vmem>>, %arg8: memref<1x256xf32, #tpu.memory_space<vmem>>, %arg9: memref<256x256xf32, #tpu.memory_space<vmem>>, %arg10: memref<1x256xf32, #tpu.memory_space<vmem>>, %arg11: memref<1x256xf32, #tpu.memory_space<vmem>>, %arg12: memref<256x256xf32, #tpu.memory_space<vmem>>, %arg13: memref<1x256xf32, #tpu.memory_space<vmem>>, %arg14: memref<256x256xf32, #tpu.memory_space<vmem>>) attributes {dimension_semantics = [#tpu.dimension_semantics<arbitrary>], iteration_bounds = array<i64: 4>, scalar_prefetch = 0 : i64, scratch_operands = 0 : i64, tpu.core_type = #tpu.core_type<tc>, window_params = [{pipeline_mode = #tpu.pipeline_mode<synchronous>, transform_indices = @transform_0, window_bounds = array<i64: 256, 256>}, {transform_indices = @transform_1, window_bounds = array<i64: 256, 256>}, {transform_indices = @transform_2, window_bounds = array<i64: 256, 128>}, {transform_indices = @transform_3, window_bounds = array<i64: 4096, 384>}, {pipeline_mode = #tpu.pipeline_mode<synchronous>, transform_indices = @transform_4, window_bounds = array<i64: 128, 256>}, {pipeline_mode = #tpu.pipeline_mode<synchronous>, transform_indices = @transform_5, window_bounds = array<i64: 1, 256>}, {pipeline_mode = #tpu.pipeline_mode<synchronous>, transform_indices = @transform_6, window_bounds = array<i64: 256, 512>}, {pipeline_mode = #tpu.pipeline_mode<synchronous>, transform_indices = @transform_7, window_bounds = array<i64: 1, 256>}, {pipeline_mode = #tpu.pipeline_mode<synchronous>, transform_indices = @transform_8, window_bounds = array<i64: 256, 256>}, {pipeline_mode = #tpu.pipeline_mode<synchronous>, transform_indices = @transform_9, window_bounds = array<i64: 1, 256>}, {pipeline_mode = #tpu.pipeline_mode<synchronous>, transform_indices = @transform_10, window_bounds = array<i64: 1, 256>}, {pipeline_mode = #tpu.pipeline_mode<synchronous>, transform_indices = @transform_11, window_bounds = array<i64: 256, 256>}, {pipeline_mode = #tpu.pipeline_mode<synchronous>, transform_indices = @transform_12, window_bounds = array<i64: 1, 256>}, {transform_indices = @transform_13, window_bounds = array<i64: 256, 256>}]} {
    %get3A = arith.constant 0 : index
    %get3A_0 = arith.constant 0 : index
    %get3A_1 = vector.load %arg4[%get3A, %get3A_0] : memref<4096x384xf32, #tpu.memory_space<vmem>>, vector<4096x384xf32>
    %slice3A = vector.extract_strided_slice %get3A_1 {offsets = [0, 0], sizes = [4096, 128], strides = [1, 1]} : vector<4096x384xf32> to vector<4096x128xf32>
    %bitcast_convert_type3A = tpu.bitcast %slice3A : vector<4096x128xf32> -> vector<4096x128xi32>
    %and3A = arith.constant -65536 : i32
    %and3A_2 = vector.broadcast %and3A : i32 to vector<4096x128xi32>
    %and3A_3 = arith.andi %bitcast_convert_type3A, %and3A_2 : vector<4096x128xi32>
    %bitcast_convert_type3A_4 = tpu.bitcast %and3A_3 : vector<4096x128xi32> -> vector<4096x128xf32>
    %shift_left3A = arith.constant 16 : i32
    %shift_left3A_5 = vector.broadcast %shift_left3A : i32 to vector<4096x128xi32>
    %shift_left3A_6 = arith.shli %bitcast_convert_type3A, %shift_left3A_5 : vector<4096x128xi32>
    %bitcast_convert_type3A_7 = tpu.bitcast %shift_left3A_6 : vector<4096x128xi32> -> vector<4096x128xf32>
    %concatenate3A = tpu.concatenate %bitcast_convert_type3A_4, %bitcast_convert_type3A_7 in 1 : vector<4096x128xf32>, vector<4096x128xf32> -> vector<4096x256xf32>
    %slice3A_8 = vector.extract_strided_slice %get3A_1 {offsets = [0, 128], sizes = [4096, 128], strides = [1, 1]} : vector<4096x384xf32> to vector<4096x128xf32>
    %bitcast_convert_type3A_9 = tpu.bitcast %slice3A_8 : vector<4096x128xf32> -> vector<4096x128xi32>
    %and3A_10 = arith.constant -65536 : i32
    %and3A_11 = vector.broadcast %and3A_10 : i32 to vector<4096x128xi32>
    %and3A_12 = arith.andi %bitcast_convert_type3A_9, %and3A_11 : vector<4096x128xi32>
    %bitcast_convert_type3A_13 = tpu.bitcast %and3A_12 : vector<4096x128xi32> -> vector<4096x128xf32>
    %shift_left3A_14 = arith.constant 16 : i32
    %shift_left3A_15 = vector.broadcast %shift_left3A_14 : i32 to vector<4096x128xi32>
    %shift_left3A_16 = arith.shli %bitcast_convert_type3A_9, %shift_left3A_15 : vector<4096x128xi32>
    %bitcast_convert_type3A_17 = tpu.bitcast %shift_left3A_16 : vector<4096x128xi32> -> vector<4096x128xf32>
    %concatenate3A_18 = tpu.concatenate %bitcast_convert_type3A_13, %bitcast_convert_type3A_17 in 1 : vector<4096x128xf32>, vector<4096x128xf32> -> vector<4096x256xf32>
    %slice3A_19 = vector.extract_strided_slice %get3A_1 {offsets = [0, 256], sizes = [4096, 128], strides = [1, 1]} : vector<4096x384xf32> to vector<4096x128xf32>
    %get3A_20 = arith.constant 0 : index
    %get3A_21 = arith.constant 0 : index
    %get3A_22 = vector.load %arg3[%get3A_20, %get3A_21] : memref<256x128xf32, #tpu.memory_space<vmem>>, vector<256x128xf32>
    %get3A_23 = arith.constant 0 : index
    %get3A_24 = arith.constant 0 : index
    %get3A_25 = vector.load %arg2[%get3A_23, %get3A_24] : memref<256x256xf32, #tpu.memory_space<vmem>>, vector<256x256xf32>
    %convert_element_type3A = arith.truncf %get3A_25 : vector<256x256xf32> to vector<256x256xbf16>
    %get3A_26 = arith.constant 0 : index
    %get3A_27 = arith.constant 0 : index
    %get3A_28 = vector.load %arg1[%get3A_26, %get3A_27] : memref<256x256xbf16, #tpu.memory_space<vmem>>, vector<256x256xbf16>
    %dot_general3A = arith.constant dense<0.000000e+00> : vector<256x256xf32>
    %dot_general3A_29 = tpu.matmul %convert_element_type3A, %get3A_28, %dot_general3A {dimension_numbers = #tpu.dot_dimension_numbers<[1], [0], [0], [1], [0, 0, 1, 1], [], []>, transpose_lhs_hint = false} : vector<256x256xbf16>, vector<256x256xbf16>, vector<256x256xf32> -> vector<256x256xf32>
    %reshape3A = vector.shape_cast %get3A_22 : vector<256x128xf32> to vector<256x1x128xf32>
    %broadcast_in_dim3A = vector.shape_cast %reshape3A : vector<256x1x128xf32> to vector<256x1x128xf32>
    %broadcast_in_dim3A_30 = vector.broadcast %broadcast_in_dim3A : vector<256x1x128xf32> to vector<256x16x128xf32>
    %reshape3A_31 = vector.shape_cast %broadcast_in_dim3A_30 : vector<256x16x128xf32> to vector<4096x128xf32>
    %sub3A = arith.subf %reshape3A_31, %slice3A_19 : vector<4096x128xf32>
    %convert_element_type3A_32 = arith.truncf %sub3A : vector<4096x128xf32> to vector<4096x128xbf16>
    %get3A_33 = arith.constant 0 : index
    %get3A_34 = arith.constant 0 : index
    %get3A_35 = vector.load %arg5[%get3A_33, %get3A_34] : memref<128x256xbf16, #tpu.memory_space<vmem>>, vector<128x256xbf16>
    %dot_general3A_36 = arith.constant dense<0.000000e+00> : vector<4096x256xf32>
    %dot_general3A_37 = tpu.matmul %convert_element_type3A_32, %get3A_35, %dot_general3A_36 {dimension_numbers = #tpu.dot_dimension_numbers<[1], [0], [0], [1], [0, 0, 1, 1], [], []>, transpose_lhs_hint = false} : vector<4096x128xbf16>, vector<128x256xbf16>, vector<4096x256xf32> -> vector<4096x256xf32>
    %get3A_38 = arith.constant 0 : index
    %get3A_39 = arith.constant 0 : index
    %get3A_40 = vector.load %arg6[%get3A_38, %get3A_39] : memref<1x256xf32, #tpu.memory_space<vmem>>, vector<1x256xf32>
    %add3A = vector.broadcast %get3A_40 : vector<1x256xf32> to vector<4096x256xf32>
    %add3A_41 = arith.addf %dot_general3A_37, %add3A : vector<4096x256xf32>
    %max3A = arith.constant 0.000000e+00 : f32
    %max3A_42 = vector.broadcast %max3A : f32 to vector<4096x256xf32>
    %max3A_43 = arith.maximumf %add3A_41, %max3A_42 : vector<4096x256xf32>
    %convert_element_type3A_44 = arith.truncf %max3A_43 : vector<4096x256xf32> to vector<4096x256xbf16>
    %get3A_45 = arith.constant 0 : index
    %get3A_46 = arith.constant 0 : index
    %get3A_47 = vector.load %arg7[%get3A_45, %get3A_46] : memref<256x512xbf16, #tpu.memory_space<vmem>>, vector<256x512xbf16>
    %dot_general3A_48 = arith.constant dense<0.000000e+00> : vector<4096x512xf32>
    %dot_general3A_49 = tpu.matmul %convert_element_type3A_44, %get3A_47, %dot_general3A_48 {dimension_numbers = #tpu.dot_dimension_numbers<[1], [0], [0], [1], [0, 0, 1, 1], [], []>, transpose_lhs_hint = false} : vector<4096x256xbf16>, vector<256x512xbf16>, vector<4096x512xf32> -> vector<4096x512xf32>
    %reshape3A_50 = vector.shape_cast %dot_general3A_29 : vector<256x256xf32> to vector<256x1x256xf32>
    %broadcast_in_dim3A_51 = vector.shape_cast %reshape3A_50 : vector<256x1x256xf32> to vector<256x1x256xf32>
    %broadcast_in_dim3A_52 = vector.broadcast %broadcast_in_dim3A_51 : vector<256x1x256xf32> to vector<256x16x256xf32>
    %reshape3A_53 = vector.shape_cast %broadcast_in_dim3A_52 : vector<256x16x256xf32> to vector<4096x256xf32>
    %sub3A_54 = arith.subf %reshape3A_53, %concatenate3A : vector<4096x256xf32>
    %slice3A_55 = vector.extract_strided_slice %dot_general3A_49 {offsets = [0, 0], sizes = [4096, 256], strides = [1, 1]} : vector<4096x512xf32> to vector<4096x256xf32>
    %add3A_56 = arith.addf %sub3A_54, %slice3A_55 : vector<4096x256xf32>
    %get3A_57 = arith.constant 0 : index
    %get3A_58 = arith.constant 0 : index
    %get3A_59 = vector.load %arg8[%get3A_57, %get3A_58] : memref<1x256xf32, #tpu.memory_space<vmem>>, vector<1x256xf32>
    %add3A_60 = vector.broadcast %get3A_59 : vector<1x256xf32> to vector<4096x256xf32>
    %add3A_61 = arith.addf %add3A_56, %add3A_60 : vector<4096x256xf32>
    %get3A_62 = arith.constant 0 : index
    %get3A_63 = arith.constant 0 : index
    %get3A_64 = vector.load %arg9[%get3A_62, %get3A_63] : memref<256x256xf32, #tpu.memory_space<vmem>>, vector<256x256xf32>
    %mul3A = arith.constant 6.250000e-02 : f32
    %mul3A_65 = vector.broadcast %mul3A : f32 to vector<256x256xf32>
    %mul3A_66 = arith.mulf %get3A_64, %mul3A_65 : vector<256x256xf32>
    %convert_element_type3A_67 = arith.truncf %mul3A_66 : vector<256x256xf32> to vector<256x256xbf16>
    %max3A_68 = arith.constant 0.000000e+00 : f32
    %max3A_69 = vector.broadcast %max3A_68 : f32 to vector<4096x256xf32>
    %max3A_70 = arith.maximumf %add3A_61, %max3A_69 : vector<4096x256xf32>
    %convert_element_type3A_71 = arith.truncf %max3A_70 : vector<4096x256xf32> to vector<4096x256xbf16>
    %dot_general3A_72 = arith.constant dense<0.000000e+00> : vector<4096x256xf32>
    %dot_general3A_73 = tpu.matmul %convert_element_type3A_71, %convert_element_type3A_67, %dot_general3A_72 {dimension_numbers = #tpu.dot_dimension_numbers<[1], [0], [0], [1], [0, 0, 1, 1], [], []>, transpose_lhs_hint = false} : vector<4096x256xbf16>, vector<256x256xbf16>, vector<4096x256xf32> -> vector<4096x256xf32>
    %get3A_74 = arith.constant 0 : index
    %get3A_75 = arith.constant 0 : index
    %get3A_76 = vector.load %arg10[%get3A_74, %get3A_75] : memref<1x256xf32, #tpu.memory_space<vmem>>, vector<1x256xf32>
    %mul3A_77 = arith.constant 6.250000e-02 : f32
    %mul3A_78 = vector.broadcast %mul3A_77 : f32 to vector<1x256xf32>
    %mul3A_79 = arith.mulf %get3A_76, %mul3A_78 : vector<1x256xf32>
    %add3A_80 = vector.broadcast %mul3A_79 : vector<1x256xf32> to vector<4096x256xf32>
    %add3A_81 = arith.addf %dot_general3A_73, %add3A_80 : vector<4096x256xf32>
    %exp3A = math.exp %add3A_81 : vector<4096x256xf32>
    %slice3A_82 = vector.extract_strided_slice %dot_general3A_49 {offsets = [0, 256], sizes = [4096, 256], strides = [1, 1]} : vector<4096x512xf32> to vector<4096x256xf32>
    %add3A_83 = arith.addf %concatenate3A_18, %slice3A_82 : vector<4096x256xf32>
    %get3A_84 = arith.constant 0 : index
    %get3A_85 = arith.constant 0 : index
    %get3A_86 = vector.load %arg11[%get3A_84, %get3A_85] : memref<1x256xf32, #tpu.memory_space<vmem>>, vector<1x256xf32>
    %add3A_87 = vector.broadcast %get3A_86 : vector<1x256xf32> to vector<4096x256xf32>
    %add3A_88 = arith.addf %add3A_83, %add3A_87 : vector<4096x256xf32>
    %mul3A_89 = arith.mulf %exp3A, %add3A_88 : vector<4096x256xf32>
    %reshape3A_90 = vector.shape_cast %mul3A_89 : vector<4096x256xf32> to vector<256x16x256xf32>
    %reshape3A_91 = vector.shape_cast %exp3A : vector<4096x256xf32> to vector<256x16x256xf32>
    %reduce_sum3A = arith.constant dense<0.000000e+00> : vector<256x256xf32>
    %reduce_sum3A_92 = vector.multi_reduction <add>, %reshape3A_90, %reduce_sum3A [1] : vector<256x16x256xf32> to vector<256x256xf32>
    %reduce_sum3A_93 = arith.constant dense<0.000000e+00> : vector<256x256xf32>
    %reduce_sum3A_94 = vector.multi_reduction <add>, %reshape3A_91, %reduce_sum3A_93 [1] : vector<256x16x256xf32> to vector<256x256xf32>
    %div3A = arith.divf %reduce_sum3A_92, %reduce_sum3A_94 : vector<256x256xf32>
    %convert_element_type3A_95 = arith.truncf %div3A : vector<256x256xf32> to vector<256x256xbf16>
    %get3A_96 = arith.constant 0 : index
    %get3A_97 = arith.constant 0 : index
    %get3A_98 = vector.load %arg12[%get3A_96, %get3A_97] : memref<256x256xf32, #tpu.memory_space<vmem>>, vector<256x256xf32>
    %convert_element_type3A_99 = arith.truncf %get3A_98 : vector<256x256xf32> to vector<256x256xbf16>
    %dot_general3A_100 = arith.constant dense<0.000000e+00> : vector<256x256xf32>
    %dot_general3A_101 = tpu.matmul %convert_element_type3A_95, %convert_element_type3A_99, %dot_general3A_100 {dimension_numbers = #tpu.dot_dimension_numbers<[1], [0], [0], [1], [0, 0, 1, 1], [], []>, transpose_lhs_hint = false} : vector<256x256xbf16>, vector<256x256xbf16>, vector<256x256xf32> -> vector<256x256xf32>
    %get3A_102 = arith.constant 0 : index
    %get3A_103 = arith.constant 0 : index
    %get3A_104 = vector.load %arg13[%get3A_102, %get3A_103] : memref<1x256xf32, #tpu.memory_space<vmem>>, vector<1x256xf32>
    %add3A_105 = vector.broadcast %get3A_104 : vector<1x256xf32> to vector<256x256xf32>
    %add3A_106 = arith.addf %dot_general3A_101, %add3A_105 : vector<256x256xf32>
    %get3A_107 = arith.constant 0 : index
    %get3A_108 = arith.constant 0 : index
    %get3A_109 = vector.load %arg2[%get3A_107, %get3A_108] : memref<256x256xf32, #tpu.memory_space<vmem>>, vector<256x256xf32>
    %add3A_110 = arith.addf %add3A_106, %get3A_109 : vector<256x256xf32>
    %swap3A = arith.constant 0 : index
    %swap3A_111 = arith.constant 0 : index
    %swap3A_112 = vector.load %arg14[%swap3A, %swap3A_111] : memref<256x256xf32, #tpu.memory_space<vmem>>, vector<256x256xf32>
    tpu.vector_store %arg14[%swap3A, %swap3A_111], %add3A_110 {strides = array<i32>} : memref<256x256xf32, #tpu.memory_space<vmem>>, vector<256x256xf32>,
    return
  }
  func.func @transform_0(%arg0: i32) -> (i32, i32) {
    %c0_i32 = arith.constant 0 : i32
    %c0_i32_0 = arith.constant 0 : i32
    %c0_i32_1 = arith.constant 0 : i32
    return %c0_i32, %c0_i32_0 : i32, i32
  }
  func.func @transform_1(%arg0: i32) -> (i32, i32) {
    %add3A = arith.constant 12 : i32
    %add3A_0 = arith.addi %arg0, %add3A : i32
    %c0_i32 = arith.constant 0 : i32
    %c0_i32_1 = arith.constant 0 : i32
    return %add3A_0, %c0_i32 : i32, i32
  }
  func.func @transform_2(%arg0: i32) -> (i32, i32) {
    %add3A = arith.constant 12 : i32
    %add3A_0 = arith.addi %arg0, %add3A : i32
    %c0_i32 = arith.constant 0 : i32
    %c0_i32_1 = arith.constant 0 : i32
    return %add3A_0, %c0_i32 : i32, i32
  }
  func.func @transform_3(%arg0: i32) -> (i32, i32) {
    %c0_i32 = arith.constant 0 : i32
    %c0_i32_0 = arith.constant 0 : i32
    return %arg0, %c0_i32 : i32, i32
  }
  func.func @transform_4(%arg0: i32) -> (i32, i32) {
    %c0_i32 = arith.constant 0 : i32
    %c0_i32_0 = arith.constant 0 : i32
    %c0_i32_1 = arith.constant 0 : i32
    return %c0_i32, %c0_i32_0 : i32, i32
  }
  func.func @transform_5(%arg0: i32) -> (i32, i32) {
    %c0_i32 = arith.constant 0 : i32
    %c0_i32_0 = arith.constant 0 : i32
    %c0_i32_1 = arith.constant 0 : i32
    return %c0_i32, %c0_i32_0 : i32, i32
  }
  func.func @transform_6(%arg0: i32) -> (i32, i32) {
    %c0_i32 = arith.constant 0 : i32
    %c0_i32_0 = arith.constant 0 : i32
    %c0_i32_1 = arith.constant 0 : i32
    return %c0_i32, %c0_i32_0 : i32, i32
  }
  func.func @transform_7(%arg0: i32) -> (i32, i32) {
    %c0_i32 = arith.constant 0 : i32
    %c0_i32_0 = arith.constant 0 : i32
    %c0_i32_1 = arith.constant 0 : i32
    return %c0_i32, %c0_i32_0 : i32, i32
  }
  func.func @transform_8(%arg0: i32) -> (i32, i32) {
    %c0_i32 = arith.constant 0 : i32
    %c0_i32_0 = arith.constant 0 : i32
    %c0_i32_1 = arith.constant 0 : i32
    return %c0_i32, %c0_i32_0 : i32, i32
  }
  func.func @transform_9(%arg0: i32) -> (i32, i32) {
    %c0_i32 = arith.constant 0 : i32
    %c0_i32_0 = arith.constant 0 : i32
    %c0_i32_1 = arith.constant 0 : i32
    return %c0_i32, %c0_i32_0 : i32, i32
  }
  func.func @transform_10(%arg0: i32) -> (i32, i32) {
    %c0_i32 = arith.constant 0 : i32
    %c0_i32_0 = arith.constant 0 : i32
    %c0_i32_1 = arith.constant 0 : i32
    return %c0_i32, %c0_i32_0 : i32, i32
  }
  func.func @transform_11(%arg0: i32) -> (i32, i32) {
    %c0_i32 = arith.constant 0 : i32
    %c0_i32_0 = arith.constant 0 : i32
    %c0_i32_1 = arith.constant 0 : i32
    return %c0_i32, %c0_i32_0 : i32, i32
  }
  func.func @transform_12(%arg0: i32) -> (i32, i32) {
    %c0_i32 = arith.constant 0 : i32
    %c0_i32_0 = arith.constant 0 : i32
    %c0_i32_1 = arith.constant 0 : i32
    return %c0_i32, %c0_i32_0 : i32, i32
  }
  func.func @transform_13(%arg0: i32) -> (i32, i32) {
    %c0_i32 = arith.constant 0 : i32
    %c0_i32_0 = arith.constant 0 : i32
    return %arg0, %c0_i32 : i32, i32
  }
}

module attributes {stable_mosaic.version = 14 : i64} {
  func.func @_main_body(%arg0: i32, %arg1: memref<256x256xbf16, #tpu.memory_space<vmem>>, %arg2: memref<256x256xf32, #tpu.memory_space<vmem>>, %arg3: memref<256x128xf32, #tpu.memory_space<vmem>>, %arg4: memref<4096x384xf32, #tpu.memory_space<vmem>>, %arg5: memref<128x256xbf16, #tpu.memory_space<vmem>>, %arg6: memref<1x256xf32, #tpu.memory_space<vmem>>, %arg7: memref<256x512xbf16, #tpu.memory_space<vmem>>, %arg8: memref<1x256xf32, #tpu.memory_space<vmem>>, %arg9: memref<256x256xf32, #tpu.memory_space<vmem>>, %arg10: memref<1x256xf32, #tpu.memory_space<vmem>>, %arg11: memref<1x256xf32, #tpu.memory_space<vmem>>, %arg12: memref<256x256xf32, #tpu.memory_space<vmem>>, %arg13: memref<1x256xf32, #tpu.memory_space<vmem>>, %arg14: memref<256x256xf32, #tpu.memory_space<vmem>>) attributes {dimension_semantics = [#tpu.dimension_semantics<arbitrary>], iteration_bounds = array<i64: 4>, scalar_prefetch = 0 : i64, scratch_operands = 0 : i64, tpu.core_type = #tpu.core_type<tc>, window_params = [{pipeline_mode = #tpu.pipeline_mode<synchronous>, transform_indices = @transform_0, window_bounds = array<i64: 256, 256>}, {transform_indices = @transform_1, window_bounds = array<i64: 256, 256>}, {transform_indices = @transform_2, window_bounds = array<i64: 256, 128>}, {transform_indices = @transform_3, window_bounds = array<i64: 4096, 384>}, {pipeline_mode = #tpu.pipeline_mode<synchronous>, transform_indices = @transform_4, window_bounds = array<i64: 128, 256>}, {pipeline_mode = #tpu.pipeline_mode<synchronous>, transform_indices = @transform_5, window_bounds = array<i64: 1, 256>}, {pipeline_mode = #tpu.pipeline_mode<synchronous>, transform_indices = @transform_6, window_bounds = array<i64: 256, 512>}, {pipeline_mode = #tpu.pipeline_mode<synchronous>, transform_indices = @transform_7, window_bounds = array<i64: 1, 256>}, {pipeline_mode = #tpu.pipeline_mode<synchronous>, transform_indices = @transform_8, window_bounds = array<i64: 256, 256>}, {pipeline_mode = #tpu.pipeline_mode<synchronous>, transform_indices = @transform_9, window_bounds = array<i64: 1, 256>}, {pipeline_mode = #tpu.pipeline_mode<synchronous>, transform_indices = @transform_10, window_bounds = array<i64: 1, 256>}, {pipeline_mode = #tpu.pipeline_mode<synchronous>, transform_indices = @transform_11, window_bounds = array<i64: 256, 256>}, {pipeline_mode = #tpu.pipeline_mode<synchronous>, transform_indices = @transform_12, window_bounds = array<i64: 1, 256>}, {transform_indices = @transform_13, window_bounds = array<i64: 256, 256>}]} {
    %get3A = arith.constant 0 : index
    %get3A_0 = arith.constant 0 : index
    %get3A_1 = vector.load %arg4[%get3A, %get3A_0] : memref<4096x384xf32, #tpu.memory_space<vmem>>, vector<4096x384xf32>
    %slice3A = vector.extract_strided_slice %get3A_1 {offsets = [0, 0], sizes = [4096, 128], strides = [1, 1]} : vector<4096x384xf32> to vector<4096x128xf32>
    %bitcast_convert_type3A = tpu.bitcast %slice3A : vector<4096x128xf32> -> vector<4096x128xi32>
    %and3A = arith.constant -65536 : i32
    %and3A_2 = vector.broadcast %and3A : i32 to vector<4096x128xi32>
    %and3A_3 = arith.andi %bitcast_convert_type3A, %and3A_2 : vector<4096x128xi32>
    %bitcast_convert_type3A_4 = tpu.bitcast %and3A_3 : vector<4096x128xi32> -> vector<4096x128xf32>
    %shift_left3A = arith.constant 16 : i32
    %shift_left3A_5 = vector.broadcast %shift_left3A : i32 to vector<4096x128xi32>
    %shift_left3A_6 = arith.shli %bitcast_convert_type3A, %shift_left3A_5 : vector<4096x128xi32>
    %bitcast_convert_type3A_7 = tpu.bitcast %shift_left3A_6 : vector<4096x128xi32> -> vector<4096x128xf32>
    %concatenate3A = tpu.concatenate %bitcast_convert_type3A_4, %bitcast_convert_type3A_7 in 1 : vector<4096x128xf32>, vector<4096x128xf32> -> vector<4096x256xf32>
    %slice3A_8 = vector.extract_strided_slice %get3A_1 {offsets = [0, 128], sizes = [4096, 128], strides = [1, 1]} : vector<4096x384xf32> to vector<4096x128xf32>
    %bitcast_convert_type3A_9 = tpu.bitcast %slice3A_8 : vector<4096x128xf32> -> vector<4096x128xi32>
    %and3A_10 = arith.constant -65536 : i32
    %and3A_11 = vector.broadcast %and3A_10 : i32 to vector<4096x128xi32>
    %and3A_12 = arith.andi %bitcast_convert_type3A_9, %and3A_11 : vector<4096x128xi32>
    %bitcast_convert_type3A_13 = tpu.bitcast %and3A_12 : vector<4096x128xi32> -> vector<4096x128xf32>
    %shift_left3A_14 = arith.constant 16 : i32
    %shift_left3A_15 = vector.broadcast %shift_left3A_14 : i32 to vector<4096x128xi32>
    %shift_left3A_16 = arith.shli %bitcast_convert_type3A_9, %shift_left3A_15 : vector<4096x128xi32>
    %bitcast_convert_type3A_17 = tpu.bitcast %shift_left3A_16 : vector<4096x128xi32> -> vector<4096x128xf32>
    %concatenate3A_18 = tpu.concatenate %bitcast_convert_type3A_13, %bitcast_convert_type3A_17 in 1 : vector<4096x128xf32>, vector<4096x128xf32> -> vector<4096x256xf32>
    %slice3A_19 = vector.extract_strided_slice %get3A_1 {offsets = [0, 256], sizes = [4096, 128], strides = [1, 1]} : vector<4096x384xf32> to vector<4096x128xf32>
    %get3A_20 = arith.constant 0 : index
    %get3A_21 = arith.constant 0 : index
    %get3A_22 = vector.load %arg3[%get3A_20, %get3A_21] : memref<256x128xf32, #tpu.memory_space<vmem>>, vector<256x128xf32>
    %get3A_23 = arith.constant 0 : index
    %get3A_24 = arith.constant 0 : index
    %get3A_25 = vector.load %arg2[%get3A_23, %get3A_24] : memref<256x256xf32, #tpu.memory_space<vmem>>, vector<256x256xf32>
    %convert_element_type3A = arith.truncf %get3A_25 : vector<256x256xf32> to vector<256x256xbf16>
    %get3A_26 = arith.constant 0 : index
    %get3A_27 = arith.constant 0 : index
    %get3A_28 = vector.load %arg1[%get3A_26, %get3A_27] : memref<256x256xbf16, #tpu.memory_space<vmem>>, vector<256x256xbf16>
    %dot_general3A = arith.constant dense<0.000000e+00> : vector<256x256xf32>
    %dot_general3A_29 = tpu.matmul %convert_element_type3A, %get3A_28, %dot_general3A {dimension_numbers = #tpu.dot_dimension_numbers<[1], [0], [0], [1], [0, 0, 1, 1], [], []>, transpose_lhs_hint = false} : vector<256x256xbf16>, vector<256x256xbf16>, vector<256x256xf32> -> vector<256x256xf32>
    %reshape3A = vector.shape_cast %get3A_22 : vector<256x128xf32> to vector<256x1x128xf32>
    %broadcast_in_dim3A = vector.shape_cast %reshape3A : vector<256x1x128xf32> to vector<256x1x128xf32>
    %broadcast_in_dim3A_30 = vector.broadcast %broadcast_in_dim3A : vector<256x1x128xf32> to vector<256x16x128xf32>
    %reshape3A_31 = vector.shape_cast %broadcast_in_dim3A_30 : vector<256x16x128xf32> to vector<4096x128xf32>
    %sub3A = arith.subf %reshape3A_31, %slice3A_19 : vector<4096x128xf32>
    %convert_element_type3A_32 = arith.truncf %sub3A : vector<4096x128xf32> to vector<4096x128xbf16>
    %get3A_33 = arith.constant 0 : index
    %get3A_34 = arith.constant 0 : index
    %get3A_35 = vector.load %arg5[%get3A_33, %get3A_34] : memref<128x256xbf16, #tpu.memory_space<vmem>>, vector<128x256xbf16>
    %dot_general3A_36 = arith.constant dense<0.000000e+00> : vector<4096x256xf32>
    %dot_general3A_37 = tpu.matmul %convert_element_type3A_32, %get3A_35, %dot_general3A_36 {dimension_numbers = #tpu.dot_dimension_numbers<[1], [0], [0], [1], [0, 0, 1, 1], [], []>, transpose_lhs_hint = false} : vector<4096x128xbf16>, vector<128x256xbf16>, vector<4096x256xf32> -> vector<4096x256xf32>
    %get3A_38 = arith.constant 0 : index
    %get3A_39 = arith.constant 0 : index
    %get3A_40 = vector.load %arg6[%get3A_38, %get3A_39] : memref<1x256xf32, #tpu.memory_space<vmem>>, vector<1x256xf32>
    %add3A = vector.broadcast %get3A_40 : vector<1x256xf32> to vector<4096x256xf32>
    %add3A_41 = arith.addf %dot_general3A_37, %add3A : vector<4096x256xf32>
    %max3A = arith.constant 0.000000e+00 : f32
    %max3A_42 = vector.broadcast %max3A : f32 to vector<4096x256xf32>
    %max3A_43 = arith.maximumf %add3A_41, %max3A_42 : vector<4096x256xf32>
    %convert_element_type3A_44 = arith.truncf %max3A_43 : vector<4096x256xf32> to vector<4096x256xbf16>
    %get3A_45 = arith.constant 0 : index
    %get3A_46 = arith.constant 0 : index
    %get3A_47 = vector.load %arg7[%get3A_45, %get3A_46] : memref<256x512xbf16, #tpu.memory_space<vmem>>, vector<256x512xbf16>
    %dot_general3A_48 = arith.constant dense<0.000000e+00> : vector<4096x512xf32>
    %dot_general3A_49 = tpu.matmul %convert_element_type3A_44, %get3A_47, %dot_general3A_48 {dimension_numbers = #tpu.dot_dimension_numbers<[1], [0], [0], [1], [0, 0, 1, 1], [], []>, transpose_lhs_hint = false} : vector<4096x256xbf16>, vector<256x512xbf16>, vector<4096x512xf32> -> vector<4096x512xf32>
    %reshape3A_50 = vector.shape_cast %dot_general3A_29 : vector<256x256xf32> to vector<256x1x256xf32>
    %broadcast_in_dim3A_51 = vector.shape_cast %reshape3A_50 : vector<256x1x256xf32> to vector<256x1x256xf32>
    %broadcast_in_dim3A_52 = vector.broadcast %broadcast_in_dim3A_51 : vector<256x1x256xf32> to vector<256x16x256xf32>
    %reshape3A_53 = vector.shape_cast %broadcast_in_dim3A_52 : vector<256x16x256xf32> to vector<4096x256xf32>
    %sub3A_54 = arith.subf %reshape3A_53, %concatenate3A : vector<4096x256xf32>
    %slice3A_55 = vector.extract_strided_slice %dot_general3A_49 {offsets = [0, 0], sizes = [4096, 256], strides = [1, 1]} : vector<4096x512xf32> to vector<4096x256xf32>
    %add3A_56 = arith.addf %sub3A_54, %slice3A_55 : vector<4096x256xf32>
    %get3A_57 = arith.constant 0 : index
    %get3A_58 = arith.constant 0 : index
    %get3A_59 = vector.load %arg8[%get3A_57, %get3A_58] : memref<1x256xf32, #tpu.memory_space<vmem>>, vector<1x256xf32>
    %add3A_60 = vector.broadcast %get3A_59 : vector<1x256xf32> to vector<4096x256xf32>
    %add3A_61 = arith.addf %add3A_56, %add3A_60 : vector<4096x256xf32>
    %get3A_62 = arith.constant 0 : index
    %get3A_63 = arith.constant 0 : index
    %get3A_64 = vector.load %arg9[%get3A_62, %get3A_63] : memref<256x256xf32, #tpu.memory_space<vmem>>, vector<256x256xf32>
    %mul3A = arith.constant 6.250000e-02 : f32
    %mul3A_65 = vector.broadcast %mul3A : f32 to vector<256x256xf32>
    %mul3A_66 = arith.mulf %get3A_64, %mul3A_65 : vector<256x256xf32>
    %convert_element_type3A_67 = arith.truncf %mul3A_66 : vector<256x256xf32> to vector<256x256xbf16>
    %max3A_68 = arith.constant 0.000000e+00 : f32
    %max3A_69 = vector.broadcast %max3A_68 : f32 to vector<4096x256xf32>
    %max3A_70 = arith.maximumf %add3A_61, %max3A_69 : vector<4096x256xf32>
    %convert_element_type3A_71 = arith.truncf %max3A_70 : vector<4096x256xf32> to vector<4096x256xbf16>
    %dot_general3A_72 = arith.constant dense<0.000000e+00> : vector<4096x256xf32>
    %dot_general3A_73 = tpu.matmul %convert_element_type3A_71, %convert_element_type3A_67, %dot_general3A_72 {dimension_numbers = #tpu.dot_dimension_numbers<[1], [0], [0], [1], [0, 0, 1, 1], [], []>, transpose_lhs_hint = false} : vector<4096x256xbf16>, vector<256x256xbf16>, vector<4096x256xf32> -> vector<4096x256xf32>
    %get3A_74 = arith.constant 0 : index
    %get3A_75 = arith.constant 0 : index
    %get3A_76 = vector.load %arg10[%get3A_74, %get3A_75] : memref<1x256xf32, #tpu.memory_space<vmem>>, vector<1x256xf32>
    %mul3A_77 = arith.constant 6.250000e-02 : f32
    %mul3A_78 = vector.broadcast %mul3A_77 : f32 to vector<1x256xf32>
    %mul3A_79 = arith.mulf %get3A_76, %mul3A_78 : vector<1x256xf32>
    %add3A_80 = vector.broadcast %mul3A_79 : vector<1x256xf32> to vector<4096x256xf32>
    %add3A_81 = arith.addf %dot_general3A_73, %add3A_80 : vector<4096x256xf32>
    %exp3A = math.exp %add3A_81 : vector<4096x256xf32>
    %slice3A_82 = vector.extract_strided_slice %dot_general3A_49 {offsets = [0, 256], sizes = [4096, 256], strides = [1, 1]} : vector<4096x512xf32> to vector<4096x256xf32>
    %add3A_83 = arith.addf %concatenate3A_18, %slice3A_82 : vector<4096x256xf32>
    %get3A_84 = arith.constant 0 : index
    %get3A_85 = arith.constant 0 : index
    %get3A_86 = vector.load %arg11[%get3A_84, %get3A_85] : memref<1x256xf32, #tpu.memory_space<vmem>>, vector<1x256xf32>
    %add3A_87 = vector.broadcast %get3A_86 : vector<1x256xf32> to vector<4096x256xf32>
    %add3A_88 = arith.addf %add3A_83, %add3A_87 : vector<4096x256xf32>
    %mul3A_89 = arith.mulf %exp3A, %add3A_88 : vector<4096x256xf32>
    %reshape3A_90 = vector.shape_cast %mul3A_89 : vector<4096x256xf32> to vector<256x16x256xf32>
    %reshape3A_91 = vector.shape_cast %exp3A : vector<4096x256xf32> to vector<256x16x256xf32>
    %reduce_sum3A = arith.constant dense<0.000000e+00> : vector<256x256xf32>
    %reduce_sum3A_92 = vector.multi_reduction <add>, %reshape3A_90, %reduce_sum3A [1] : vector<256x16x256xf32> to vector<256x256xf32>
    %reduce_sum3A_93 = arith.constant dense<0.000000e+00> : vector<256x256xf32>
    %reduce_sum3A_94 = vector.multi_reduction <add>, %reshape3A_91, %reduce_sum3A_93 [1] : vector<256x16x256xf32> to vector<256x256xf32>
    %div3A = arith.divf %reduce_sum3A_92, %reduce_sum3A_94 : vector<256x256xf32>
    %convert_element_type3A_95 = arith.truncf %div3A : vector<256x256xf32> to vector<256x256xbf16>
    %get3A_96 = arith.constant 0 : index
    %get3A_97 = arith.constant 0 : index
    %get3A_98 = vector.load %arg12[%get3A_96, %get3A_97] : memref<256x256xf32, #tpu.memory_space<vmem>>, vector<256x256xf32>
    %convert_element_type3A_99 = arith.truncf %get3A_98 : vector<256x256xf32> to vector<256x256xbf16>
    %dot_general3A_100 = arith.constant dense<0.000000e+00> : vector<256x256xf32>
    %dot_general3A_101 = tpu.matmul %convert_element_type3A_95, %convert_element_type3A_99, %dot_general3A_100 {dimension_numbers = #tpu.dot_dimension_numbers<[1], [0], [0], [1], [0, 0, 1, 1], [], []>, transpose_lhs_hint = false} : vector<256x256xbf16>, vector<256x256xbf16>, vector<256x256xf32> -> vector<256x256xf32>
    %get3A_102 = arith.constant 0 : index
    %get3A_103 = arith.constant 0 : index
    %get3A_104 = vector.load %arg13[%get3A_102, %get3A_103] : memref<1x256xf32, #tpu.memory_space<vmem>>, vector<1x256xf32>
    %add3A_105 = vector.broadcast %get3A_104 : vector<1x256xf32> to vector<256x256xf32>
    %add3A_106 = arith.addf %dot_general3A_101, %add3A_105 : vector<256x256xf32>
    %get3A_107 = arith.constant 0 : index
    %get3A_108 = arith.constant 0 : index
    %get3A_109 = vector.load %arg2[%get3A_107, %get3A_108] : memref<256x256xf32, #tpu.memory_space<vmem>>, vector<256x256xf32>
    %add3A_110 = arith.addf %add3A_106, %get3A_109 : vector<256x256xf32>
    %swap3A = arith.constant 0 : index
    %swap3A_111 = arith.constant 0 : index
    %swap3A_112 = vector.load %arg14[%swap3A, %swap3A_111] : memref<256x256xf32, #tpu.memory_space<vmem>>, vector<256x256xf32>
    tpu.vector_store %arg14[%swap3A, %swap3A_111], %add3A_110 {strides = array<i32>} : memref<256x256xf32, #tpu.memory_space<vmem>>, vector<256x256xf32>,
    return
  }
  func.func @transform_0(%arg0: i32) -> (i32, i32) {
    %c0_i32 = arith.constant 0 : i32
    %c0_i32_0 = arith.constant 0 : i32
    %c0_i32_1 = arith.constant 0 : i32
    return %c0_i32, %c0_i32_0 : i32, i32
  }
  func.func @transform_1(%arg0: i32) -> (i32, i32) {
    %add3A = arith.constant 8 : i32
    %add3A_0 = arith.addi %arg0, %add3A : i32
    %c0_i32 = arith.constant 0 : i32
    %c0_i32_1 = arith.constant 0 : i32
    return %add3A_0, %c0_i32 : i32, i32
  }
  func.func @transform_2(%arg0: i32) -> (i32, i32) {
    %add3A = arith.constant 8 : i32
    %add3A_0 = arith.addi %arg0, %add3A : i32
    %c0_i32 = arith.constant 0 : i32
    %c0_i32_1 = arith.constant 0 : i32
    return %add3A_0, %c0_i32 : i32, i32
  }
  func.func @transform_3(%arg0: i32) -> (i32, i32) {
    %c0_i32 = arith.constant 0 : i32
    %c0_i32_0 = arith.constant 0 : i32
    return %arg0, %c0_i32 : i32, i32
  }
  func.func @transform_4(%arg0: i32) -> (i32, i32) {
    %c0_i32 = arith.constant 0 : i32
    %c0_i32_0 = arith.constant 0 : i32
    %c0_i32_1 = arith.constant 0 : i32
    return %c0_i32, %c0_i32_0 : i32, i32
  }
  func.func @transform_5(%arg0: i32) -> (i32, i32) {
    %c0_i32 = arith.constant 0 : i32
    %c0_i32_0 = arith.constant 0 : i32
    %c0_i32_1 = arith.constant 0 : i32
    return %c0_i32, %c0_i32_0 : i32, i32
  }
  func.func @transform_6(%arg0: i32) -> (i32, i32) {
    %c0_i32 = arith.constant 0 : i32
    %c0_i32_0 = arith.constant 0 : i32
    %c0_i32_1 = arith.constant 0 : i32
    return %c0_i32, %c0_i32_0 : i32, i32
  }
  func.func @transform_7(%arg0: i32) -> (i32, i32) {
    %c0_i32 = arith.constant 0 : i32
    %c0_i32_0 = arith.constant 0 : i32
    %c0_i32_1 = arith.constant 0 : i32
    return %c0_i32, %c0_i32_0 : i32, i32
  }
  func.func @transform_8(%arg0: i32) -> (i32, i32) {
    %c0_i32 = arith.constant 0 : i32
    %c0_i32_0 = arith.constant 0 : i32
    %c0_i32_1 = arith.constant 0 : i32
    return %c0_i32, %c0_i32_0 : i32, i32
  }
  func.func @transform_9(%arg0: i32) -> (i32, i32) {
    %c0_i32 = arith.constant 0 : i32
    %c0_i32_0 = arith.constant 0 : i32
    %c0_i32_1 = arith.constant 0 : i32
    return %c0_i32, %c0_i32_0 : i32, i32
  }
  func.func @transform_10(%arg0: i32) -> (i32, i32) {
    %c0_i32 = arith.constant 0 : i32
    %c0_i32_0 = arith.constant 0 : i32
    %c0_i32_1 = arith.constant 0 : i32
    return %c0_i32, %c0_i32_0 : i32, i32
  }
  func.func @transform_11(%arg0: i32) -> (i32, i32) {
    %c0_i32 = arith.constant 0 : i32
    %c0_i32_0 = arith.constant 0 : i32
    %c0_i32_1 = arith.constant 0 : i32
    return %c0_i32, %c0_i32_0 : i32, i32
  }
  func.func @transform_12(%arg0: i32) -> (i32, i32) {
    %c0_i32 = arith.constant 0 : i32
    %c0_i32_0 = arith.constant 0 : i32
    %c0_i32_1 = arith.constant 0 : i32
    return %c0_i32, %c0_i32_0 : i32, i32
  }
  func.func @transform_13(%arg0: i32) -> (i32, i32) {
    %c0_i32 = arith.constant 0 : i32
    %c0_i32_0 = arith.constant 0 : i32
    return %arg0, %c0_i32 : i32, i32
  }
}

module attributes {stable_mosaic.version = 14 : i64} {
  func.func @_main_body(%arg0: i32, %arg1: memref<256x256xbf16, #tpu.memory_space<vmem>>, %arg2: memref<256x256xf32, #tpu.memory_space<vmem>>, %arg3: memref<256x128xf32, #tpu.memory_space<vmem>>, %arg4: memref<4096x384xf32, #tpu.memory_space<vmem>>, %arg5: memref<128x256xbf16, #tpu.memory_space<vmem>>, %arg6: memref<1x256xf32, #tpu.memory_space<vmem>>, %arg7: memref<256x512xbf16, #tpu.memory_space<vmem>>, %arg8: memref<1x256xf32, #tpu.memory_space<vmem>>, %arg9: memref<256x256xf32, #tpu.memory_space<vmem>>, %arg10: memref<1x256xf32, #tpu.memory_space<vmem>>, %arg11: memref<1x256xf32, #tpu.memory_space<vmem>>, %arg12: memref<256x256xf32, #tpu.memory_space<vmem>>, %arg13: memref<1x256xf32, #tpu.memory_space<vmem>>, %arg14: memref<256x256xf32, #tpu.memory_space<vmem>>) attributes {dimension_semantics = [#tpu.dimension_semantics<arbitrary>], iteration_bounds = array<i64: 4>, scalar_prefetch = 0 : i64, scratch_operands = 0 : i64, tpu.core_type = #tpu.core_type<tc>, window_params = [{pipeline_mode = #tpu.pipeline_mode<synchronous>, transform_indices = @transform_0, window_bounds = array<i64: 256, 256>}, {transform_indices = @transform_1, window_bounds = array<i64: 256, 256>}, {transform_indices = @transform_2, window_bounds = array<i64: 256, 128>}, {transform_indices = @transform_3, window_bounds = array<i64: 4096, 384>}, {pipeline_mode = #tpu.pipeline_mode<synchronous>, transform_indices = @transform_4, window_bounds = array<i64: 128, 256>}, {pipeline_mode = #tpu.pipeline_mode<synchronous>, transform_indices = @transform_5, window_bounds = array<i64: 1, 256>}, {pipeline_mode = #tpu.pipeline_mode<synchronous>, transform_indices = @transform_6, window_bounds = array<i64: 256, 512>}, {pipeline_mode = #tpu.pipeline_mode<synchronous>, transform_indices = @transform_7, window_bounds = array<i64: 1, 256>}, {pipeline_mode = #tpu.pipeline_mode<synchronous>, transform_indices = @transform_8, window_bounds = array<i64: 256, 256>}, {pipeline_mode = #tpu.pipeline_mode<synchronous>, transform_indices = @transform_9, window_bounds = array<i64: 1, 256>}, {pipeline_mode = #tpu.pipeline_mode<synchronous>, transform_indices = @transform_10, window_bounds = array<i64: 1, 256>}, {pipeline_mode = #tpu.pipeline_mode<synchronous>, transform_indices = @transform_11, window_bounds = array<i64: 256, 256>}, {pipeline_mode = #tpu.pipeline_mode<synchronous>, transform_indices = @transform_12, window_bounds = array<i64: 1, 256>}, {transform_indices = @transform_13, window_bounds = array<i64: 256, 256>}]} {
    %get3A = arith.constant 0 : index
    %get3A_0 = arith.constant 0 : index
    %get3A_1 = vector.load %arg4[%get3A, %get3A_0] : memref<4096x384xf32, #tpu.memory_space<vmem>>, vector<4096x384xf32>
    %slice3A = vector.extract_strided_slice %get3A_1 {offsets = [0, 0], sizes = [4096, 128], strides = [1, 1]} : vector<4096x384xf32> to vector<4096x128xf32>
    %bitcast_convert_type3A = tpu.bitcast %slice3A : vector<4096x128xf32> -> vector<4096x128xi32>
    %and3A = arith.constant -65536 : i32
    %and3A_2 = vector.broadcast %and3A : i32 to vector<4096x128xi32>
    %and3A_3 = arith.andi %bitcast_convert_type3A, %and3A_2 : vector<4096x128xi32>
    %bitcast_convert_type3A_4 = tpu.bitcast %and3A_3 : vector<4096x128xi32> -> vector<4096x128xf32>
    %shift_left3A = arith.constant 16 : i32
    %shift_left3A_5 = vector.broadcast %shift_left3A : i32 to vector<4096x128xi32>
    %shift_left3A_6 = arith.shli %bitcast_convert_type3A, %shift_left3A_5 : vector<4096x128xi32>
    %bitcast_convert_type3A_7 = tpu.bitcast %shift_left3A_6 : vector<4096x128xi32> -> vector<4096x128xf32>
    %concatenate3A = tpu.concatenate %bitcast_convert_type3A_4, %bitcast_convert_type3A_7 in 1 : vector<4096x128xf32>, vector<4096x128xf32> -> vector<4096x256xf32>
    %slice3A_8 = vector.extract_strided_slice %get3A_1 {offsets = [0, 128], sizes = [4096, 128], strides = [1, 1]} : vector<4096x384xf32> to vector<4096x128xf32>
    %bitcast_convert_type3A_9 = tpu.bitcast %slice3A_8 : vector<4096x128xf32> -> vector<4096x128xi32>
    %and3A_10 = arith.constant -65536 : i32
    %and3A_11 = vector.broadcast %and3A_10 : i32 to vector<4096x128xi32>
    %and3A_12 = arith.andi %bitcast_convert_type3A_9, %and3A_11 : vector<4096x128xi32>
    %bitcast_convert_type3A_13 = tpu.bitcast %and3A_12 : vector<4096x128xi32> -> vector<4096x128xf32>
    %shift_left3A_14 = arith.constant 16 : i32
    %shift_left3A_15 = vector.broadcast %shift_left3A_14 : i32 to vector<4096x128xi32>
    %shift_left3A_16 = arith.shli %bitcast_convert_type3A_9, %shift_left3A_15 : vector<4096x128xi32>
    %bitcast_convert_type3A_17 = tpu.bitcast %shift_left3A_16 : vector<4096x128xi32> -> vector<4096x128xf32>
    %concatenate3A_18 = tpu.concatenate %bitcast_convert_type3A_13, %bitcast_convert_type3A_17 in 1 : vector<4096x128xf32>, vector<4096x128xf32> -> vector<4096x256xf32>
    %slice3A_19 = vector.extract_strided_slice %get3A_1 {offsets = [0, 256], sizes = [4096, 128], strides = [1, 1]} : vector<4096x384xf32> to vector<4096x128xf32>
    %get3A_20 = arith.constant 0 : index
    %get3A_21 = arith.constant 0 : index
    %get3A_22 = vector.load %arg3[%get3A_20, %get3A_21] : memref<256x128xf32, #tpu.memory_space<vmem>>, vector<256x128xf32>
    %get3A_23 = arith.constant 0 : index
    %get3A_24 = arith.constant 0 : index
    %get3A_25 = vector.load %arg2[%get3A_23, %get3A_24] : memref<256x256xf32, #tpu.memory_space<vmem>>, vector<256x256xf32>
    %convert_element_type3A = arith.truncf %get3A_25 : vector<256x256xf32> to vector<256x256xbf16>
    %get3A_26 = arith.constant 0 : index
    %get3A_27 = arith.constant 0 : index
    %get3A_28 = vector.load %arg1[%get3A_26, %get3A_27] : memref<256x256xbf16, #tpu.memory_space<vmem>>, vector<256x256xbf16>
    %dot_general3A = arith.constant dense<0.000000e+00> : vector<256x256xf32>
    %dot_general3A_29 = tpu.matmul %convert_element_type3A, %get3A_28, %dot_general3A {dimension_numbers = #tpu.dot_dimension_numbers<[1], [0], [0], [1], [0, 0, 1, 1], [], []>, transpose_lhs_hint = false} : vector<256x256xbf16>, vector<256x256xbf16>, vector<256x256xf32> -> vector<256x256xf32>
    %reshape3A = vector.shape_cast %get3A_22 : vector<256x128xf32> to vector<256x1x128xf32>
    %broadcast_in_dim3A = vector.shape_cast %reshape3A : vector<256x1x128xf32> to vector<256x1x128xf32>
    %broadcast_in_dim3A_30 = vector.broadcast %broadcast_in_dim3A : vector<256x1x128xf32> to vector<256x16x128xf32>
    %reshape3A_31 = vector.shape_cast %broadcast_in_dim3A_30 : vector<256x16x128xf32> to vector<4096x128xf32>
    %sub3A = arith.subf %reshape3A_31, %slice3A_19 : vector<4096x128xf32>
    %convert_element_type3A_32 = arith.truncf %sub3A : vector<4096x128xf32> to vector<4096x128xbf16>
    %get3A_33 = arith.constant 0 : index
    %get3A_34 = arith.constant 0 : index
    %get3A_35 = vector.load %arg5[%get3A_33, %get3A_34] : memref<128x256xbf16, #tpu.memory_space<vmem>>, vector<128x256xbf16>
    %dot_general3A_36 = arith.constant dense<0.000000e+00> : vector<4096x256xf32>
    %dot_general3A_37 = tpu.matmul %convert_element_type3A_32, %get3A_35, %dot_general3A_36 {dimension_numbers = #tpu.dot_dimension_numbers<[1], [0], [0], [1], [0, 0, 1, 1], [], []>, transpose_lhs_hint = false} : vector<4096x128xbf16>, vector<128x256xbf16>, vector<4096x256xf32> -> vector<4096x256xf32>
    %get3A_38 = arith.constant 0 : index
    %get3A_39 = arith.constant 0 : index
    %get3A_40 = vector.load %arg6[%get3A_38, %get3A_39] : memref<1x256xf32, #tpu.memory_space<vmem>>, vector<1x256xf32>
    %add3A = vector.broadcast %get3A_40 : vector<1x256xf32> to vector<4096x256xf32>
    %add3A_41 = arith.addf %dot_general3A_37, %add3A : vector<4096x256xf32>
    %max3A = arith.constant 0.000000e+00 : f32
    %max3A_42 = vector.broadcast %max3A : f32 to vector<4096x256xf32>
    %max3A_43 = arith.maximumf %add3A_41, %max3A_42 : vector<4096x256xf32>
    %convert_element_type3A_44 = arith.truncf %max3A_43 : vector<4096x256xf32> to vector<4096x256xbf16>
    %get3A_45 = arith.constant 0 : index
    %get3A_46 = arith.constant 0 : index
    %get3A_47 = vector.load %arg7[%get3A_45, %get3A_46] : memref<256x512xbf16, #tpu.memory_space<vmem>>, vector<256x512xbf16>
    %dot_general3A_48 = arith.constant dense<0.000000e+00> : vector<4096x512xf32>
    %dot_general3A_49 = tpu.matmul %convert_element_type3A_44, %get3A_47, %dot_general3A_48 {dimension_numbers = #tpu.dot_dimension_numbers<[1], [0], [0], [1], [0, 0, 1, 1], [], []>, transpose_lhs_hint = false} : vector<4096x256xbf16>, vector<256x512xbf16>, vector<4096x512xf32> -> vector<4096x512xf32>
    %reshape3A_50 = vector.shape_cast %dot_general3A_29 : vector<256x256xf32> to vector<256x1x256xf32>
    %broadcast_in_dim3A_51 = vector.shape_cast %reshape3A_50 : vector<256x1x256xf32> to vector<256x1x256xf32>
    %broadcast_in_dim3A_52 = vector.broadcast %broadcast_in_dim3A_51 : vector<256x1x256xf32> to vector<256x16x256xf32>
    %reshape3A_53 = vector.shape_cast %broadcast_in_dim3A_52 : vector<256x16x256xf32> to vector<4096x256xf32>
    %sub3A_54 = arith.subf %reshape3A_53, %concatenate3A : vector<4096x256xf32>
    %slice3A_55 = vector.extract_strided_slice %dot_general3A_49 {offsets = [0, 0], sizes = [4096, 256], strides = [1, 1]} : vector<4096x512xf32> to vector<4096x256xf32>
    %add3A_56 = arith.addf %sub3A_54, %slice3A_55 : vector<4096x256xf32>
    %get3A_57 = arith.constant 0 : index
    %get3A_58 = arith.constant 0 : index
    %get3A_59 = vector.load %arg8[%get3A_57, %get3A_58] : memref<1x256xf32, #tpu.memory_space<vmem>>, vector<1x256xf32>
    %add3A_60 = vector.broadcast %get3A_59 : vector<1x256xf32> to vector<4096x256xf32>
    %add3A_61 = arith.addf %add3A_56, %add3A_60 : vector<4096x256xf32>
    %get3A_62 = arith.constant 0 : index
    %get3A_63 = arith.constant 0 : index
    %get3A_64 = vector.load %arg9[%get3A_62, %get3A_63] : memref<256x256xf32, #tpu.memory_space<vmem>>, vector<256x256xf32>
    %mul3A = arith.constant 6.250000e-02 : f32
    %mul3A_65 = vector.broadcast %mul3A : f32 to vector<256x256xf32>
    %mul3A_66 = arith.mulf %get3A_64, %mul3A_65 : vector<256x256xf32>
    %convert_element_type3A_67 = arith.truncf %mul3A_66 : vector<256x256xf32> to vector<256x256xbf16>
    %max3A_68 = arith.constant 0.000000e+00 : f32
    %max3A_69 = vector.broadcast %max3A_68 : f32 to vector<4096x256xf32>
    %max3A_70 = arith.maximumf %add3A_61, %max3A_69 : vector<4096x256xf32>
    %convert_element_type3A_71 = arith.truncf %max3A_70 : vector<4096x256xf32> to vector<4096x256xbf16>
    %dot_general3A_72 = arith.constant dense<0.000000e+00> : vector<4096x256xf32>
    %dot_general3A_73 = tpu.matmul %convert_element_type3A_71, %convert_element_type3A_67, %dot_general3A_72 {dimension_numbers = #tpu.dot_dimension_numbers<[1], [0], [0], [1], [0, 0, 1, 1], [], []>, transpose_lhs_hint = false} : vector<4096x256xbf16>, vector<256x256xbf16>, vector<4096x256xf32> -> vector<4096x256xf32>
    %get3A_74 = arith.constant 0 : index
    %get3A_75 = arith.constant 0 : index
    %get3A_76 = vector.load %arg10[%get3A_74, %get3A_75] : memref<1x256xf32, #tpu.memory_space<vmem>>, vector<1x256xf32>
    %mul3A_77 = arith.constant 6.250000e-02 : f32
    %mul3A_78 = vector.broadcast %mul3A_77 : f32 to vector<1x256xf32>
    %mul3A_79 = arith.mulf %get3A_76, %mul3A_78 : vector<1x256xf32>
    %add3A_80 = vector.broadcast %mul3A_79 : vector<1x256xf32> to vector<4096x256xf32>
    %add3A_81 = arith.addf %dot_general3A_73, %add3A_80 : vector<4096x256xf32>
    %exp3A = math.exp %add3A_81 : vector<4096x256xf32>
    %slice3A_82 = vector.extract_strided_slice %dot_general3A_49 {offsets = [0, 256], sizes = [4096, 256], strides = [1, 1]} : vector<4096x512xf32> to vector<4096x256xf32>
    %add3A_83 = arith.addf %concatenate3A_18, %slice3A_82 : vector<4096x256xf32>
    %get3A_84 = arith.constant 0 : index
    %get3A_85 = arith.constant 0 : index
    %get3A_86 = vector.load %arg11[%get3A_84, %get3A_85] : memref<1x256xf32, #tpu.memory_space<vmem>>, vector<1x256xf32>
    %add3A_87 = vector.broadcast %get3A_86 : vector<1x256xf32> to vector<4096x256xf32>
    %add3A_88 = arith.addf %add3A_83, %add3A_87 : vector<4096x256xf32>
    %mul3A_89 = arith.mulf %exp3A, %add3A_88 : vector<4096x256xf32>
    %reshape3A_90 = vector.shape_cast %mul3A_89 : vector<4096x256xf32> to vector<256x16x256xf32>
    %reshape3A_91 = vector.shape_cast %exp3A : vector<4096x256xf32> to vector<256x16x256xf32>
    %reduce_sum3A = arith.constant dense<0.000000e+00> : vector<256x256xf32>
    %reduce_sum3A_92 = vector.multi_reduction <add>, %reshape3A_90, %reduce_sum3A [1] : vector<256x16x256xf32> to vector<256x256xf32>
    %reduce_sum3A_93 = arith.constant dense<0.000000e+00> : vector<256x256xf32>
    %reduce_sum3A_94 = vector.multi_reduction <add>, %reshape3A_91, %reduce_sum3A_93 [1] : vector<256x16x256xf32> to vector<256x256xf32>
    %div3A = arith.divf %reduce_sum3A_92, %reduce_sum3A_94 : vector<256x256xf32>
    %convert_element_type3A_95 = arith.truncf %div3A : vector<256x256xf32> to vector<256x256xbf16>
    %get3A_96 = arith.constant 0 : index
    %get3A_97 = arith.constant 0 : index
    %get3A_98 = vector.load %arg12[%get3A_96, %get3A_97] : memref<256x256xf32, #tpu.memory_space<vmem>>, vector<256x256xf32>
    %convert_element_type3A_99 = arith.truncf %get3A_98 : vector<256x256xf32> to vector<256x256xbf16>
    %dot_general3A_100 = arith.constant dense<0.000000e+00> : vector<256x256xf32>
    %dot_general3A_101 = tpu.matmul %convert_element_type3A_95, %convert_element_type3A_99, %dot_general3A_100 {dimension_numbers = #tpu.dot_dimension_numbers<[1], [0], [0], [1], [0, 0, 1, 1], [], []>, transpose_lhs_hint = false} : vector<256x256xbf16>, vector<256x256xbf16>, vector<256x256xf32> -> vector<256x256xf32>
    %get3A_102 = arith.constant 0 : index
    %get3A_103 = arith.constant 0 : index
    %get3A_104 = vector.load %arg13[%get3A_102, %get3A_103] : memref<1x256xf32, #tpu.memory_space<vmem>>, vector<1x256xf32>
    %add3A_105 = vector.broadcast %get3A_104 : vector<1x256xf32> to vector<256x256xf32>
    %add3A_106 = arith.addf %dot_general3A_101, %add3A_105 : vector<256x256xf32>
    %get3A_107 = arith.constant 0 : index
    %get3A_108 = arith.constant 0 : index
    %get3A_109 = vector.load %arg2[%get3A_107, %get3A_108] : memref<256x256xf32, #tpu.memory_space<vmem>>, vector<256x256xf32>
    %add3A_110 = arith.addf %add3A_106, %get3A_109 : vector<256x256xf32>
    %swap3A = arith.constant 0 : index
    %swap3A_111 = arith.constant 0 : index
    %swap3A_112 = vector.load %arg14[%swap3A, %swap3A_111] : memref<256x256xf32, #tpu.memory_space<vmem>>, vector<256x256xf32>
    tpu.vector_store %arg14[%swap3A, %swap3A_111], %add3A_110 {strides = array<i32>} : memref<256x256xf32, #tpu.memory_space<vmem>>, vector<256x256xf32>,
    return
  }
  func.func @transform_0(%arg0: i32) -> (i32, i32) {
    %c0_i32 = arith.constant 0 : i32
    %c0_i32_0 = arith.constant 0 : i32
    %c0_i32_1 = arith.constant 0 : i32
    return %c0_i32, %c0_i32_0 : i32, i32
  }
  func.func @transform_1(%arg0: i32) -> (i32, i32) {
    %add3A = arith.constant 4 : i32
    %add3A_0 = arith.addi %arg0, %add3A : i32
    %c0_i32 = arith.constant 0 : i32
    %c0_i32_1 = arith.constant 0 : i32
    return %add3A_0, %c0_i32 : i32, i32
  }
  func.func @transform_2(%arg0: i32) -> (i32, i32) {
    %add3A = arith.constant 4 : i32
    %add3A_0 = arith.addi %arg0, %add3A : i32
    %c0_i32 = arith.constant 0 : i32
    %c0_i32_1 = arith.constant 0 : i32
    return %add3A_0, %c0_i32 : i32, i32
  }
  func.func @transform_3(%arg0: i32) -> (i32, i32) {
    %c0_i32 = arith.constant 0 : i32
    %c0_i32_0 = arith.constant 0 : i32
    return %arg0, %c0_i32 : i32, i32
  }
  func.func @transform_4(%arg0: i32) -> (i32, i32) {
    %c0_i32 = arith.constant 0 : i32
    %c0_i32_0 = arith.constant 0 : i32
    %c0_i32_1 = arith.constant 0 : i32
    return %c0_i32, %c0_i32_0 : i32, i32
  }
  func.func @transform_5(%arg0: i32) -> (i32, i32) {
    %c0_i32 = arith.constant 0 : i32
    %c0_i32_0 = arith.constant 0 : i32
    %c0_i32_1 = arith.constant 0 : i32
    return %c0_i32, %c0_i32_0 : i32, i32
  }
  func.func @transform_6(%arg0: i32) -> (i32, i32) {
    %c0_i32 = arith.constant 0 : i32
    %c0_i32_0 = arith.constant 0 : i32
    %c0_i32_1 = arith.constant 0 : i32
    return %c0_i32, %c0_i32_0 : i32, i32
  }
  func.func @transform_7(%arg0: i32) -> (i32, i32) {
    %c0_i32 = arith.constant 0 : i32
    %c0_i32_0 = arith.constant 0 : i32
    %c0_i32_1 = arith.constant 0 : i32
    return %c0_i32, %c0_i32_0 : i32, i32
  }
  func.func @transform_8(%arg0: i32) -> (i32, i32) {
    %c0_i32 = arith.constant 0 : i32
    %c0_i32_0 = arith.constant 0 : i32
    %c0_i32_1 = arith.constant 0 : i32
    return %c0_i32, %c0_i32_0 : i32, i32
  }
  func.func @transform_9(%arg0: i32) -> (i32, i32) {
    %c0_i32 = arith.constant 0 : i32
    %c0_i32_0 = arith.constant 0 : i32
    %c0_i32_1 = arith.constant 0 : i32
    return %c0_i32, %c0_i32_0 : i32, i32
  }
  func.func @transform_10(%arg0: i32) -> (i32, i32) {
    %c0_i32 = arith.constant 0 : i32
    %c0_i32_0 = arith.constant 0 : i32
    %c0_i32_1 = arith.constant 0 : i32
    return %c0_i32, %c0_i32_0 : i32, i32
  }
  func.func @transform_11(%arg0: i32) -> (i32, i32) {
    %c0_i32 = arith.constant 0 : i32
    %c0_i32_0 = arith.constant 0 : i32
    %c0_i32_1 = arith.constant 0 : i32
    return %c0_i32, %c0_i32_0 : i32, i32
  }
  func.func @transform_12(%arg0: i32) -> (i32, i32) {
    %c0_i32 = arith.constant 0 : i32
    %c0_i32_0 = arith.constant 0 : i32
    %c0_i32_1 = arith.constant 0 : i32
    return %c0_i32, %c0_i32_0 : i32, i32
  }
  func.func @transform_13(%arg0: i32) -> (i32, i32) {
    %c0_i32 = arith.constant 0 : i32
    %c0_i32_0 = arith.constant 0 : i32
    return %arg0, %c0_i32 : i32, i32
  }
}

module attributes {stable_mosaic.version = 14 : i64} {
  func.func @_main_body(%arg0: i32, %arg1: memref<256x256xbf16, #tpu.memory_space<vmem>>, %arg2: memref<256x256xf32, #tpu.memory_space<vmem>>, %arg3: memref<256x128xf32, #tpu.memory_space<vmem>>, %arg4: memref<4096x384xf32, #tpu.memory_space<vmem>>, %arg5: memref<128x256xbf16, #tpu.memory_space<vmem>>, %arg6: memref<1x256xf32, #tpu.memory_space<vmem>>, %arg7: memref<256x512xbf16, #tpu.memory_space<vmem>>, %arg8: memref<1x256xf32, #tpu.memory_space<vmem>>, %arg9: memref<256x256xf32, #tpu.memory_space<vmem>>, %arg10: memref<1x256xf32, #tpu.memory_space<vmem>>, %arg11: memref<1x256xf32, #tpu.memory_space<vmem>>, %arg12: memref<256x256xf32, #tpu.memory_space<vmem>>, %arg13: memref<1x256xf32, #tpu.memory_space<vmem>>, %arg14: memref<256x256xf32, #tpu.memory_space<vmem>>) attributes {dimension_semantics = [#tpu.dimension_semantics<arbitrary>], iteration_bounds = array<i64: 4>, scalar_prefetch = 0 : i64, scratch_operands = 0 : i64, tpu.core_type = #tpu.core_type<tc>, window_params = [{pipeline_mode = #tpu.pipeline_mode<synchronous>, transform_indices = @transform_0, window_bounds = array<i64: 256, 256>}, {transform_indices = @transform_1, window_bounds = array<i64: 256, 256>}, {transform_indices = @transform_2, window_bounds = array<i64: 256, 128>}, {transform_indices = @transform_3, window_bounds = array<i64: 4096, 384>}, {pipeline_mode = #tpu.pipeline_mode<synchronous>, transform_indices = @transform_4, window_bounds = array<i64: 128, 256>}, {pipeline_mode = #tpu.pipeline_mode<synchronous>, transform_indices = @transform_5, window_bounds = array<i64: 1, 256>}, {pipeline_mode = #tpu.pipeline_mode<synchronous>, transform_indices = @transform_6, window_bounds = array<i64: 256, 512>}, {pipeline_mode = #tpu.pipeline_mode<synchronous>, transform_indices = @transform_7, window_bounds = array<i64: 1, 256>}, {pipeline_mode = #tpu.pipeline_mode<synchronous>, transform_indices = @transform_8, window_bounds = array<i64: 256, 256>}, {pipeline_mode = #tpu.pipeline_mode<synchronous>, transform_indices = @transform_9, window_bounds = array<i64: 1, 256>}, {pipeline_mode = #tpu.pipeline_mode<synchronous>, transform_indices = @transform_10, window_bounds = array<i64: 1, 256>}, {pipeline_mode = #tpu.pipeline_mode<synchronous>, transform_indices = @transform_11, window_bounds = array<i64: 256, 256>}, {pipeline_mode = #tpu.pipeline_mode<synchronous>, transform_indices = @transform_12, window_bounds = array<i64: 1, 256>}, {transform_indices = @transform_13, window_bounds = array<i64: 256, 256>}]} {
    %get3A = arith.constant 0 : index
    %get3A_0 = arith.constant 0 : index
    %get3A_1 = vector.load %arg4[%get3A, %get3A_0] : memref<4096x384xf32, #tpu.memory_space<vmem>>, vector<4096x384xf32>
    %slice3A = vector.extract_strided_slice %get3A_1 {offsets = [0, 0], sizes = [4096, 128], strides = [1, 1]} : vector<4096x384xf32> to vector<4096x128xf32>
    %bitcast_convert_type3A = tpu.bitcast %slice3A : vector<4096x128xf32> -> vector<4096x128xi32>
    %and3A = arith.constant -65536 : i32
    %and3A_2 = vector.broadcast %and3A : i32 to vector<4096x128xi32>
    %and3A_3 = arith.andi %bitcast_convert_type3A, %and3A_2 : vector<4096x128xi32>
    %bitcast_convert_type3A_4 = tpu.bitcast %and3A_3 : vector<4096x128xi32> -> vector<4096x128xf32>
    %shift_left3A = arith.constant 16 : i32
    %shift_left3A_5 = vector.broadcast %shift_left3A : i32 to vector<4096x128xi32>
    %shift_left3A_6 = arith.shli %bitcast_convert_type3A, %shift_left3A_5 : vector<4096x128xi32>
    %bitcast_convert_type3A_7 = tpu.bitcast %shift_left3A_6 : vector<4096x128xi32> -> vector<4096x128xf32>
    %concatenate3A = tpu.concatenate %bitcast_convert_type3A_4, %bitcast_convert_type3A_7 in 1 : vector<4096x128xf32>, vector<4096x128xf32> -> vector<4096x256xf32>
    %slice3A_8 = vector.extract_strided_slice %get3A_1 {offsets = [0, 128], sizes = [4096, 128], strides = [1, 1]} : vector<4096x384xf32> to vector<4096x128xf32>
    %bitcast_convert_type3A_9 = tpu.bitcast %slice3A_8 : vector<4096x128xf32> -> vector<4096x128xi32>
    %and3A_10 = arith.constant -65536 : i32
    %and3A_11 = vector.broadcast %and3A_10 : i32 to vector<4096x128xi32>
    %and3A_12 = arith.andi %bitcast_convert_type3A_9, %and3A_11 : vector<4096x128xi32>
    %bitcast_convert_type3A_13 = tpu.bitcast %and3A_12 : vector<4096x128xi32> -> vector<4096x128xf32>
    %shift_left3A_14 = arith.constant 16 : i32
    %shift_left3A_15 = vector.broadcast %shift_left3A_14 : i32 to vector<4096x128xi32>
    %shift_left3A_16 = arith.shli %bitcast_convert_type3A_9, %shift_left3A_15 : vector<4096x128xi32>
    %bitcast_convert_type3A_17 = tpu.bitcast %shift_left3A_16 : vector<4096x128xi32> -> vector<4096x128xf32>
    %concatenate3A_18 = tpu.concatenate %bitcast_convert_type3A_13, %bitcast_convert_type3A_17 in 1 : vector<4096x128xf32>, vector<4096x128xf32> -> vector<4096x256xf32>
    %slice3A_19 = vector.extract_strided_slice %get3A_1 {offsets = [0, 256], sizes = [4096, 128], strides = [1, 1]} : vector<4096x384xf32> to vector<4096x128xf32>
    %get3A_20 = arith.constant 0 : index
    %get3A_21 = arith.constant 0 : index
    %get3A_22 = vector.load %arg3[%get3A_20, %get3A_21] : memref<256x128xf32, #tpu.memory_space<vmem>>, vector<256x128xf32>
    %get3A_23 = arith.constant 0 : index
    %get3A_24 = arith.constant 0 : index
    %get3A_25 = vector.load %arg2[%get3A_23, %get3A_24] : memref<256x256xf32, #tpu.memory_space<vmem>>, vector<256x256xf32>
    %convert_element_type3A = arith.truncf %get3A_25 : vector<256x256xf32> to vector<256x256xbf16>
    %get3A_26 = arith.constant 0 : index
    %get3A_27 = arith.constant 0 : index
    %get3A_28 = vector.load %arg1[%get3A_26, %get3A_27] : memref<256x256xbf16, #tpu.memory_space<vmem>>, vector<256x256xbf16>
    %dot_general3A = arith.constant dense<0.000000e+00> : vector<256x256xf32>
    %dot_general3A_29 = tpu.matmul %convert_element_type3A, %get3A_28, %dot_general3A {dimension_numbers = #tpu.dot_dimension_numbers<[1], [0], [0], [1], [0, 0, 1, 1], [], []>, transpose_lhs_hint = false} : vector<256x256xbf16>, vector<256x256xbf16>, vector<256x256xf32> -> vector<256x256xf32>
    %reshape3A = vector.shape_cast %get3A_22 : vector<256x128xf32> to vector<256x1x128xf32>
    %broadcast_in_dim3A = vector.shape_cast %reshape3A : vector<256x1x128xf32> to vector<256x1x128xf32>
    %broadcast_in_dim3A_30 = vector.broadcast %broadcast_in_dim3A : vector<256x1x128xf32> to vector<256x16x128xf32>
    %reshape3A_31 = vector.shape_cast %broadcast_in_dim3A_30 : vector<256x16x128xf32> to vector<4096x128xf32>
    %sub3A = arith.subf %reshape3A_31, %slice3A_19 : vector<4096x128xf32>
    %convert_element_type3A_32 = arith.truncf %sub3A : vector<4096x128xf32> to vector<4096x128xbf16>
    %get3A_33 = arith.constant 0 : index
    %get3A_34 = arith.constant 0 : index
    %get3A_35 = vector.load %arg5[%get3A_33, %get3A_34] : memref<128x256xbf16, #tpu.memory_space<vmem>>, vector<128x256xbf16>
    %dot_general3A_36 = arith.constant dense<0.000000e+00> : vector<4096x256xf32>
    %dot_general3A_37 = tpu.matmul %convert_element_type3A_32, %get3A_35, %dot_general3A_36 {dimension_numbers = #tpu.dot_dimension_numbers<[1], [0], [0], [1], [0, 0, 1, 1], [], []>, transpose_lhs_hint = false} : vector<4096x128xbf16>, vector<128x256xbf16>, vector<4096x256xf32> -> vector<4096x256xf32>
    %get3A_38 = arith.constant 0 : index
    %get3A_39 = arith.constant 0 : index
    %get3A_40 = vector.load %arg6[%get3A_38, %get3A_39] : memref<1x256xf32, #tpu.memory_space<vmem>>, vector<1x256xf32>
    %add3A = vector.broadcast %get3A_40 : vector<1x256xf32> to vector<4096x256xf32>
    %add3A_41 = arith.addf %dot_general3A_37, %add3A : vector<4096x256xf32>
    %max3A = arith.constant 0.000000e+00 : f32
    %max3A_42 = vector.broadcast %max3A : f32 to vector<4096x256xf32>
    %max3A_43 = arith.maximumf %add3A_41, %max3A_42 : vector<4096x256xf32>
    %convert_element_type3A_44 = arith.truncf %max3A_43 : vector<4096x256xf32> to vector<4096x256xbf16>
    %get3A_45 = arith.constant 0 : index
    %get3A_46 = arith.constant 0 : index
    %get3A_47 = vector.load %arg7[%get3A_45, %get3A_46] : memref<256x512xbf16, #tpu.memory_space<vmem>>, vector<256x512xbf16>
    %dot_general3A_48 = arith.constant dense<0.000000e+00> : vector<4096x512xf32>
    %dot_general3A_49 = tpu.matmul %convert_element_type3A_44, %get3A_47, %dot_general3A_48 {dimension_numbers = #tpu.dot_dimension_numbers<[1], [0], [0], [1], [0, 0, 1, 1], [], []>, transpose_lhs_hint = false} : vector<4096x256xbf16>, vector<256x512xbf16>, vector<4096x512xf32> -> vector<4096x512xf32>
    %reshape3A_50 = vector.shape_cast %dot_general3A_29 : vector<256x256xf32> to vector<256x1x256xf32>
    %broadcast_in_dim3A_51 = vector.shape_cast %reshape3A_50 : vector<256x1x256xf32> to vector<256x1x256xf32>
    %broadcast_in_dim3A_52 = vector.broadcast %broadcast_in_dim3A_51 : vector<256x1x256xf32> to vector<256x16x256xf32>
    %reshape3A_53 = vector.shape_cast %broadcast_in_dim3A_52 : vector<256x16x256xf32> to vector<4096x256xf32>
    %sub3A_54 = arith.subf %reshape3A_53, %concatenate3A : vector<4096x256xf32>
    %slice3A_55 = vector.extract_strided_slice %dot_general3A_49 {offsets = [0, 0], sizes = [4096, 256], strides = [1, 1]} : vector<4096x512xf32> to vector<4096x256xf32>
    %add3A_56 = arith.addf %sub3A_54, %slice3A_55 : vector<4096x256xf32>
    %get3A_57 = arith.constant 0 : index
    %get3A_58 = arith.constant 0 : index
    %get3A_59 = vector.load %arg8[%get3A_57, %get3A_58] : memref<1x256xf32, #tpu.memory_space<vmem>>, vector<1x256xf32>
    %add3A_60 = vector.broadcast %get3A_59 : vector<1x256xf32> to vector<4096x256xf32>
    %add3A_61 = arith.addf %add3A_56, %add3A_60 : vector<4096x256xf32>
    %get3A_62 = arith.constant 0 : index
    %get3A_63 = arith.constant 0 : index
    %get3A_64 = vector.load %arg9[%get3A_62, %get3A_63] : memref<256x256xf32, #tpu.memory_space<vmem>>, vector<256x256xf32>
    %mul3A = arith.constant 6.250000e-02 : f32
    %mul3A_65 = vector.broadcast %mul3A : f32 to vector<256x256xf32>
    %mul3A_66 = arith.mulf %get3A_64, %mul3A_65 : vector<256x256xf32>
    %convert_element_type3A_67 = arith.truncf %mul3A_66 : vector<256x256xf32> to vector<256x256xbf16>
    %max3A_68 = arith.constant 0.000000e+00 : f32
    %max3A_69 = vector.broadcast %max3A_68 : f32 to vector<4096x256xf32>
    %max3A_70 = arith.maximumf %add3A_61, %max3A_69 : vector<4096x256xf32>
    %convert_element_type3A_71 = arith.truncf %max3A_70 : vector<4096x256xf32> to vector<4096x256xbf16>
    %dot_general3A_72 = arith.constant dense<0.000000e+00> : vector<4096x256xf32>
    %dot_general3A_73 = tpu.matmul %convert_element_type3A_71, %convert_element_type3A_67, %dot_general3A_72 {dimension_numbers = #tpu.dot_dimension_numbers<[1], [0], [0], [1], [0, 0, 1, 1], [], []>, transpose_lhs_hint = false} : vector<4096x256xbf16>, vector<256x256xbf16>, vector<4096x256xf32> -> vector<4096x256xf32>
    %get3A_74 = arith.constant 0 : index
    %get3A_75 = arith.constant 0 : index
    %get3A_76 = vector.load %arg10[%get3A_74, %get3A_75] : memref<1x256xf32, #tpu.memory_space<vmem>>, vector<1x256xf32>
    %mul3A_77 = arith.constant 6.250000e-02 : f32
    %mul3A_78 = vector.broadcast %mul3A_77 : f32 to vector<1x256xf32>
    %mul3A_79 = arith.mulf %get3A_76, %mul3A_78 : vector<1x256xf32>
    %add3A_80 = vector.broadcast %mul3A_79 : vector<1x256xf32> to vector<4096x256xf32>
    %add3A_81 = arith.addf %dot_general3A_73, %add3A_80 : vector<4096x256xf32>
    %exp3A = math.exp %add3A_81 : vector<4096x256xf32>
    %slice3A_82 = vector.extract_strided_slice %dot_general3A_49 {offsets = [0, 256], sizes = [4096, 256], strides = [1, 1]} : vector<4096x512xf32> to vector<4096x256xf32>
    %add3A_83 = arith.addf %concatenate3A_18, %slice3A_82 : vector<4096x256xf32>
    %get3A_84 = arith.constant 0 : index
    %get3A_85 = arith.constant 0 : index
    %get3A_86 = vector.load %arg11[%get3A_84, %get3A_85] : memref<1x256xf32, #tpu.memory_space<vmem>>, vector<1x256xf32>
    %add3A_87 = vector.broadcast %get3A_86 : vector<1x256xf32> to vector<4096x256xf32>
    %add3A_88 = arith.addf %add3A_83, %add3A_87 : vector<4096x256xf32>
    %mul3A_89 = arith.mulf %exp3A, %add3A_88 : vector<4096x256xf32>
    %reshape3A_90 = vector.shape_cast %mul3A_89 : vector<4096x256xf32> to vector<256x16x256xf32>
    %reshape3A_91 = vector.shape_cast %exp3A : vector<4096x256xf32> to vector<256x16x256xf32>
    %reduce_sum3A = arith.constant dense<0.000000e+00> : vector<256x256xf32>
    %reduce_sum3A_92 = vector.multi_reduction <add>, %reshape3A_90, %reduce_sum3A [1] : vector<256x16x256xf32> to vector<256x256xf32>
    %reduce_sum3A_93 = arith.constant dense<0.000000e+00> : vector<256x256xf32>
    %reduce_sum3A_94 = vector.multi_reduction <add>, %reshape3A_91, %reduce_sum3A_93 [1] : vector<256x16x256xf32> to vector<256x256xf32>
    %div3A = arith.divf %reduce_sum3A_92, %reduce_sum3A_94 : vector<256x256xf32>
    %convert_element_type3A_95 = arith.truncf %div3A : vector<256x256xf32> to vector<256x256xbf16>
    %get3A_96 = arith.constant 0 : index
    %get3A_97 = arith.constant 0 : index
    %get3A_98 = vector.load %arg12[%get3A_96, %get3A_97] : memref<256x256xf32, #tpu.memory_space<vmem>>, vector<256x256xf32>
    %convert_element_type3A_99 = arith.truncf %get3A_98 : vector<256x256xf32> to vector<256x256xbf16>
    %dot_general3A_100 = arith.constant dense<0.000000e+00> : vector<256x256xf32>
    %dot_general3A_101 = tpu.matmul %convert_element_type3A_95, %convert_element_type3A_99, %dot_general3A_100 {dimension_numbers = #tpu.dot_dimension_numbers<[1], [0], [0], [1], [0, 0, 1, 1], [], []>, transpose_lhs_hint = false} : vector<256x256xbf16>, vector<256x256xbf16>, vector<256x256xf32> -> vector<256x256xf32>
    %get3A_102 = arith.constant 0 : index
    %get3A_103 = arith.constant 0 : index
    %get3A_104 = vector.load %arg13[%get3A_102, %get3A_103] : memref<1x256xf32, #tpu.memory_space<vmem>>, vector<1x256xf32>
    %add3A_105 = vector.broadcast %get3A_104 : vector<1x256xf32> to vector<256x256xf32>
    %add3A_106 = arith.addf %dot_general3A_101, %add3A_105 : vector<256x256xf32>
    %get3A_107 = arith.constant 0 : index
    %get3A_108 = arith.constant 0 : index
    %get3A_109 = vector.load %arg2[%get3A_107, %get3A_108] : memref<256x256xf32, #tpu.memory_space<vmem>>, vector<256x256xf32>
    %add3A_110 = arith.addf %add3A_106, %get3A_109 : vector<256x256xf32>
    %swap3A = arith.constant 0 : index
    %swap3A_111 = arith.constant 0 : index
    %swap3A_112 = vector.load %arg14[%swap3A, %swap3A_111] : memref<256x256xf32, #tpu.memory_space<vmem>>, vector<256x256xf32>
    tpu.vector_store %arg14[%swap3A, %swap3A_111], %add3A_110 {strides = array<i32>} : memref<256x256xf32, #tpu.memory_space<vmem>>, vector<256x256xf32>,
    return
  }
  func.func @transform_0(%arg0: i32) -> (i32, i32) {
    %c0_i32 = arith.constant 0 : i32
    %c0_i32_0 = arith.constant 0 : i32
    %c0_i32_1 = arith.constant 0 : i32
    return %c0_i32, %c0_i32_0 : i32, i32
  }
  func.func @transform_1(%arg0: i32) -> (i32, i32) {
    %add3A = arith.constant 0 : i32
    %add3A_0 = arith.addi %arg0, %add3A : i32
    %c0_i32 = arith.constant 0 : i32
    %c0_i32_1 = arith.constant 0 : i32
    return %add3A_0, %c0_i32 : i32, i32
  }
  func.func @transform_2(%arg0: i32) -> (i32, i32) {
    %add3A = arith.constant 0 : i32
    %add3A_0 = arith.addi %arg0, %add3A : i32
    %c0_i32 = arith.constant 0 : i32
    %c0_i32_1 = arith.constant 0 : i32
    return %add3A_0, %c0_i32 : i32, i32
  }
  func.func @transform_3(%arg0: i32) -> (i32, i32) {
    %c0_i32 = arith.constant 0 : i32
    %c0_i32_0 = arith.constant 0 : i32
    return %arg0, %c0_i32 : i32, i32
  }
  func.func @transform_4(%arg0: i32) -> (i32, i32) {
    %c0_i32 = arith.constant 0 : i32
    %c0_i32_0 = arith.constant 0 : i32
    %c0_i32_1 = arith.constant 0 : i32
    return %c0_i32, %c0_i32_0 : i32, i32
  }
  func.func @transform_5(%arg0: i32) -> (i32, i32) {
    %c0_i32 = arith.constant 0 : i32
    %c0_i32_0 = arith.constant 0 : i32
    %c0_i32_1 = arith.constant 0 : i32
    return %c0_i32, %c0_i32_0 : i32, i32
  }
  func.func @transform_6(%arg0: i32) -> (i32, i32) {
    %c0_i32 = arith.constant 0 : i32
    %c0_i32_0 = arith.constant 0 : i32
    %c0_i32_1 = arith.constant 0 : i32
    return %c0_i32, %c0_i32_0 : i32, i32
  }
  func.func @transform_7(%arg0: i32) -> (i32, i32) {
    %c0_i32 = arith.constant 0 : i32
    %c0_i32_0 = arith.constant 0 : i32
    %c0_i32_1 = arith.constant 0 : i32
    return %c0_i32, %c0_i32_0 : i32, i32
  }
  func.func @transform_8(%arg0: i32) -> (i32, i32) {
    %c0_i32 = arith.constant 0 : i32
    %c0_i32_0 = arith.constant 0 : i32
    %c0_i32_1 = arith.constant 0 : i32
    return %c0_i32, %c0_i32_0 : i32, i32
  }
  func.func @transform_9(%arg0: i32) -> (i32, i32) {
    %c0_i32 = arith.constant 0 : i32
    %c0_i32_0 = arith.constant 0 : i32
    %c0_i32_1 = arith.constant 0 : i32
    return %c0_i32, %c0_i32_0 : i32, i32
  }
  func.func @transform_10(%arg0: i32) -> (i32, i32) {
    %c0_i32 = arith.constant 0 : i32
    %c0_i32_0 = arith.constant 0 : i32
    %c0_i32_1 = arith.constant 0 : i32
    return %c0_i32, %c0_i32_0 : i32, i32
  }
  func.func @transform_11(%arg0: i32) -> (i32, i32) {
    %c0_i32 = arith.constant 0 : i32
    %c0_i32_0 = arith.constant 0 : i32
    %c0_i32_1 = arith.constant 0 : i32
    return %c0_i32, %c0_i32_0 : i32, i32
  }
  func.func @transform_12(%arg0: i32) -> (i32, i32) {
    %c0_i32 = arith.constant 0 : i32
    %c0_i32_0 = arith.constant 0 : i32
    %c0_i32_1 = arith.constant 0 : i32
    return %c0_i32, %c0_i32_0 : i32, i32
  }
  func.func @transform_13(%arg0: i32) -> (i32, i32) {
    %c0_i32 = arith.constant 0 : i32
    %c0_i32_0 = arith.constant 0 : i32
    return %arg0, %c0_i32 : i32, i32
  }
}

</mosaic_0001>

<sc_bundles>
// kernel: kernel.15.cloned.1.call-start
scs
__scs_entry_jumppad:
0x0: {  	(pc) =	sbr.rel $0x88, $3  }
0x1: {  	(tag) =	ssettag $0x0;
	lr =	simm.s32 $0x1  }
0x2: {  	[smem:$0x3F92] =	sst lr;
	_ =	strace $0xD0000000  }
0x3: {  	_ = 	snop  }
0x4: {  	_ = 	snop  }
0x5: {  	_ = 	snop  }
0x6: {  	_ = 	snop  }
0x7: {  	_ = 	snop  }
__scs_overlays_trampoline_lowered:
0x8: {  	[smem:$0x3FA1] =	sst s0  }
0x9: {  	[smem:$0x3FA2] =	sst s1  }
0xa: {  	[smem:$0x3FA3] =	sst s2  }
0xb: {  	[smem:$0x3FA4] =	sst s3  }
0xc: {  	[smem:$0x3FA5] =	sst s4  }
0xd: {  	[smem:$0x3FA6] =	sst s5  }
0xe: {  	[smem:$0x3FA7] =	sst s6  }
0xf: {  	[smem:$0x3FA8] =	sst s7  }
0x10: {  	[smem:$0x3FA9] =	sst s8  }
0x11: {  	[smem:$0x3FAA] =	sst s9;
	s0 =	simm.s32 @!p0 $0x0  }
0x12: {  	s1 =	sld [smem:$0x3F90];
	s0 =	simm.s32 @p0 $0x1  }
0x13: {  	[smem:$0x3FAB] =	sst s0;
	s0 =	simm.s32 @!p1 $0x0  }
0x14: {  	s2 =	sld [smem:$0x3F8F];
	s0 =	simm.s32 @p1 $0x1  }
0x15: {  	[smem:$0x3FAC] =	sst s0;
	s0 =	simm.s32 @!p2 $0x0  }
0x16: {  	s3 =	sld [smem:$0x3FDB];
	s0 =	simm.s32 @p2 $0x1  }
0x17: {  	s4 =	simm.s32 $0x1BF5;
	[smem:$0x3FAE] =	sst s0  }
0x18: {  	s0 =	sld [smem:$0x3F91];
	_ =	swait.ge [sflag:s4], $0x0  }
0x19: {  	s7 =	sld [smem:$0x3F92]  }
0x1a: {  	s8 =	sadd.s32 $0xFFFFE003, lr  }
0x1b: {  	s9 =	sadd.s32 $0xFFFFFEF7, lr;
	s5 =	simm.s32 $0xFFFFFFFF;
	p2 =	slt.u32 s8, $0xFFFFF086  }
0x1c: {  	p1 =	slt.u32 s9, $0xF7A;
	s5 =	simm.s32 @!p2 $0x0  }
0x1d: {  	s5 =	simm.s32 @p1 $0x1;
	p0 =	seq.s32 s7, s2  }
0x1e: {  	s7 =	smul.u32 @!p0 $0xF7A, s2;
	p2 =	seq.s32 @!p0 s5, $0x0  }
0x1f: {  	s9 =	smul.u32 $0xF7A, s1;
	s8 =	simm.s32 @!p0 $0x1BF5;
	p2 =	por !p2, p0  }
0x20: {  	[sflag:s8] =	ssyncset.s32 @!p0 $0xFFFFF086;
	s6 =	sadd.s32 @!p0 s3, s7;
	s7 =	simm.s32 @!p0 $0x108  }
0x21: {  	s3 =	sadd.s32 s3, s9;
	s6 =	sadd.s32 @!p0 $0x88, s6;
	s7 =	simm.s32 @p2 $0x1082  }
0x22: {  	[simem:s7], [sflag:s8] =	dma.local @!p0 [hbm:s6], $0xF7A  }
0x23: {  	s9 =	sor.u32 $0xD0000000, s2;
	s6 =	simm.s32 $0x108;
	_ =	swait.ge @!p0 [sflag:s8], $0x0  }
0x24: {  	s3 =	sadd.s32 $0x88, s3;
	s6 =	simm.s32 @!p1 $0x1082;
	[sflag:s4] =	ssyncset.s32 $0xFFFFF086  }
0x25: {  	[simem:s6], [sflag:s4] =	dma.local [hbm:s3], $0xF7A  }
0x26: {  	[smem:$0x3F92] =	sst s1;
	(tag) =	ssettag s2;
	_ =	strace s9  }
0x27: {  	s1 =	sld [smem:$0x3FA2]  }
0x28: {  	s2 =	sld [smem:$0x3FA3]  }
0x29: {  	s4 =	sld [smem:$0x3FA5]  }
0x2a: {  	p0 =	seq.s32 s5, $0x0;
	s5 =	sld [smem:$0x3FA6]  }
0x2b: {  	s6 =	sld [smem:$0x3FA7]  }
0x2c: {  	s7 =	sld [smem:$0x3FA8]  }
0x2d: {  	s3 =	simm.s32 $0x108;
	s8 =	sld [smem:$0x3FA9]  }
0x2e: {  	s3 =	simm.s32 @!p0 $0x1082;
	s9 =	sld [smem:$0x3FAA]  }
0x2f: {  	lr =	sadd.s32 s0, s3;
	s0 =	sld [smem:$0x3FA1]  }
0x30: {  	s3 =	sld [smem:$0x3FA4]  }
0x31: {  	[smem:$0x3FAD] =	sst s10  }
0x32: {  	s10 =	sld [smem:$0x3FAB];
	_ =	sdelay $0x3  }
0x33: {  	p0 =	seq.s32 s10, $0x1;
	s10 =	sld [smem:$0x3FAD];
	_ =	sdelay $0x3  }
0x34: {  	[smem:$0x3FAD] =	sst s10  }
0x35: {  	s10 =	sld [smem:$0x3FAC];
	_ =	sdelay $0x3  }
0x36: {  	p1 =	seq.s32 s10, $0x1;
	s10 =	sld [smem:$0x3FAD];
	_ =	sdelay $0x3  }
0x37: {  	[smem:$0x3FAD] =	sst s10  }
0x38: {  	s10 =	sld [smem:$0x3FAE]  }
0x39: {  	_ = 	snop;
	(pc) =	sbr.ind lr, $3  }
0x3a: {  	_ = 	snop  }
0x3b: {  	_ = 	snop  }
0x3c: {  	p2 =	seq.s32 s10, $0x1;
	s10 =	sld [smem:$0x3FAD]  }
0x3d: {  	_ =	shalt  }
0x3e: {  	_ =	shalt  }
0x3f: {  	_ =	shalt  }
0x40: {  	_ =	shalt  }
0x41: {  	_ =	shalt  }
0x42: {  	_ =	shalt  }
0x43: {  	_ =	shalt  }
0x44: {  	_ =	shalt  }
0x45: {  	_ =	shalt  }
0x46: {  	_ =	shalt  }
0x47: {  	_ =	shalt  }
0x48: {  	_ =	shalt  }
0x49: {  	_ =	shalt  }
0x4a: {  	_ =	shalt  }
0x4b: {  	_ =	shalt  }
0x4c: {  	_ =	shalt  }
0x4d: {  	_ =	shalt  }
0x4e: {  	_ =	shalt  }
0x4f: {  	_ =	shalt  }
0x50: {  	_ =	shalt  }
0x51: {  	_ =	shalt  }
0x52: {  	_ =	shalt  }
0x53: {  	_ =	shalt  }
0x54: {  	_ =	shalt  }
0x55: {  	_ =	shalt  }
0x56: {  	_ =	shalt  }
0x57: {  	_ =	shalt  }
0x58: {  	_ =	shalt  }
0x59: {  	_ =	shalt  }
0x5a: {  	_ =	shalt  }
0x5b: {  	_ =	shalt  }
0x5c: {  	_ =	shalt  }
0x5d: {  	_ =	shalt  }
0x5e: {  	_ =	shalt  }
0x5f: {  	_ =	shalt  }
0x60: {  	_ =	shalt  }
0x61: {  	_ =	shalt  }
0x62: {  	_ =	shalt  }
0x63: {  	_ =	shalt  }
0x64: {  	_ =	shalt  }
0x65: {  	_ =	shalt  }
0x66: {  	_ =	shalt  }
0x67: {  	_ =	shalt  }
0x68: {  	_ =	shalt  }
0x69: {  	_ =	shalt  }
0x6a: {  	_ =	shalt  }
0x6b: {  	_ =	shalt  }
0x6c: {  	_ =	shalt  }
0x6d: {  	_ =	shalt  }
0x6e: {  	_ =	shalt  }
0x6f: {  	_ =	shalt  }
0x70: {  	_ =	shalt  }
0x71: {  	_ =	shalt  }
0x72: {  	_ =	shalt  }
0x73: {  	_ =	shalt  }
0x74: {  	_ =	shalt  }
0x75: {  	_ =	shalt  }
0x76: {  	_ =	shalt  }
0x77: {  	_ =	shalt  }
0x78: {  	_ =	shalt  }
0x79: {  	_ =	shalt  }
0x7a: {  	_ =	shalt  }
0x7b: {  	_ =	shalt  }
0x7c: {  	_ =	shalt  }
0x7d: {  	_ =	shalt  }
0x7e: {  	_ =	shalt  }
0x7f: {  	_ =	shalt  }
0x80: {  	_ =	shalt  }
0x81: {  	_ =	shalt  }
0x82: {  	_ =	shalt  }
0x83: {  	_ =	shalt  }
0x84: {  	_ =	shalt  }
0x85: {  	_ =	shalt  }
0x86: {  	_ =	shalt  }
0x87: {  	_ =	shalt  }
.Lfunc_end0:
.L_simem_size_0:
called_computation_lowered:
.L_overlay_start_0:
0x88: {  	s2 =	sld [smem:$0x3FD9]  }
0x89: {  	s3 =	sld [smem:$0x3FFE];
	_ =	sdelay $0x1  }
0x8a: {  	s1 =	srdreg.scid  }
0x8b: {  	s0 =	sand.u32 $0x1, s1  }
0x8c: {  	s17 =	sshll.u32 s0, $0xA;
	s2 =	sadd.s32 s3, s2  }
0x8d: {  	s2 =	sadd.s32 s2, s17  }
0x8e: {  	[smem:$0x3FB9] =	sst s2  }
0x8f: {  	_ = 	snop  }
0x90: {  	(tm) =	ssettm $0x1  }
0x91: {  	s18 =	sld [smem:$0x3FFB];
	_ =	sdelay $0x3  }
0x92: {  	_ =	strace s18  }
0x93: {  	s2 =	sld [smem:$0x3FFC];
	_ =	sdelay $0x3  }
0x94: {  	_ =	strace s2  }
0x95: {  	s2 =	sld [smem:$0x3FFD];
	_ =	sdelay $0x3  }
0x96: {  	_ =	strace s2  }
0x97: {  	_ =	strace $0x8FFFFFFF  }
0x98: {  	s19 =	sld [smem:$0x3FDB];
	_ =	sdelay $0x1  }
0x99: {  	s20 =	simm.s32 $_scs_section_size  }
0x9a: {  	s4 =	simm.s32 $_size__tile_overlayer_lowered;
	s5 =	simm.s32 $_tile_overlayer_lowered  }
0x9b: {  	s6 =	simm.s32 $0x1BFF;
	s21 =	sshll.u32 s5, $0x1;
	s3 =	sadd.s32 s20, s19  }
0x9c: {  	s22 =	simm.s32 $0x0;
	s4 =	sshll.u32 s4, $0x1;
	s5 =	sadd.s32 s21, s3  }
0x9d: {  	[timem:s22], [sflag:s6] =	dma.local [hbm:s5], s4  }
0x9e: {  	_ =	swait.ge [sflag:s6], s4  }
0x9f: {  	s4 =	ssub.s32 $0x0, s4;
	[sflag:s6] =	ssyncset.done $0x0  }
0xa0: {  	[sflag:s6] =	ssyncadd.s32 s4;
	_ =	sdelay $0x1  }
0xa1: {  	s23 =	simm.s32 $0x1B8B  }
0xa2: {  	_ =	swait.ge [sflag:s23], $0x1  }
0xa3: {  	[sflag:s23] =	ssyncset.done $0x0  }
0xa4: {  	[sflag:s23] =	ssyncadd.s32 $0xFFFFFFFF  }
0xa5: {  	s4 =	sld [smem:$0x0]  }
0xa6: {  	s5 =	sand.u32 $0xFFFFFFFE, s1  }
0xa7: {  	p0 =	sne.s32 s1, s5  }
0xa8: {  	s5 =	sshll.u32 @p0 s5, $0xE  }
0xa9: {  	s5 =	sadd.s32 @p0 $0x11B8D, s5;
	s6 =	sshll.u32 @p0 s4, $0x11  }
0xaa: {  	s5 =	sor.u32 @p0 s6, s5  }
0xab: {  	[sflag:s5] =	ssyncadd.remote.s32 @p0 $0x1;
	_ =	sdelay $0x1  }
0xac: {  	s5 =	simm.s32 @p0 $0x1B8D  }
0xad: {  	_ =	swait.eq @p0 [sflag:s5], $0x1  }
0xae: {  	[sflag:s5] =	ssyncadd.s32 @p0 $0xFFFFFFFF  }
0xaf: {  	s6 =	sshll.u32 @!p0 s1, $0xE  }
0xb0: {  	s6 =	sor.u32 @!p0 $0x4000, s6;
	s5 =	simm.s32 @!p0 $0x1B8D  }
0xb1: {  	s4 =	sshll.u32 @!p0 s4, $0x11;
	s6 =	sadd.s32 @!p0 $0x11B8D, s6;
	_ =	swait.eq @!p0 [sflag:s5], $0x1  }
0xb2: {  	s4 =	sor.u32 @!p0 s4, s6;
	[sflag:s5] =	ssyncadd.s32 @!p0 $0xFFFFFFFF  }
0xb3: {  	s25 =	simm.s32 $0x1B8E;
	s24 =	sld [smem:$0x3FFE];
	[sflag:s4] =	ssyncadd.remote.s32 @!p0 $0x1  }
0xb4: {  	s26 =	simm.s32 $execute0_lowered;
	[smem:$0x3FD2] =	sst s25  }
0xb5: {  	s5 =	sshll.u32 s26, $0x1;
	_ =	strace $0x8000004F;
	[dreg:$0x1] =	wrdreg $0xFFFFFFFF  }
0xb6: {  	s28 =	simm.s32 $_size_execute0_lowered;
	s3 =	sadd.s32 s3, s5;
	[dreg:$0x0] =	wrdreg $0x0  }
0xb7: {  	s5 =	sshll.u32 s28, $0x1;
	[dreg:$0x2] =	wrdreg s3  }
0xb8: {  	[dreg:$0x3] =	wrdreg s5  }
0xb9: {  	[dreg:$0x4] =	wrdreg $0xC0  }
0xba: {  	_ =	task [dreg:s22], $0x5FFFF  }
0xbb: {  	[dreg:$0x1] =	wrdreg $0xFFFFFFFF  }
0xbc: {  	[dreg:$0x0] =	wrdreg $0x60  }
0xbd: {  	[dreg:$0x2] =	wrdreg s24  }
0xbe: {  	[dreg:$0x3] =	wrdreg $0x9  }
0xbf: {  	_ =	task.clear_ibuf [dreg:s22], $0x4FFFF;
	_ =	strace $0x9000004F  }
0xc0: {  	s29 =	simm.s32 $0x9;
	_ =	strace $0x80000051  }
0xc1: {  	_ =	swait.ge [sflag:s29], $0x1  }
0xc2: {  	[sflag:s29] =	ssyncadd.s32 $0xFFFFFFFF  }
0xc3: {  	_ =	strace $0x90000051  }
0xc4: {  	_ =	sfence  }
0xc5: {  	s30 =	sld [smem:$0x0];
	_ =	sdelay $0x2  }
0xc6: {  	s31 =	sshll.u32 s1, $0xD;
	s1 =	sshrl.u32 s1, $0x2  }
0xc7: {  	s4 =	sand.u32 $0x4000, s31;
	s1 =	sadd.s32 s1, s30  }
0xc8: {  	s0 =	sor.u32 s4, s0;
	s1 =	sshll.u32 s1, $0x11  }
0xc9: {  	s0 =	sor.u32 s1, s0  }
0xca: {  	s0 =	sadd.s32 $0x8F2B, s0  }
0xcb: {  	[sflag:s0] =	ssyncadd.remote.s32 $0x1  }
0xcc: {  	_ =	sfence.sel $0xFFFF  }
0xcd: {  	[dreg:$0x0] =	wrdreg $0xFFFFFFFF;
	(pc) =	sbr.abs _section_cstart, $3  }
0xce: {  	[dreg:$0x1] =	wrdreg $0xFFFFFFFF  }
0xcf: {  	_ =	task.clear_ibuf [dreg:s22], $0x2FFFF;
	_ =	strace $0x9FFFFFFF  }
0xd0: {  	(tm) =	ssettm $0x7FFFFFFF  }
0xd1: {  	_ =	shalt  }
tec
execute0_lowered:
.L_overlay_start_1:
0x0: {  	(tag) =	ssettag $0x1  }
0x1: {  	s0 =	rddreg [dreg:$0x0];
	s1 =	srdreg.scid  }
0x2: {  	s3 =	stileid.u32;
	s2 =	simm.s32 $0x0;
	s28 =	simm.s32 $0xE00  }
0x3: {  	s29 =	simm.s32 $0x1600;
	s30 =	simm.s32 $0x1A00;
	s31 =	simm.s32 $0x2200  }
0x4: {  	s10 =	simm.s32 $0x3A00;
	s11 =	simm.s32 $0x3E00;
	s12 =	simm.s32 $0x4600  }
0x5: {  	s13 =	simm.s32 $0x4A00;
	s14 =	simm.s32 $0x5200;
	s15 =	simm.s32 $0x5600  }
0x6: {  	s17 =	simm.s32 $0x5E00;
	s18 =	simm.s32 $0x6200;
	s19 =	simm.s32 $0x6A00  }
0x7: {  	s20 =	simm.s32 $0x7600;
	s21 =	simm.s32 $0x7A00;
	s22 =	simm.s32 $0x8200  }
0x8: {  	s16 =	simm.s32 $0x8E00;
	s1 =	sand.u32 $0x1, s1;
	s3 =	sshll.u32 s3, $0x7  }
0x9: {  	[smem:$0x7FF] =	sst s2;
	s7 =	sadd.s32 $0x274A00, s0;
	s4 =	sshll.u32 s1, $0x6  }
0xa: {  	_ =	strace $0x80000050;
	s1 =	ssub.s32 $0x2, s1;
	s4 =	sor.u32 s4, s3  }
0xb: {  	s3 =	sadd.s32 $0x3200, s0;
	s8 =	sshrl.u32 s1, $0x1;
	s5 =	smul.u32 $0x180, s4  }
0xc: {  	s6 =	smul.u32 $0xC00, s4;
	s4 =	sadd.s32 s4, s0;
	s1 =	ssub.s32 s1, s8  }
0xd: {  	s8 =	simm.s32 $0x8600;
	s4 =	sadd.s32 $0x274200, s4;
	s9 =	sadd.s32 s7, s5  }
0xe: {  	s23 =	sshrl.u32 s6, $0x3;
	[dreg:$0x2] =	wrdreg s4;
	s5 =	sadd.s32 $0x3300, s0  }
0xf: {  	s4 =	simm.s32 $0x2;
	[dreg:$0x6] =	wrdreg s9;
	s24 =	sadd.s32 $0x1800, s9  }
0x10: {  	s6 =	sadd.s32 s7, s23;
	s7 =	simm.s32 $0x3;
	s9 =	simm.s32 $0x3200  }
0x11: {  	v2 =	vlaneseq.u32;
	s23 =	simm.s32 $0x9200;
	[dreg:$0x3] =	wrdreg s24;
	s25 =	sadd.s32 $0x3000, s6  }
0x12: {  	vm0 =	vmmov $0xffff;
	vm1 =	vmmov $0xff;
	v1 =	vshrl.u32 v2, $0x3;
	s26 =	sadd.s32 $0x4800, s6;
	s6 =	smax.u32 s1, $0x1;
	[dreg:$0x4] =	wrdreg s25  }
0x13: {  	v0 =	vand.u32 $0x7, v2;
	v2 =	vor.u32 $0x8, v2;
	v1 =	vmul.u32 $0x8, v1;
	s24 =	simm.s32 $0x1;
	[dreg:$0x5] =	wrdreg s26;
	s26 =	simm.s32 $0xA00  }
.LBB2_1:
0x14: {  	s25 =	rddreg [dreg:$0x2]  }
0x15: {  	[tilespmem:s2], [sflag:$0x3] =	stream.linear.gather [hbm4b:s25+s2], $0x200, $0x38;
	[tilespmem:$0x18200] =	vst v63  }
0x16: {  	_ =	swait.ge [sflag:s7], $0x200  }
0x17: {  	[sflag:s7] =	ssyncset.done $0x0  }
0x18: {  	[sflag:s7] =	ssyncadd.s32 $0xFFFFFE00  }
0x19: {  	v3 =	vld [tilespmem:$0x0];
	_ =	sdelay $0x4  }
0x1a: {  	v4 =	vshrl.u32 v3, $0x3  }
0x1b: {  	v4 =	vmul.u32 $0x18, v4  }
0x1c: {  	v3 =	vand.u32 $0x7, v3  }
0x1d: {  	v3 =	vor.u32 v3, v4  }
0x1e: {  	v4 =	vperm.xlane v3, v0;
	_ =	sdelay $0x1  }
0x1f: {  	v4 =	vadd.s32 v1, v4;
	_ =	sdelay $0x1  }
0x20: {  	v3 =	vperm.xlane v3, v2;
	_ =	sdelay $0x1  }
0x21: {  	s0 =	simm.s32 $0x200;
	v3 =	vadd.s32 v1, v3  }
0x22: {  	[tilespmem:s0], [sflag:$0x1] =	stream.indirect_vreg.gather [hbm4b:s3+s2], $0x80, v4, vm0, $0xb8;
	[tilespmem:$0x18200] =	vst v63  }
0x23: {  	_ = 	snop  }
0x24: {  	[tilespmem:s26], [sflag:$0x1] =	stream.indirect_vreg.gather [hbm4b:s5+s2], $0x80, v4, vm1, $0xb8;
	[tilespmem:$0x18200] =	vst v63  }
0x25: {  	_ = 	snop  }
0x26: {  	[tilespmem:s28], [sflag:$0x1] =	stream.indirect_vreg.gather [hbm4b:s3+s2], $0x80, v3, vm0, $0xb8;
	[tilespmem:$0x18200] =	vst v63  }
0x27: {  	_ = 	snop  }
0x28: {  	[tilespmem:s29], [sflag:$0x1] =	stream.indirect_vreg.gather [hbm4b:s5+s2], $0x80, v3, vm1, $0xb8;
	[tilespmem:$0x18200] =	vst v63  }
0x29: {  	v3 =	vld [tilespmem:$0x10];
	_ =	sdelay $0x4  }
0x2a: {  	v33 =	vshrl.u32 v3, $0x3  }
0x2b: {  	v4 =	vmul.u32 $0x18, v33  }
0x2c: {  	v3 =	vand.u32 $0x7, v3  }
0x2d: {  	v3 =	vor.u32 v3, v4  }
0x2e: {  	v4 =	vperm.xlane v3, v0;
	_ =	sdelay $0x1  }
0x2f: {  	v4 =	vadd.s32 v1, v4;
	_ =	sdelay $0x1  }
0x30: {  	v3 =	vperm.xlane v3, v2;
	_ =	sdelay $0x1  }
0x31: {  	v3 =	vadd.s32 v1, v3  }
0x32: {  	[tilespmem:s30], [sflag:$0x1] =	stream.indirect_vreg.gather [hbm4b:s3+s2], $0x80, v4, vm0, $0xb8;
	[tilespmem:$0x18200] =	vst v63  }
0x33: {  	_ = 	snop  }
0x34: {  	[tilespmem:s31], [sflag:$0x1] =	stream.indirect_vreg.gather [hbm4b:s5+s2], $0x80, v4, vm1, $0xb8;
	[tilespmem:$0x18200] =	vst v63  }
0x35: {  	s25 =	simm.s32 $0x2600  }
0x36: {  	[tilespmem:s25], [sflag:$0x1] =	stream.indirect_vreg.gather [hbm4b:s3+s2], $0x80, v3, vm0, $0xb8;
	[tilespmem:$0x18200] =	vst v63  }
0x37: {  	s1 =	simm.s32 $0x2E00  }
0x38: {  	[tilespmem:s1], [sflag:$0x1] =	stream.indirect_vreg.gather [hbm4b:s5+s2], $0x80, v3, vm1, $0xb8;
	[tilespmem:$0x18200] =	vst v63  }
0x39: {  	v3 =	vld [tilespmem:$0x20];
	_ =	sdelay $0x4  }
0x3a: {  	v34 =	vshrl.u32 v3, $0x3  }
0x3b: {  	v4 =	vmul.u32 $0x18, v34  }
0x3c: {  	v3 =	vand.u32 $0x7, v3  }
0x3d: {  	v3 =	vor.u32 v3, v4  }
0x3e: {  	v4 =	vperm.xlane v3, v0;
	_ =	sdelay $0x1  }
0x3f: {  	v4 =	vadd.s32 v1, v4;
	_ =	sdelay $0x1  }
0x40: {  	v3 =	vperm.xlane v3, v2;
	_ =	sdelay $0x1  }
0x41: {  	v3 =	vadd.s32 v1, v3  }
0x42: {  	[tilespmem:s9], [sflag:$0x1] =	stream.indirect_vreg.gather [hbm4b:s3+s2], $0x80, v4, vm0, $0xb8;
	[tilespmem:$0x18200] =	vst v63  }
0x43: {  	_ = 	snop  }
0x44: {  	[tilespmem:s10], [sflag:$0x1] =	stream.indirect_vreg.gather [hbm4b:s5+s2], $0x80, v4, vm1, $0xb8;
	[tilespmem:$0x18200] =	vst v63  }
0x45: {  	_ = 	snop  }
0x46: {  	[tilespmem:s11], [sflag:$0x1] =	stream.indirect_vreg.gather [hbm4b:s3+s2], $0x80, v3, vm0, $0xb8;
	[tilespmem:$0x18200] =	vst v63  }
0x47: {  	_ = 	snop  }
0x48: {  	[tilespmem:s12], [sflag:$0x1] =	stream.indirect_vreg.gather [hbm4b:s5+s2], $0x80, v3, vm1, $0xb8;
	[tilespmem:$0x18200] =	vst v63  }
0x49: {  	v3 =	vld [tilespmem:$0x30];
	_ =	sdelay $0x4  }
0x4a: {  	v35 =	vshrl.u32 v3, $0x3  }
0x4b: {  	v4 =	vmul.u32 $0x18, v35  }
0x4c: {  	v3 =	vand.u32 $0x7, v3  }
0x4d: {  	v3 =	vor.u32 v3, v4  }
0x4e: {  	v4 =	vperm.xlane v3, v0;
	_ =	sdelay $0x1  }
0x4f: {  	v4 =	vadd.s32 v1, v4;
	_ =	sdelay $0x1  }
0x50: {  	v3 =	vperm.xlane v3, v2;
	_ =	sdelay $0x1  }
0x51: {  	v3 =	vadd.s32 v1, v3  }
0x52: {  	[tilespmem:s13], [sflag:$0x1] =	stream.indirect_vreg.gather [hbm4b:s3+s2], $0x80, v4, vm0, $0xb8;
	[tilespmem:$0x18200] =	vst v63  }
0x53: {  	_ = 	snop  }
0x54: {  	[tilespmem:s14], [sflag:$0x1] =	stream.indirect_vreg.gather [hbm4b:s5+s2], $0x80, v4, vm1, $0xb8;
	[tilespmem:$0x18200] =	vst v63  }
0x55: {  	_ = 	snop  }
0x56: {  	[tilespmem:s15], [sflag:$0x1] =	stream.indirect_vreg.gather [hbm4b:s3+s2], $0x80, v3, vm0, $0xb8;
	[tilespmem:$0x18200] =	vst v63  }
0x57: {  	_ = 	snop  }
0x58: {  	[tilespmem:s17], [sflag:$0x1] =	stream.indirect_vreg.gather [hbm4b:s5+s2], $0x80, v3, vm1, $0xb8;
	[tilespmem:$0x18200] =	vst v63  }
0x59: {  	v3 =	vld [tilespmem:$0x40];
	_ =	sdelay $0x4  }
0x5a: {  	v36 =	vshrl.u32 v3, $0x3  }
0x5b: {  	v4 =	vmul.u32 $0x18, v36  }
0x5c: {  	v3 =	vand.u32 $0x7, v3  }
0x5d: {  	v3 =	vor.u32 v3, v4  }
0x5e: {  	v4 =	vperm.xlane v3, v0;
	_ =	sdelay $0x1  }
0x5f: {  	v4 =	vadd.s32 v1, v4;
	_ =	sdelay $0x1  }
0x60: {  	v3 =	vperm.xlane v3, v2;
	_ =	sdelay $0x1  }
0x61: {  	v3 =	vadd.s32 v1, v3  }
0x62: {  	[tilespmem:s18], [sflag:$0x1] =	stream.indirect_vreg.gather [hbm4b:s3+s2], $0x80, v4, vm0, $0xb8;
	[tilespmem:$0x18200] =	vst v63  }
0x63: {  	_ = 	snop  }
0x64: {  	[tilespmem:s19], [sflag:$0x1] =	stream.indirect_vreg.gather [hbm4b:s5+s2], $0x80, v4, vm1, $0xb8;
	[tilespmem:$0x18200] =	vst v63  }
0x65: {  	s25 =	simm.s32 $0x6E00  }
0x66: {  	[tilespmem:s25], [sflag:$0x1] =	stream.indirect_vreg.gather [hbm4b:s3+s2], $0x80, v3, vm0, $0xb8;
	[tilespmem:$0x18200] =	vst v63  }
0x67: {  	_ = 	snop  }
0x68: {  	[tilespmem:s20], [sflag:$0x1] =	stream.indirect_vreg.gather [hbm4b:s5+s2], $0x80, v3, vm1, $0xb8;
	[tilespmem:$0x18200] =	vst v63  }
0x69: {  	v3 =	vld [tilespmem:$0x50];
	_ =	sdelay $0x4  }
0x6a: {  	v37 =	vshrl.u32 v3, $0x3  }
0x6b: {  	v4 =	vmul.u32 $0x18, v37  }
0x6c: {  	v3 =	vand.u32 $0x7, v3  }
0x6d: {  	v3 =	vor.u32 v3, v4  }
0x6e: {  	v4 =	vperm.xlane v3, v0;
	_ =	sdelay $0x1  }
0x6f: {  	v4 =	vadd.s32 v1, v4;
	_ =	sdelay $0x1  }
0x70: {  	v3 =	vperm.xlane v3, v2;
	_ =	sdelay $0x1  }
0x71: {  	v3 =	vadd.s32 v1, v3  }
0x72: {  	[tilespmem:s21], [sflag:$0x1] =	stream.indirect_vreg.gather [hbm4b:s3+s2], $0x80, v4, vm0, $0xb8;
	[tilespmem:$0x18200] =	vst v63  }
0x73: {  	_ = 	snop  }
0x74: {  	[tilespmem:s22], [sflag:$0x1] =	stream.indirect_vreg.gather [hbm4b:s5+s2], $0x80, v4, vm1, $0xb8;
	[tilespmem:$0x18200] =	vst v63  }
0x75: {  	_ = 	snop  }
0x76: {  	[tilespmem:s8], [sflag:$0x1] =	stream.indirect_vreg.gather [hbm4b:s3+s2], $0x80, v3, vm0, $0xb8;
	[tilespmem:$0x18200] =	vst v63  }
0x77: {  	_ = 	snop  }
0x78: {  	[tilespmem:s16], [sflag:$0x1] =	stream.indirect_vreg.gather [hbm4b:s5+s2], $0x80, v3, vm1, $0xb8;
	[tilespmem:$0x18200] =	vst v63  }
0x79: {  	v3 =	vld [tilespmem:$0x60];
	_ =	sdelay $0x4  }
0x7a: {  	v38 =	vshrl.u32 v3, $0x3  }
0x7b: {  	v4 =	vmul.u32 $0x18, v38  }
0x7c: {  	v3 =	vand.u32 $0x7, v3  }
0x7d: {  	v3 =	vor.u32 v3, v4  }
0x7e: {  	v4 =	vperm.xlane v3, v0;
	_ =	sdelay $0x1  }
0x7f: {  	v4 =	vadd.s32 v1, v4;
	_ =	sdelay $0x1  }
0x80: {  	v3 =	vperm.xlane v3, v2;
	_ =	sdelay $0x1  }
0x81: {  	v3 =	vadd.s32 v1, v3  }
0x82: {  	[tilespmem:s23], [sflag:$0x1] =	stream.indirect_vreg.gather [hbm4b:s3+s2], $0x80, v4, vm0, $0xb8;
	[tilespmem:$0x18200] =	vst v63  }
0x83: {  	s1 =	simm.s32 $0x9A00  }
0x84: {  	[tilespmem:s1], [sflag:$0x1] =	stream.indirect_vreg.gather [hbm4b:s5+s2], $0x80, v4, vm1, $0xb8;
	[tilespmem:$0x18200] =	vst v63  }
0x85: {  	s25 =	simm.s32 $0x9E00  }
0x86: {  	[tilespmem:s25], [sflag:$0x1] =	stream.indirect_vreg.gather [hbm4b:s3+s2], $0x80, v3, vm0, $0xb8;
	[tilespmem:$0x18200] =	vst v63  }
0x87: {  	s1 =	simm.s32 $0xA600  }
0x88: {  	[tilespmem:s1], [sflag:$0x1] =	stream.indirect_vreg.gather [hbm4b:s5+s2], $0x80, v3, vm1, $0xb8;
	[tilespmem:$0x18200] =	vst v63  }
0x89: {  	v3 =	vld [tilespmem:$0x70];
	_ =	sdelay $0x4  }
0x8a: {  	v39 =	vshrl.u32 v3, $0x3  }
0x8b: {  	v4 =	vmul.u32 $0x18, v39  }
0x8c: {  	v3 =	vand.u32 $0x7, v3  }
0x8d: {  	v3 =	vor.u32 v3, v4  }
0x8e: {  	v4 =	vperm.xlane v3, v0;
	_ =	sdelay $0x1  }
0x8f: {  	v4 =	vadd.s32 v1, v4;
	_ =	sdelay $0x1  }
0x90: {  	v3 =	vperm.xlane v3, v2;
	_ =	sdelay $0x1  }
0x91: {  	s25 =	simm.s32 $0xAA00;
	v3 =	vadd.s32 v1, v3  }
0x92: {  	[tilespmem:s25], [sflag:$0x1] =	stream.indirect_vreg.gather [hbm4b:s3+s2], $0x80, v4, vm0, $0xb8;
	[tilespmem:$0x18200] =	vst v63  }
0x93: {  	s1 =	simm.s32 $0xB200  }
0x94: {  	[tilespmem:s1], [sflag:$0x1] =	stream.indirect_vreg.gather [hbm4b:s5+s2], $0x80, v4, vm1, $0xb8;
	[tilespmem:$0x18200] =	vst v63  }
0x95: {  	s25 =	simm.s32 $0xB600  }
0x96: {  	[tilespmem:s25], [sflag:$0x1] =	stream.indirect_vreg.gather [hbm4b:s3+s2], $0x80, v3, vm0, $0xb8;
	[tilespmem:$0x18200] =	vst v63  }
0x97: {  	s1 =	simm.s32 $0xBE00  }
0x98: {  	[tilespmem:s1], [sflag:$0x1] =	stream.indirect_vreg.gather [hbm4b:s5+s2], $0x80, v3, vm1, $0xb8;
	[tilespmem:$0x18200] =	vst v63  }
0x99: {  	v3 =	vld [tilespmem:$0x80];
	_ =	sdelay $0x4  }
0x9a: {  	v40 =	vshrl.u32 v3, $0x3  }
0x9b: {  	v4 =	vmul.u32 $0x18, v40  }
0x9c: {  	v3 =	vand.u32 $0x7, v3  }
0x9d: {  	v3 =	vor.u32 v3, v4  }
0x9e: {  	v4 =	vperm.xlane v3, v0;
	_ =	sdelay $0x1  }
0x9f: {  	v4 =	vadd.s32 v1, v4;
	_ =	sdelay $0x1  }
0xa0: {  	v3 =	vperm.xlane v3, v2;
	_ =	sdelay $0x1  }
0xa1: {  	s0 =	simm.s32 $0xC200;
	v3 =	vadd.s32 v1, v3  }
0xa2: {  	[tilespmem:s0], [sflag:$0x2] =	stream.indirect_vreg.gather [hbm4b:s3+s2], $0x80, v4, vm0, $0xb8;
	[tilespmem:$0x18200] =	vst v63  }
0xa3: {  	s1 =	simm.s32 $0xCA00  }
0xa4: {  	[tilespmem:s1], [sflag:$0x2] =	stream.indirect_vreg.gather [hbm4b:s5+s2], $0x80, v4, vm1, $0xb8;
	[tilespmem:$0x18200] =	vst v63  }
0xa5: {  	s25 =	simm.s32 $0xCE00  }
0xa6: {  	[tilespmem:s25], [sflag:$0x2] =	stream.indirect_vreg.gather [hbm4b:s3+s2], $0x80, v3, vm0, $0xb8;
	[tilespmem:$0x18200] =	vst v63  }
0xa7: {  	s25 =	simm.s32 $0xD600  }
0xa8: {  	[tilespmem:s25], [sflag:$0x2] =	stream.indirect_vreg.gather [hbm4b:s5+s2], $0x80, v3, vm1, $0xb8;
	[tilespmem:$0x18200] =	vst v63  }
0xa9: {  	v3 =	vld [tilespmem:$0x90];
	_ =	sdelay $0x4  }
0xaa: {  	v41 =	vshrl.u32 v3, $0x3  }
0xab: {  	v4 =	vmul.u32 $0x18, v41  }
0xac: {  	v3 =	vand.u32 $0x7, v3  }
0xad: {  	v3 =	vor.u32 v3, v4  }
0xae: {  	v4 =	vperm.xlane v3, v0;
	_ =	sdelay $0x1  }
0xaf: {  	v4 =	vadd.s32 v1, v4;
	_ =	sdelay $0x1  }
0xb0: {  	v3 =	vperm.xlane v3, v2;
	_ =	sdelay $0x1  }
0xb1: {  	s25 =	simm.s32 $0xDA00;
	v3 =	vadd.s32 v1, v3  }
0xb2: {  	[tilespmem:s25], [sflag:$0x2] =	stream.indirect_vreg.gather [hbm4b:s3+s2], $0x80, v4, vm0, $0xb8;
	[tilespmem:$0x18200] =	vst v63  }
0xb3: {  	s25 =	simm.s32 $0xE200  }
0xb4: {  	[tilespmem:s25], [sflag:$0x2] =	stream.indirect_vreg.gather [hbm4b:s5+s2], $0x80, v4, vm1, $0xb8;
	[tilespmem:$0x18200] =	vst v63  }
0xb5: {  	s25 =	simm.s32 $0xE600  }
0xb6: {  	[tilespmem:s25], [sflag:$0x2] =	stream.indirect_vreg.gather [hbm4b:s3+s2], $0x80, v3, vm0, $0xb8;
	[tilespmem:$0x18200] =	vst v63  }
0xb7: {  	s25 =	simm.s32 $0xEE00  }
0xb8: {  	[tilespmem:s25], [sflag:$0x2] =	stream.indirect_vreg.gather [hbm4b:s5+s2], $0x80, v3, vm1, $0xb8;
	[tilespmem:$0x18200] =	vst v63  }
0xb9: {  	v3 =	vld [tilespmem:$0xA0];
	_ =	sdelay $0x4  }
0xba: {  	v42 =	vshrl.u32 v3, $0x3  }
0xbb: {  	v4 =	vmul.u32 $0x18, v42  }
0xbc: {  	v3 =	vand.u32 $0x7, v3  }
0xbd: {  	v3 =	vor.u32 v3, v4  }
0xbe: {  	v4 =	vperm.xlane v3, v0;
	_ =	sdelay $0x1  }
0xbf: {  	v4 =	vadd.s32 v1, v4;
	_ =	sdelay $0x1  }
0xc0: {  	v3 =	vperm.xlane v3, v2;
	_ =	sdelay $0x1  }
0xc1: {  	s25 =	simm.s32 $0xF200;
	v3 =	vadd.s32 v1, v3  }
0xc2: {  	[tilespmem:s25], [sflag:$0x2] =	stream.indirect_vreg.gather [hbm4b:s3+s2], $0x80, v4, vm0, $0xb8;
	[tilespmem:$0x18200] =	vst v63  }
0xc3: {  	s25 =	simm.s32 $0xFA00  }
0xc4: {  	[tilespmem:s25], [sflag:$0x2] =	stream.indirect_vreg.gather [hbm4b:s5+s2], $0x80, v4, vm1, $0xb8;
	[tilespmem:$0x18200] =	vst v63  }
0xc5: {  	s25 =	simm.s32 $0xFE00  }
0xc6: {  	[tilespmem:s25], [sflag:$0x2] =	stream.indirect_vreg.gather [hbm4b:s3+s2], $0x80, v3, vm0, $0xb8;
	[tilespmem:$0x18200] =	vst v63  }
0xc7: {  	s25 =	simm.s32 $0x10600  }
0xc8: {  	[tilespmem:s25], [sflag:$0x2] =	stream.indirect_vreg.gather [hbm4b:s5+s2], $0x80, v3, vm1, $0xb8;
	[tilespmem:$0x18200] =	vst v63  }
0xc9: {  	v3 =	vld [tilespmem:$0xB0];
	_ =	sdelay $0x4  }
0xca: {  	v43 =	vshrl.u32 v3, $0x3  }
0xcb: {  	v4 =	vmul.u32 $0x18, v43  }
0xcc: {  	v3 =	vand.u32 $0x7, v3  }
0xcd: {  	v3 =	vor.u32 v3, v4  }
0xce: {  	v4 =	vperm.xlane v3, v0;
	_ =	sdelay $0x1  }
0xcf: {  	v4 =	vadd.s32 v1, v4;
	_ =	sdelay $0x1  }
0xd0: {  	v3 =	vperm.xlane v3, v2;
	_ =	sdelay $0x1  }
0xd1: {  	s25 =	simm.s32 $0x10A00;
	v3 =	vadd.s32 v1, v3  }
0xd2: {  	[tilespmem:s25], [sflag:$0x2] =	stream.indirect_vreg.gather [hbm4b:s3+s2], $0x80, v4, vm0, $0xb8;
	[tilespmem:$0x18200] =	vst v63  }
0xd3: {  	s25 =	simm.s32 $0x11200  }
0xd4: {  	[tilespmem:s25], [sflag:$0x2] =	stream.indirect_vreg.gather [hbm4b:s5+s2], $0x80, v4, vm1, $0xb8;
	[tilespmem:$0x18200] =	vst v63  }
0xd5: {  	s25 =	simm.s32 $0x11600  }
0xd6: {  	[tilespmem:s25], [sflag:$0x2] =	stream.indirect_vreg.gather [hbm4b:s3+s2], $0x80, v3, vm0, $0xb8;
	[tilespmem:$0x18200] =	vst v63  }
0xd7: {  	s25 =	simm.s32 $0x11E00  }
0xd8: {  	[tilespmem:s25], [sflag:$0x2] =	stream.indirect_vreg.gather [hbm4b:s5+s2], $0x80, v3, vm1, $0xb8;
	[tilespmem:$0x18200] =	vst v63  }
0xd9: {  	v3 =	vld [tilespmem:$0xC0];
	_ =	sdelay $0x4  }
0xda: {  	v44 =	vshrl.u32 v3, $0x3  }
0xdb: {  	v4 =	vmul.u32 $0x18, v44  }
0xdc: {  	v3 =	vand.u32 $0x7, v3  }
0xdd: {  	v3 =	vor.u32 v3, v4  }
0xde: {  	v4 =	vperm.xlane v3, v0;
	_ =	sdelay $0x1  }
0xdf: {  	v4 =	vadd.s32 v1, v4;
	_ =	sdelay $0x1  }
0xe0: {  	v3 =	vperm.xlane v3, v2;
	_ =	sdelay $0x1  }
0xe1: {  	s25 =	simm.s32 $0x12200;
	v3 =	vadd.s32 v1, v3  }
0xe2: {  	[tilespmem:s25], [sflag:$0x2] =	stream.indirect_vreg.gather [hbm4b:s3+s2], $0x80, v4, vm0, $0xb8;
	[tilespmem:$0x18200] =	vst v63  }
0xe3: {  	s25 =	simm.s32 $0x12A00  }
0xe4: {  	[tilespmem:s25], [sflag:$0x2] =	stream.indirect_vreg.gather [hbm4b:s5+s2], $0x80, v4, vm1, $0xb8;
	[tilespmem:$0x18200] =	vst v63  }
0xe5: {  	s25 =	simm.s32 $0x12E00  }
0xe6: {  	[tilespmem:s25], [sflag:$0x2] =	stream.indirect_vreg.gather [hbm4b:s3+s2], $0x80, v3, vm0, $0xb8;
	[tilespmem:$0x18200] =	vst v63  }
0xe7: {  	s25 =	simm.s32 $0x13600  }
0xe8: {  	[tilespmem:s25], [sflag:$0x2] =	stream.indirect_vreg.gather [hbm4b:s5+s2], $0x80, v3, vm1, $0xb8;
	[tilespmem:$0x18200] =	vst v63  }
0xe9: {  	v3 =	vld [tilespmem:$0xD0];
	_ =	sdelay $0x4  }
0xea: {  	v45 =	vshrl.u32 v3, $0x3  }
0xeb: {  	v4 =	vmul.u32 $0x18, v45  }
0xec: {  	v3 =	vand.u32 $0x7, v3  }
0xed: {  	v3 =	vor.u32 v3, v4  }
0xee: {  	v4 =	vperm.xlane v3, v0;
	_ =	sdelay $0x1  }
0xef: {  	v4 =	vadd.s32 v1, v4;
	_ =	sdelay $0x1  }
0xf0: {  	v3 =	vperm.xlane v3, v2;
	_ =	sdelay $0x1  }
0xf1: {  	s25 =	simm.s32 $0x13A00;
	v3 =	vadd.s32 v1, v3  }
0xf2: {  	[tilespmem:s25], [sflag:$0x2] =	stream.indirect_vreg.gather [hbm4b:s3+s2], $0x80, v4, vm0, $0xb8;
	[tilespmem:$0x18200] =	vst v63  }
0xf3: {  	s25 =	simm.s32 $0x14200  }
0xf4: {  	[tilespmem:s25], [sflag:$0x2] =	stream.indirect_vreg.gather [hbm4b:s5+s2], $0x80, v4, vm1, $0xb8;
	[tilespmem:$0x18200] =	vst v63  }
0xf5: {  	s25 =	simm.s32 $0x14600  }
0xf6: {  	[tilespmem:s25], [sflag:$0x2] =	stream.indirect_vreg.gather [hbm4b:s3+s2], $0x80, v3, vm0, $0xb8;
	[tilespmem:$0x18200] =	vst v63  }
0xf7: {  	s25 =	simm.s32 $0x14E00  }
0xf8: {  	[tilespmem:s25], [sflag:$0x2] =	stream.indirect_vreg.gather [hbm4b:s5+s2], $0x80, v3, vm1, $0xb8;
	[tilespmem:$0x18200] =	vst v63  }
0xf9: {  	v3 =	vld [tilespmem:$0xE0];
	_ =	sdelay $0x4  }
0xfa: {  	v46 =	vshrl.u32 v3, $0x3  }
0xfb: {  	v4 =	vmul.u32 $0x18, v46  }
0xfc: {  	v3 =	vand.u32 $0x7, v3  }
0xfd: {  	v3 =	vor.u32 v3, v4  }
0xfe: {  	v4 =	vperm.xlane v3, v0;
	_ =	sdelay $0x1  }
0xff: {  	v4 =	vadd.s32 v1, v4;
	_ =	sdelay $0x1  }
0x100: {  	v3 =	vperm.xlane v3, v2;
	_ =	sdelay $0x1  }
0x101: {  	s25 =	simm.s32 $0x15200;
	v3 =	vadd.s32 v1, v3  }
0x102: {  	[tilespmem:s25], [sflag:$0x2] =	stream.indirect_vreg.gather [hbm4b:s3+s2], $0x80, v4, vm0, $0xb8;
	[tilespmem:$0x18200] =	vst v63  }
0x103: {  	s25 =	simm.s32 $0x15A00  }
0x104: {  	[tilespmem:s25], [sflag:$0x2] =	stream.indirect_vreg.gather [hbm4b:s5+s2], $0x80, v4, vm1, $0xb8;
	[tilespmem:$0x18200] =	vst v63  }
0x105: {  	s25 =	simm.s32 $0x15E00  }
0x106: {  	[tilespmem:s25], [sflag:$0x2] =	stream.indirect_vreg.gather [hbm4b:s3+s2], $0x80, v3, vm0, $0xb8;
	[tilespmem:$0x18200] =	vst v63  }
0x107: {  	s25 =	simm.s32 $0x16600  }
0x108: {  	[tilespmem:s25], [sflag:$0x2] =	stream.indirect_vreg.gather [hbm4b:s5+s2], $0x80, v3, vm1, $0xb8;
	[tilespmem:$0x18200] =	vst v63  }
0x109: {  	v3 =	vld [tilespmem:$0xF0];
	_ =	sdelay $0x4  }
0x10a: {  	v47 =	vshrl.u32 v3, $0x3  }
0x10b: {  	v4 =	vmul.u32 $0x18, v47  }
0x10c: {  	v3 =	vand.u32 $0x7, v3  }
0x10d: {  	v3 =	vor.u32 v3, v4  }
0x10e: {  	v4 =	vperm.xlane v3, v0;
	_ =	sdelay $0x1  }
0x10f: {  	v4 =	vadd.s32 v1, v4;
	_ =	sdelay $0x1  }
0x110: {  	v3 =	vperm.xlane v3, v2;
	_ =	sdelay $0x1  }
0x111: {  	s25 =	simm.s32 $0x16A00;
	v3 =	vadd.s32 v1, v3  }
0x112: {  	[tilespmem:s25], [sflag:$0x2] =	stream.indirect_vreg.gather [hbm4b:s3+s2], $0x80, v4, vm0, $0xb8;
	[tilespmem:$0x18200] =	vst v63  }
0x113: {  	s25 =	simm.s32 $0x17200  }
0x114: {  	[tilespmem:s25], [sflag:$0x2] =	stream.indirect_vreg.gather [hbm4b:s5+s2], $0x80, v4, vm1, $0xb8;
	[tilespmem:$0x18200] =	vst v63  }
0x115: {  	s25 =	simm.s32 $0x17600  }
0x116: {  	[tilespmem:s25], [sflag:$0x2] =	stream.indirect_vreg.gather [hbm4b:s3+s2], $0x80, v3, vm0, $0xb8;
	[tilespmem:$0x18200] =	vst v63  }
0x117: {  	s25 =	simm.s32 $0x17E00  }
0x118: {  	[tilespmem:s25], [sflag:$0x2] =	stream.indirect_vreg.gather [hbm4b:s5+s2], $0x80, v3, vm1, $0xb8;
	[tilespmem:$0x18200] =	vst v63  }
0x119: {  	_ =	swait.ge [sflag:s24], $0xC000  }
0x11a: {  	[sflag:s24] =	ssyncset.done $0x0  }
0x11b: {  	s1 =	simm.s32 $0x200;
	s25 =	rddreg [dreg:$0x6];
	[sflag:s24] =	ssyncadd.s32 $0xFFFF4000  }
0x11c: {  	[hbm4b:s25+s2] =	stream.linear.scatter [tilespmem:s1], [sflag:$0x3], $0xC000, $0x38;
	[tilespmem:$0x18200] =	vst v63  }
0x11d: {  	_ =	swait.ge [sflag:s7], $0xC000  }
0x11e: {  	[sflag:s7] =	ssyncset.done $0x0  }
0x11f: {  	[sflag:s7] =	ssyncadd.s32 $0xFFFF4000  }
0x120: {  	v3 =	vld [tilespmem:$0x100];
	_ =	sdelay $0x4  }
0x121: {  	v48 =	vshrl.u32 v3, $0x3  }
0x122: {  	v4 =	vmul.u32 $0x18, v48  }
0x123: {  	v3 =	vand.u32 $0x7, v3  }
0x124: {  	v3 =	vor.u32 v3, v4  }
0x125: {  	v4 =	vperm.xlane v3, v0;
	_ =	sdelay $0x1  }
0x126: {  	v4 =	vadd.s32 v1, v4;
	_ =	sdelay $0x1  }
0x127: {  	v3 =	vperm.xlane v3, v2;
	_ =	sdelay $0x1  }
0x128: {  	v3 =	vadd.s32 v1, v3  }
0x129: {  	[tilespmem:s1], [sflag:$0x1] =	stream.indirect_vreg.gather [hbm4b:s3+s2], $0x80, v4, vm0, $0xb8;
	[tilespmem:$0x18200] =	vst v63  }
0x12a: {  	_ = 	snop  }
0x12b: {  	[tilespmem:s26], [sflag:$0x1] =	stream.indirect_vreg.gather [hbm4b:s5+s2], $0x80, v4, vm1, $0xb8;
	[tilespmem:$0x18200] =	vst v63  }
0x12c: {  	_ = 	snop  }
0x12d: {  	[tilespmem:s28], [sflag:$0x1] =	stream.indirect_vreg.gather [hbm4b:s3+s2], $0x80, v3, vm0, $0xb8;
	[tilespmem:$0x18200] =	vst v63  }
0x12e: {  	_ = 	snop  }
0x12f: {  	[tilespmem:s29], [sflag:$0x1] =	stream.indirect_vreg.gather [hbm4b:s5+s2], $0x80, v3, vm1, $0xb8;
	[tilespmem:$0x18200] =	vst v63  }
0x130: {  	v3 =	vld [tilespmem:$0x110];
	_ =	sdelay $0x4  }
0x131: {  	v49 =	vshrl.u32 v3, $0x3  }
0x132: {  	v4 =	vmul.u32 $0x18, v49  }
0x133: {  	v3 =	vand.u32 $0x7, v3  }
0x134: {  	v3 =	vor.u32 v3, v4  }
0x135: {  	v4 =	vperm.xlane v3, v0;
	_ =	sdelay $0x1  }
0x136: {  	v4 =	vadd.s32 v1, v4;
	_ =	sdelay $0x1  }
0x137: {  	v3 =	vperm.xlane v3, v2;
	_ =	sdelay $0x1  }
0x138: {  	v3 =	vadd.s32 v1, v3  }
0x139: {  	[tilespmem:s30], [sflag:$0x1] =	stream.indirect_vreg.gather [hbm4b:s3+s2], $0x80, v4, vm0, $0xb8;
	[tilespmem:$0x18200] =	vst v63  }
0x13a: {  	_ = 	snop  }
0x13b: {  	[tilespmem:s31], [sflag:$0x1] =	stream.indirect_vreg.gather [hbm4b:s5+s2], $0x80, v4, vm1, $0xb8;
	[tilespmem:$0x18200] =	vst v63  }
0x13c: {  	s25 =	simm.s32 $0x2600  }
0x13d: {  	[tilespmem:s25], [sflag:$0x1] =	stream.indirect_vreg.gather [hbm4b:s3+s2], $0x80, v3, vm0, $0xb8;
	[tilespmem:$0x18200] =	vst v63  }
0x13e: {  	s25 =	simm.s32 $0x2E00  }
0x13f: {  	[tilespmem:s25], [sflag:$0x1] =	stream.indirect_vreg.gather [hbm4b:s5+s2], $0x80, v3, vm1, $0xb8;
	[tilespmem:$0x18200] =	vst v63  }
0x140: {  	v3 =	vld [tilespmem:$0x120];
	_ =	sdelay $0x4  }
0x141: {  	v50 =	vshrl.u32 v3, $0x3  }
0x142: {  	v4 =	vmul.u32 $0x18, v50  }
0x143: {  	v3 =	vand.u32 $0x7, v3  }
0x144: {  	v3 =	vor.u32 v3, v4  }
0x145: {  	v4 =	vperm.xlane v3, v0;
	_ =	sdelay $0x1  }
0x146: {  	v4 =	vadd.s32 v1, v4;
	_ =	sdelay $0x1  }
0x147: {  	v3 =	vperm.xlane v3, v2;
	_ =	sdelay $0x1  }
0x148: {  	v3 =	vadd.s32 v1, v3  }
0x149: {  	[tilespmem:s9], [sflag:$0x1] =	stream.indirect_vreg.gather [hbm4b:s3+s2], $0x80, v4, vm0, $0xb8;
	[tilespmem:$0x18200] =	vst v63  }
0x14a: {  	_ = 	snop  }
0x14b: {  	[tilespmem:s10], [sflag:$0x1] =	stream.indirect_vreg.gather [hbm4b:s5+s2], $0x80, v4, vm1, $0xb8;
	[tilespmem:$0x18200] =	vst v63  }
0x14c: {  	_ = 	snop  }
0x14d: {  	[tilespmem:s11], [sflag:$0x1] =	stream.indirect_vreg.gather [hbm4b:s3+s2], $0x80, v3, vm0, $0xb8;
	[tilespmem:$0x18200] =	vst v63  }
0x14e: {  	_ = 	snop  }
0x14f: {  	[tilespmem:s12], [sflag:$0x1] =	stream.indirect_vreg.gather [hbm4b:s5+s2], $0x80, v3, vm1, $0xb8;
	[tilespmem:$0x18200] =	vst v63  }
0x150: {  	v3 =	vld [tilespmem:$0x130];
	_ =	sdelay $0x4  }
0x151: {  	v51 =	vshrl.u32 v3, $0x3  }
0x152: {  	v4 =	vmul.u32 $0x18, v51  }
0x153: {  	v3 =	vand.u32 $0x7, v3  }
0x154: {  	v3 =	vor.u32 v3, v4  }
0x155: {  	v4 =	vperm.xlane v3, v0;
	_ =	sdelay $0x1  }
0x156: {  	v4 =	vadd.s32 v1, v4;
	_ =	sdelay $0x1  }
0x157: {  	v3 =	vperm.xlane v3, v2;
	_ =	sdelay $0x1  }
0x158: {  	v3 =	vadd.s32 v1, v3  }
0x159: {  	[tilespmem:s13], [sflag:$0x1] =	stream.indirect_vreg.gather [hbm4b:s3+s2], $0x80, v4, vm0, $0xb8;
	[tilespmem:$0x18200] =	vst v63  }
0x15a: {  	_ = 	snop  }
0x15b: {  	[tilespmem:s14], [sflag:$0x1] =	stream.indirect_vreg.gather [hbm4b:s5+s2], $0x80, v4, vm1, $0xb8;
	[tilespmem:$0x18200] =	vst v63  }
0x15c: {  	_ = 	snop  }
0x15d: {  	[tilespmem:s15], [sflag:$0x1] =	stream.indirect_vreg.gather [hbm4b:s3+s2], $0x80, v3, vm0, $0xb8;
	[tilespmem:$0x18200] =	vst v63  }
0x15e: {  	_ = 	snop  }
0x15f: {  	[tilespmem:s17], [sflag:$0x1] =	stream.indirect_vreg.gather [hbm4b:s5+s2], $0x80, v3, vm1, $0xb8;
	[tilespmem:$0x18200] =	vst v63  }
0x160: {  	v3 =	vld [tilespmem:$0x140];
	_ =	sdelay $0x4  }
0x161: {  	v52 =	vshrl.u32 v3, $0x3  }
0x162: {  	v4 =	vmul.u32 $0x18, v52  }
0x163: {  	v3 =	vand.u32 $0x7, v3  }
0x164: {  	v3 =	vor.u32 v3, v4  }
0x165: {  	v4 =	vperm.xlane v3, v0;
	_ =	sdelay $0x1  }
0x166: {  	v4 =	vadd.s32 v1, v4;
	_ =	sdelay $0x1  }
0x167: {  	v3 =	vperm.xlane v3, v2;
	_ =	sdelay $0x1  }
0x168: {  	v3 =	vadd.s32 v1, v3  }
0x169: {  	[tilespmem:s18], [sflag:$0x1] =	stream.indirect_vreg.gather [hbm4b:s3+s2], $0x80, v4, vm0, $0xb8;
	[tilespmem:$0x18200] =	vst v63  }
0x16a: {  	_ = 	snop  }
0x16b: {  	[tilespmem:s19], [sflag:$0x1] =	stream.indirect_vreg.gather [hbm4b:s5+s2], $0x80, v4, vm1, $0xb8;
	[tilespmem:$0x18200] =	vst v63  }
0x16c: {  	s25 =	simm.s32 $0x6E00  }
0x16d: {  	[tilespmem:s25], [sflag:$0x1] =	stream.indirect_vreg.gather [hbm4b:s3+s2], $0x80, v3, vm0, $0xb8;
	[tilespmem:$0x18200] =	vst v63  }
0x16e: {  	_ = 	snop  }
0x16f: {  	[tilespmem:s20], [sflag:$0x1] =	stream.indirect_vreg.gather [hbm4b:s5+s2], $0x80, v3, vm1, $0xb8;
	[tilespmem:$0x18200] =	vst v63  }
0x170: {  	v3 =	vld [tilespmem:$0x150];
	_ =	sdelay $0x4  }
0x171: {  	v53 =	vshrl.u32 v3, $0x3  }
0x172: {  	v4 =	vmul.u32 $0x18, v53  }
0x173: {  	v3 =	vand.u32 $0x7, v3  }
0x174: {  	v3 =	vor.u32 v3, v4  }
0x175: {  	v4 =	vperm.xlane v3, v0;
	_ =	sdelay $0x1  }
0x176: {  	v4 =	vadd.s32 v1, v4;
	_ =	sdelay $0x1  }
0x177: {  	v3 =	vperm.xlane v3, v2;
	_ =	sdelay $0x1  }
0x178: {  	v3 =	vadd.s32 v1, v3  }
0x179: {  	[tilespmem:s21], [sflag:$0x1] =	stream.indirect_vreg.gather [hbm4b:s3+s2], $0x80, v4, vm0, $0xb8;
	[tilespmem:$0x18200] =	vst v63  }
0x17a: {  	_ = 	snop  }
0x17b: {  	[tilespmem:s22], [sflag:$0x1] =	stream.indirect_vreg.gather [hbm4b:s5+s2], $0x80, v4, vm1, $0xb8;
	[tilespmem:$0x18200] =	vst v63  }
0x17c: {  	_ = 	snop  }
0x17d: {  	[tilespmem:s8], [sflag:$0x1] =	stream.indirect_vreg.gather [hbm4b:s3+s2], $0x80, v3, vm0, $0xb8;
	[tilespmem:$0x18200] =	vst v63  }
0x17e: {  	_ = 	snop  }
0x17f: {  	[tilespmem:s16], [sflag:$0x1] =	stream.indirect_vreg.gather [hbm4b:s5+s2], $0x80, v3, vm1, $0xb8;
	[tilespmem:$0x18200] =	vst v63  }
0x180: {  	v3 =	vld [tilespmem:$0x160];
	_ =	sdelay $0x4  }
0x181: {  	v54 =	vshrl.u32 v3, $0x3  }
0x182: {  	v4 =	vmul.u32 $0x18, v54  }
0x183: {  	v3 =	vand.u32 $0x7, v3  }
0x184: {  	v3 =	vor.u32 v3, v4  }
0x185: {  	v4 =	vperm.xlane v3, v0;
	_ =	sdelay $0x1  }
0x186: {  	v4 =	vadd.s32 v1, v4;
	_ =	sdelay $0x1  }
0x187: {  	v3 =	vperm.xlane v3, v2;
	_ =	sdelay $0x1  }
0x188: {  	v3 =	vadd.s32 v1, v3  }
0x189: {  	[tilespmem:s23], [sflag:$0x1] =	stream.indirect_vreg.gather [hbm4b:s3+s2], $0x80, v4, vm0, $0xb8;
	[tilespmem:$0x18200] =	vst v63  }
0x18a: {  	s25 =	simm.s32 $0x9A00  }
0x18b: {  	[tilespmem:s25], [sflag:$0x1] =	stream.indirect_vreg.gather [hbm4b:s5+s2], $0x80, v4, vm1, $0xb8;
	[tilespmem:$0x18200] =	vst v63  }
0x18c: {  	s25 =	simm.s32 $0x9E00  }
0x18d: {  	[tilespmem:s25], [sflag:$0x1] =	stream.indirect_vreg.gather [hbm4b:s3+s2], $0x80, v3, vm0, $0xb8;
	[tilespmem:$0x18200] =	vst v63  }
0x18e: {  	s25 =	simm.s32 $0xA600  }
0x18f: {  	[tilespmem:s25], [sflag:$0x1] =	stream.indirect_vreg.gather [hbm4b:s5+s2], $0x80, v3, vm1, $0xb8;
	[tilespmem:$0x18200] =	vst v63  }
0x190: {  	v3 =	vld [tilespmem:$0x170];
	_ =	sdelay $0x4  }
0x191: {  	v55 =	vshrl.u32 v3, $0x3  }
0x192: {  	v4 =	vmul.u32 $0x18, v55  }
0x193: {  	v3 =	vand.u32 $0x7, v3  }
0x194: {  	v3 =	vor.u32 v3, v4  }
0x195: {  	v4 =	vperm.xlane v3, v0;
	_ =	sdelay $0x1  }
0x196: {  	v4 =	vadd.s32 v1, v4;
	_ =	sdelay $0x1  }
0x197: {  	v3 =	vperm.xlane v3, v2;
	_ =	sdelay $0x1  }
0x198: {  	s25 =	simm.s32 $0xAA00;
	v3 =	vadd.s32 v1, v3  }
0x199: {  	[tilespmem:s25], [sflag:$0x1] =	stream.indirect_vreg.gather [hbm4b:s3+s2], $0x80, v4, vm0, $0xb8;
	[tilespmem:$0x18200] =	vst v63  }
0x19a: {  	s25 =	simm.s32 $0xB200  }
0x19b: {  	[tilespmem:s25], [sflag:$0x1] =	stream.indirect_vreg.gather [hbm4b:s5+s2], $0x80, v4, vm1, $0xb8;
	[tilespmem:$0x18200] =	vst v63  }
0x19c: {  	s25 =	simm.s32 $0xB600  }
0x19d: {  	[tilespmem:s25], [sflag:$0x1] =	stream.indirect_vreg.gather [hbm4b:s3+s2], $0x80, v3, vm0, $0xb8;
	[tilespmem:$0x18200] =	vst v63  }
0x19e: {  	s25 =	simm.s32 $0xBE00  }
0x19f: {  	[tilespmem:s25], [sflag:$0x1] =	stream.indirect_vreg.gather [hbm4b:s5+s2], $0x80, v3, vm1, $0xb8;
	[tilespmem:$0x18200] =	vst v63  }
0x1a0: {  	_ =	swait.ge [sflag:s4], $0xC000  }
0x1a1: {  	[sflag:s4] =	ssyncset.done $0x0  }
0x1a2: {  	s1 =	rddreg [dreg:$0x3];
	[sflag:s4] =	ssyncadd.s32 $0xFFFF4000  }
0x1a3: {  	[hbm4b:s1+s2] =	stream.linear.scatter [tilespmem:s0], [sflag:$0x3], $0xC000, $0x38;
	[tilespmem:$0x18200] =	vst v63  }
0x1a4: {  	_ =	swait.ge [sflag:s7], $0xC000  }
0x1a5: {  	[sflag:s7] =	ssyncset.done $0x0  }
0x1a6: {  	[sflag:s7] =	ssyncadd.s32 $0xFFFF4000  }
0x1a7: {  	v3 =	vld [tilespmem:$0x180];
	_ =	sdelay $0x4  }
0x1a8: {  	v56 =	vshrl.u32 v3, $0x3  }
0x1a9: {  	v4 =	vmul.u32 $0x18, v56  }
0x1aa: {  	v3 =	vand.u32 $0x7, v3  }
0x1ab: {  	v3 =	vor.u32 v3, v4  }
0x1ac: {  	v4 =	vperm.xlane v3, v0;
	_ =	sdelay $0x1  }
0x1ad: {  	v4 =	vadd.s32 v1, v4;
	_ =	sdelay $0x1  }
0x1ae: {  	v3 =	vperm.xlane v3, v2;
	_ =	sdelay $0x1  }
0x1af: {  	v3 =	vadd.s32 v1, v3  }
0x1b0: {  	[tilespmem:s0], [sflag:$0x2] =	stream.indirect_vreg.gather [hbm4b:s3+s2], $0x80, v4, vm0, $0xb8;
	[tilespmem:$0x18200] =	vst v63  }
0x1b1: {  	s25 =	simm.s32 $0xCA00  }
0x1b2: {  	[tilespmem:s25], [sflag:$0x2] =	stream.indirect_vreg.gather [hbm4b:s5+s2], $0x80, v4, vm1, $0xb8;
	[tilespmem:$0x18200] =	vst v63  }
0x1b3: {  	s25 =	simm.s32 $0xCE00  }
0x1b4: {  	[tilespmem:s25], [sflag:$0x2] =	stream.indirect_vreg.gather [hbm4b:s3+s2], $0x80, v3, vm0, $0xb8;
	[tilespmem:$0x18200] =	vst v63  }
0x1b5: {  	s25 =	simm.s32 $0xD600  }
0x1b6: {  	[tilespmem:s25], [sflag:$0x2] =	stream.indirect_vreg.gather [hbm4b:s5+s2], $0x80, v3, vm1, $0xb8;
	[tilespmem:$0x18200] =	vst v63  }
0x1b7: {  	v3 =	vld [tilespmem:$0x190];
	_ =	sdelay $0x4  }
0x1b8: {  	v57 =	vshrl.u32 v3, $0x3  }
0x1b9: {  	v4 =	vmul.u32 $0x18, v57  }
0x1ba: {  	v3 =	vand.u32 $0x7, v3  }
0x1bb: {  	v3 =	vor.u32 v3, v4  }
0x1bc: {  	v4 =	vperm.xlane v3, v0;
	_ =	sdelay $0x1  }
0x1bd: {  	v4 =	vadd.s32 v1, v4;
	_ =	sdelay $0x1  }
0x1be: {  	v3 =	vperm.xlane v3, v2;
	_ =	sdelay $0x1  }
0x1bf: {  	s25 =	simm.s32 $0xDA00;
	v3 =	vadd.s32 v1, v3  }
0x1c0: {  	[tilespmem:s25], [sflag:$0x2] =	stream.indirect_vreg.gather [hbm4b:s3+s2], $0x80, v4, vm0, $0xb8;
	[tilespmem:$0x18200] =	vst v63  }
0x1c1: {  	s25 =	simm.s32 $0xE200  }
0x1c2: {  	[tilespmem:s25], [sflag:$0x2] =	stream.indirect_vreg.gather [hbm4b:s5+s2], $0x80, v4, vm1, $0xb8;
	[tilespmem:$0x18200] =	vst v63  }
0x1c3: {  	s25 =	simm.s32 $0xE600  }
0x1c4: {  	[tilespmem:s25], [sflag:$0x2] =	stream.indirect_vreg.gather [hbm4b:s3+s2], $0x80, v3, vm0, $0xb8;
	[tilespmem:$0x18200] =	vst v63  }
0x1c5: {  	s25 =	simm.s32 $0xEE00  }
0x1c6: {  	[tilespmem:s25], [sflag:$0x2] =	stream.indirect_vreg.gather [hbm4b:s5+s2], $0x80, v3, vm1, $0xb8;
	[tilespmem:$0x18200] =	vst v63  }
0x1c7: {  	v3 =	vld [tilespmem:$0x1A0];
	_ =	sdelay $0x4  }
0x1c8: {  	v58 =	vshrl.u32 v3, $0x3  }
0x1c9: {  	v4 =	vmul.u32 $0x18, v58  }
0x1ca: {  	v3 =	vand.u32 $0x7, v3  }
0x1cb: {  	v3 =	vor.u32 v3, v4  }
0x1cc: {  	v4 =	vperm.xlane v3, v0;
	_ =	sdelay $0x1  }
0x1cd: {  	v4 =	vadd.s32 v1, v4;
	_ =	sdelay $0x1  }
0x1ce: {  	v3 =	vperm.xlane v3, v2;
	_ =	sdelay $0x1  }
0x1cf: {  	s25 =	simm.s32 $0xF200;
	v3 =	vadd.s32 v1, v3  }
0x1d0: {  	[tilespmem:s25], [sflag:$0x2] =	stream.indirect_vreg.gather [hbm4b:s3+s2], $0x80, v4, vm0, $0xb8;
	[tilespmem:$0x18200] =	vst v63  }
0x1d1: {  	s25 =	simm.s32 $0xFA00  }
0x1d2: {  	[tilespmem:s25], [sflag:$0x2] =	stream.indirect_vreg.gather [hbm4b:s5+s2], $0x80, v4, vm1, $0xb8;
	[tilespmem:$0x18200] =	vst v63  }
0x1d3: {  	s25 =	simm.s32 $0xFE00  }
0x1d4: {  	[tilespmem:s25], [sflag:$0x2] =	stream.indirect_vreg.gather [hbm4b:s3+s2], $0x80, v3, vm0, $0xb8;
	[tilespmem:$0x18200] =	vst v63  }
0x1d5: {  	s25 =	simm.s32 $0x10600  }
0x1d6: {  	[tilespmem:s25], [sflag:$0x2] =	stream.indirect_vreg.gather [hbm4b:s5+s2], $0x80, v3, vm1, $0xb8;
	[tilespmem:$0x18200] =	vst v63  }
0x1d7: {  	v3 =	vld [tilespmem:$0x1B0];
	_ =	sdelay $0x4  }
0x1d8: {  	v59 =	vshrl.u32 v3, $0x3  }
0x1d9: {  	v4 =	vmul.u32 $0x18, v59  }
0x1da: {  	v3 =	vand.u32 $0x7, v3  }
0x1db: {  	v3 =	vor.u32 v3, v4  }
0x1dc: {  	v4 =	vperm.xlane v3, v0;
	_ =	sdelay $0x1  }
0x1dd: {  	v4 =	vadd.s32 v1, v4;
	_ =	sdelay $0x1  }
0x1de: {  	v3 =	vperm.xlane v3, v2;
	_ =	sdelay $0x1  }
0x1df: {  	s25 =	simm.s32 $0x10A00;
	v3 =	vadd.s32 v1, v3  }
0x1e0: {  	[tilespmem:s25], [sflag:$0x2] =	stream.indirect_vreg.gather [hbm4b:s3+s2], $0x80, v4, vm0, $0xb8;
	[tilespmem:$0x18200] =	vst v63  }
0x1e1: {  	s25 =	simm.s32 $0x11200  }
0x1e2: {  	[tilespmem:s25], [sflag:$0x2] =	stream.indirect_vreg.gather [hbm4b:s5+s2], $0x80, v4, vm1, $0xb8;
	[tilespmem:$0x18200] =	vst v63  }
0x1e3: {  	s25 =	simm.s32 $0x11600  }
0x1e4: {  	[tilespmem:s25], [sflag:$0x2] =	stream.indirect_vreg.gather [hbm4b:s3+s2], $0x80, v3, vm0, $0xb8;
	[tilespmem:$0x18200] =	vst v63  }
0x1e5: {  	s25 =	simm.s32 $0x11E00  }
0x1e6: {  	[tilespmem:s25], [sflag:$0x2] =	stream.indirect_vreg.gather [hbm4b:s5+s2], $0x80, v3, vm1, $0xb8;
	[tilespmem:$0x18200] =	vst v63  }
0x1e7: {  	v3 =	vld [tilespmem:$0x1C0];
	_ =	sdelay $0x4  }
0x1e8: {  	v60 =	vshrl.u32 v3, $0x3  }
0x1e9: {  	v4 =	vmul.u32 $0x18, v60  }
0x1ea: {  	v3 =	vand.u32 $0x7, v3  }
0x1eb: {  	v3 =	vor.u32 v3, v4  }
0x1ec: {  	v4 =	vperm.xlane v3, v0;
	_ =	sdelay $0x1  }
0x1ed: {  	v4 =	vadd.s32 v1, v4;
	_ =	sdelay $0x1  }
0x1ee: {  	v3 =	vperm.xlane v3, v2;
	_ =	sdelay $0x1  }
0x1ef: {  	s25 =	simm.s32 $0x12200;
	v3 =	vadd.s32 v1, v3  }
0x1f0: {  	[tilespmem:s25], [sflag:$0x2] =	stream.indirect_vreg.gather [hbm4b:s3+s2], $0x80, v4, vm0, $0xb8;
	[tilespmem:$0x18200] =	vst v63  }
0x1f1: {  	s25 =	simm.s32 $0x12A00  }
0x1f2: {  	[tilespmem:s25], [sflag:$0x2] =	stream.indirect_vreg.gather [hbm4b:s5+s2], $0x80, v4, vm1, $0xb8;
	[tilespmem:$0x18200] =	vst v63  }
0x1f3: {  	s25 =	simm.s32 $0x12E00  }
0x1f4: {  	[tilespmem:s25], [sflag:$0x2] =	stream.indirect_vreg.gather [hbm4b:s3+s2], $0x80, v3, vm0, $0xb8;
	[tilespmem:$0x18200] =	vst v63  }
0x1f5: {  	s25 =	simm.s32 $0x13600  }
0x1f6: {  	[tilespmem:s25], [sflag:$0x2] =	stream.indirect_vreg.gather [hbm4b:s5+s2], $0x80, v3, vm1, $0xb8;
	[tilespmem:$0x18200] =	vst v63  }
0x1f7: {  	v3 =	vld [tilespmem:$0x1D0];
	_ =	sdelay $0x4  }
0x1f8: {  	v61 =	vshrl.u32 v3, $0x3  }
0x1f9: {  	v4 =	vmul.u32 $0x18, v61  }
0x1fa: {  	v3 =	vand.u32 $0x7, v3  }
0x1fb: {  	v3 =	vor.u32 v3, v4  }
0x1fc: {  	v4 =	vperm.xlane v3, v0;
	_ =	sdelay $0x1  }
0x1fd: {  	v4 =	vadd.s32 v1, v4;
	_ =	sdelay $0x1  }
0x1fe: {  	v3 =	vperm.xlane v3, v2;
	_ =	sdelay $0x1  }
0x1ff: {  	s25 =	simm.s32 $0x13A00;
	v3 =	vadd.s32 v1, v3  }
0x200: {  	[tilespmem:s25], [sflag:$0x2] =	stream.indirect_vreg.gather [hbm4b:s3+s2], $0x80, v4, vm0, $0xb8;
	[tilespmem:$0x18200] =	vst v63  }
0x201: {  	s25 =	simm.s32 $0x14200  }
0x202: {  	[tilespmem:s25], [sflag:$0x2] =	stream.indirect_vreg.gather [hbm4b:s5+s2], $0x80, v4, vm1, $0xb8;
	[tilespmem:$0x18200] =	vst v63  }
0x203: {  	s25 =	simm.s32 $0x14600  }
0x204: {  	[tilespmem:s25], [sflag:$0x2] =	stream.indirect_vreg.gather [hbm4b:s3+s2], $0x80, v3, vm0, $0xb8;
	[tilespmem:$0x18200] =	vst v63  }
0x205: {  	s25 =	simm.s32 $0x14E00  }
0x206: {  	[tilespmem:s25], [sflag:$0x2] =	stream.indirect_vreg.gather [hbm4b:s5+s2], $0x80, v3, vm1, $0xb8;
	[tilespmem:$0x18200] =	vst v63  }
0x207: {  	v3 =	vld [tilespmem:$0x1E0];
	_ =	sdelay $0x4  }
0x208: {  	v62 =	vshrl.u32 v3, $0x3  }
0x209: {  	v4 =	vmul.u32 $0x18, v62  }
0x20a: {  	v3 =	vand.u32 $0x7, v3  }
0x20b: {  	v3 =	vor.u32 v3, v4  }
0x20c: {  	v4 =	vperm.xlane v3, v0;
	_ =	sdelay $0x1  }
0x20d: {  	v4 =	vadd.s32 v1, v4;
	_ =	sdelay $0x1  }
0x20e: {  	v3 =	vperm.xlane v3, v2;
	_ =	sdelay $0x1  }
0x20f: {  	s25 =	simm.s32 $0x15200;
	v3 =	vadd.s32 v1, v3  }
0x210: {  	[tilespmem:s25], [sflag:$0x2] =	stream.indirect_vreg.gather [hbm4b:s3+s2], $0x80, v4, vm0, $0xb8;
	[tilespmem:$0x18200] =	vst v63  }
0x211: {  	s25 =	simm.s32 $0x15A00  }
0x212: {  	[tilespmem:s25], [sflag:$0x2] =	stream.indirect_vreg.gather [hbm4b:s5+s2], $0x80, v4, vm1, $0xb8;
	[tilespmem:$0x18200] =	vst v63  }
0x213: {  	s25 =	simm.s32 $0x15E00  }
0x214: {  	[tilespmem:s25], [sflag:$0x2] =	stream.indirect_vreg.gather [hbm4b:s3+s2], $0x80, v3, vm0, $0xb8;
	[tilespmem:$0x18200] =	vst v63  }
0x215: {  	s25 =	simm.s32 $0x16600  }
0x216: {  	[tilespmem:s25], [sflag:$0x2] =	stream.indirect_vreg.gather [hbm4b:s5+s2], $0x80, v3, vm1, $0xb8;
	[tilespmem:$0x18200] =	vst v63  }
0x217: {  	v3 =	vld [tilespmem:$0x1F0];
	_ =	sdelay $0x4  }
0x218: {  	v63 =	vshrl.u32 v3, $0x3  }
0x219: {  	v4 =	vmul.u32 $0x18, v63  }
0x21a: {  	v3 =	vand.u32 $0x7, v3  }
0x21b: {  	v3 =	vor.u32 v3, v4  }
0x21c: {  	v4 =	vperm.xlane v3, v0;
	_ =	sdelay $0x1  }
0x21d: {  	v4 =	vadd.s32 v1, v4;
	_ =	sdelay $0x1  }
0x21e: {  	v3 =	vperm.xlane v3, v2;
	_ =	sdelay $0x1  }
0x21f: {  	s25 =	simm.s32 $0x16A00;
	v3 =	vadd.s32 v1, v3  }
0x220: {  	[tilespmem:s25], [sflag:$0x2] =	stream.indirect_vreg.gather [hbm4b:s3+s2], $0x80, v4, vm0, $0xb8;
	[tilespmem:$0x18200] =	vst v63  }
0x221: {  	s25 =	simm.s32 $0x17200  }
0x222: {  	[tilespmem:s25], [sflag:$0x2] =	stream.indirect_vreg.gather [hbm4b:s5+s2], $0x80, v4, vm1, $0xb8;
	[tilespmem:$0x18200] =	vst v63  }
0x223: {  	s25 =	simm.s32 $0x17600  }
0x224: {  	[tilespmem:s25], [sflag:$0x2] =	stream.indirect_vreg.gather [hbm4b:s3+s2], $0x80, v3, vm0, $0xb8;
	[tilespmem:$0x18200] =	vst v63  }
0x225: {  	s25 =	simm.s32 $0x17E00  }
0x226: {  	[tilespmem:s25], [sflag:$0x2] =	stream.indirect_vreg.gather [hbm4b:s5+s2], $0x80, v3, vm1, $0xb8;
	[tilespmem:$0x18200] =	vst v63  }
0x227: {  	_ =	swait.ge [sflag:s24], $0xC000  }
0x228: {  	[sflag:s24] =	ssyncset.done $0x0  }
0x229: {  	s1 =	simm.s32 $0x200;
	s25 =	rddreg [dreg:$0x4];
	[sflag:s24] =	ssyncadd.s32 $0xFFFF4000  }
0x22a: {  	[hbm4b:s25+s2] =	stream.linear.scatter [tilespmem:s1], [sflag:$0x3], $0xC000, $0x38;
	[tilespmem:$0x18200] =	vst v63  }
0x22b: {  	_ =	swait.ge [sflag:s7], $0xC000  }
0x22c: {  	[sflag:s7] =	ssyncset.done $0x0  }
0x22d: {  	[sflag:s7] =	ssyncadd.s32 $0xFFFF4000  }
0x22e: {  	_ =	swait.ge [sflag:s4], $0xC000  }
0x22f: {  	p0 =	sne.s32 s6, $0x1;
	[sflag:s4] =	ssyncset.done $0x0  }
.Ltmp0:
0x230: {  	s1 =	rddreg [dreg:$0x5];
	[sflag:s4] =	ssyncadd.s32 $0xFFFF4000;
	(pc) =	sbr.rel @p0 .LBB2_1-.Ltmp0, $4  }
0x231: {  	[hbm4b:s1+s2] =	stream.linear.scatter [tilespmem:s0], [sflag:$0x3], $0xC000, $0x38;
	[tilespmem:$0x18200] =	vst v63  }
0x232: {  	_ =	swait.ge [sflag:s7], $0xC000  }
0x233: {  	[sflag:s7] =	ssyncset.done $0x0  }
0x234: {  	s6 =	sadd.s32 $0xFFFFFFFF, s6;
	[sflag:s7] =	ssyncadd.s32 $0xFFFF4000  }
0x235: {  	_ =	sfence.sel $0x180000  }
0x236: {  	[bflag:$0x0] =	sbarrier.arrive $0xFFFF  }
0x237: {  	_ =	strace $0x90000050  }
0x238: {  	s0 =	stileid.u32;
	[bflag:$0x2] =	sbarrier.arrive $0xFFFF  }
0x239: {  	p0 =	sne.s32 s0, $0x0;
	s0 =	rddreg [dreg:$0x1]  }
0x23a: {  	s0 =	sadd.s32 @!p0 $0x100000, s0  }
0x23b: {  	[sflag:s0] =	ssyncadd.tile.s32 @!p0 $0x1;
	_ =	shalt  }
.Lfunc_end2:
_tile_overlayer_lowered:
.L_overlay_start_2:
0x23c: {  	(tag) =	ssettag $0x2  }
0x23d: {  	s0 =	rddreg [dreg:$0x0];
	s2 =	stileid.u32  }
0x23e: {  	s1 =	rddreg [dreg:$0x1];
	p0 =	sne.s32 s2, $0x0  }
0x23f: {  	s3 =	rddreg [dreg:$0x2];
	[bflag:$0x3] =	sbarrier.arrive $0xFFFF;
	s2 =	simm.s32 @!p0 $0x1C03  }
0x240: {  	[timem:s3], [sflag:s2] =	dma.local @!p0 [hbm:s0], s1  }
0x241: {  	s0 =	simm.s32 @!p0 $0x3  }
0x242: {  	_ =	swait.ge @!p0 [sflag:s0], s1  }
0x243: {  	s1 =	ssub.s32 @!p0 $0x0, s1;
	[sflag:s0] =	ssyncset.done @!p0 $0x0  }
0x244: {  	[sflag:s0] =	ssyncadd.s32 @!p0 s1  }
0x245: {  	[bflag:$0x3] =	sbarrier.arrive $0xFFFF  }
0x246: {  	_ =	shalt  }

// kernel: kernel.18.cloned.1.call-start
scs
__scs_entry_jumppad:
0x0: {  	(pc) =	sbr.rel $0x88, $3  }
0x1: {  	(tag) =	ssettag $0x0;
	lr =	simm.s32 $0x1  }
0x2: {  	[smem:$0x3F92] =	sst lr;
	_ =	strace $0xD0000000  }
0x3: {  	_ = 	snop  }
0x4: {  	_ = 	snop  }
0x5: {  	_ = 	snop  }
0x6: {  	_ = 	snop  }
0x7: {  	_ = 	snop  }
__scs_overlays_trampoline_lowered:
0x8: {  	[smem:$0x3FA1] =	sst s0  }
0x9: {  	[smem:$0x3FA2] =	sst s1  }
0xa: {  	[smem:$0x3FA3] =	sst s2  }
0xb: {  	[smem:$0x3FA4] =	sst s3  }
0xc: {  	[smem:$0x3FA5] =	sst s4  }
0xd: {  	[smem:$0x3FA6] =	sst s5  }
0xe: {  	[smem:$0x3FA7] =	sst s6  }
0xf: {  	[smem:$0x3FA8] =	sst s7  }
0x10: {  	[smem:$0x3FA9] =	sst s8  }
0x11: {  	[smem:$0x3FAA] =	sst s9;
	s0 =	simm.s32 @!p0 $0x0  }
0x12: {  	s1 =	sld [smem:$0x3F90];
	s0 =	simm.s32 @p0 $0x1  }
0x13: {  	[smem:$0x3FAB] =	sst s0;
	s0 =	simm.s32 @!p1 $0x0  }
0x14: {  	s2 =	sld [smem:$0x3F8F];
	s0 =	simm.s32 @p1 $0x1  }
0x15: {  	[smem:$0x3FAC] =	sst s0;
	s0 =	simm.s32 @!p2 $0x0  }
0x16: {  	s3 =	sld [smem:$0x3FDB];
	s0 =	simm.s32 @p2 $0x1  }
0x17: {  	s4 =	simm.s32 $0x1BF5;
	[smem:$0x3FAE] =	sst s0  }
0x18: {  	s0 =	sld [smem:$0x3F91];
	_ =	swait.ge [sflag:s4], $0x0  }
0x19: {  	s7 =	sld [smem:$0x3F92]  }
0x1a: {  	s8 =	sadd.s32 $0xFFFFE003, lr  }
0x1b: {  	s9 =	sadd.s32 $0xFFFFFEF7, lr;
	s5 =	simm.s32 $0xFFFFFFFF;
	p2 =	slt.u32 s8, $0xFFFFF086  }
0x1c: {  	p1 =	slt.u32 s9, $0xF7A;
	s5 =	simm.s32 @!p2 $0x0  }
0x1d: {  	s5 =	simm.s32 @p1 $0x1;
	p0 =	seq.s32 s7, s2  }
0x1e: {  	s7 =	smul.u32 @!p0 $0xF7A, s2;
	p2 =	seq.s32 @!p0 s5, $0x0  }
0x1f: {  	s9 =	smul.u32 $0xF7A, s1;
	s8 =	simm.s32 @!p0 $0x1BF5;
	p2 =	por !p2, p0  }
0x20: {  	[sflag:s8] =	ssyncset.s32 @!p0 $0xFFFFF086;
	s6 =	sadd.s32 @!p0 s3, s7;
	s7 =	simm.s32 @!p0 $0x108  }
0x21: {  	s3 =	sadd.s32 s3, s9;
	s6 =	sadd.s32 @!p0 $0x88, s6;
	s7 =	simm.s32 @p2 $0x1082  }
0x22: {  	[simem:s7], [sflag:s8] =	dma.local @!p0 [hbm:s6], $0xF7A  }
0x23: {  	s9 =	sor.u32 $0xD0000000, s2;
	s6 =	simm.s32 $0x108;
	_ =	swait.ge @!p0 [sflag:s8], $0x0  }
0x24: {  	s3 =	sadd.s32 $0x88, s3;
	s6 =	simm.s32 @!p1 $0x1082;
	[sflag:s4] =	ssyncset.s32 $0xFFFFF086  }
0x25: {  	[simem:s6], [sflag:s4] =	dma.local [hbm:s3], $0xF7A  }
0x26: {  	[smem:$0x3F92] =	sst s1;
	(tag) =	ssettag s2;
	_ =	strace s9  }
0x27: {  	s1 =	sld [smem:$0x3FA2]  }
0x28: {  	s2 =	sld [smem:$0x3FA3]  }
0x29: {  	s4 =	sld [smem:$0x3FA5]  }
0x2a: {  	p0 =	seq.s32 s5, $0x0;
	s5 =	sld [smem:$0x3FA6]  }
0x2b: {  	s6 =	sld [smem:$0x3FA7]  }
0x2c: {  	s7 =	sld [smem:$0x3FA8]  }
0x2d: {  	s3 =	simm.s32 $0x108;
	s8 =	sld [smem:$0x3FA9]  }
0x2e: {  	s3 =	simm.s32 @!p0 $0x1082;
	s9 =	sld [smem:$0x3FAA]  }
0x2f: {  	lr =	sadd.s32 s0, s3;
	s0 =	sld [smem:$0x3FA1]  }
0x30: {  	s3 =	sld [smem:$0x3FA4]  }
0x31: {  	[smem:$0x3FAD] =	sst s10  }
0x32: {  	s10 =	sld [smem:$0x3FAB];
	_ =	sdelay $0x3  }
0x33: {  	p0 =	seq.s32 s10, $0x1;
	s10 =	sld [smem:$0x3FAD];
	_ =	sdelay $0x3  }
0x34: {  	[smem:$0x3FAD] =	sst s10  }
0x35: {  	s10 =	sld [smem:$0x3FAC];
	_ =	sdelay $0x3  }
0x36: {  	p1 =	seq.s32 s10, $0x1;
	s10 =	sld [smem:$0x3FAD];
	_ =	sdelay $0x3  }
0x37: {  	[smem:$0x3FAD] =	sst s10  }
0x38: {  	s10 =	sld [smem:$0x3FAE]  }
0x39: {  	_ = 	snop;
	(pc) =	sbr.ind lr, $3  }
0x3a: {  	_ = 	snop  }
0x3b: {  	_ = 	snop  }
0x3c: {  	p2 =	seq.s32 s10, $0x1;
	s10 =	sld [smem:$0x3FAD]  }
0x3d: {  	_ =	shalt  }
0x3e: {  	_ =	shalt  }
0x3f: {  	_ =	shalt  }
0x40: {  	_ =	shalt  }
0x41: {  	_ =	shalt  }
0x42: {  	_ =	shalt  }
0x43: {  	_ =	shalt  }
0x44: {  	_ =	shalt  }
0x45: {  	_ =	shalt  }
0x46: {  	_ =	shalt  }
0x47: {  	_ =	shalt  }
0x48: {  	_ =	shalt  }
0x49: {  	_ =	shalt  }
0x4a: {  	_ =	shalt  }
0x4b: {  	_ =	shalt  }
0x4c: {  	_ =	shalt  }
0x4d: {  	_ =	shalt  }
0x4e: {  	_ =	shalt  }
0x4f: {  	_ =	shalt  }
0x50: {  	_ =	shalt  }
0x51: {  	_ =	shalt  }
0x52: {  	_ =	shalt  }
0x53: {  	_ =	shalt  }
0x54: {  	_ =	shalt  }
0x55: {  	_ =	shalt  }
0x56: {  	_ =	shalt  }
0x57: {  	_ =	shalt  }
0x58: {  	_ =	shalt  }
0x59: {  	_ =	shalt  }
0x5a: {  	_ =	shalt  }
0x5b: {  	_ =	shalt  }
0x5c: {  	_ =	shalt  }
0x5d: {  	_ =	shalt  }
0x5e: {  	_ =	shalt  }
0x5f: {  	_ =	shalt  }
0x60: {  	_ =	shalt  }
0x61: {  	_ =	shalt  }
0x62: {  	_ =	shalt  }
0x63: {  	_ =	shalt  }
0x64: {  	_ =	shalt  }
0x65: {  	_ =	shalt  }
0x66: {  	_ =	shalt  }
0x67: {  	_ =	shalt  }
0x68: {  	_ =	shalt  }
0x69: {  	_ =	shalt  }
0x6a: {  	_ =	shalt  }
0x6b: {  	_ =	shalt  }
0x6c: {  	_ =	shalt  }
0x6d: {  	_ =	shalt  }
0x6e: {  	_ =	shalt  }
0x6f: {  	_ =	shalt  }
0x70: {  	_ =	shalt  }
0x71: {  	_ =	shalt  }
0x72: {  	_ =	shalt  }
0x73: {  	_ =	shalt  }
0x74: {  	_ =	shalt  }
0x75: {  	_ =	shalt  }
0x76: {  	_ =	shalt  }
0x77: {  	_ =	shalt  }
0x78: {  	_ =	shalt  }
0x79: {  	_ =	shalt  }
0x7a: {  	_ =	shalt  }
0x7b: {  	_ =	shalt  }
0x7c: {  	_ =	shalt  }
0x7d: {  	_ =	shalt  }
0x7e: {  	_ =	shalt  }
0x7f: {  	_ =	shalt  }
0x80: {  	_ =	shalt  }
0x81: {  	_ =	shalt  }
0x82: {  	_ =	shalt  }
0x83: {  	_ =	shalt  }
0x84: {  	_ =	shalt  }
0x85: {  	_ =	shalt  }
0x86: {  	_ =	shalt  }
0x87: {  	_ =	shalt  }
.Lfunc_end0:
.L_simem_size_0:
called_computation.1_lowered:
.L_overlay_start_0:
0x88: {  	s2 =	sld [smem:$0x3FD9]  }
0x89: {  	s3 =	sld [smem:$0x3FFE];
	_ =	sdelay $0x1  }
0x8a: {  	s1 =	srdreg.scid  }
0x8b: {  	s0 =	sand.u32 $0x1, s1  }
0x8c: {  	s17 =	sshll.u32 s0, $0xA;
	s2 =	sadd.s32 s3, s2  }
0x8d: {  	s2 =	sadd.s32 s2, s17  }
0x8e: {  	[smem:$0x3FB9] =	sst s2  }
0x8f: {  	_ = 	snop  }
0x90: {  	(tm) =	ssettm $0x1  }
0x91: {  	s18 =	sld [smem:$0x3FFB];
	_ =	sdelay $0x3  }
0x92: {  	_ =	strace s18  }
0x93: {  	s2 =	sld [smem:$0x3FFC];
	_ =	sdelay $0x3  }
0x94: {  	_ =	strace s2  }
0x95: {  	s2 =	sld [smem:$0x3FFD];
	_ =	sdelay $0x3  }
0x96: {  	_ =	strace s2  }
0x97: {  	_ =	strace $0x8FFFFFFF  }
0x98: {  	s19 =	sld [smem:$0x3FDB];
	_ =	sdelay $0x1  }
0x99: {  	s20 =	simm.s32 $_scs_section_size  }
0x9a: {  	s4 =	simm.s32 $_size__tile_overlayer_lowered;
	s5 =	simm.s32 $_tile_overlayer_lowered  }
0x9b: {  	s6 =	simm.s32 $0x1BFF;
	s21 =	sshll.u32 s5, $0x1;
	s3 =	sadd.s32 s20, s19  }
0x9c: {  	s22 =	simm.s32 $0x0;
	s4 =	sshll.u32 s4, $0x1;
	s5 =	sadd.s32 s21, s3  }
0x9d: {  	[timem:s22], [sflag:s6] =	dma.local [hbm:s5], s4  }
0x9e: {  	_ =	swait.ge [sflag:s6], s4  }
0x9f: {  	s4 =	ssub.s32 $0x0, s4;
	[sflag:s6] =	ssyncset.done $0x0  }
0xa0: {  	[sflag:s6] =	ssyncadd.s32 s4;
	_ =	sdelay $0x1  }
0xa1: {  	s23 =	simm.s32 $0x1B8B  }
0xa2: {  	_ =	swait.ge [sflag:s23], $0x1  }
0xa3: {  	[sflag:s23] =	ssyncset.done $0x0  }
0xa4: {  	[sflag:s23] =	ssyncadd.s32 $0xFFFFFFFF  }
0xa5: {  	s4 =	sld [smem:$0x0]  }
0xa6: {  	s5 =	sand.u32 $0xFFFFFFFE, s1  }
0xa7: {  	p0 =	sne.s32 s1, s5  }
0xa8: {  	s5 =	sshll.u32 @p0 s5, $0xE  }
0xa9: {  	s5 =	sadd.s32 @p0 $0x11B8D, s5;
	s6 =	sshll.u32 @p0 s4, $0x11  }
0xaa: {  	s5 =	sor.u32 @p0 s6, s5  }
0xab: {  	[sflag:s5] =	ssyncadd.remote.s32 @p0 $0x1;
	_ =	sdelay $0x1  }
0xac: {  	s5 =	simm.s32 @p0 $0x1B8D  }
0xad: {  	_ =	swait.eq @p0 [sflag:s5], $0x1  }
0xae: {  	[sflag:s5] =	ssyncadd.s32 @p0 $0xFFFFFFFF  }
0xaf: {  	s6 =	sshll.u32 @!p0 s1, $0xE  }
0xb0: {  	s6 =	sor.u32 @!p0 $0x4000, s6;
	s5 =	simm.s32 @!p0 $0x1B8D  }
0xb1: {  	s4 =	sshll.u32 @!p0 s4, $0x11;
	s6 =	sadd.s32 @!p0 $0x11B8D, s6;
	_ =	swait.eq @!p0 [sflag:s5], $0x1  }
0xb2: {  	s4 =	sor.u32 @!p0 s4, s6;
	[sflag:s5] =	ssyncadd.s32 @!p0 $0xFFFFFFFF  }
0xb3: {  	s25 =	simm.s32 $0x1B8E;
	s24 =	sld [smem:$0x3FFE];
	[sflag:s4] =	ssyncadd.remote.s32 @!p0 $0x1  }
0xb4: {  	s26 =	simm.s32 $execute0_lowered;
	[smem:$0x3FD2] =	sst s25  }
0xb5: {  	s5 =	sshll.u32 s26, $0x1;
	_ =	strace $0x8000004C;
	[dreg:$0x1] =	wrdreg $0xFFFFFFFF  }
0xb6: {  	s28 =	simm.s32 $_size_execute0_lowered;
	s3 =	sadd.s32 s3, s5;
	[dreg:$0x0] =	wrdreg $0x0  }
0xb7: {  	s5 =	sshll.u32 s28, $0x1;
	[dreg:$0x2] =	wrdreg s3  }
0xb8: {  	[dreg:$0x3] =	wrdreg s5  }
0xb9: {  	[dreg:$0x4] =	wrdreg $0xC0  }
0xba: {  	_ =	task [dreg:s22], $0x5FFFF  }
0xbb: {  	[dreg:$0x1] =	wrdreg $0xFFFFFFFF  }
0xbc: {  	[dreg:$0x0] =	wrdreg $0x60  }
0xbd: {  	[dreg:$0x2] =	wrdreg s24  }
0xbe: {  	[dreg:$0x3] =	wrdreg $0xA  }
0xbf: {  	_ =	task.clear_ibuf [dreg:s22], $0x4FFFF;
	_ =	strace $0x9000004C  }
0xc0: {  	s29 =	simm.s32 $0xA;
	_ =	strace $0x8000004E  }
0xc1: {  	_ =	swait.ge [sflag:s29], $0x1  }
0xc2: {  	[sflag:s29] =	ssyncadd.s32 $0xFFFFFFFF  }
0xc3: {  	_ =	strace $0x9000004E  }
0xc4: {  	_ =	sfence  }
0xc5: {  	s30 =	sld [smem:$0x0];
	_ =	sdelay $0x2  }
0xc6: {  	s31 =	sshll.u32 s1, $0xD;
	s1 =	sshrl.u32 s1, $0x2  }
0xc7: {  	s4 =	sand.u32 $0x4000, s31;
	s1 =	sadd.s32 s1, s30  }
0xc8: {  	s0 =	sor.u32 s4, s0;
	s1 =	sshll.u32 s1, $0x11  }
0xc9: {  	s0 =	sor.u32 s1, s0  }
0xca: {  	s0 =	sadd.s32 $0x8F2B, s0  }
0xcb: {  	[sflag:s0] =	ssyncadd.remote.s32 $0x1  }
0xcc: {  	_ =	sfence.sel $0xFFFF  }
0xcd: {  	[dreg:$0x0] =	wrdreg $0xFFFFFFFF;
	(pc) =	sbr.abs _section_cstart, $3  }
0xce: {  	[dreg:$0x1] =	wrdreg $0xFFFFFFFF  }
0xcf: {  	_ =	task.clear_ibuf [dreg:s22], $0x2FFFF;
	_ =	strace $0x9FFFFFFF  }
0xd0: {  	(tm) =	ssettm $0x7FFFFFFF  }
0xd1: {  	_ =	shalt  }
tec
execute0_lowered:
.L_overlay_start_1:
0x0: {  	(tag) =	ssettag $0x1  }
0x1: {  	s0 =	rddreg [dreg:$0x0];
	s1 =	srdreg.scid  }
0x2: {  	s3 =	stileid.u32;
	s2 =	simm.s32 $0x0;
	s28 =	simm.s32 $0xE00  }
0x3: {  	s29 =	simm.s32 $0x1600;
	s30 =	simm.s32 $0x1A00;
	s31 =	simm.s32 $0x2200  }
0x4: {  	s10 =	simm.s32 $0x3A00;
	s11 =	simm.s32 $0x3E00;
	s12 =	simm.s32 $0x4600  }
0x5: {  	s13 =	simm.s32 $0x4A00;
	s14 =	simm.s32 $0x5200;
	s15 =	simm.s32 $0x5600  }
0x6: {  	s17 =	simm.s32 $0x5E00;
	s18 =	simm.s32 $0x6200;
	s19 =	simm.s32 $0x6A00  }
0x7: {  	s20 =	simm.s32 $0x7600;
	s21 =	simm.s32 $0x7A00;
	s22 =	simm.s32 $0x8200  }
0x8: {  	s16 =	simm.s32 $0x8E00;
	s1 =	sand.u32 $0x1, s1;
	s3 =	sshll.u32 s3, $0x7  }
0x9: {  	[smem:$0x7FF] =	sst s2;
	s7 =	sadd.s32 $0x1B4200, s0;
	s4 =	sshll.u32 s1, $0x6  }
0xa: {  	_ =	strace $0x8000004D;
	s1 =	ssub.s32 $0x2, s1;
	s4 =	sor.u32 s4, s3  }
0xb: {  	s3 =	sadd.s32 $0x3200, s0;
	s8 =	sshrl.u32 s1, $0x1;
	s5 =	smul.u32 $0x180, s4  }
0xc: {  	s6 =	smul.u32 $0xC00, s4;
	s4 =	sadd.s32 s4, s0;
	s1 =	ssub.s32 s1, s8  }
0xd: {  	s8 =	simm.s32 $0x8600;
	s4 =	sadd.s32 $0x1B3A00, s4;
	s9 =	sadd.s32 s7, s5  }
0xe: {  	s23 =	sshrl.u32 s6, $0x3;
	[dreg:$0x2] =	wrdreg s4;
	s5 =	sadd.s32 $0x3300, s0  }
0xf: {  	s4 =	simm.s32 $0x2;
	[dreg:$0x6] =	wrdreg s9;
	s24 =	sadd.s32 $0x1800, s9  }
0x10: {  	s6 =	sadd.s32 s7, s23;
	s7 =	simm.s32 $0x3;
	s9 =	simm.s32 $0x3200  }
0x11: {  	v2 =	vlaneseq.u32;
	s23 =	simm.s32 $0x9200;
	[dreg:$0x3] =	wrdreg s24;
	s25 =	sadd.s32 $0x3000, s6  }
0x12: {  	vm0 =	vmmov $0xffff;
	vm1 =	vmmov $0xff;
	v1 =	vshrl.u32 v2, $0x3;
	s26 =	sadd.s32 $0x4800, s6;
	s6 =	smax.u32 s1, $0x1;
	[dreg:$0x4] =	wrdreg s25  }
0x13: {  	v0 =	vand.u32 $0x7, v2;
	v2 =	vor.u32 $0x8, v2;
	v1 =	vmul.u32 $0x8, v1;
	s24 =	simm.s32 $0x1;
	[dreg:$0x5] =	wrdreg s26;
	s26 =	simm.s32 $0xA00  }
.LBB2_1:
0x14: {  	s25 =	rddreg [dreg:$0x2]  }
0x15: {  	[tilespmem:s2], [sflag:$0x3] =	stream.linear.gather [hbm4b:s25+s2], $0x200, $0x38;
	[tilespmem:$0x18200] =	vst v63  }
0x16: {  	_ =	swait.ge [sflag:s7], $0x200  }
0x17: {  	[sflag:s7] =	ssyncset.done $0x0  }
0x18: {  	[sflag:s7] =	ssyncadd.s32 $0xFFFFFE00  }
0x19: {  	v3 =	vld [tilespmem:$0x0];
	_ =	sdelay $0x4  }
0x1a: {  	v4 =	vshrl.u32 v3, $0x3  }
0x1b: {  	v4 =	vmul.u32 $0x18, v4  }
0x1c: {  	v3 =	vand.u32 $0x7, v3  }
0x1d: {  	v3 =	vor.u32 v3, v4  }
0x1e: {  	v4 =	vperm.xlane v3, v0;
	_ =	sdelay $0x1  }
0x1f: {  	v4 =	vadd.s32 v1, v4;
	_ =	sdelay $0x1  }
0x20: {  	v3 =	vperm.xlane v3, v2;
	_ =	sdelay $0x1  }
0x21: {  	s0 =	simm.s32 $0x200;
	v3 =	vadd.s32 v1, v3  }
0x22: {  	[tilespmem:s0], [sflag:$0x1] =	stream.indirect_vreg.gather [hbm4b:s3+s2], $0x80, v4, vm0, $0xb8;
	[tilespmem:$0x18200] =	vst v63  }
0x23: {  	_ = 	snop  }
0x24: {  	[tilespmem:s26], [sflag:$0x1] =	stream.indirect_vreg.gather [hbm4b:s5+s2], $0x80, v4, vm1, $0xb8;
	[tilespmem:$0x18200] =	vst v63  }
0x25: {  	_ = 	snop  }
0x26: {  	[tilespmem:s28], [sflag:$0x1] =	stream.indirect_vreg.gather [hbm4b:s3+s2], $0x80, v3, vm0, $0xb8;
	[tilespmem:$0x18200] =	vst v63  }
0x27: {  	_ = 	snop  }
0x28: {  	[tilespmem:s29], [sflag:$0x1] =	stream.indirect_vreg.gather [hbm4b:s5+s2], $0x80, v3, vm1, $0xb8;
	[tilespmem:$0x18200] =	vst v63  }
0x29: {  	v3 =	vld [tilespmem:$0x10];
	_ =	sdelay $0x4  }
0x2a: {  	v33 =	vshrl.u32 v3, $0x3  }
0x2b: {  	v4 =	vmul.u32 $0x18, v33  }
0x2c: {  	v3 =	vand.u32 $0x7, v3  }
0x2d: {  	v3 =	vor.u32 v3, v4  }
0x2e: {  	v4 =	vperm.xlane v3, v0;
	_ =	sdelay $0x1  }
0x2f: {  	v4 =	vadd.s32 v1, v4;
	_ =	sdelay $0x1  }
0x30: {  	v3 =	vperm.xlane v3, v2;
	_ =	sdelay $0x1  }
0x31: {  	v3 =	vadd.s32 v1, v3  }
0x32: {  	[tilespmem:s30], [sflag:$0x1] =	stream.indirect_vreg.gather [hbm4b:s3+s2], $0x80, v4, vm0, $0xb8;
	[tilespmem:$0x18200] =	vst v63  }
0x33: {  	_ = 	snop  }
0x34: {  	[tilespmem:s31], [sflag:$0x1] =	stream.indirect_vreg.gather [hbm4b:s5+s2], $0x80, v4, vm1, $0xb8;
	[tilespmem:$0x18200] =	vst v63  }
0x35: {  	s25 =	simm.s32 $0x2600  }
0x36: {  	[tilespmem:s25], [sflag:$0x1] =	stream.indirect_vreg.gather [hbm4b:s3+s2], $0x80, v3, vm0, $0xb8;
	[tilespmem:$0x18200] =	vst v63  }
0x37: {  	s1 =	simm.s32 $0x2E00  }
0x38: {  	[tilespmem:s1], [sflag:$0x1] =	stream.indirect_vreg.gather [hbm4b:s5+s2], $0x80, v3, vm1, $0xb8;
	[tilespmem:$0x18200] =	vst v63  }
0x39: {  	v3 =	vld [tilespmem:$0x20];
	_ =	sdelay $0x4  }
0x3a: {  	v34 =	vshrl.u32 v3, $0x3  }
0x3b: {  	v4 =	vmul.u32 $0x18, v34  }
0x3c: {  	v3 =	vand.u32 $0x7, v3  }
0x3d: {  	v3 =	vor.u32 v3, v4  }
0x3e: {  	v4 =	vperm.xlane v3, v0;
	_ =	sdelay $0x1  }
0x3f: {  	v4 =	vadd.s32 v1, v4;
	_ =	sdelay $0x1  }
0x40: {  	v3 =	vperm.xlane v3, v2;
	_ =	sdelay $0x1  }
0x41: {  	v3 =	vadd.s32 v1, v3  }
0x42: {  	[tilespmem:s9], [sflag:$0x1] =	stream.indirect_vreg.gather [hbm4b:s3+s2], $0x80, v4, vm0, $0xb8;
	[tilespmem:$0x18200] =	vst v63  }
0x43: {  	_ = 	snop  }
0x44: {  	[tilespmem:s10], [sflag:$0x1] =	stream.indirect_vreg.gather [hbm4b:s5+s2], $0x80, v4, vm1, $0xb8;
	[tilespmem:$0x18200] =	vst v63  }
0x45: {  	_ = 	snop  }
0x46: {  	[tilespmem:s11], [sflag:$0x1] =	stream.indirect_vreg.gather [hbm4b:s3+s2], $0x80, v3, vm0, $0xb8;
	[tilespmem:$0x18200] =	vst v63  }
0x47: {  	_ = 	snop  }
0x48: {  	[tilespmem:s12], [sflag:$0x1] =	stream.indirect_vreg.gather [hbm4b:s5+s2], $0x80, v3, vm1, $0xb8;
	[tilespmem:$0x18200] =	vst v63  }
0x49: {  	v3 =	vld [tilespmem:$0x30];
	_ =	sdelay $0x4  }
0x4a: {  	v35 =	vshrl.u32 v3, $0x3  }
0x4b: {  	v4 =	vmul.u32 $0x18, v35  }
0x4c: {  	v3 =	vand.u32 $0x7, v3  }
0x4d: {  	v3 =	vor.u32 v3, v4  }
0x4e: {  	v4 =	vperm.xlane v3, v0;
	_ =	sdelay $0x1  }
0x4f: {  	v4 =	vadd.s32 v1, v4;
	_ =	sdelay $0x1  }
0x50: {  	v3 =	vperm.xlane v3, v2;
	_ =	sdelay $0x1  }
0x51: {  	v3 =	vadd.s32 v1, v3  }
0x52: {  	[tilespmem:s13], [sflag:$0x1] =	stream.indirect_vreg.gather [hbm4b:s3+s2], $0x80, v4, vm0, $0xb8;
	[tilespmem:$0x18200] =	vst v63  }
0x53: {  	_ = 	snop  }
0x54: {  	[tilespmem:s14], [sflag:$0x1] =	stream.indirect_vreg.gather [hbm4b:s5+s2], $0x80, v4, vm1, $0xb8;
	[tilespmem:$0x18200] =	vst v63  }
0x55: {  	_ = 	snop  }
0x56: {  	[tilespmem:s15], [sflag:$0x1] =	stream.indirect_vreg.gather [hbm4b:s3+s2], $0x80, v3, vm0, $0xb8;
	[tilespmem:$0x18200] =	vst v63  }
0x57: {  	_ = 	snop  }
0x58: {  	[tilespmem:s17], [sflag:$0x1] =	stream.indirect_vreg.gather [hbm4b:s5+s2], $0x80, v3, vm1, $0xb8;
	[tilespmem:$0x18200] =	vst v63  }
0x59: {  	v3 =	vld [tilespmem:$0x40];
	_ =	sdelay $0x4  }
0x5a: {  	v36 =	vshrl.u32 v3, $0x3  }
0x5b: {  	v4 =	vmul.u32 $0x18, v36  }
0x5c: {  	v3 =	vand.u32 $0x7, v3  }
0x5d: {  	v3 =	vor.u32 v3, v4  }
0x5e: {  	v4 =	vperm.xlane v3, v0;
	_ =	sdelay $0x1  }
0x5f: {  	v4 =	vadd.s32 v1, v4;
	_ =	sdelay $0x1  }
0x60: {  	v3 =	vperm.xlane v3, v2;
	_ =	sdelay $0x1  }
0x61: {  	v3 =	vadd.s32 v1, v3  }
0x62: {  	[tilespmem:s18], [sflag:$0x1] =	stream.indirect_vreg.gather [hbm4b:s3+s2], $0x80, v4, vm0, $0xb8;
	[tilespmem:$0x18200] =	vst v63  }
0x63: {  	_ = 	snop  }
0x64: {  	[tilespmem:s19], [sflag:$0x1] =	stream.indirect_vreg.gather [hbm4b:s5+s2], $0x80, v4, vm1, $0xb8;
	[tilespmem:$0x18200] =	vst v63  }
0x65: {  	s25 =	simm.s32 $0x6E00  }
0x66: {  	[tilespmem:s25], [sflag:$0x1] =	stream.indirect_vreg.gather [hbm4b:s3+s2], $0x80, v3, vm0, $0xb8;
	[tilespmem:$0x18200] =	vst v63  }
0x67: {  	_ = 	snop  }
0x68: {  	[tilespmem:s20], [sflag:$0x1] =	stream.indirect_vreg.gather [hbm4b:s5+s2], $0x80, v3, vm1, $0xb8;
	[tilespmem:$0x18200] =	vst v63  }
0x69: {  	v3 =	vld [tilespmem:$0x50];
	_ =	sdelay $0x4  }
0x6a: {  	v37 =	vshrl.u32 v3, $0x3  }
0x6b: {  	v4 =	vmul.u32 $0x18, v37  }
0x6c: {  	v3 =	vand.u32 $0x7, v3  }
0x6d: {  	v3 =	vor.u32 v3, v4  }
0x6e: {  	v4 =	vperm.xlane v3, v0;
	_ =	sdelay $0x1  }
0x6f: {  	v4 =	vadd.s32 v1, v4;
	_ =	sdelay $0x1  }
0x70: {  	v3 =	vperm.xlane v3, v2;
	_ =	sdelay $0x1  }
0x71: {  	v3 =	vadd.s32 v1, v3  }
0x72: {  	[tilespmem:s21], [sflag:$0x1] =	stream.indirect_vreg.gather [hbm4b:s3+s2], $0x80, v4, vm0, $0xb8;
	[tilespmem:$0x18200] =	vst v63  }
0x73: {  	_ = 	snop  }
0x74: {  	[tilespmem:s22], [sflag:$0x1] =	stream.indirect_vreg.gather [hbm4b:s5+s2], $0x80, v4, vm1, $0xb8;
	[tilespmem:$0x18200] =	vst v63  }
0x75: {  	_ = 	snop  }
0x76: {  	[tilespmem:s8], [sflag:$0x1] =	stream.indirect_vreg.gather [hbm4b:s3+s2], $0x80, v3, vm0, $0xb8;
	[tilespmem:$0x18200] =	vst v63  }
0x77: {  	_ = 	snop  }
0x78: {  	[tilespmem:s16], [sflag:$0x1] =	stream.indirect_vreg.gather [hbm4b:s5+s2], $0x80, v3, vm1, $0xb8;
	[tilespmem:$0x18200] =	vst v63  }
0x79: {  	v3 =	vld [tilespmem:$0x60];
	_ =	sdelay $0x4  }
0x7a: {  	v38 =	vshrl.u32 v3, $0x3  }
0x7b: {  	v4 =	vmul.u32 $0x18, v38  }
0x7c: {  	v3 =	vand.u32 $0x7, v3  }
0x7d: {  	v3 =	vor.u32 v3, v4  }
0x7e: {  	v4 =	vperm.xlane v3, v0;
	_ =	sdelay $0x1  }
0x7f: {  	v4 =	vadd.s32 v1, v4;
	_ =	sdelay $0x1  }
0x80: {  	v3 =	vperm.xlane v3, v2;
	_ =	sdelay $0x1  }
0x81: {  	v3 =	vadd.s32 v1, v3  }
0x82: {  	[tilespmem:s23], [sflag:$0x1] =	stream.indirect_vreg.gather [hbm4b:s3+s2], $0x80, v4, vm0, $0xb8;
	[tilespmem:$0x18200] =	vst v63  }
0x83: {  	s1 =	simm.s32 $0x9A00  }
0x84: {  	[tilespmem:s1], [sflag:$0x1] =	stream.indirect_vreg.gather [hbm4b:s5+s2], $0x80, v4, vm1, $0xb8;
	[tilespmem:$0x18200] =	vst v63  }
0x85: {  	s25 =	simm.s32 $0x9E00  }
0x86: {  	[tilespmem:s25], [sflag:$0x1] =	stream.indirect_vreg.gather [hbm4b:s3+s2], $0x80, v3, vm0, $0xb8;
	[tilespmem:$0x18200] =	vst v63  }
0x87: {  	s1 =	simm.s32 $0xA600  }
0x88: {  	[tilespmem:s1], [sflag:$0x1] =	stream.indirect_vreg.gather [hbm4b:s5+s2], $0x80, v3, vm1, $0xb8;
	[tilespmem:$0x18200] =	vst v63  }
0x89: {  	v3 =	vld [tilespmem:$0x70];
	_ =	sdelay $0x4  }
0x8a: {  	v39 =	vshrl.u32 v3, $0x3  }
0x8b: {  	v4 =	vmul.u32 $0x18, v39  }
0x8c: {  	v3 =	vand.u32 $0x7, v3  }
0x8d: {  	v3 =	vor.u32 v3, v4  }
0x8e: {  	v4 =	vperm.xlane v3, v0;
	_ =	sdelay $0x1  }
0x8f: {  	v4 =	vadd.s32 v1, v4;
	_ =	sdelay $0x1  }
0x90: {  	v3 =	vperm.xlane v3, v2;
	_ =	sdelay $0x1  }
0x91: {  	s25 =	simm.s32 $0xAA00;
	v3 =	vadd.s32 v1, v3  }
0x92: {  	[tilespmem:s25], [sflag:$0x1] =	stream.indirect_vreg.gather [hbm4b:s3+s2], $0x80, v4, vm0, $0xb8;
	[tilespmem:$0x18200] =	vst v63  }
0x93: {  	s1 =	simm.s32 $0xB200  }
0x94: {  	[tilespmem:s1], [sflag:$0x1] =	stream.indirect_vreg.gather [hbm4b:s5+s2], $0x80, v4, vm1, $0xb8;
	[tilespmem:$0x18200] =	vst v63  }
0x95: {  	s25 =	simm.s32 $0xB600  }
0x96: {  	[tilespmem:s25], [sflag:$0x1] =	stream.indirect_vreg.gather [hbm4b:s3+s2], $0x80, v3, vm0, $0xb8;
	[tilespmem:$0x18200] =	vst v63  }
0x97: {  	s1 =	simm.s32 $0xBE00  }
0x98: {  	[tilespmem:s1], [sflag:$0x1] =	stream.indirect_vreg.gather [hbm4b:s5+s2], $0x80, v3, vm1, $0xb8;
	[tilespmem:$0x18200] =	vst v63  }
0x99: {  	v3 =	vld [tilespmem:$0x80];
	_ =	sdelay $0x4  }
0x9a: {  	v40 =	vshrl.u32 v3, $0x3  }
0x9b: {  	v4 =	vmul.u32 $0x18, v40  }
0x9c: {  	v3 =	vand.u32 $0x7, v3  }
0x9d: {  	v3 =	vor.u32 v3, v4  }
0x9e: {  	v4 =	vperm.xlane v3, v0;
	_ =	sdelay $0x1  }
0x9f: {  	v4 =	vadd.s32 v1, v4;
	_ =	sdelay $0x1  }
0xa0: {  	v3 =	vperm.xlane v3, v2;
	_ =	sdelay $0x1  }
0xa1: {  	s0 =	simm.s32 $0xC200;
	v3 =	vadd.s32 v1, v3  }
0xa2: {  	[tilespmem:s0], [sflag:$0x2] =	stream.indirect_vreg.gather [hbm4b:s3+s2], $0x80, v4, vm0, $0xb8;
	[tilespmem:$0x18200] =	vst v63  }
0xa3: {  	s1 =	simm.s32 $0xCA00  }
0xa4: {  	[tilespmem:s1], [sflag:$0x2] =	stream.indirect_vreg.gather [hbm4b:s5+s2], $0x80, v4, vm1, $0xb8;
	[tilespmem:$0x18200] =	vst v63  }
0xa5: {  	s25 =	simm.s32 $0xCE00  }
0xa6: {  	[tilespmem:s25], [sflag:$0x2] =	stream.indirect_vreg.gather [hbm4b:s3+s2], $0x80, v3, vm0, $0xb8;
	[tilespmem:$0x18200] =	vst v63  }
0xa7: {  	s25 =	simm.s32 $0xD600  }
0xa8: {  	[tilespmem:s25], [sflag:$0x2] =	stream.indirect_vreg.gather [hbm4b:s5+s2], $0x80, v3, vm1, $0xb8;
	[tilespmem:$0x18200] =	vst v63  }
0xa9: {  	v3 =	vld [tilespmem:$0x90];
	_ =	sdelay $0x4  }
0xaa: {  	v41 =	vshrl.u32 v3, $0x3  }
0xab: {  	v4 =	vmul.u32 $0x18, v41  }
0xac: {  	v3 =	vand.u32 $0x7, v3  }
0xad: {  	v3 =	vor.u32 v3, v4  }
0xae: {  	v4 =	vperm.xlane v3, v0;
	_ =	sdelay $0x1  }
0xaf: {  	v4 =	vadd.s32 v1, v4;
	_ =	sdelay $0x1  }
0xb0: {  	v3 =	vperm.xlane v3, v2;
	_ =	sdelay $0x1  }
0xb1: {  	s25 =	simm.s32 $0xDA00;
	v3 =	vadd.s32 v1, v3  }
0xb2: {  	[tilespmem:s25], [sflag:$0x2] =	stream.indirect_vreg.gather [hbm4b:s3+s2], $0x80, v4, vm0, $0xb8;
	[tilespmem:$0x18200] =	vst v63  }
0xb3: {  	s25 =	simm.s32 $0xE200  }
0xb4: {  	[tilespmem:s25], [sflag:$0x2] =	stream.indirect_vreg.gather [hbm4b:s5+s2], $0x80, v4, vm1, $0xb8;
	[tilespmem:$0x18200] =	vst v63  }
0xb5: {  	s25 =	simm.s32 $0xE600  }
0xb6: {  	[tilespmem:s25], [sflag:$0x2] =	stream.indirect_vreg.gather [hbm4b:s3+s2], $0x80, v3, vm0, $0xb8;
	[tilespmem:$0x18200] =	vst v63  }
0xb7: {  	s25 =	simm.s32 $0xEE00  }
0xb8: {  	[tilespmem:s25], [sflag:$0x2] =	stream.indirect_vreg.gather [hbm4b:s5+s2], $0x80, v3, vm1, $0xb8;
	[tilespmem:$0x18200] =	vst v63  }
0xb9: {  	v3 =	vld [tilespmem:$0xA0];
	_ =	sdelay $0x4  }
0xba: {  	v42 =	vshrl.u32 v3, $0x3  }
0xbb: {  	v4 =	vmul.u32 $0x18, v42  }
0xbc: {  	v3 =	vand.u32 $0x7, v3  }
0xbd: {  	v3 =	vor.u32 v3, v4  }
0xbe: {  	v4 =	vperm.xlane v3, v0;
	_ =	sdelay $0x1  }
0xbf: {  	v4 =	vadd.s32 v1, v4;
	_ =	sdelay $0x1  }
0xc0: {  	v3 =	vperm.xlane v3, v2;
	_ =	sdelay $0x1  }
0xc1: {  	s25 =	simm.s32 $0xF200;
	v3 =	vadd.s32 v1, v3  }
0xc2: {  	[tilespmem:s25], [sflag:$0x2] =	stream.indirect_vreg.gather [hbm4b:s3+s2], $0x80, v4, vm0, $0xb8;
	[tilespmem:$0x18200] =	vst v63  }
0xc3: {  	s25 =	simm.s32 $0xFA00  }
0xc4: {  	[tilespmem:s25], [sflag:$0x2] =	stream.indirect_vreg.gather [hbm4b:s5+s2], $0x80, v4, vm1, $0xb8;
	[tilespmem:$0x18200] =	vst v63  }
0xc5: {  	s25 =	simm.s32 $0xFE00  }
0xc6: {  	[tilespmem:s25], [sflag:$0x2] =	stream.indirect_vreg.gather [hbm4b:s3+s2], $0x80, v3, vm0, $0xb8;
	[tilespmem:$0x18200] =	vst v63  }
0xc7: {  	s25 =	simm.s32 $0x10600  }
0xc8: {  	[tilespmem:s25], [sflag:$0x2] =	stream.indirect_vreg.gather [hbm4b:s5+s2], $0x80, v3, vm1, $0xb8;
	[tilespmem:$0x18200] =	vst v63  }
0xc9: {  	v3 =	vld [tilespmem:$0xB0];
	_ =	sdelay $0x4  }
0xca: {  	v43 =	vshrl.u32 v3, $0x3  }
0xcb: {  	v4 =	vmul.u32 $0x18, v43  }
0xcc: {  	v3 =	vand.u32 $0x7, v3  }
0xcd: {  	v3 =	vor.u32 v3, v4  }
0xce: {  	v4 =	vperm.xlane v3, v0;
	_ =	sdelay $0x1  }
0xcf: {  	v4 =	vadd.s32 v1, v4;
	_ =	sdelay $0x1  }
0xd0: {  	v3 =	vperm.xlane v3, v2;
	_ =	sdelay $0x1  }
0xd1: {  	s25 =	simm.s32 $0x10A00;
	v3 =	vadd.s32 v1, v3  }
0xd2: {  	[tilespmem:s25], [sflag:$0x2] =	stream.indirect_vreg.gather [hbm4b:s3+s2], $0x80, v4, vm0, $0xb8;
	[tilespmem:$0x18200] =	vst v63  }
0xd3: {  	s25 =	simm.s32 $0x11200  }
0xd4: {  	[tilespmem:s25], [sflag:$0x2] =	stream.indirect_vreg.gather [hbm4b:s5+s2], $0x80, v4, vm1, $0xb8;
	[tilespmem:$0x18200] =	vst v63  }
0xd5: {  	s25 =	simm.s32 $0x11600  }
0xd6: {  	[tilespmem:s25], [sflag:$0x2] =	stream.indirect_vreg.gather [hbm4b:s3+s2], $0x80, v3, vm0, $0xb8;
	[tilespmem:$0x18200] =	vst v63  }
0xd7: {  	s25 =	simm.s32 $0x11E00  }
0xd8: {  	[tilespmem:s25], [sflag:$0x2] =	stream.indirect_vreg.gather [hbm4b:s5+s2], $0x80, v3, vm1, $0xb8;
	[tilespmem:$0x18200] =	vst v63  }
0xd9: {  	v3 =	vld [tilespmem:$0xC0];
	_ =	sdelay $0x4  }
0xda: {  	v44 =	vshrl.u32 v3, $0x3  }
0xdb: {  	v4 =	vmul.u32 $0x18, v44  }
0xdc: {  	v3 =	vand.u32 $0x7, v3  }
0xdd: {  	v3 =	vor.u32 v3, v4  }
0xde: {  	v4 =	vperm.xlane v3, v0;
	_ =	sdelay $0x1  }
0xdf: {  	v4 =	vadd.s32 v1, v4;
	_ =	sdelay $0x1  }
0xe0: {  	v3 =	vperm.xlane v3, v2;
	_ =	sdelay $0x1  }
0xe1: {  	s25 =	simm.s32 $0x12200;
	v3 =	vadd.s32 v1, v3  }
0xe2: {  	[tilespmem:s25], [sflag:$0x2] =	stream.indirect_vreg.gather [hbm4b:s3+s2], $0x80, v4, vm0, $0xb8;
	[tilespmem:$0x18200] =	vst v63  }
0xe3: {  	s25 =	simm.s32 $0x12A00  }
0xe4: {  	[tilespmem:s25], [sflag:$0x2] =	stream.indirect_vreg.gather [hbm4b:s5+s2], $0x80, v4, vm1, $0xb8;
	[tilespmem:$0x18200] =	vst v63  }
0xe5: {  	s25 =	simm.s32 $0x12E00  }
0xe6: {  	[tilespmem:s25], [sflag:$0x2] =	stream.indirect_vreg.gather [hbm4b:s3+s2], $0x80, v3, vm0, $0xb8;
	[tilespmem:$0x18200] =	vst v63  }
0xe7: {  	s25 =	simm.s32 $0x13600  }
0xe8: {  	[tilespmem:s25], [sflag:$0x2] =	stream.indirect_vreg.gather [hbm4b:s5+s2], $0x80, v3, vm1, $0xb8;
	[tilespmem:$0x18200] =	vst v63  }
0xe9: {  	v3 =	vld [tilespmem:$0xD0];
	_ =	sdelay $0x4  }
0xea: {  	v45 =	vshrl.u32 v3, $0x3  }
0xeb: {  	v4 =	vmul.u32 $0x18, v45  }
0xec: {  	v3 =	vand.u32 $0x7, v3  }
0xed: {  	v3 =	vor.u32 v3, v4  }
0xee: {  	v4 =	vperm.xlane v3, v0;
	_ =	sdelay $0x1  }
0xef: {  	v4 =	vadd.s32 v1, v4;
	_ =	sdelay $0x1  }
0xf0: {  	v3 =	vperm.xlane v3, v2;
	_ =	sdelay $0x1  }
0xf1: {  	s25 =	simm.s32 $0x13A00;
	v3 =	vadd.s32 v1, v3  }
0xf2: {  	[tilespmem:s25], [sflag:$0x2] =	stream.indirect_vreg.gather [hbm4b:s3+s2], $0x80, v4, vm0, $0xb8;
	[tilespmem:$0x18200] =	vst v63  }
0xf3: {  	s25 =	simm.s32 $0x14200  }
0xf4: {  	[tilespmem:s25], [sflag:$0x2] =	stream.indirect_vreg.gather [hbm4b:s5+s2], $0x80, v4, vm1, $0xb8;
	[tilespmem:$0x18200] =	vst v63  }
0xf5: {  	s25 =	simm.s32 $0x14600  }
0xf6: {  	[tilespmem:s25], [sflag:$0x2] =	stream.indirect_vreg.gather [hbm4b:s3+s2], $0x80, v3, vm0, $0xb8;
	[tilespmem:$0x18200] =	vst v63  }
0xf7: {  	s25 =	simm.s32 $0x14E00  }
0xf8: {  	[tilespmem:s25], [sflag:$0x2] =	stream.indirect_vreg.gather [hbm4b:s5+s2], $0x80, v3, vm1, $0xb8;
	[tilespmem:$0x18200] =	vst v63  }
0xf9: {  	v3 =	vld [tilespmem:$0xE0];
	_ =	sdelay $0x4  }
0xfa: {  	v46 =	vshrl.u32 v3, $0x3  }
0xfb: {  	v4 =	vmul.u32 $0x18, v46  }
0xfc: {  	v3 =	vand.u32 $0x7, v3  }
0xfd: {  	v3 =	vor.u32 v3, v4  }
0xfe: {  	v4 =	vperm.xlane v3, v0;
	_ =	sdelay $0x1  }
0xff: {  	v4 =	vadd.s32 v1, v4;
	_ =	sdelay $0x1  }
0x100: {  	v3 =	vperm.xlane v3, v2;
	_ =	sdelay $0x1  }
0x101: {  	s25 =	simm.s32 $0x15200;
	v3 =	vadd.s32 v1, v3  }
0x102: {  	[tilespmem:s25], [sflag:$0x2] =	stream.indirect_vreg.gather [hbm4b:s3+s2], $0x80, v4, vm0, $0xb8;
	[tilespmem:$0x18200] =	vst v63  }
0x103: {  	s25 =	simm.s32 $0x15A00  }
0x104: {  	[tilespmem:s25], [sflag:$0x2] =	stream.indirect_vreg.gather [hbm4b:s5+s2], $0x80, v4, vm1, $0xb8;
	[tilespmem:$0x18200] =	vst v63  }
0x105: {  	s25 =	simm.s32 $0x15E00  }
0x106: {  	[tilespmem:s25], [sflag:$0x2] =	stream.indirect_vreg.gather [hbm4b:s3+s2], $0x80, v3, vm0, $0xb8;
	[tilespmem:$0x18200] =	vst v63  }
0x107: {  	s25 =	simm.s32 $0x16600  }
0x108: {  	[tilespmem:s25], [sflag:$0x2] =	stream.indirect_vreg.gather [hbm4b:s5+s2], $0x80, v3, vm1, $0xb8;
	[tilespmem:$0x18200] =	vst v63  }
0x109: {  	v3 =	vld [tilespmem:$0xF0];
	_ =	sdelay $0x4  }
0x10a: {  	v47 =	vshrl.u32 v3, $0x3  }
0x10b: {  	v4 =	vmul.u32 $0x18, v47  }
0x10c: {  	v3 =	vand.u32 $0x7, v3  }
0x10d: {  	v3 =	vor.u32 v3, v4  }
0x10e: {  	v4 =	vperm.xlane v3, v0;
	_ =	sdelay $0x1  }
0x10f: {  	v4 =	vadd.s32 v1, v4;
	_ =	sdelay $0x1  }
0x110: {  	v3 =	vperm.xlane v3, v2;
	_ =	sdelay $0x1  }
0x111: {  	s25 =	simm.s32 $0x16A00;
	v3 =	vadd.s32 v1, v3  }
0x112: {  	[tilespmem:s25], [sflag:$0x2] =	stream.indirect_vreg.gather [hbm4b:s3+s2], $0x80, v4, vm0, $0xb8;
	[tilespmem:$0x18200] =	vst v63  }
0x113: {  	s25 =	simm.s32 $0x17200  }
0x114: {  	[tilespmem:s25], [sflag:$0x2] =	stream.indirect_vreg.gather [hbm4b:s5+s2], $0x80, v4, vm1, $0xb8;
	[tilespmem:$0x18200] =	vst v63  }
0x115: {  	s25 =	simm.s32 $0x17600  }
0x116: {  	[tilespmem:s25], [sflag:$0x2] =	stream.indirect_vreg.gather [hbm4b:s3+s2], $0x80, v3, vm0, $0xb8;
	[tilespmem:$0x18200] =	vst v63  }
0x117: {  	s25 =	simm.s32 $0x17E00  }
0x118: {  	[tilespmem:s25], [sflag:$0x2] =	stream.indirect_vreg.gather [hbm4b:s5+s2], $0x80, v3, vm1, $0xb8;
	[tilespmem:$0x18200] =	vst v63  }
0x119: {  	_ =	swait.ge [sflag:s24], $0xC000  }
0x11a: {  	[sflag:s24] =	ssyncset.done $0x0  }
0x11b: {  	s1 =	simm.s32 $0x200;
	s25 =	rddreg [dreg:$0x6];
	[sflag:s24] =	ssyncadd.s32 $0xFFFF4000  }
0x11c: {  	[hbm4b:s25+s2] =	stream.linear.scatter [tilespmem:s1], [sflag:$0x3], $0xC000, $0x38;
	[tilespmem:$0x18200] =	vst v63  }
0x11d: {  	_ =	swait.ge [sflag:s7], $0xC000  }
0x11e: {  	[sflag:s7] =	ssyncset.done $0x0  }
0x11f: {  	[sflag:s7] =	ssyncadd.s32 $0xFFFF4000  }
0x120: {  	v3 =	vld [tilespmem:$0x100];
	_ =	sdelay $0x4  }
0x121: {  	v48 =	vshrl.u32 v3, $0x3  }
0x122: {  	v4 =	vmul.u32 $0x18, v48  }
0x123: {  	v3 =	vand.u32 $0x7, v3  }
0x124: {  	v3 =	vor.u32 v3, v4  }
0x125: {  	v4 =	vperm.xlane v3, v0;
	_ =	sdelay $0x1  }
0x126: {  	v4 =	vadd.s32 v1, v4;
	_ =	sdelay $0x1  }
0x127: {  	v3 =	vperm.xlane v3, v2;
	_ =	sdelay $0x1  }
0x128: {  	v3 =	vadd.s32 v1, v3  }
0x129: {  	[tilespmem:s1], [sflag:$0x1] =	stream.indirect_vreg.gather [hbm4b:s3+s2], $0x80, v4, vm0, $0xb8;
	[tilespmem:$0x18200] =	vst v63  }
0x12a: {  	_ = 	snop  }
0x12b: {  	[tilespmem:s26], [sflag:$0x1] =	stream.indirect_vreg.gather [hbm4b:s5+s2], $0x80, v4, vm1, $0xb8;
	[tilespmem:$0x18200] =	vst v63  }
0x12c: {  	_ = 	snop  }
0x12d: {  	[tilespmem:s28], [sflag:$0x1] =	stream.indirect_vreg.gather [hbm4b:s3+s2], $0x80, v3, vm0, $0xb8;
	[tilespmem:$0x18200] =	vst v63  }
0x12e: {  	_ = 	snop  }
0x12f: {  	[tilespmem:s29], [sflag:$0x1] =	stream.indirect_vreg.gather [hbm4b:s5+s2], $0x80, v3, vm1, $0xb8;
	[tilespmem:$0x18200] =	vst v63  }
0x130: {  	v3 =	vld [tilespmem:$0x110];
	_ =	sdelay $0x4  }
0x131: {  	v49 =	vshrl.u32 v3, $0x3  }
0x132: {  	v4 =	vmul.u32 $0x18, v49  }
0x133: {  	v3 =	vand.u32 $0x7, v3  }
0x134: {  	v3 =	vor.u32 v3, v4  }
0x135: {  	v4 =	vperm.xlane v3, v0;
	_ =	sdelay $0x1  }
0x136: {  	v4 =	vadd.s32 v1, v4;
	_ =	sdelay $0x1  }
0x137: {  	v3 =	vperm.xlane v3, v2;
	_ =	sdelay $0x1  }
0x138: {  	v3 =	vadd.s32 v1, v3  }
0x139: {  	[tilespmem:s30], [sflag:$0x1] =	stream.indirect_vreg.gather [hbm4b:s3+s2], $0x80, v4, vm0, $0xb8;
	[tilespmem:$0x18200] =	vst v63  }
0x13a: {  	_ = 	snop  }
0x13b: {  	[tilespmem:s31], [sflag:$0x1] =	stream.indirect_vreg.gather [hbm4b:s5+s2], $0x80, v4, vm1, $0xb8;
	[tilespmem:$0x18200] =	vst v63  }
0x13c: {  	s25 =	simm.s32 $0x2600  }
0x13d: {  	[tilespmem:s25], [sflag:$0x1] =	stream.indirect_vreg.gather [hbm4b:s3+s2], $0x80, v3, vm0, $0xb8;
	[tilespmem:$0x18200] =	vst v63  }
0x13e: {  	s25 =	simm.s32 $0x2E00  }
0x13f: {  	[tilespmem:s25], [sflag:$0x1] =	stream.indirect_vreg.gather [hbm4b:s5+s2], $0x80, v3, vm1, $0xb8;
	[tilespmem:$0x18200] =	vst v63  }
0x140: {  	v3 =	vld [tilespmem:$0x120];
	_ =	sdelay $0x4  }
0x141: {  	v50 =	vshrl.u32 v3, $0x3  }
0x142: {  	v4 =	vmul.u32 $0x18, v50  }
0x143: {  	v3 =	vand.u32 $0x7, v3  }
0x144: {  	v3 =	vor.u32 v3, v4  }
0x145: {  	v4 =	vperm.xlane v3, v0;
	_ =	sdelay $0x1  }
0x146: {  	v4 =	vadd.s32 v1, v4;
	_ =	sdelay $0x1  }
0x147: {  	v3 =	vperm.xlane v3, v2;
	_ =	sdelay $0x1  }
0x148: {  	v3 =	vadd.s32 v1, v3  }
0x149: {  	[tilespmem:s9], [sflag:$0x1] =	stream.indirect_vreg.gather [hbm4b:s3+s2], $0x80, v4, vm0, $0xb8;
	[tilespmem:$0x18200] =	vst v63  }
0x14a: {  	_ = 	snop  }
0x14b: {  	[tilespmem:s10], [sflag:$0x1] =	stream.indirect_vreg.gather [hbm4b:s5+s2], $0x80, v4, vm1, $0xb8;
	[tilespmem:$0x18200] =	vst v63  }
0x14c: {  	_ = 	snop  }
0x14d: {  	[tilespmem:s11], [sflag:$0x1] =	stream.indirect_vreg.gather [hbm4b:s3+s2], $0x80, v3, vm0, $0xb8;
	[tilespmem:$0x18200] =	vst v63  }
0x14e: {  	_ = 	snop  }
0x14f: {  	[tilespmem:s12], [sflag:$0x1] =	stream.indirect_vreg.gather [hbm4b:s5+s2], $0x80, v3, vm1, $0xb8;
	[tilespmem:$0x18200] =	vst v63  }
0x150: {  	v3 =	vld [tilespmem:$0x130];
	_ =	sdelay $0x4  }
0x151: {  	v51 =	vshrl.u32 v3, $0x3  }
0x152: {  	v4 =	vmul.u32 $0x18, v51  }
0x153: {  	v3 =	vand.u32 $0x7, v3  }
0x154: {  	v3 =	vor.u32 v3, v4  }
0x155: {  	v4 =	vperm.xlane v3, v0;
	_ =	sdelay $0x1  }
0x156: {  	v4 =	vadd.s32 v1, v4;
	_ =	sdelay $0x1  }
0x157: {  	v3 =	vperm.xlane v3, v2;
	_ =	sdelay $0x1  }
0x158: {  	v3 =	vadd.s32 v1, v3  }
0x159: {  	[tilespmem:s13], [sflag:$0x1] =	stream.indirect_vreg.gather [hbm4b:s3+s2], $0x80, v4, vm0, $0xb8;
	[tilespmem:$0x18200] =	vst v63  }
0x15a: {  	_ = 	snop  }
0x15b: {  	[tilespmem:s14], [sflag:$0x1] =	stream.indirect_vreg.gather [hbm4b:s5+s2], $0x80, v4, vm1, $0xb8;
	[tilespmem:$0x18200] =	vst v63  }
0x15c: {  	_ = 	snop  }
0x15d: {  	[tilespmem:s15], [sflag:$0x1] =	stream.indirect_vreg.gather [hbm4b:s3+s2], $0x80, v3, vm0, $0xb8;
	[tilespmem:$0x18200] =	vst v63  }
0x15e: {  	_ = 	snop  }
0x15f: {  	[tilespmem:s17], [sflag:$0x1] =	stream.indirect_vreg.gather [hbm4b:s5+s2], $0x80, v3, vm1, $0xb8;
	[tilespmem:$0x18200] =	vst v63  }
0x160: {  	v3 =	vld [tilespmem:$0x140];
	_ =	sdelay $0x4  }
0x161: {  	v52 =	vshrl.u32 v3, $0x3  }
0x162: {  	v4 =	vmul.u32 $0x18, v52  }
0x163: {  	v3 =	vand.u32 $0x7, v3  }
0x164: {  	v3 =	vor.u32 v3, v4  }
0x165: {  	v4 =	vperm.xlane v3, v0;
	_ =	sdelay $0x1  }
0x166: {  	v4 =	vadd.s32 v1, v4;
	_ =	sdelay $0x1  }
0x167: {  	v3 =	vperm.xlane v3, v2;
	_ =	sdelay $0x1  }
0x168: {  	v3 =	vadd.s32 v1, v3  }
0x169: {  	[tilespmem:s18], [sflag:$0x1] =	stream.indirect_vreg.gather [hbm4b:s3+s2], $0x80, v4, vm0, $0xb8;
	[tilespmem:$0x18200] =	vst v63  }
0x16a: {  	_ = 	snop  }
0x16b: {  	[tilespmem:s19], [sflag:$0x1] =	stream.indirect_vreg.gather [hbm4b:s5+s2], $0x80, v4, vm1, $0xb8;
	[tilespmem:$0x18200] =	vst v63  }
0x16c: {  	s25 =	simm.s32 $0x6E00  }
0x16d: {  	[tilespmem:s25], [sflag:$0x1] =	stream.indirect_vreg.gather [hbm4b:s3+s2], $0x80, v3, vm0, $0xb8;
	[tilespmem:$0x18200] =	vst v63  }
0x16e: {  	_ = 	snop  }
0x16f: {  	[tilespmem:s20], [sflag:$0x1] =	stream.indirect_vreg.gather [hbm4b:s5+s2], $0x80, v3, vm1, $0xb8;
	[tilespmem:$0x18200] =	vst v63  }
0x170: {  	v3 =	vld [tilespmem:$0x150];
	_ =	sdelay $0x4  }
0x171: {  	v53 =	vshrl.u32 v3, $0x3  }
0x172: {  	v4 =	vmul.u32 $0x18, v53  }
0x173: {  	v3 =	vand.u32 $0x7, v3  }
0x174: {  	v3 =	vor.u32 v3, v4  }
0x175: {  	v4 =	vperm.xlane v3, v0;
	_ =	sdelay $0x1  }
0x176: {  	v4 =	vadd.s32 v1, v4;
	_ =	sdelay $0x1  }
0x177: {  	v3 =	vperm.xlane v3, v2;
	_ =	sdelay $0x1  }
0x178: {  	v3 =	vadd.s32 v1, v3  }
0x179: {  	[tilespmem:s21], [sflag:$0x1] =	stream.indirect_vreg.gather [hbm4b:s3+s2], $0x80, v4, vm0, $0xb8;
	[tilespmem:$0x18200] =	vst v63  }
0x17a: {  	_ = 	snop  }
0x17b: {  	[tilespmem:s22], [sflag:$0x1] =	stream.indirect_vreg.gather [hbm4b:s5+s2], $0x80, v4, vm1, $0xb8;
	[tilespmem:$0x18200] =	vst v63  }
0x17c: {  	_ = 	snop  }
0x17d: {  	[tilespmem:s8], [sflag:$0x1] =	stream.indirect_vreg.gather [hbm4b:s3+s2], $0x80, v3, vm0, $0xb8;
	[tilespmem:$0x18200] =	vst v63  }
0x17e: {  	_ = 	snop  }
0x17f: {  	[tilespmem:s16], [sflag:$0x1] =	stream.indirect_vreg.gather [hbm4b:s5+s2], $0x80, v3, vm1, $0xb8;
	[tilespmem:$0x18200] =	vst v63  }
0x180: {  	v3 =	vld [tilespmem:$0x160];
	_ =	sdelay $0x4  }
0x181: {  	v54 =	vshrl.u32 v3, $0x3  }
0x182: {  	v4 =	vmul.u32 $0x18, v54  }
0x183: {  	v3 =	vand.u32 $0x7, v3  }
0x184: {  	v3 =	vor.u32 v3, v4  }
0x185: {  	v4 =	vperm.xlane v3, v0;
	_ =	sdelay $0x1  }
0x186: {  	v4 =	vadd.s32 v1, v4;
	_ =	sdelay $0x1  }
0x187: {  	v3 =	vperm.xlane v3, v2;
	_ =	sdelay $0x1  }
0x188: {  	v3 =	vadd.s32 v1, v3  }
0x189: {  	[tilespmem:s23], [sflag:$0x1] =	stream.indirect_vreg.gather [hbm4b:s3+s2], $0x80, v4, vm0, $0xb8;
	[tilespmem:$0x18200] =	vst v63  }
0x18a: {  	s25 =	simm.s32 $0x9A00  }
0x18b: {  	[tilespmem:s25], [sflag:$0x1] =	stream.indirect_vreg.gather [hbm4b:s5+s2], $0x80, v4, vm1, $0xb8;
	[tilespmem:$0x18200] =	vst v63  }
0x18c: {  	s25 =	simm.s32 $0x9E00  }
0x18d: {  	[tilespmem:s25], [sflag:$0x1] =	stream.indirect_vreg.gather [hbm4b:s3+s2], $0x80, v3, vm0, $0xb8;
	[tilespmem:$0x18200] =	vst v63  }
0x18e: {  	s25 =	simm.s32 $0xA600  }
0x18f: {  	[tilespmem:s25], [sflag:$0x1] =	stream.indirect_vreg.gather [hbm4b:s5+s2], $0x80, v3, vm1, $0xb8;
	[tilespmem:$0x18200] =	vst v63  }
0x190: {  	v3 =	vld [tilespmem:$0x170];
	_ =	sdelay $0x4  }
0x191: {  	v55 =	vshrl.u32 v3, $0x3  }
0x192: {  	v4 =	vmul.u32 $0x18, v55  }
0x193: {  	v3 =	vand.u32 $0x7, v3  }
0x194: {  	v3 =	vor.u32 v3, v4  }
0x195: {  	v4 =	vperm.xlane v3, v0;
	_ =	sdelay $0x1  }
0x196: {  	v4 =	vadd.s32 v1, v4;
	_ =	sdelay $0x1  }
0x197: {  	v3 =	vperm.xlane v3, v2;
	_ =	sdelay $0x1  }
0x198: {  	s25 =	simm.s32 $0xAA00;
	v3 =	vadd.s32 v1, v3  }
0x199: {  	[tilespmem:s25], [sflag:$0x1] =	stream.indirect_vreg.gather [hbm4b:s3+s2], $0x80, v4, vm0, $0xb8;
	[tilespmem:$0x18200] =	vst v63  }
0x19a: {  	s25 =	simm.s32 $0xB200  }
0x19b: {  	[tilespmem:s25], [sflag:$0x1] =	stream.indirect_vreg.gather [hbm4b:s5+s2], $0x80, v4, vm1, $0xb8;
	[tilespmem:$0x18200] =	vst v63  }
0x19c: {  	s25 =	simm.s32 $0xB600  }
0x19d: {  	[tilespmem:s25], [sflag:$0x1] =	stream.indirect_vreg.gather [hbm4b:s3+s2], $0x80, v3, vm0, $0xb8;
	[tilespmem:$0x18200] =	vst v63  }
0x19e: {  	s25 =	simm.s32 $0xBE00  }
0x19f: {  	[tilespmem:s25], [sflag:$0x1] =	stream.indirect_vreg.gather [hbm4b:s5+s2], $0x80, v3, vm1, $0xb8;
	[tilespmem:$0x18200] =	vst v63  }
0x1a0: {  	_ =	swait.ge [sflag:s4], $0xC000  }
0x1a1: {  	[sflag:s4] =	ssyncset.done $0x0  }
0x1a2: {  	s1 =	rddreg [dreg:$0x3];
	[sflag:s4] =	ssyncadd.s32 $0xFFFF4000  }
0x1a3: {  	[hbm4b:s1+s2] =	stream.linear.scatter [tilespmem:s0], [sflag:$0x3], $0xC000, $0x38;
	[tilespmem:$0x18200] =	vst v63  }
0x1a4: {  	_ =	swait.ge [sflag:s7], $0xC000  }
0x1a5: {  	[sflag:s7] =	ssyncset.done $0x0  }
0x1a6: {  	[sflag:s7] =	ssyncadd.s32 $0xFFFF4000  }
0x1a7: {  	v3 =	vld [tilespmem:$0x180];
	_ =	sdelay $0x4  }
0x1a8: {  	v56 =	vshrl.u32 v3, $0x3  }
0x1a9: {  	v4 =	vmul.u32 $0x18, v56  }
0x1aa: {  	v3 =	vand.u32 $0x7, v3  }
0x1ab: {  	v3 =	vor.u32 v3, v4  }
0x1ac: {  	v4 =	vperm.xlane v3, v0;
	_ =	sdelay $0x1  }
0x1ad: {  	v4 =	vadd.s32 v1, v4;
	_ =	sdelay $0x1  }
0x1ae: {  	v3 =	vperm.xlane v3, v2;
	_ =	sdelay $0x1  }
0x1af: {  	v3 =	vadd.s32 v1, v3  }
0x1b0: {  	[tilespmem:s0], [sflag:$0x2] =	stream.indirect_vreg.gather [hbm4b:s3+s2], $0x80, v4, vm0, $0xb8;
	[tilespmem:$0x18200] =	vst v63  }
0x1b1: {  	s25 =	simm.s32 $0xCA00  }
0x1b2: {  	[tilespmem:s25], [sflag:$0x2] =	stream.indirect_vreg.gather [hbm4b:s5+s2], $0x80, v4, vm1, $0xb8;
	[tilespmem:$0x18200] =	vst v63  }
0x1b3: {  	s25 =	simm.s32 $0xCE00  }
0x1b4: {  	[tilespmem:s25], [sflag:$0x2] =	stream.indirect_vreg.gather [hbm4b:s3+s2], $0x80, v3, vm0, $0xb8;
	[tilespmem:$0x18200] =	vst v63  }
0x1b5: {  	s25 =	simm.s32 $0xD600  }
0x1b6: {  	[tilespmem:s25], [sflag:$0x2] =	stream.indirect_vreg.gather [hbm4b:s5+s2], $0x80, v3, vm1, $0xb8;
	[tilespmem:$0x18200] =	vst v63  }
0x1b7: {  	v3 =	vld [tilespmem:$0x190];
	_ =	sdelay $0x4  }
0x1b8: {  	v57 =	vshrl.u32 v3, $0x3  }
0x1b9: {  	v4 =	vmul.u32 $0x18, v57  }
0x1ba: {  	v3 =	vand.u32 $0x7, v3  }
0x1bb: {  	v3 =	vor.u32 v3, v4  }
0x1bc: {  	v4 =	vperm.xlane v3, v0;
	_ =	sdelay $0x1  }
0x1bd: {  	v4 =	vadd.s32 v1, v4;
	_ =	sdelay $0x1  }
0x1be: {  	v3 =	vperm.xlane v3, v2;
	_ =	sdelay $0x1  }
0x1bf: {  	s25 =	simm.s32 $0xDA00;
	v3 =	vadd.s32 v1, v3  }
0x1c0: {  	[tilespmem:s25], [sflag:$0x2] =	stream.indirect_vreg.gather [hbm4b:s3+s2], $0x80, v4, vm0, $0xb8;
	[tilespmem:$0x18200] =	vst v63  }
0x1c1: {  	s25 =	simm.s32 $0xE200  }
0x1c2: {  	[tilespmem:s25], [sflag:$0x2] =	stream.indirect_vreg.gather [hbm4b:s5+s2], $0x80, v4, vm1, $0xb8;
	[tilespmem:$0x18200] =	vst v63  }
0x1c3: {  	s25 =	simm.s32 $0xE600  }
0x1c4: {  	[tilespmem:s25], [sflag:$0x2] =	stream.indirect_vreg.gather [hbm4b:s3+s2], $0x80, v3, vm0, $0xb8;
	[tilespmem:$0x18200] =	vst v63  }
0x1c5: {  	s25 =	simm.s32 $0xEE00  }
0x1c6: {  	[tilespmem:s25], [sflag:$0x2] =	stream.indirect_vreg.gather [hbm4b:s5+s2], $0x80, v3, vm1, $0xb8;
	[tilespmem:$0x18200] =	vst v63  }
0x1c7: {  	v3 =	vld [tilespmem:$0x1A0];
	_ =	sdelay $0x4  }
0x1c8: {  	v58 =	vshrl.u32 v3, $0x3  }
0x1c9: {  	v4 =	vmul.u32 $0x18, v58  }
0x1ca: {  	v3 =	vand.u32 $0x7, v3  }
0x1cb: {  	v3 =	vor.u32 v3, v4  }
0x1cc: {  	v4 =	vperm.xlane v3, v0;
	_ =	sdelay $0x1  }
0x1cd: {  	v4 =	vadd.s32 v1, v4;
	_ =	sdelay $0x1  }
0x1ce: {  	v3 =	vperm.xlane v3, v2;
	_ =	sdelay $0x1  }
0x1cf: {  	s25 =	simm.s32 $0xF200;
	v3 =	vadd.s32 v1, v3  }
0x1d0: {  	[tilespmem:s25], [sflag:$0x2] =	stream.indirect_vreg.gather [hbm4b:s3+s2], $0x80, v4, vm0, $0xb8;
	[tilespmem:$0x18200] =	vst v63  }
0x1d1: {  	s25 =	simm.s32 $0xFA00  }
0x1d2: {  	[tilespmem:s25], [sflag:$0x2] =	stream.indirect_vreg.gather [hbm4b:s5+s2], $0x80, v4, vm1, $0xb8;
	[tilespmem:$0x18200] =	vst v63  }
0x1d3: {  	s25 =	simm.s32 $0xFE00  }
0x1d4: {  	[tilespmem:s25], [sflag:$0x2] =	stream.indirect_vreg.gather [hbm4b:s3+s2], $0x80, v3, vm0, $0xb8;
	[tilespmem:$0x18200] =	vst v63  }
0x1d5: {  	s25 =	simm.s32 $0x10600  }
0x1d6: {  	[tilespmem:s25], [sflag:$0x2] =	stream.indirect_vreg.gather [hbm4b:s5+s2], $0x80, v3, vm1, $0xb8;
	[tilespmem:$0x18200] =	vst v63  }
0x1d7: {  	v3 =	vld [tilespmem:$0x1B0];
	_ =	sdelay $0x4  }
0x1d8: {  	v59 =	vshrl.u32 v3, $0x3  }
0x1d9: {  	v4 =	vmul.u32 $0x18, v59  }
0x1da: {  	v3 =	vand.u32 $0x7, v3  }
0x1db: {  	v3 =	vor.u32 v3, v4  }
0x1dc: {  	v4 =	vperm.xlane v3, v0;
	_ =	sdelay $0x1  }
0x1dd: {  	v4 =	vadd.s32 v1, v4;
	_ =	sdelay $0x1  }
0x1de: {  	v3 =	vperm.xlane v3, v2;
	_ =	sdelay $0x1  }
0x1df: {  	s25 =	simm.s32 $0x10A00;
	v3 =	vadd.s32 v1, v3  }
0x1e0: {  	[tilespmem:s25], [sflag:$0x2] =	stream.indirect_vreg.gather [hbm4b:s3+s2], $0x80, v4, vm0, $0xb8;
	[tilespmem:$0x18200] =	vst v63  }
0x1e1: {  	s25 =	simm.s32 $0x11200  }
0x1e2: {  	[tilespmem:s25], [sflag:$0x2] =	stream.indirect_vreg.gather [hbm4b:s5+s2], $0x80, v4, vm1, $0xb8;
	[tilespmem:$0x18200] =	vst v63  }
0x1e3: {  	s25 =	simm.s32 $0x11600  }
0x1e4: {  	[tilespmem:s25], [sflag:$0x2] =	stream.indirect_vreg.gather [hbm4b:s3+s2], $0x80, v3, vm0, $0xb8;
	[tilespmem:$0x18200] =	vst v63  }
0x1e5: {  	s25 =	simm.s32 $0x11E00  }
0x1e6: {  	[tilespmem:s25], [sflag:$0x2] =	stream.indirect_vreg.gather [hbm4b:s5+s2], $0x80, v3, vm1, $0xb8;
	[tilespmem:$0x18200] =	vst v63  }
0x1e7: {  	v3 =	vld [tilespmem:$0x1C0];
	_ =	sdelay $0x4  }
0x1e8: {  	v60 =	vshrl.u32 v3, $0x3  }
0x1e9: {  	v4 =	vmul.u32 $0x18, v60  }
0x1ea: {  	v3 =	vand.u32 $0x7, v3  }
0x1eb: {  	v3 =	vor.u32 v3, v4  }
0x1ec: {  	v4 =	vperm.xlane v3, v0;
	_ =	sdelay $0x1  }
0x1ed: {  	v4 =	vadd.s32 v1, v4;
	_ =	sdelay $0x1  }
0x1ee: {  	v3 =	vperm.xlane v3, v2;
	_ =	sdelay $0x1  }
0x1ef: {  	s25 =	simm.s32 $0x12200;
	v3 =	vadd.s32 v1, v3  }
0x1f0: {  	[tilespmem:s25], [sflag:$0x2] =	stream.indirect_vreg.gather [hbm4b:s3+s2], $0x80, v4, vm0, $0xb8;
	[tilespmem:$0x18200] =	vst v63  }
0x1f1: {  	s25 =	simm.s32 $0x12A00  }
0x1f2: {  	[tilespmem:s25], [sflag:$0x2] =	stream.indirect_vreg.gather [hbm4b:s5+s2], $0x80, v4, vm1, $0xb8;
	[tilespmem:$0x18200] =	vst v63  }
0x1f3: {  	s25 =	simm.s32 $0x12E00  }
0x1f4: {  	[tilespmem:s25], [sflag:$0x2] =	stream.indirect_vreg.gather [hbm4b:s3+s2], $0x80, v3, vm0, $0xb8;
	[tilespmem:$0x18200] =	vst v63  }
0x1f5: {  	s25 =	simm.s32 $0x13600  }
0x1f6: {  	[tilespmem:s25], [sflag:$0x2] =	stream.indirect_vreg.gather [hbm4b:s5+s2], $0x80, v3, vm1, $0xb8;
	[tilespmem:$0x18200] =	vst v63  }
0x1f7: {  	v3 =	vld [tilespmem:$0x1D0];
	_ =	sdelay $0x4  }
0x1f8: {  	v61 =	vshrl.u32 v3, $0x3  }
0x1f9: {  	v4 =	vmul.u32 $0x18, v61  }
0x1fa: {  	v3 =	vand.u32 $0x7, v3  }
0x1fb: {  	v3 =	vor.u32 v3, v4  }
0x1fc: {  	v4 =	vperm.xlane v3, v0;
	_ =	sdelay $0x1  }
0x1fd: {  	v4 =	vadd.s32 v1, v4;
	_ =	sdelay $0x1  }
0x1fe: {  	v3 =	vperm.xlane v3, v2;
	_ =	sdelay $0x1  }
0x1ff: {  	s25 =	simm.s32 $0x13A00;
	v3 =	vadd.s32 v1, v3  }
0x200: {  	[tilespmem:s25], [sflag:$0x2] =	stream.indirect_vreg.gather [hbm4b:s3+s2], $0x80, v4, vm0, $0xb8;
	[tilespmem:$0x18200] =	vst v63  }
0x201: {  	s25 =	simm.s32 $0x14200  }
0x202: {  	[tilespmem:s25], [sflag:$0x2] =	stream.indirect_vreg.gather [hbm4b:s5+s2], $0x80, v4, vm1, $0xb8;
	[tilespmem:$0x18200] =	vst v63  }
0x203: {  	s25 =	simm.s32 $0x14600  }
0x204: {  	[tilespmem:s25], [sflag:$0x2] =	stream.indirect_vreg.gather [hbm4b:s3+s2], $0x80, v3, vm0, $0xb8;
	[tilespmem:$0x18200] =	vst v63  }
0x205: {  	s25 =	simm.s32 $0x14E00  }
0x206: {  	[tilespmem:s25], [sflag:$0x2] =	stream.indirect_vreg.gather [hbm4b:s5+s2], $0x80, v3, vm1, $0xb8;
	[tilespmem:$0x18200] =	vst v63  }
0x207: {  	v3 =	vld [tilespmem:$0x1E0];
	_ =	sdelay $0x4  }
0x208: {  	v62 =	vshrl.u32 v3, $0x3  }
0x209: {  	v4 =	vmul.u32 $0x18, v62  }
0x20a: {  	v3 =	vand.u32 $0x7, v3  }
0x20b: {  	v3 =	vor.u32 v3, v4  }
0x20c: {  	v4 =	vperm.xlane v3, v0;
	_ =	sdelay $0x1  }
0x20d: {  	v4 =	vadd.s32 v1, v4;
	_ =	sdelay $0x1  }
0x20e: {  	v3 =	vperm.xlane v3, v2;
	_ =	sdelay $0x1  }
0x20f: {  	s25 =	simm.s32 $0x15200;
	v3 =	vadd.s32 v1, v3  }
0x210: {  	[tilespmem:s25], [sflag:$0x2] =	stream.indirect_vreg.gather [hbm4b:s3+s2], $0x80, v4, vm0, $0xb8;
	[tilespmem:$0x18200] =	vst v63  }
0x211: {  	s25 =	simm.s32 $0x15A00  }
0x212: {  	[tilespmem:s25], [sflag:$0x2] =	stream.indirect_vreg.gather [hbm4b:s5+s2], $0x80, v4, vm1, $0xb8;
	[tilespmem:$0x18200] =	vst v63  }
0x213: {  	s25 =	simm.s32 $0x15E00  }
0x214: {  	[tilespmem:s25], [sflag:$0x2] =	stream.indirect_vreg.gather [hbm4b:s3+s2], $0x80, v3, vm0, $0xb8;
	[tilespmem:$0x18200] =	vst v63  }
0x215: {  	s25 =	simm.s32 $0x16600  }
0x216: {  	[tilespmem:s25], [sflag:$0x2] =	stream.indirect_vreg.gather [hbm4b:s5+s2], $0x80, v3, vm1, $0xb8;
	[tilespmem:$0x18200] =	vst v63  }
0x217: {  	v3 =	vld [tilespmem:$0x1F0];
	_ =	sdelay $0x4  }
0x218: {  	v63 =	vshrl.u32 v3, $0x3  }
0x219: {  	v4 =	vmul.u32 $0x18, v63  }
0x21a: {  	v3 =	vand.u32 $0x7, v3  }
0x21b: {  	v3 =	vor.u32 v3, v4  }
0x21c: {  	v4 =	vperm.xlane v3, v0;
	_ =	sdelay $0x1  }
0x21d: {  	v4 =	vadd.s32 v1, v4;
	_ =	sdelay $0x1  }
0x21e: {  	v3 =	vperm.xlane v3, v2;
	_ =	sdelay $0x1  }
0x21f: {  	s25 =	simm.s32 $0x16A00;
	v3 =	vadd.s32 v1, v3  }
0x220: {  	[tilespmem:s25], [sflag:$0x2] =	stream.indirect_vreg.gather [hbm4b:s3+s2], $0x80, v4, vm0, $0xb8;
	[tilespmem:$0x18200] =	vst v63  }
0x221: {  	s25 =	simm.s32 $0x17200  }
0x222: {  	[tilespmem:s25], [sflag:$0x2] =	stream.indirect_vreg.gather [hbm4b:s5+s2], $0x80, v4, vm1, $0xb8;
	[tilespmem:$0x18200] =	vst v63  }
0x223: {  	s25 =	simm.s32 $0x17600  }
0x224: {  	[tilespmem:s25], [sflag:$0x2] =	stream.indirect_vreg.gather [hbm4b:s3+s2], $0x80, v3, vm0, $0xb8;
	[tilespmem:$0x18200] =	vst v63  }
0x225: {  	s25 =	simm.s32 $0x17E00  }
0x226: {  	[tilespmem:s25], [sflag:$0x2] =	stream.indirect_vreg.gather [hbm4b:s5+s2], $0x80, v3, vm1, $0xb8;
	[tilespmem:$0x18200] =	vst v63  }
0x227: {  	_ =	swait.ge [sflag:s24], $0xC000  }
0x228: {  	[sflag:s24] =	ssyncset.done $0x0  }
0x229: {  	s1 =	simm.s32 $0x200;
	s25 =	rddreg [dreg:$0x4];
	[sflag:s24] =	ssyncadd.s32 $0xFFFF4000  }
0x22a: {  	[hbm4b:s25+s2] =	stream.linear.scatter [tilespmem:s1], [sflag:$0x3], $0xC000, $0x38;
	[tilespmem:$0x18200] =	vst v63  }
0x22b: {  	_ =	swait.ge [sflag:s7], $0xC000  }
0x22c: {  	[sflag:s7] =	ssyncset.done $0x0  }
0x22d: {  	[sflag:s7] =	ssyncadd.s32 $0xFFFF4000  }
0x22e: {  	_ =	swait.ge [sflag:s4], $0xC000  }
0x22f: {  	p0 =	sne.s32 s6, $0x1;
	[sflag:s4] =	ssyncset.done $0x0  }
.Ltmp0:
0x230: {  	s1 =	rddreg [dreg:$0x5];
	[sflag:s4] =	ssyncadd.s32 $0xFFFF4000;
	(pc) =	sbr.rel @p0 .LBB2_1-.Ltmp0, $4  }
0x231: {  	[hbm4b:s1+s2] =	stream.linear.scatter [tilespmem:s0], [sflag:$0x3], $0xC000, $0x38;
	[tilespmem:$0x18200] =	vst v63  }
0x232: {  	_ =	swait.ge [sflag:s7], $0xC000  }
0x233: {  	[sflag:s7] =	ssyncset.done $0x0  }
0x234: {  	s6 =	sadd.s32 $0xFFFFFFFF, s6;
	[sflag:s7] =	ssyncadd.s32 $0xFFFF4000  }
0x235: {  	_ =	sfence.sel $0x180000  }
0x236: {  	[bflag:$0x0] =	sbarrier.arrive $0xFFFF  }
0x237: {  	_ =	strace $0x9000004D  }
0x238: {  	s0 =	stileid.u32;
	[bflag:$0x2] =	sbarrier.arrive $0xFFFF  }
0x239: {  	p0 =	sne.s32 s0, $0x0;
	s0 =	rddreg [dreg:$0x1]  }
0x23a: {  	s0 =	sadd.s32 @!p0 $0x100000, s0  }
0x23b: {  	[sflag:s0] =	ssyncadd.tile.s32 @!p0 $0x1;
	_ =	shalt  }
.Lfunc_end2:
_tile_overlayer_lowered:
.L_overlay_start_2:
0x23c: {  	(tag) =	ssettag $0x2  }
0x23d: {  	s0 =	rddreg [dreg:$0x0];
	s2 =	stileid.u32  }
0x23e: {  	s1 =	rddreg [dreg:$0x1];
	p0 =	sne.s32 s2, $0x0  }
0x23f: {  	s3 =	rddreg [dreg:$0x2];
	[bflag:$0x3] =	sbarrier.arrive $0xFFFF;
	s2 =	simm.s32 @!p0 $0x1C03  }
0x240: {  	[timem:s3], [sflag:s2] =	dma.local @!p0 [hbm:s0], s1  }
0x241: {  	s0 =	simm.s32 @!p0 $0x3  }
0x242: {  	_ =	swait.ge @!p0 [sflag:s0], s1  }
0x243: {  	s1 =	ssub.s32 @!p0 $0x0, s1;
	[sflag:s0] =	ssyncset.done @!p0 $0x0  }
0x244: {  	[sflag:s0] =	ssyncadd.s32 @!p0 s1  }
0x245: {  	[bflag:$0x3] =	sbarrier.arrive $0xFFFF  }
0x246: {  	_ =	shalt  }

// kernel: kernel.21.cloned.1.call-start
scs
__scs_entry_jumppad:
0x0: {  	(pc) =	sbr.rel $0x88, $3  }
0x1: {  	(tag) =	ssettag $0x0;
	lr =	simm.s32 $0x1  }
0x2: {  	[smem:$0x3F92] =	sst lr;
	_ =	strace $0xD0000000  }
0x3: {  	_ = 	snop  }
0x4: {  	_ = 	snop  }
0x5: {  	_ = 	snop  }
0x6: {  	_ = 	snop  }
0x7: {  	_ = 	snop  }
__scs_overlays_trampoline_lowered:
0x8: {  	[smem:$0x3FA1] =	sst s0  }
0x9: {  	[smem:$0x3FA2] =	sst s1  }
0xa: {  	[smem:$0x3FA3] =	sst s2  }
0xb: {  	[smem:$0x3FA4] =	sst s3  }
0xc: {  	[smem:$0x3FA5] =	sst s4  }
0xd: {  	[smem:$0x3FA6] =	sst s5  }
0xe: {  	[smem:$0x3FA7] =	sst s6  }
0xf: {  	[smem:$0x3FA8] =	sst s7  }
0x10: {  	[smem:$0x3FA9] =	sst s8  }
0x11: {  	[smem:$0x3FAA] =	sst s9;
	s0 =	simm.s32 @!p0 $0x0  }
0x12: {  	s1 =	sld [smem:$0x3F90];
	s0 =	simm.s32 @p0 $0x1  }
0x13: {  	[smem:$0x3FAB] =	sst s0;
	s0 =	simm.s32 @!p1 $0x0  }
0x14: {  	s2 =	sld [smem:$0x3F8F];
	s0 =	simm.s32 @p1 $0x1  }
0x15: {  	[smem:$0x3FAC] =	sst s0;
	s0 =	simm.s32 @!p2 $0x0  }
0x16: {  	s3 =	sld [smem:$0x3FDB];
	s0 =	simm.s32 @p2 $0x1  }
0x17: {  	s4 =	simm.s32 $0x1BF5;
	[smem:$0x3FAE] =	sst s0  }
0x18: {  	s0 =	sld [smem:$0x3F91];
	_ =	swait.ge [sflag:s4], $0x0  }
0x19: {  	s7 =	sld [smem:$0x3F92]  }
0x1a: {  	s8 =	sadd.s32 $0xFFFFE003, lr  }
0x1b: {  	s9 =	sadd.s32 $0xFFFFFEF7, lr;
	s5 =	simm.s32 $0xFFFFFFFF;
	p2 =	slt.u32 s8, $0xFFFFF086  }
0x1c: {  	p1 =	slt.u32 s9, $0xF7A;
	s5 =	simm.s32 @!p2 $0x0  }
0x1d: {  	s5 =	simm.s32 @p1 $0x1;
	p0 =	seq.s32 s7, s2  }
0x1e: {  	s7 =	smul.u32 @!p0 $0xF7A, s2;
	p2 =	seq.s32 @!p0 s5, $0x0  }
0x1f: {  	s9 =	smul.u32 $0xF7A, s1;
	s8 =	simm.s32 @!p0 $0x1BF5;
	p2 =	por !p2, p0  }
0x20: {  	[sflag:s8] =	ssyncset.s32 @!p0 $0xFFFFF086;
	s6 =	sadd.s32 @!p0 s3, s7;
	s7 =	simm.s32 @!p0 $0x108  }
0x21: {  	s3 =	sadd.s32 s3, s9;
	s6 =	sadd.s32 @!p0 $0x88, s6;
	s7 =	simm.s32 @p2 $0x1082  }
0x22: {  	[simem:s7], [sflag:s8] =	dma.local @!p0 [hbm:s6], $0xF7A  }
0x23: {  	s9 =	sor.u32 $0xD0000000, s2;
	s6 =	simm.s32 $0x108;
	_ =	swait.ge @!p0 [sflag:s8], $0x0  }
0x24: {  	s3 =	sadd.s32 $0x88, s3;
	s6 =	simm.s32 @!p1 $0x1082;
	[sflag:s4] =	ssyncset.s32 $0xFFFFF086  }
0x25: {  	[simem:s6], [sflag:s4] =	dma.local [hbm:s3], $0xF7A  }
0x26: {  	[smem:$0x3F92] =	sst s1;
	(tag) =	ssettag s2;
	_ =	strace s9  }
0x27: {  	s1 =	sld [smem:$0x3FA2]  }
0x28: {  	s2 =	sld [smem:$0x3FA3]  }
0x29: {  	s4 =	sld [smem:$0x3FA5]  }
0x2a: {  	p0 =	seq.s32 s5, $0x0;
	s5 =	sld [smem:$0x3FA6]  }
0x2b: {  	s6 =	sld [smem:$0x3FA7]  }
0x2c: {  	s7 =	sld [smem:$0x3FA8]  }
0x2d: {  	s3 =	simm.s32 $0x108;
	s8 =	sld [smem:$0x3FA9]  }
0x2e: {  	s3 =	simm.s32 @!p0 $0x1082;
	s9 =	sld [smem:$0x3FAA]  }
0x2f: {  	lr =	sadd.s32 s0, s3;
	s0 =	sld [smem:$0x3FA1]  }
0x30: {  	s3 =	sld [smem:$0x3FA4]  }
0x31: {  	[smem:$0x3FAD] =	sst s10  }
0x32: {  	s10 =	sld [smem:$0x3FAB];
	_ =	sdelay $0x3  }
0x33: {  	p0 =	seq.s32 s10, $0x1;
	s10 =	sld [smem:$0x3FAD];
	_ =	sdelay $0x3  }
0x34: {  	[smem:$0x3FAD] =	sst s10  }
0x35: {  	s10 =	sld [smem:$0x3FAC];
	_ =	sdelay $0x3  }
0x36: {  	p1 =	seq.s32 s10, $0x1;
	s10 =	sld [smem:$0x3FAD];
	_ =	sdelay $0x3  }
0x37: {  	[smem:$0x3FAD] =	sst s10  }
0x38: {  	s10 =	sld [smem:$0x3FAE]  }
0x39: {  	_ = 	snop;
	(pc) =	sbr.ind lr, $3  }
0x3a: {  	_ = 	snop  }
0x3b: {  	_ = 	snop  }
0x3c: {  	p2 =	seq.s32 s10, $0x1;
	s10 =	sld [smem:$0x3FAD]  }
0x3d: {  	_ =	shalt  }
0x3e: {  	_ =	shalt  }
0x3f: {  	_ =	shalt  }
0x40: {  	_ =	shalt  }
0x41: {  	_ =	shalt  }
0x42: {  	_ =	shalt  }
0x43: {  	_ =	shalt  }
0x44: {  	_ =	shalt  }
0x45: {  	_ =	shalt  }
0x46: {  	_ =	shalt  }
0x47: {  	_ =	shalt  }
0x48: {  	_ =	shalt  }
0x49: {  	_ =	shalt  }
0x4a: {  	_ =	shalt  }
0x4b: {  	_ =	shalt  }
0x4c: {  	_ =	shalt  }
0x4d: {  	_ =	shalt  }
0x4e: {  	_ =	shalt  }
0x4f: {  	_ =	shalt  }
0x50: {  	_ =	shalt  }
0x51: {  	_ =	shalt  }
0x52: {  	_ =	shalt  }
0x53: {  	_ =	shalt  }
0x54: {  	_ =	shalt  }
0x55: {  	_ =	shalt  }
0x56: {  	_ =	shalt  }
0x57: {  	_ =	shalt  }
0x58: {  	_ =	shalt  }
0x59: {  	_ =	shalt  }
0x5a: {  	_ =	shalt  }
0x5b: {  	_ =	shalt  }
0x5c: {  	_ =	shalt  }
0x5d: {  	_ =	shalt  }
0x5e: {  	_ =	shalt  }
0x5f: {  	_ =	shalt  }
0x60: {  	_ =	shalt  }
0x61: {  	_ =	shalt  }
0x62: {  	_ =	shalt  }
0x63: {  	_ =	shalt  }
0x64: {  	_ =	shalt  }
0x65: {  	_ =	shalt  }
0x66: {  	_ =	shalt  }
0x67: {  	_ =	shalt  }
0x68: {  	_ =	shalt  }
0x69: {  	_ =	shalt  }
0x6a: {  	_ =	shalt  }
0x6b: {  	_ =	shalt  }
0x6c: {  	_ =	shalt  }
0x6d: {  	_ =	shalt  }
0x6e: {  	_ =	shalt  }
0x6f: {  	_ =	shalt  }
0x70: {  	_ =	shalt  }
0x71: {  	_ =	shalt  }
0x72: {  	_ =	shalt  }
0x73: {  	_ =	shalt  }
0x74: {  	_ =	shalt  }
0x75: {  	_ =	shalt  }
0x76: {  	_ =	shalt  }
0x77: {  	_ =	shalt  }
0x78: {  	_ =	shalt  }
0x79: {  	_ =	shalt  }
0x7a: {  	_ =	shalt  }
0x7b: {  	_ =	shalt  }
0x7c: {  	_ =	shalt  }
0x7d: {  	_ =	shalt  }
0x7e: {  	_ =	shalt  }
0x7f: {  	_ =	shalt  }
0x80: {  	_ =	shalt  }
0x81: {  	_ =	shalt  }
0x82: {  	_ =	shalt  }
0x83: {  	_ =	shalt  }
0x84: {  	_ =	shalt  }
0x85: {  	_ =	shalt  }
0x86: {  	_ =	shalt  }
0x87: {  	_ =	shalt  }
.Lfunc_end0:
.L_simem_size_0:
called_computation.2_lowered:
.L_overlay_start_0:
0x88: {  	s2 =	sld [smem:$0x3FD9]  }
0x89: {  	s3 =	sld [smem:$0x3FFE];
	_ =	sdelay $0x1  }
0x8a: {  	s1 =	srdreg.scid  }
0x8b: {  	s0 =	sand.u32 $0x1, s1  }
0x8c: {  	s17 =	sshll.u32 s0, $0xA;
	s2 =	sadd.s32 s3, s2  }
0x8d: {  	s2 =	sadd.s32 s2, s17  }
0x8e: {  	[smem:$0x3FB9] =	sst s2  }
0x8f: {  	_ = 	snop  }
0x90: {  	(tm) =	ssettm $0x1  }
0x91: {  	s18 =	sld [smem:$0x3FFB];
	_ =	sdelay $0x3  }
0x92: {  	_ =	strace s18  }
0x93: {  	s2 =	sld [smem:$0x3FFC];
	_ =	sdelay $0x3  }
0x94: {  	_ =	strace s2  }
0x95: {  	s2 =	sld [smem:$0x3FFD];
	_ =	sdelay $0x3  }
0x96: {  	_ =	strace s2  }
0x97: {  	_ =	strace $0x8FFFFFFF  }
0x98: {  	s19 =	sld [smem:$0x3FDB];
	_ =	sdelay $0x1  }
0x99: {  	s20 =	simm.s32 $_scs_section_size  }
0x9a: {  	s4 =	simm.s32 $_size__tile_overlayer_lowered;
	s5 =	simm.s32 $_tile_overlayer_lowered  }
0x9b: {  	s6 =	simm.s32 $0x1BFF;
	s21 =	sshll.u32 s5, $0x1;
	s3 =	sadd.s32 s20, s19  }
0x9c: {  	s22 =	simm.s32 $0x0;
	s4 =	sshll.u32 s4, $0x1;
	s5 =	sadd.s32 s21, s3  }
0x9d: {  	[timem:s22], [sflag:s6] =	dma.local [hbm:s5], s4  }
0x9e: {  	_ =	swait.ge [sflag:s6], s4  }
0x9f: {  	s4 =	ssub.s32 $0x0, s4;
	[sflag:s6] =	ssyncset.done $0x0  }
0xa0: {  	[sflag:s6] =	ssyncadd.s32 s4;
	_ =	sdelay $0x1  }
0xa1: {  	s23 =	simm.s32 $0x1B8B  }
0xa2: {  	_ =	swait.ge [sflag:s23], $0x1  }
0xa3: {  	[sflag:s23] =	ssyncset.done $0x0  }
0xa4: {  	[sflag:s23] =	ssyncadd.s32 $0xFFFFFFFF  }
0xa5: {  	s4 =	sld [smem:$0x0]  }
0xa6: {  	s5 =	sand.u32 $0xFFFFFFFE, s1  }
0xa7: {  	p0 =	sne.s32 s1, s5  }
0xa8: {  	s5 =	sshll.u32 @p0 s5, $0xE  }
0xa9: {  	s5 =	sadd.s32 @p0 $0x11B8D, s5;
	s6 =	sshll.u32 @p0 s4, $0x11  }
0xaa: {  	s5 =	sor.u32 @p0 s6, s5  }
0xab: {  	[sflag:s5] =	ssyncadd.remote.s32 @p0 $0x1;
	_ =	sdelay $0x1  }
0xac: {  	s5 =	simm.s32 @p0 $0x1B8D  }
0xad: {  	_ =	swait.eq @p0 [sflag:s5], $0x1  }
0xae: {  	[sflag:s5] =	ssyncadd.s32 @p0 $0xFFFFFFFF  }
0xaf: {  	s6 =	sshll.u32 @!p0 s1, $0xE  }
0xb0: {  	s6 =	sor.u32 @!p0 $0x4000, s6;
	s5 =	simm.s32 @!p0 $0x1B8D  }
0xb1: {  	s4 =	sshll.u32 @!p0 s4, $0x11;
	s6 =	sadd.s32 @!p0 $0x11B8D, s6;
	_ =	swait.eq @!p0 [sflag:s5], $0x1  }
0xb2: {  	s4 =	sor.u32 @!p0 s4, s6;
	[sflag:s5] =	ssyncadd.s32 @!p0 $0xFFFFFFFF  }
0xb3: {  	s25 =	simm.s32 $0x1B8E;
	s24 =	sld [smem:$0x3FFE];
	[sflag:s4] =	ssyncadd.remote.s32 @!p0 $0x1  }
0xb4: {  	s26 =	simm.s32 $execute0_lowered;
	[smem:$0x3FD2] =	sst s25  }
0xb5: {  	s5 =	sshll.u32 s26, $0x1;
	_ =	strace $0x80000049;
	[dreg:$0x1] =	wrdreg $0xFFFFFFFF  }
0xb6: {  	s28 =	simm.s32 $_size_execute0_lowered;
	s3 =	sadd.s32 s3, s5;
	[dreg:$0x0] =	wrdreg $0x0  }
0xb7: {  	s5 =	sshll.u32 s28, $0x1;
	[dreg:$0x2] =	wrdreg s3  }
0xb8: {  	[dreg:$0x3] =	wrdreg s5  }
0xb9: {  	[dreg:$0x4] =	wrdreg $0xC0  }
0xba: {  	_ =	task [dreg:s22], $0x5FFFF  }
0xbb: {  	[dreg:$0x1] =	wrdreg $0xFFFFFFFF  }
0xbc: {  	[dreg:$0x0] =	wrdreg $0x60  }
0xbd: {  	[dreg:$0x2] =	wrdreg s24  }
0xbe: {  	[dreg:$0x3] =	wrdreg $0xB  }
0xbf: {  	_ =	task.clear_ibuf [dreg:s22], $0x4FFFF;
	_ =	strace $0x90000049  }
0xc0: {  	s29 =	simm.s32 $0xB;
	_ =	strace $0x8000004B  }
0xc1: {  	_ =	swait.ge [sflag:s29], $0x1  }
0xc2: {  	[sflag:s29] =	ssyncadd.s32 $0xFFFFFFFF  }
0xc3: {  	_ =	strace $0x9000004B  }
0xc4: {  	_ =	sfence  }
0xc5: {  	s30 =	sld [smem:$0x0];
	_ =	sdelay $0x2  }
0xc6: {  	s31 =	sshll.u32 s1, $0xD;
	s1 =	sshrl.u32 s1, $0x2  }
0xc7: {  	s4 =	sand.u32 $0x4000, s31;
	s1 =	sadd.s32 s1, s30  }
0xc8: {  	s0 =	sor.u32 s4, s0;
	s1 =	sshll.u32 s1, $0x11  }
0xc9: {  	s0 =	sor.u32 s1, s0  }
0xca: {  	s0 =	sadd.s32 $0x8F2B, s0  }
0xcb: {  	[sflag:s0] =	ssyncadd.remote.s32 $0x1  }
0xcc: {  	_ =	sfence.sel $0xFFFF  }
0xcd: {  	[dreg:$0x0] =	wrdreg $0xFFFFFFFF;
	(pc) =	sbr.abs _section_cstart, $3  }
0xce: {  	[dreg:$0x1] =	wrdreg $0xFFFFFFFF  }
0xcf: {  	_ =	task.clear_ibuf [dreg:s22], $0x2FFFF;
	_ =	strace $0x9FFFFFFF  }
0xd0: {  	(tm) =	ssettm $0x7FFFFFFF  }
0xd1: {  	_ =	shalt  }
tec
execute0_lowered:
.L_overlay_start_1:
0x0: {  	(tag) =	ssettag $0x1  }
0x1: {  	s0 =	rddreg [dreg:$0x0];
	s1 =	srdreg.scid  }
0x2: {  	s3 =	stileid.u32;
	s2 =	simm.s32 $0x0;
	s28 =	simm.s32 $0xE00  }
0x3: {  	s29 =	simm.s32 $0x1600;
	s30 =	simm.s32 $0x1A00;
	s31 =	simm.s32 $0x2200  }
0x4: {  	s10 =	simm.s32 $0x3A00;
	s11 =	simm.s32 $0x3E00;
	s12 =	simm.s32 $0x4600  }
0x5: {  	s13 =	simm.s32 $0x4A00;
	s14 =	simm.s32 $0x5200;
	s15 =	simm.s32 $0x5600  }
0x6: {  	s17 =	simm.s32 $0x5E00;
	s18 =	simm.s32 $0x6200;
	s19 =	simm.s32 $0x6A00  }
0x7: {  	s20 =	simm.s32 $0x7600;
	s21 =	simm.s32 $0x7A00;
	s22 =	simm.s32 $0x8200  }
0x8: {  	s16 =	simm.s32 $0x8E00;
	s1 =	sand.u32 $0x1, s1;
	s3 =	sshll.u32 s3, $0x7  }
0x9: {  	[smem:$0x7FF] =	sst s2;
	s7 =	sadd.s32 $0xF3A00, s0;
	s4 =	sshll.u32 s1, $0x6  }
0xa: {  	_ =	strace $0x8000004A;
	s1 =	ssub.s32 $0x2, s1;
	s4 =	sor.u32 s4, s3  }
0xb: {  	s3 =	sadd.s32 $0x3200, s0;
	s8 =	sshrl.u32 s1, $0x1;
	s5 =	smul.u32 $0x180, s4  }
0xc: {  	s6 =	smul.u32 $0xC00, s4;
	s4 =	sadd.s32 s4, s0;
	s1 =	ssub.s32 s1, s8  }
0xd: {  	s8 =	simm.s32 $0x8600;
	s4 =	sadd.s32 $0xF3200, s4;
	s9 =	sadd.s32 s7, s5  }
0xe: {  	s23 =	sshrl.u32 s6, $0x3;
	[dreg:$0x2] =	wrdreg s4;
	s5 =	sadd.s32 $0x3300, s0  }
0xf: {  	s4 =	simm.s32 $0x2;
	[dreg:$0x6] =	wrdreg s9;
	s24 =	sadd.s32 $0x1800, s9  }
0x10: {  	s6 =	sadd.s32 s7, s23;
	s7 =	simm.s32 $0x3;
	s9 =	simm.s32 $0x3200  }
0x11: {  	v2 =	vlaneseq.u32;
	s23 =	simm.s32 $0x9200;
	[dreg:$0x3] =	wrdreg s24;
	s25 =	sadd.s32 $0x3000, s6  }
0x12: {  	vm0 =	vmmov $0xffff;
	vm1 =	vmmov $0xff;
	v1 =	vshrl.u32 v2, $0x3;
	s26 =	sadd.s32 $0x4800, s6;
	s6 =	smax.u32 s1, $0x1;
	[dreg:$0x4] =	wrdreg s25  }
0x13: {  	v0 =	vand.u32 $0x7, v2;
	v2 =	vor.u32 $0x8, v2;
	v1 =	vmul.u32 $0x8, v1;
	s24 =	simm.s32 $0x1;
	[dreg:$0x5] =	wrdreg s26;
	s26 =	simm.s32 $0xA00  }
.LBB2_1:
0x14: {  	s25 =	rddreg [dreg:$0x2]  }
0x15: {  	[tilespmem:s2], [sflag:$0x3] =	stream.linear.gather [hbm4b:s25+s2], $0x200, $0x38;
	[tilespmem:$0x18200] =	vst v63  }
0x16: {  	_ =	swait.ge [sflag:s7], $0x200  }
0x17: {  	[sflag:s7] =	ssyncset.done $0x0  }
0x18: {  	[sflag:s7] =	ssyncadd.s32 $0xFFFFFE00  }
0x19: {  	v3 =	vld [tilespmem:$0x0];
	_ =	sdelay $0x4  }
0x1a: {  	v4 =	vshrl.u32 v3, $0x3  }
0x1b: {  	v4 =	vmul.u32 $0x18, v4  }
0x1c: {  	v3 =	vand.u32 $0x7, v3  }
0x1d: {  	v3 =	vor.u32 v3, v4  }
0x1e: {  	v4 =	vperm.xlane v3, v0;
	_ =	sdelay $0x1  }
0x1f: {  	v4 =	vadd.s32 v1, v4;
	_ =	sdelay $0x1  }
0x20: {  	v3 =	vperm.xlane v3, v2;
	_ =	sdelay $0x1  }
0x21: {  	s0 =	simm.s32 $0x200;
	v3 =	vadd.s32 v1, v3  }
0x22: {  	[tilespmem:s0], [sflag:$0x1] =	stream.indirect_vreg.gather [hbm4b:s3+s2], $0x80, v4, vm0, $0xb8;
	[tilespmem:$0x18200] =	vst v63  }
0x23: {  	_ = 	snop  }
0x24: {  	[tilespmem:s26], [sflag:$0x1] =	stream.indirect_vreg.gather [hbm4b:s5+s2], $0x80, v4, vm1, $0xb8;
	[tilespmem:$0x18200] =	vst v63  }
0x25: {  	_ = 	snop  }
0x26: {  	[tilespmem:s28], [sflag:$0x1] =	stream.indirect_vreg.gather [hbm4b:s3+s2], $0x80, v3, vm0, $0xb8;
	[tilespmem:$0x18200] =	vst v63  }
0x27: {  	_ = 	snop  }
0x28: {  	[tilespmem:s29], [sflag:$0x1] =	stream.indirect_vreg.gather [hbm4b:s5+s2], $0x80, v3, vm1, $0xb8;
	[tilespmem:$0x18200] =	vst v63  }
0x29: {  	v3 =	vld [tilespmem:$0x10];
	_ =	sdelay $0x4  }
0x2a: {  	v33 =	vshrl.u32 v3, $0x3  }
0x2b: {  	v4 =	vmul.u32 $0x18, v33  }
0x2c: {  	v3 =	vand.u32 $0x7, v3  }
0x2d: {  	v3 =	vor.u32 v3, v4  }
0x2e: {  	v4 =	vperm.xlane v3, v0;
	_ =	sdelay $0x1  }
0x2f: {  	v4 =	vadd.s32 v1, v4;
	_ =	sdelay $0x1  }
0x30: {  	v3 =	vperm.xlane v3, v2;
	_ =	sdelay $0x1  }
0x31: {  	v3 =	vadd.s32 v1, v3  }
0x32: {  	[tilespmem:s30], [sflag:$0x1] =	stream.indirect_vreg.gather [hbm4b:s3+s2], $0x80, v4, vm0, $0xb8;
	[tilespmem:$0x18200] =	vst v63  }
0x33: {  	_ = 	snop  }
0x34: {  	[tilespmem:s31], [sflag:$0x1] =	stream.indirect_vreg.gather [hbm4b:s5+s2], $0x80, v4, vm1, $0xb8;
	[tilespmem:$0x18200] =	vst v63  }
0x35: {  	s25 =	simm.s32 $0x2600  }
0x36: {  	[tilespmem:s25], [sflag:$0x1] =	stream.indirect_vreg.gather [hbm4b:s3+s2], $0x80, v3, vm0, $0xb8;
	[tilespmem:$0x18200] =	vst v63  }
0x37: {  	s1 =	simm.s32 $0x2E00  }
0x38: {  	[tilespmem:s1], [sflag:$0x1] =	stream.indirect_vreg.gather [hbm4b:s5+s2], $0x80, v3, vm1, $0xb8;
	[tilespmem:$0x18200] =	vst v63  }
0x39: {  	v3 =	vld [tilespmem:$0x20];
	_ =	sdelay $0x4  }
0x3a: {  	v34 =	vshrl.u32 v3, $0x3  }
0x3b: {  	v4 =	vmul.u32 $0x18, v34  }
0x3c: {  	v3 =	vand.u32 $0x7, v3  }
0x3d: {  	v3 =	vor.u32 v3, v4  }
0x3e: {  	v4 =	vperm.xlane v3, v0;
	_ =	sdelay $0x1  }
0x3f: {  	v4 =	vadd.s32 v1, v4;
	_ =	sdelay $0x1  }
0x40: {  	v3 =	vperm.xlane v3, v2;
	_ =	sdelay $0x1  }
0x41: {  	v3 =	vadd.s32 v1, v3  }
0x42: {  	[tilespmem:s9], [sflag:$0x1] =	stream.indirect_vreg.gather [hbm4b:s3+s2], $0x80, v4, vm0, $0xb8;
	[tilespmem:$0x18200] =	vst v63  }
0x43: {  	_ = 	snop  }
0x44: {  	[tilespmem:s10], [sflag:$0x1] =	stream.indirect_vreg.gather [hbm4b:s5+s2], $0x80, v4, vm1, $0xb8;
	[tilespmem:$0x18200] =	vst v63  }
0x45: {  	_ = 	snop  }
0x46: {  	[tilespmem:s11], [sflag:$0x1] =	stream.indirect_vreg.gather [hbm4b:s3+s2], $0x80, v3, vm0, $0xb8;
	[tilespmem:$0x18200] =	vst v63  }
0x47: {  	_ = 	snop  }
0x48: {  	[tilespmem:s12], [sflag:$0x1] =	stream.indirect_vreg.gather [hbm4b:s5+s2], $0x80, v3, vm1, $0xb8;
	[tilespmem:$0x18200] =	vst v63  }
0x49: {  	v3 =	vld [tilespmem:$0x30];
	_ =	sdelay $0x4  }
0x4a: {  	v35 =	vshrl.u32 v3, $0x3  }
0x4b: {  	v4 =	vmul.u32 $0x18, v35  }
0x4c: {  	v3 =	vand.u32 $0x7, v3  }
0x4d: {  	v3 =	vor.u32 v3, v4  }
0x4e: {  	v4 =	vperm.xlane v3, v0;
	_ =	sdelay $0x1  }
0x4f: {  	v4 =	vadd.s32 v1, v4;
	_ =	sdelay $0x1  }
0x50: {  	v3 =	vperm.xlane v3, v2;
	_ =	sdelay $0x1  }
0x51: {  	v3 =	vadd.s32 v1, v3  }
0x52: {  	[tilespmem:s13], [sflag:$0x1] =	stream.indirect_vreg.gather [hbm4b:s3+s2], $0x80, v4, vm0, $0xb8;
	[tilespmem:$0x18200] =	vst v63  }
0x53: {  	_ = 	snop  }
0x54: {  	[tilespmem:s14], [sflag:$0x1] =	stream.indirect_vreg.gather [hbm4b:s5+s2], $0x80, v4, vm1, $0xb8;
	[tilespmem:$0x18200] =	vst v63  }
0x55: {  	_ = 	snop  }
0x56: {  	[tilespmem:s15], [sflag:$0x1] =	stream.indirect_vreg.gather [hbm4b:s3+s2], $0x80, v3, vm0, $0xb8;
	[tilespmem:$0x18200] =	vst v63  }
0x57: {  	_ = 	snop  }
0x58: {  	[tilespmem:s17], [sflag:$0x1] =	stream.indirect_vreg.gather [hbm4b:s5+s2], $0x80, v3, vm1, $0xb8;
	[tilespmem:$0x18200] =	vst v63  }
0x59: {  	v3 =	vld [tilespmem:$0x40];
	_ =	sdelay $0x4  }
0x5a: {  	v36 =	vshrl.u32 v3, $0x3  }
0x5b: {  	v4 =	vmul.u32 $0x18, v36  }
0x5c: {  	v3 =	vand.u32 $0x7, v3  }
0x5d: {  	v3 =	vor.u32 v3, v4  }
0x5e: {  	v4 =	vperm.xlane v3, v0;
	_ =	sdelay $0x1  }
0x5f: {  	v4 =	vadd.s32 v1, v4;
	_ =	sdelay $0x1  }
0x60: {  	v3 =	vperm.xlane v3, v2;
	_ =	sdelay $0x1  }
0x61: {  	v3 =	vadd.s32 v1, v3  }
0x62: {  	[tilespmem:s18], [sflag:$0x1] =	stream.indirect_vreg.gather [hbm4b:s3+s2], $0x80, v4, vm0, $0xb8;
	[tilespmem:$0x18200] =	vst v63  }
0x63: {  	_ = 	snop  }
0x64: {  	[tilespmem:s19], [sflag:$0x1] =	stream.indirect_vreg.gather [hbm4b:s5+s2], $0x80, v4, vm1, $0xb8;
	[tilespmem:$0x18200] =	vst v63  }
0x65: {  	s25 =	simm.s32 $0x6E00  }
0x66: {  	[tilespmem:s25], [sflag:$0x1] =	stream.indirect_vreg.gather [hbm4b:s3+s2], $0x80, v3, vm0, $0xb8;
	[tilespmem:$0x18200] =	vst v63  }
0x67: {  	_ = 	snop  }
0x68: {  	[tilespmem:s20], [sflag:$0x1] =	stream.indirect_vreg.gather [hbm4b:s5+s2], $0x80, v3, vm1, $0xb8;
	[tilespmem:$0x18200] =	vst v63  }
0x69: {  	v3 =	vld [tilespmem:$0x50];
	_ =	sdelay $0x4  }
0x6a: {  	v37 =	vshrl.u32 v3, $0x3  }
0x6b: {  	v4 =	vmul.u32 $0x18, v37  }
0x6c: {  	v3 =	vand.u32 $0x7, v3  }
0x6d: {  	v3 =	vor.u32 v3, v4  }
0x6e: {  	v4 =	vperm.xlane v3, v0;
	_ =	sdelay $0x1  }
0x6f: {  	v4 =	vadd.s32 v1, v4;
	_ =	sdelay $0x1  }
0x70: {  	v3 =	vperm.xlane v3, v2;
	_ =	sdelay $0x1  }
0x71: {  	v3 =	vadd.s32 v1, v3  }
0x72: {  	[tilespmem:s21], [sflag:$0x1] =	stream.indirect_vreg.gather [hbm4b:s3+s2], $0x80, v4, vm0, $0xb8;
	[tilespmem:$0x18200] =	vst v63  }
0x73: {  	_ = 	snop  }
0x74: {  	[tilespmem:s22], [sflag:$0x1] =	stream.indirect_vreg.gather [hbm4b:s5+s2], $0x80, v4, vm1, $0xb8;
	[tilespmem:$0x18200] =	vst v63  }
0x75: {  	_ = 	snop  }
0x76: {  	[tilespmem:s8], [sflag:$0x1] =	stream.indirect_vreg.gather [hbm4b:s3+s2], $0x80, v3, vm0, $0xb8;
	[tilespmem:$0x18200] =	vst v63  }
0x77: {  	_ = 	snop  }
0x78: {  	[tilespmem:s16], [sflag:$0x1] =	stream.indirect_vreg.gather [hbm4b:s5+s2], $0x80, v3, vm1, $0xb8;
	[tilespmem:$0x18200] =	vst v63  }
0x79: {  	v3 =	vld [tilespmem:$0x60];
	_ =	sdelay $0x4  }
0x7a: {  	v38 =	vshrl.u32 v3, $0x3  }
0x7b: {  	v4 =	vmul.u32 $0x18, v38  }
0x7c: {  	v3 =	vand.u32 $0x7, v3  }
0x7d: {  	v3 =	vor.u32 v3, v4  }
0x7e: {  	v4 =	vperm.xlane v3, v0;
	_ =	sdelay $0x1  }
0x7f: {  	v4 =	vadd.s32 v1, v4;
	_ =	sdelay $0x1  }
0x80: {  	v3 =	vperm.xlane v3, v2;
	_ =	sdelay $0x1  }
0x81: {  	v3 =	vadd.s32 v1, v3  }
0x82: {  	[tilespmem:s23], [sflag:$0x1] =	stream.indirect_vreg.gather [hbm4b:s3+s2], $0x80, v4, vm0, $0xb8;
	[tilespmem:$0x18200] =	vst v63  }
0x83: {  	s1 =	simm.s32 $0x9A00  }
0x84: {  	[tilespmem:s1], [sflag:$0x1] =	stream.indirect_vreg.gather [hbm4b:s5+s2], $0x80, v4, vm1, $0xb8;
	[tilespmem:$0x18200] =	vst v63  }
0x85: {  	s25 =	simm.s32 $0x9E00  }
0x86: {  	[tilespmem:s25], [sflag:$0x1] =	stream.indirect_vreg.gather [hbm4b:s3+s2], $0x80, v3, vm0, $0xb8;
	[tilespmem:$0x18200] =	vst v63  }
0x87: {  	s1 =	simm.s32 $0xA600  }
0x88: {  	[tilespmem:s1], [sflag:$0x1] =	stream.indirect_vreg.gather [hbm4b:s5+s2], $0x80, v3, vm1, $0xb8;
	[tilespmem:$0x18200] =	vst v63  }
0x89: {  	v3 =	vld [tilespmem:$0x70];
	_ =	sdelay $0x4  }
0x8a: {  	v39 =	vshrl.u32 v3, $0x3  }
0x8b: {  	v4 =	vmul.u32 $0x18, v39  }
0x8c: {  	v3 =	vand.u32 $0x7, v3  }
0x8d: {  	v3 =	vor.u32 v3, v4  }
0x8e: {  	v4 =	vperm.xlane v3, v0;
	_ =	sdelay $0x1  }
0x8f: {  	v4 =	vadd.s32 v1, v4;
	_ =	sdelay $0x1  }
0x90: {  	v3 =	vperm.xlane v3, v2;
	_ =	sdelay $0x1  }
0x91: {  	s25 =	simm.s32 $0xAA00;
	v3 =	vadd.s32 v1, v3  }
0x92: {  	[tilespmem:s25], [sflag:$0x1] =	stream.indirect_vreg.gather [hbm4b:s3+s2], $0x80, v4, vm0, $0xb8;
	[tilespmem:$0x18200] =	vst v63  }
0x93: {  	s1 =	simm.s32 $0xB200  }
0x94: {  	[tilespmem:s1], [sflag:$0x1] =	stream.indirect_vreg.gather [hbm4b:s5+s2], $0x80, v4, vm1, $0xb8;
	[tilespmem:$0x18200] =	vst v63  }
0x95: {  	s25 =	simm.s32 $0xB600  }
0x96: {  	[tilespmem:s25], [sflag:$0x1] =	stream.indirect_vreg.gather [hbm4b:s3+s2], $0x80, v3, vm0, $0xb8;
	[tilespmem:$0x18200] =	vst v63  }
0x97: {  	s1 =	simm.s32 $0xBE00  }
0x98: {  	[tilespmem:s1], [sflag:$0x1] =	stream.indirect_vreg.gather [hbm4b:s5+s2], $0x80, v3, vm1, $0xb8;
	[tilespmem:$0x18200] =	vst v63  }
0x99: {  	v3 =	vld [tilespmem:$0x80];
	_ =	sdelay $0x4  }
0x9a: {  	v40 =	vshrl.u32 v3, $0x3  }
0x9b: {  	v4 =	vmul.u32 $0x18, v40  }
0x9c: {  	v3 =	vand.u32 $0x7, v3  }
0x9d: {  	v3 =	vor.u32 v3, v4  }
0x9e: {  	v4 =	vperm.xlane v3, v0;
	_ =	sdelay $0x1  }
0x9f: {  	v4 =	vadd.s32 v1, v4;
	_ =	sdelay $0x1  }
0xa0: {  	v3 =	vperm.xlane v3, v2;
	_ =	sdelay $0x1  }
0xa1: {  	s0 =	simm.s32 $0xC200;
	v3 =	vadd.s32 v1, v3  }
0xa2: {  	[tilespmem:s0], [sflag:$0x2] =	stream.indirect_vreg.gather [hbm4b:s3+s2], $0x80, v4, vm0, $0xb8;
	[tilespmem:$0x18200] =	vst v63  }
0xa3: {  	s1 =	simm.s32 $0xCA00  }
0xa4: {  	[tilespmem:s1], [sflag:$0x2] =	stream.indirect_vreg.gather [hbm4b:s5+s2], $0x80, v4, vm1, $0xb8;
	[tilespmem:$0x18200] =	vst v63  }
0xa5: {  	s25 =	simm.s32 $0xCE00  }
0xa6: {  	[tilespmem:s25], [sflag:$0x2] =	stream.indirect_vreg.gather [hbm4b:s3+s2], $0x80, v3, vm0, $0xb8;
	[tilespmem:$0x18200] =	vst v63  }
0xa7: {  	s25 =	simm.s32 $0xD600  }
0xa8: {  	[tilespmem:s25], [sflag:$0x2] =	stream.indirect_vreg.gather [hbm4b:s5+s2], $0x80, v3, vm1, $0xb8;
	[tilespmem:$0x18200] =	vst v63  }
0xa9: {  	v3 =	vld [tilespmem:$0x90];
	_ =	sdelay $0x4  }
0xaa: {  	v41 =	vshrl.u32 v3, $0x3  }
0xab: {  	v4 =	vmul.u32 $0x18, v41  }
0xac: {  	v3 =	vand.u32 $0x7, v3  }
0xad: {  	v3 =	vor.u32 v3, v4  }
0xae: {  	v4 =	vperm.xlane v3, v0;
	_ =	sdelay $0x1  }
0xaf: {  	v4 =	vadd.s32 v1, v4;
	_ =	sdelay $0x1  }
0xb0: {  	v3 =	vperm.xlane v3, v2;
	_ =	sdelay $0x1  }
0xb1: {  	s25 =	simm.s32 $0xDA00;
	v3 =	vadd.s32 v1, v3  }
0xb2: {  	[tilespmem:s25], [sflag:$0x2] =	stream.indirect_vreg.gather [hbm4b:s3+s2], $0x80, v4, vm0, $0xb8;
	[tilespmem:$0x18200] =	vst v63  }
0xb3: {  	s25 =	simm.s32 $0xE200  }
0xb4: {  	[tilespmem:s25], [sflag:$0x2] =	stream.indirect_vreg.gather [hbm4b:s5+s2], $0x80, v4, vm1, $0xb8;
	[tilespmem:$0x18200] =	vst v63  }
0xb5: {  	s25 =	simm.s32 $0xE600  }
0xb6: {  	[tilespmem:s25], [sflag:$0x2] =	stream.indirect_vreg.gather [hbm4b:s3+s2], $0x80, v3, vm0, $0xb8;
	[tilespmem:$0x18200] =	vst v63  }
0xb7: {  	s25 =	simm.s32 $0xEE00  }
0xb8: {  	[tilespmem:s25], [sflag:$0x2] =	stream.indirect_vreg.gather [hbm4b:s5+s2], $0x80, v3, vm1, $0xb8;
	[tilespmem:$0x18200] =	vst v63  }
0xb9: {  	v3 =	vld [tilespmem:$0xA0];
	_ =	sdelay $0x4  }
0xba: {  	v42 =	vshrl.u32 v3, $0x3  }
0xbb: {  	v4 =	vmul.u32 $0x18, v42  }
0xbc: {  	v3 =	vand.u32 $0x7, v3  }
0xbd: {  	v3 =	vor.u32 v3, v4  }
0xbe: {  	v4 =	vperm.xlane v3, v0;
	_ =	sdelay $0x1  }
0xbf: {  	v4 =	vadd.s32 v1, v4;
	_ =	sdelay $0x1  }
0xc0: {  	v3 =	vperm.xlane v3, v2;
	_ =	sdelay $0x1  }
0xc1: {  	s25 =	simm.s32 $0xF200;
	v3 =	vadd.s32 v1, v3  }
0xc2: {  	[tilespmem:s25], [sflag:$0x2] =	stream.indirect_vreg.gather [hbm4b:s3+s2], $0x80, v4, vm0, $0xb8;
	[tilespmem:$0x18200] =	vst v63  }
0xc3: {  	s25 =	simm.s32 $0xFA00  }
0xc4: {  	[tilespmem:s25], [sflag:$0x2] =	stream.indirect_vreg.gather [hbm4b:s5+s2], $0x80, v4, vm1, $0xb8;
	[tilespmem:$0x18200] =	vst v63  }
0xc5: {  	s25 =	simm.s32 $0xFE00  }
0xc6: {  	[tilespmem:s25], [sflag:$0x2] =	stream.indirect_vreg.gather [hbm4b:s3+s2], $0x80, v3, vm0, $0xb8;
	[tilespmem:$0x18200] =	vst v63  }
0xc7: {  	s25 =	simm.s32 $0x10600  }
0xc8: {  	[tilespmem:s25], [sflag:$0x2] =	stream.indirect_vreg.gather [hbm4b:s5+s2], $0x80, v3, vm1, $0xb8;
	[tilespmem:$0x18200] =	vst v63  }
0xc9: {  	v3 =	vld [tilespmem:$0xB0];
	_ =	sdelay $0x4  }
0xca: {  	v43 =	vshrl.u32 v3, $0x3  }
0xcb: {  	v4 =	vmul.u32 $0x18, v43  }
0xcc: {  	v3 =	vand.u32 $0x7, v3  }
0xcd: {  	v3 =	vor.u32 v3, v4  }
0xce: {  	v4 =	vperm.xlane v3, v0;
	_ =	sdelay $0x1  }
0xcf: {  	v4 =	vadd.s32 v1, v4;
	_ =	sdelay $0x1  }
0xd0: {  	v3 =	vperm.xlane v3, v2;
	_ =	sdelay $0x1  }
0xd1: {  	s25 =	simm.s32 $0x10A00;
	v3 =	vadd.s32 v1, v3  }
0xd2: {  	[tilespmem:s25], [sflag:$0x2] =	stream.indirect_vreg.gather [hbm4b:s3+s2], $0x80, v4, vm0, $0xb8;
	[tilespmem:$0x18200] =	vst v63  }
0xd3: {  	s25 =	simm.s32 $0x11200  }
0xd4: {  	[tilespmem:s25], [sflag:$0x2] =	stream.indirect_vreg.gather [hbm4b:s5+s2], $0x80, v4, vm1, $0xb8;
	[tilespmem:$0x18200] =	vst v63  }
0xd5: {  	s25 =	simm.s32 $0x11600  }
0xd6: {  	[tilespmem:s25], [sflag:$0x2] =	stream.indirect_vreg.gather [hbm4b:s3+s2], $0x80, v3, vm0, $0xb8;
	[tilespmem:$0x18200] =	vst v63  }
0xd7: {  	s25 =	simm.s32 $0x11E00  }
0xd8: {  	[tilespmem:s25], [sflag:$0x2] =	stream.indirect_vreg.gather [hbm4b:s5+s2], $0x80, v3, vm1, $0xb8;
	[tilespmem:$0x18200] =	vst v63  }
0xd9: {  	v3 =	vld [tilespmem:$0xC0];
	_ =	sdelay $0x4  }
0xda: {  	v44 =	vshrl.u32 v3, $0x3  }
0xdb: {  	v4 =	vmul.u32 $0x18, v44  }
0xdc: {  	v3 =	vand.u32 $0x7, v3  }
0xdd: {  	v3 =	vor.u32 v3, v4  }
0xde: {  	v4 =	vperm.xlane v3, v0;
	_ =	sdelay $0x1  }
0xdf: {  	v4 =	vadd.s32 v1, v4;
	_ =	sdelay $0x1  }
0xe0: {  	v3 =	vperm.xlane v3, v2;
	_ =	sdelay $0x1  }
0xe1: {  	s25 =	simm.s32 $0x12200;
	v3 =	vadd.s32 v1, v3  }
0xe2: {  	[tilespmem:s25], [sflag:$0x2] =	stream.indirect_vreg.gather [hbm4b:s3+s2], $0x80, v4, vm0, $0xb8;
	[tilespmem:$0x18200] =	vst v63  }
0xe3: {  	s25 =	simm.s32 $0x12A00  }
0xe4: {  	[tilespmem:s25], [sflag:$0x2] =	stream.indirect_vreg.gather [hbm4b:s5+s2], $0x80, v4, vm1, $0xb8;
	[tilespmem:$0x18200] =	vst v63  }
0xe5: {  	s25 =	simm.s32 $0x12E00  }
0xe6: {  	[tilespmem:s25], [sflag:$0x2] =	stream.indirect_vreg.gather [hbm4b:s3+s2], $0x80, v3, vm0, $0xb8;
	[tilespmem:$0x18200] =	vst v63  }
0xe7: {  	s25 =	simm.s32 $0x13600  }
0xe8: {  	[tilespmem:s25], [sflag:$0x2] =	stream.indirect_vreg.gather [hbm4b:s5+s2], $0x80, v3, vm1, $0xb8;
	[tilespmem:$0x18200] =	vst v63  }
0xe9: {  	v3 =	vld [tilespmem:$0xD0];
	_ =	sdelay $0x4  }
0xea: {  	v45 =	vshrl.u32 v3, $0x3  }
0xeb: {  	v4 =	vmul.u32 $0x18, v45  }
0xec: {  	v3 =	vand.u32 $0x7, v3  }
0xed: {  	v3 =	vor.u32 v3, v4  }
0xee: {  	v4 =	vperm.xlane v3, v0;
	_ =	sdelay $0x1  }
0xef: {  	v4 =	vadd.s32 v1, v4;
	_ =	sdelay $0x1  }
0xf0: {  	v3 =	vperm.xlane v3, v2;
	_ =	sdelay $0x1  }
0xf1: {  	s25 =	simm.s32 $0x13A00;
	v3 =	vadd.s32 v1, v3  }
0xf2: {  	[tilespmem:s25], [sflag:$0x2] =	stream.indirect_vreg.gather [hbm4b:s3+s2], $0x80, v4, vm0, $0xb8;
	[tilespmem:$0x18200] =	vst v63  }
0xf3: {  	s25 =	simm.s32 $0x14200  }
0xf4: {  	[tilespmem:s25], [sflag:$0x2] =	stream.indirect_vreg.gather [hbm4b:s5+s2], $0x80, v4, vm1, $0xb8;
	[tilespmem:$0x18200] =	vst v63  }
0xf5: {  	s25 =	simm.s32 $0x14600  }
0xf6: {  	[tilespmem:s25], [sflag:$0x2] =	stream.indirect_vreg.gather [hbm4b:s3+s2], $0x80, v3, vm0, $0xb8;
	[tilespmem:$0x18200] =	vst v63  }
0xf7: {  	s25 =	simm.s32 $0x14E00  }
0xf8: {  	[tilespmem:s25], [sflag:$0x2] =	stream.indirect_vreg.gather [hbm4b:s5+s2], $0x80, v3, vm1, $0xb8;
	[tilespmem:$0x18200] =	vst v63  }
0xf9: {  	v3 =	vld [tilespmem:$0xE0];
	_ =	sdelay $0x4  }
0xfa: {  	v46 =	vshrl.u32 v3, $0x3  }
0xfb: {  	v4 =	vmul.u32 $0x18, v46  }
0xfc: {  	v3 =	vand.u32 $0x7, v3  }
0xfd: {  	v3 =	vor.u32 v3, v4  }
0xfe: {  	v4 =	vperm.xlane v3, v0;
	_ =	sdelay $0x1  }
0xff: {  	v4 =	vadd.s32 v1, v4;
	_ =	sdelay $0x1  }
0x100: {  	v3 =	vperm.xlane v3, v2;
	_ =	sdelay $0x1  }
0x101: {  	s25 =	simm.s32 $0x15200;
	v3 =	vadd.s32 v1, v3  }
0x102: {  	[tilespmem:s25], [sflag:$0x2] =	stream.indirect_vreg.gather [hbm4b:s3+s2], $0x80, v4, vm0, $0xb8;
	[tilespmem:$0x18200] =	vst v63  }
0x103: {  	s25 =	simm.s32 $0x15A00  }
0x104: {  	[tilespmem:s25], [sflag:$0x2] =	stream.indirect_vreg.gather [hbm4b:s5+s2], $0x80, v4, vm1, $0xb8;
	[tilespmem:$0x18200] =	vst v63  }
0x105: {  	s25 =	simm.s32 $0x15E00  }
0x106: {  	[tilespmem:s25], [sflag:$0x2] =	stream.indirect_vreg.gather [hbm4b:s3+s2], $0x80, v3, vm0, $0xb8;
	[tilespmem:$0x18200] =	vst v63  }
0x107: {  	s25 =	simm.s32 $0x16600  }
0x108: {  	[tilespmem:s25], [sflag:$0x2] =	stream.indirect_vreg.gather [hbm4b:s5+s2], $0x80, v3, vm1, $0xb8;
	[tilespmem:$0x18200] =	vst v63  }
0x109: {  	v3 =	vld [tilespmem:$0xF0];
	_ =	sdelay $0x4  }
0x10a: {  	v47 =	vshrl.u32 v3, $0x3  }
0x10b: {  	v4 =	vmul.u32 $0x18, v47  }
0x10c: {  	v3 =	vand.u32 $0x7, v3  }
0x10d: {  	v3 =	vor.u32 v3, v4  }
0x10e: {  	v4 =	vperm.xlane v3, v0;
	_ =	sdelay $0x1  }
0x10f: {  	v4 =	vadd.s32 v1, v4;
	_ =	sdelay $0x1  }
0x110: {  	v3 =	vperm.xlane v3, v2;
	_ =	sdelay $0x1  }
0x111: {  	s25 =	simm.s32 $0x16A00;
	v3 =	vadd.s32 v1, v3  }
0x112: {  	[tilespmem:s25], [sflag:$0x2] =	stream.indirect_vreg.gather [hbm4b:s3+s2], $0x80, v4, vm0, $0xb8;
	[tilespmem:$0x18200] =	vst v63  }
0x113: {  	s25 =	simm.s32 $0x17200  }
0x114: {  	[tilespmem:s25], [sflag:$0x2] =	stream.indirect_vreg.gather [hbm4b:s5+s2], $0x80, v4, vm1, $0xb8;
	[tilespmem:$0x18200] =	vst v63  }
0x115: {  	s25 =	simm.s32 $0x17600  }
0x116: {  	[tilespmem:s25], [sflag:$0x2] =	stream.indirect_vreg.gather [hbm4b:s3+s2], $0x80, v3, vm0, $0xb8;
	[tilespmem:$0x18200] =	vst v63  }
0x117: {  	s25 =	simm.s32 $0x17E00  }
0x118: {  	[tilespmem:s25], [sflag:$0x2] =	stream.indirect_vreg.gather [hbm4b:s5+s2], $0x80, v3, vm1, $0xb8;
	[tilespmem:$0x18200] =	vst v63  }
0x119: {  	_ =	swait.ge [sflag:s24], $0xC000  }
0x11a: {  	[sflag:s24] =	ssyncset.done $0x0  }
0x11b: {  	s1 =	simm.s32 $0x200;
	s25 =	rddreg [dreg:$0x6];
	[sflag:s24] =	ssyncadd.s32 $0xFFFF4000  }
0x11c: {  	[hbm4b:s25+s2] =	stream.linear.scatter [tilespmem:s1], [sflag:$0x3], $0xC000, $0x38;
	[tilespmem:$0x18200] =	vst v63  }
0x11d: {  	_ =	swait.ge [sflag:s7], $0xC000  }
0x11e: {  	[sflag:s7] =	ssyncset.done $0x0  }
0x11f: {  	[sflag:s7] =	ssyncadd.s32 $0xFFFF4000  }
0x120: {  	v3 =	vld [tilespmem:$0x100];
	_ =	sdelay $0x4  }
0x121: {  	v48 =	vshrl.u32 v3, $0x3  }
0x122: {  	v4 =	vmul.u32 $0x18, v48  }
0x123: {  	v3 =	vand.u32 $0x7, v3  }
0x124: {  	v3 =	vor.u32 v3, v4  }
0x125: {  	v4 =	vperm.xlane v3, v0;
	_ =	sdelay $0x1  }
0x126: {  	v4 =	vadd.s32 v1, v4;
	_ =	sdelay $0x1  }
0x127: {  	v3 =	vperm.xlane v3, v2;
	_ =	sdelay $0x1  }
0x128: {  	v3 =	vadd.s32 v1, v3  }
0x129: {  	[tilespmem:s1], [sflag:$0x1] =	stream.indirect_vreg.gather [hbm4b:s3+s2], $0x80, v4, vm0, $0xb8;
	[tilespmem:$0x18200] =	vst v63  }
0x12a: {  	_ = 	snop  }
0x12b: {  	[tilespmem:s26], [sflag:$0x1] =	stream.indirect_vreg.gather [hbm4b:s5+s2], $0x80, v4, vm1, $0xb8;
	[tilespmem:$0x18200] =	vst v63  }
0x12c: {  	_ = 	snop  }
0x12d: {  	[tilespmem:s28], [sflag:$0x1] =	stream.indirect_vreg.gather [hbm4b:s3+s2], $0x80, v3, vm0, $0xb8;
	[tilespmem:$0x18200] =	vst v63  }
0x12e: {  	_ = 	snop  }
0x12f: {  	[tilespmem:s29], [sflag:$0x1] =	stream.indirect_vreg.gather [hbm4b:s5+s2], $0x80, v3, vm1, $0xb8;
	[tilespmem:$0x18200] =	vst v63  }
0x130: {  	v3 =	vld [tilespmem:$0x110];
	_ =	sdelay $0x4  }
0x131: {  	v49 =	vshrl.u32 v3, $0x3  }
0x132: {  	v4 =	vmul.u32 $0x18, v49  }
0x133: {  	v3 =	vand.u32 $0x7, v3  }
0x134: {  	v3 =	vor.u32 v3, v4  }
0x135: {  	v4 =	vperm.xlane v3, v0;
	_ =	sdelay $0x1  }
0x136: {  	v4 =	vadd.s32 v1, v4;
	_ =	sdelay $0x1  }
0x137: {  	v3 =	vperm.xlane v3, v2;
	_ =	sdelay $0x1  }
0x138: {  	v3 =	vadd.s32 v1, v3  }
0x139: {  	[tilespmem:s30], [sflag:$0x1] =	stream.indirect_vreg.gather [hbm4b:s3+s2], $0x80, v4, vm0, $0xb8;
	[tilespmem:$0x18200] =	vst v63  }
0x13a: {  	_ = 	snop  }
0x13b: {  	[tilespmem:s31], [sflag:$0x1] =	stream.indirect_vreg.gather [hbm4b:s5+s2], $0x80, v4, vm1, $0xb8;
	[tilespmem:$0x18200] =	vst v63  }
0x13c: {  	s25 =	simm.s32 $0x2600  }
0x13d: {  	[tilespmem:s25], [sflag:$0x1] =	stream.indirect_vreg.gather [hbm4b:s3+s2], $0x80, v3, vm0, $0xb8;
	[tilespmem:$0x18200] =	vst v63  }
0x13e: {  	s25 =	simm.s32 $0x2E00  }
0x13f: {  	[tilespmem:s25], [sflag:$0x1] =	stream.indirect_vreg.gather [hbm4b:s5+s2], $0x80, v3, vm1, $0xb8;
	[tilespmem:$0x18200] =	vst v63  }
0x140: {  	v3 =	vld [tilespmem:$0x120];
	_ =	sdelay $0x4  }
0x141: {  	v50 =	vshrl.u32 v3, $0x3  }
0x142: {  	v4 =	vmul.u32 $0x18, v50  }
0x143: {  	v3 =	vand.u32 $0x7, v3  }
0x144: {  	v3 =	vor.u32 v3, v4  }
0x145: {  	v4 =	vperm.xlane v3, v0;
	_ =	sdelay $0x1  }
0x146: {  	v4 =	vadd.s32 v1, v4;
	_ =	sdelay $0x1  }
0x147: {  	v3 =	vperm.xlane v3, v2;
	_ =	sdelay $0x1  }
0x148: {  	v3 =	vadd.s32 v1, v3  }
0x149: {  	[tilespmem:s9], [sflag:$0x1] =	stream.indirect_vreg.gather [hbm4b:s3+s2], $0x80, v4, vm0, $0xb8;
	[tilespmem:$0x18200] =	vst v63  }
0x14a: {  	_ = 	snop  }
0x14b: {  	[tilespmem:s10], [sflag:$0x1] =	stream.indirect_vreg.gather [hbm4b:s5+s2], $0x80, v4, vm1, $0xb8;
	[tilespmem:$0x18200] =	vst v63  }
0x14c: {  	_ = 	snop  }
0x14d: {  	[tilespmem:s11], [sflag:$0x1] =	stream.indirect_vreg.gather [hbm4b:s3+s2], $0x80, v3, vm0, $0xb8;
	[tilespmem:$0x18200] =	vst v63  }
0x14e: {  	_ = 	snop  }
0x14f: {  	[tilespmem:s12], [sflag:$0x1] =	stream.indirect_vreg.gather [hbm4b:s5+s2], $0x80, v3, vm1, $0xb8;
	[tilespmem:$0x18200] =	vst v63  }
0x150: {  	v3 =	vld [tilespmem:$0x130];
	_ =	sdelay $0x4  }
0x151: {  	v51 =	vshrl.u32 v3, $0x3  }
0x152: {  	v4 =	vmul.u32 $0x18, v51  }
0x153: {  	v3 =	vand.u32 $0x7, v3  }
0x154: {  	v3 =	vor.u32 v3, v4  }
0x155: {  	v4 =	vperm.xlane v3, v0;
	_ =	sdelay $0x1  }
0x156: {  	v4 =	vadd.s32 v1, v4;
	_ =	sdelay $0x1  }
0x157: {  	v3 =	vperm.xlane v3, v2;
	_ =	sdelay $0x1  }
0x158: {  	v3 =	vadd.s32 v1, v3  }
0x159: {  	[tilespmem:s13], [sflag:$0x1] =	stream.indirect_vreg.gather [hbm4b:s3+s2], $0x80, v4, vm0, $0xb8;
	[tilespmem:$0x18200] =	vst v63  }
0x15a: {  	_ = 	snop  }
0x15b: {  	[tilespmem:s14], [sflag:$0x1] =	stream.indirect_vreg.gather [hbm4b:s5+s2], $0x80, v4, vm1, $0xb8;
	[tilespmem:$0x18200] =	vst v63  }
0x15c: {  	_ = 	snop  }
0x15d: {  	[tilespmem:s15], [sflag:$0x1] =	stream.indirect_vreg.gather [hbm4b:s3+s2], $0x80, v3, vm0, $0xb8;
	[tilespmem:$0x18200] =	vst v63  }
0x15e: {  	_ = 	snop  }
0x15f: {  	[tilespmem:s17], [sflag:$0x1] =	stream.indirect_vreg.gather [hbm4b:s5+s2], $0x80, v3, vm1, $0xb8;
	[tilespmem:$0x18200] =	vst v63  }
0x160: {  	v3 =	vld [tilespmem:$0x140];
	_ =	sdelay $0x4  }
0x161: {  	v52 =	vshrl.u32 v3, $0x3  }
0x162: {  	v4 =	vmul.u32 $0x18, v52  }
0x163: {  	v3 =	vand.u32 $0x7, v3  }
0x164: {  	v3 =	vor.u32 v3, v4  }
0x165: {  	v4 =	vperm.xlane v3, v0;
	_ =	sdelay $0x1  }
0x166: {  	v4 =	vadd.s32 v1, v4;
	_ =	sdelay $0x1  }
0x167: {  	v3 =	vperm.xlane v3, v2;
	_ =	sdelay $0x1  }
0x168: {  	v3 =	vadd.s32 v1, v3  }
0x169: {  	[tilespmem:s18], [sflag:$0x1] =	stream.indirect_vreg.gather [hbm4b:s3+s2], $0x80, v4, vm0, $0xb8;
	[tilespmem:$0x18200] =	vst v63  }
0x16a: {  	_ = 	snop  }
0x16b: {  	[tilespmem:s19], [sflag:$0x1] =	stream.indirect_vreg.gather [hbm4b:s5+s2], $0x80, v4, vm1, $0xb8;
	[tilespmem:$0x18200] =	vst v63  }
0x16c: {  	s25 =	simm.s32 $0x6E00  }
0x16d: {  	[tilespmem:s25], [sflag:$0x1] =	stream.indirect_vreg.gather [hbm4b:s3+s2], $0x80, v3, vm0, $0xb8;
	[tilespmem:$0x18200] =	vst v63  }
0x16e: {  	_ = 	snop  }
0x16f: {  	[tilespmem:s20], [sflag:$0x1] =	stream.indirect_vreg.gather [hbm4b:s5+s2], $0x80, v3, vm1, $0xb8;
	[tilespmem:$0x18200] =	vst v63  }
0x170: {  	v3 =	vld [tilespmem:$0x150];
	_ =	sdelay $0x4  }
0x171: {  	v53 =	vshrl.u32 v3, $0x3  }
0x172: {  	v4 =	vmul.u32 $0x18, v53  }
0x173: {  	v3 =	vand.u32 $0x7, v3  }
0x174: {  	v3 =	vor.u32 v3, v4  }
0x175: {  	v4 =	vperm.xlane v3, v0;
	_ =	sdelay $0x1  }
0x176: {  	v4 =	vadd.s32 v1, v4;
	_ =	sdelay $0x1  }
0x177: {  	v3 =	vperm.xlane v3, v2;
	_ =	sdelay $0x1  }
0x178: {  	v3 =	vadd.s32 v1, v3  }
0x179: {  	[tilespmem:s21], [sflag:$0x1] =	stream.indirect_vreg.gather [hbm4b:s3+s2], $0x80, v4, vm0, $0xb8;
	[tilespmem:$0x18200] =	vst v63  }
0x17a: {  	_ = 	snop  }
0x17b: {  	[tilespmem:s22], [sflag:$0x1] =	stream.indirect_vreg.gather [hbm4b:s5+s2], $0x80, v4, vm1, $0xb8;
	[tilespmem:$0x18200] =	vst v63  }
0x17c: {  	_ = 	snop  }
0x17d: {  	[tilespmem:s8], [sflag:$0x1] =	stream.indirect_vreg.gather [hbm4b:s3+s2], $0x80, v3, vm0, $0xb8;
	[tilespmem:$0x18200] =	vst v63  }
0x17e: {  	_ = 	snop  }
0x17f: {  	[tilespmem:s16], [sflag:$0x1] =	stream.indirect_vreg.gather [hbm4b:s5+s2], $0x80, v3, vm1, $0xb8;
	[tilespmem:$0x18200] =	vst v63  }
0x180: {  	v3 =	vld [tilespmem:$0x160];
	_ =	sdelay $0x4  }
0x181: {  	v54 =	vshrl.u32 v3, $0x3  }
0x182: {  	v4 =	vmul.u32 $0x18, v54  }
0x183: {  	v3 =	vand.u32 $0x7, v3  }
0x184: {  	v3 =	vor.u32 v3, v4  }
0x185: {  	v4 =	vperm.xlane v3, v0;
	_ =	sdelay $0x1  }
0x186: {  	v4 =	vadd.s32 v1, v4;
	_ =	sdelay $0x1  }
0x187: {  	v3 =	vperm.xlane v3, v2;
	_ =	sdelay $0x1  }
0x188: {  	v3 =	vadd.s32 v1, v3  }
0x189: {  	[tilespmem:s23], [sflag:$0x1] =	stream.indirect_vreg.gather [hbm4b:s3+s2], $0x80, v4, vm0, $0xb8;
	[tilespmem:$0x18200] =	vst v63  }
0x18a: {  	s25 =	simm.s32 $0x9A00  }
0x18b: {  	[tilespmem:s25], [sflag:$0x1] =	stream.indirect_vreg.gather [hbm4b:s5+s2], $0x80, v4, vm1, $0xb8;
	[tilespmem:$0x18200] =	vst v63  }
0x18c: {  	s25 =	simm.s32 $0x9E00  }
0x18d: {  	[tilespmem:s25], [sflag:$0x1] =	stream.indirect_vreg.gather [hbm4b:s3+s2], $0x80, v3, vm0, $0xb8;
	[tilespmem:$0x18200] =	vst v63  }
0x18e: {  	s25 =	simm.s32 $0xA600  }
0x18f: {  	[tilespmem:s25], [sflag:$0x1] =	stream.indirect_vreg.gather [hbm4b:s5+s2], $0x80, v3, vm1, $0xb8;
	[tilespmem:$0x18200] =	vst v63  }
0x190: {  	v3 =	vld [tilespmem:$0x170];
	_ =	sdelay $0x4  }
0x191: {  	v55 =	vshrl.u32 v3, $0x3  }
0x192: {  	v4 =	vmul.u32 $0x18, v55  }
0x193: {  	v3 =	vand.u32 $0x7, v3  }
0x194: {  	v3 =	vor.u32 v3, v4  }
0x195: {  	v4 =	vperm.xlane v3, v0;
	_ =	sdelay $0x1  }
0x196: {  	v4 =	vadd.s32 v1, v4;
	_ =	sdelay $0x1  }
0x197: {  	v3 =	vperm.xlane v3, v2;
	_ =	sdelay $0x1  }
0x198: {  	s25 =	simm.s32 $0xAA00;
	v3 =	vadd.s32 v1, v3  }
0x199: {  	[tilespmem:s25], [sflag:$0x1] =	stream.indirect_vreg.gather [hbm4b:s3+s2], $0x80, v4, vm0, $0xb8;
	[tilespmem:$0x18200] =	vst v63  }
0x19a: {  	s25 =	simm.s32 $0xB200  }
0x19b: {  	[tilespmem:s25], [sflag:$0x1] =	stream.indirect_vreg.gather [hbm4b:s5+s2], $0x80, v4, vm1, $0xb8;
	[tilespmem:$0x18200] =	vst v63  }
0x19c: {  	s25 =	simm.s32 $0xB600  }
0x19d: {  	[tilespmem:s25], [sflag:$0x1] =	stream.indirect_vreg.gather [hbm4b:s3+s2], $0x80, v3, vm0, $0xb8;
	[tilespmem:$0x18200] =	vst v63  }
0x19e: {  	s25 =	simm.s32 $0xBE00  }
0x19f: {  	[tilespmem:s25], [sflag:$0x1] =	stream.indirect_vreg.gather [hbm4b:s5+s2], $0x80, v3, vm1, $0xb8;
	[tilespmem:$0x18200] =	vst v63  }
0x1a0: {  	_ =	swait.ge [sflag:s4], $0xC000  }
0x1a1: {  	[sflag:s4] =	ssyncset.done $0x0  }
0x1a2: {  	s1 =	rddreg [dreg:$0x3];
	[sflag:s4] =	ssyncadd.s32 $0xFFFF4000  }
0x1a3: {  	[hbm4b:s1+s2] =	stream.linear.scatter [tilespmem:s0], [sflag:$0x3], $0xC000, $0x38;
	[tilespmem:$0x18200] =	vst v63  }
0x1a4: {  	_ =	swait.ge [sflag:s7], $0xC000  }
0x1a5: {  	[sflag:s7] =	ssyncset.done $0x0  }
0x1a6: {  	[sflag:s7] =	ssyncadd.s32 $0xFFFF4000  }
0x1a7: {  	v3 =	vld [tilespmem:$0x180];
	_ =	sdelay $0x4  }
0x1a8: {  	v56 =	vshrl.u32 v3, $0x3  }
0x1a9: {  	v4 =	vmul.u32 $0x18, v56  }
0x1aa: {  	v3 =	vand.u32 $0x7, v3  }
0x1ab: {  	v3 =	vor.u32 v3, v4  }
0x1ac: {  	v4 =	vperm.xlane v3, v0;
	_ =	sdelay $0x1  }
0x1ad: {  	v4 =	vadd.s32 v1, v4;
	_ =	sdelay $0x1  }
0x1ae: {  	v3 =	vperm.xlane v3, v2;
	_ =	sdelay $0x1  }
0x1af: {  	v3 =	vadd.s32 v1, v3  }
0x1b0: {  	[tilespmem:s0], [sflag:$0x2] =	stream.indirect_vreg.gather [hbm4b:s3+s2], $0x80, v4, vm0, $0xb8;
	[tilespmem:$0x18200] =	vst v63  }
0x1b1: {  	s25 =	simm.s32 $0xCA00  }
0x1b2: {  	[tilespmem:s25], [sflag:$0x2] =	stream.indirect_vreg.gather [hbm4b:s5+s2], $0x80, v4, vm1, $0xb8;
	[tilespmem:$0x18200] =	vst v63  }
0x1b3: {  	s25 =	simm.s32 $0xCE00  }
0x1b4: {  	[tilespmem:s25], [sflag:$0x2] =	stream.indirect_vreg.gather [hbm4b:s3+s2], $0x80, v3, vm0, $0xb8;
	[tilespmem:$0x18200] =	vst v63  }
0x1b5: {  	s25 =	simm.s32 $0xD600  }
0x1b6: {  	[tilespmem:s25], [sflag:$0x2] =	stream.indirect_vreg.gather [hbm4b:s5+s2], $0x80, v3, vm1, $0xb8;
	[tilespmem:$0x18200] =	vst v63  }
0x1b7: {  	v3 =	vld [tilespmem:$0x190];
	_ =	sdelay $0x4  }
0x1b8: {  	v57 =	vshrl.u32 v3, $0x3  }
0x1b9: {  	v4 =	vmul.u32 $0x18, v57  }
0x1ba: {  	v3 =	vand.u32 $0x7, v3  }
0x1bb: {  	v3 =	vor.u32 v3, v4  }
0x1bc: {  	v4 =	vperm.xlane v3, v0;
	_ =	sdelay $0x1  }
0x1bd: {  	v4 =	vadd.s32 v1, v4;
	_ =	sdelay $0x1  }
0x1be: {  	v3 =	vperm.xlane v3, v2;
	_ =	sdelay $0x1  }
0x1bf: {  	s25 =	simm.s32 $0xDA00;
	v3 =	vadd.s32 v1, v3  }
0x1c0: {  	[tilespmem:s25], [sflag:$0x2] =	stream.indirect_vreg.gather [hbm4b:s3+s2], $0x80, v4, vm0, $0xb8;
	[tilespmem:$0x18200] =	vst v63  }
0x1c1: {  	s25 =	simm.s32 $0xE200  }
0x1c2: {  	[tilespmem:s25], [sflag:$0x2] =	stream.indirect_vreg.gather [hbm4b:s5+s2], $0x80, v4, vm1, $0xb8;
	[tilespmem:$0x18200] =	vst v63  }
0x1c3: {  	s25 =	simm.s32 $0xE600  }
0x1c4: {  	[tilespmem:s25], [sflag:$0x2] =	stream.indirect_vreg.gather [hbm4b:s3+s2], $0x80, v3, vm0, $0xb8;
	[tilespmem:$0x18200] =	vst v63  }
0x1c5: {  	s25 =	simm.s32 $0xEE00  }
0x1c6: {  	[tilespmem:s25], [sflag:$0x2] =	stream.indirect_vreg.gather [hbm4b:s5+s2], $0x80, v3, vm1, $0xb8;
	[tilespmem:$0x18200] =	vst v63  }
0x1c7: {  	v3 =	vld [tilespmem:$0x1A0];
	_ =	sdelay $0x4  }
0x1c8: {  	v58 =	vshrl.u32 v3, $0x3  }
0x1c9: {  	v4 =	vmul.u32 $0x18, v58  }
0x1ca: {  	v3 =	vand.u32 $0x7, v3  }
0x1cb: {  	v3 =	vor.u32 v3, v4  }
0x1cc: {  	v4 =	vperm.xlane v3, v0;
	_ =	sdelay $0x1  }
0x1cd: {  	v4 =	vadd.s32 v1, v4;
	_ =	sdelay $0x1  }
0x1ce: {  	v3 =	vperm.xlane v3, v2;
	_ =	sdelay $0x1  }
0x1cf: {  	s25 =	simm.s32 $0xF200;
	v3 =	vadd.s32 v1, v3  }
0x1d0: {  	[tilespmem:s25], [sflag:$0x2] =	stream.indirect_vreg.gather [hbm4b:s3+s2], $0x80, v4, vm0, $0xb8;
	[tilespmem:$0x18200] =	vst v63  }
0x1d1: {  	s25 =	simm.s32 $0xFA00  }
0x1d2: {  	[tilespmem:s25], [sflag:$0x2] =	stream.indirect_vreg.gather [hbm4b:s5+s2], $0x80, v4, vm1, $0xb8;
	[tilespmem:$0x18200] =	vst v63  }
0x1d3: {  	s25 =	simm.s32 $0xFE00  }
0x1d4: {  	[tilespmem:s25], [sflag:$0x2] =	stream.indirect_vreg.gather [hbm4b:s3+s2], $0x80, v3, vm0, $0xb8;
	[tilespmem:$0x18200] =	vst v63  }
0x1d5: {  	s25 =	simm.s32 $0x10600  }
0x1d6: {  	[tilespmem:s25], [sflag:$0x2] =	stream.indirect_vreg.gather [hbm4b:s5+s2], $0x80, v3, vm1, $0xb8;
	[tilespmem:$0x18200] =	vst v63  }
0x1d7: {  	v3 =	vld [tilespmem:$0x1B0];
	_ =	sdelay $0x4  }
0x1d8: {  	v59 =	vshrl.u32 v3, $0x3  }
0x1d9: {  	v4 =	vmul.u32 $0x18, v59  }
0x1da: {  	v3 =	vand.u32 $0x7, v3  }
0x1db: {  	v3 =	vor.u32 v3, v4  }
0x1dc: {  	v4 =	vperm.xlane v3, v0;
	_ =	sdelay $0x1  }
0x1dd: {  	v4 =	vadd.s32 v1, v4;
	_ =	sdelay $0x1  }
0x1de: {  	v3 =	vperm.xlane v3, v2;
	_ =	sdelay $0x1  }
0x1df: {  	s25 =	simm.s32 $0x10A00;
	v3 =	vadd.s32 v1, v3  }
0x1e0: {  	[tilespmem:s25], [sflag:$0x2] =	stream.indirect_vreg.gather [hbm4b:s3+s2], $0x80, v4, vm0, $0xb8;
	[tilespmem:$0x18200] =	vst v63  }
0x1e1: {  	s25 =	simm.s32 $0x11200  }
0x1e2: {  	[tilespmem:s25], [sflag:$0x2] =	stream.indirect_vreg.gather [hbm4b:s5+s2], $0x80, v4, vm1, $0xb8;
	[tilespmem:$0x18200] =	vst v63  }
0x1e3: {  	s25 =	simm.s32 $0x11600  }
0x1e4: {  	[tilespmem:s25], [sflag:$0x2] =	stream.indirect_vreg.gather [hbm4b:s3+s2], $0x80, v3, vm0, $0xb8;
	[tilespmem:$0x18200] =	vst v63  }
0x1e5: {  	s25 =	simm.s32 $0x11E00  }
0x1e6: {  	[tilespmem:s25], [sflag:$0x2] =	stream.indirect_vreg.gather [hbm4b:s5+s2], $0x80, v3, vm1, $0xb8;
	[tilespmem:$0x18200] =	vst v63  }
0x1e7: {  	v3 =	vld [tilespmem:$0x1C0];
	_ =	sdelay $0x4  }
0x1e8: {  	v60 =	vshrl.u32 v3, $0x3  }
0x1e9: {  	v4 =	vmul.u32 $0x18, v60  }
0x1ea: {  	v3 =	vand.u32 $0x7, v3  }
0x1eb: {  	v3 =	vor.u32 v3, v4  }
0x1ec: {  	v4 =	vperm.xlane v3, v0;
	_ =	sdelay $0x1  }
0x1ed: {  	v4 =	vadd.s32 v1, v4;
	_ =	sdelay $0x1  }
0x1ee: {  	v3 =	vperm.xlane v3, v2;
	_ =	sdelay $0x1  }
0x1ef: {  	s25 =	simm.s32 $0x12200;
	v3 =	vadd.s32 v1, v3  }
0x1f0: {  	[tilespmem:s25], [sflag:$0x2] =	stream.indirect_vreg.gather [hbm4b:s3+s2], $0x80, v4, vm0, $0xb8;
	[tilespmem:$0x18200] =	vst v63  }
0x1f1: {  	s25 =	simm.s32 $0x12A00  }
0x1f2: {  	[tilespmem:s25], [sflag:$0x2] =	stream.indirect_vreg.gather [hbm4b:s5+s2], $0x80, v4, vm1, $0xb8;
	[tilespmem:$0x18200] =	vst v63  }
0x1f3: {  	s25 =	simm.s32 $0x12E00  }
0x1f4: {  	[tilespmem:s25], [sflag:$0x2] =	stream.indirect_vreg.gather [hbm4b:s3+s2], $0x80, v3, vm0, $0xb8;
	[tilespmem:$0x18200] =	vst v63  }
0x1f5: {  	s25 =	simm.s32 $0x13600  }
0x1f6: {  	[tilespmem:s25], [sflag:$0x2] =	stream.indirect_vreg.gather [hbm4b:s5+s2], $0x80, v3, vm1, $0xb8;
	[tilespmem:$0x18200] =	vst v63  }
0x1f7: {  	v3 =	vld [tilespmem:$0x1D0];
	_ =	sdelay $0x4  }
0x1f8: {  	v61 =	vshrl.u32 v3, $0x3  }
0x1f9: {  	v4 =	vmul.u32 $0x18, v61  }
0x1fa: {  	v3 =	vand.u32 $0x7, v3  }
0x1fb: {  	v3 =	vor.u32 v3, v4  }
0x1fc: {  	v4 =	vperm.xlane v3, v0;
	_ =	sdelay $0x1  }
0x1fd: {  	v4 =	vadd.s32 v1, v4;
	_ =	sdelay $0x1  }
0x1fe: {  	v3 =	vperm.xlane v3, v2;
	_ =	sdelay $0x1  }
0x1ff: {  	s25 =	simm.s32 $0x13A00;
	v3 =	vadd.s32 v1, v3  }
0x200: {  	[tilespmem:s25], [sflag:$0x2] =	stream.indirect_vreg.gather [hbm4b:s3+s2], $0x80, v4, vm0, $0xb8;
	[tilespmem:$0x18200] =	vst v63  }
0x201: {  	s25 =	simm.s32 $0x14200  }
0x202: {  	[tilespmem:s25], [sflag:$0x2] =	stream.indirect_vreg.gather [hbm4b:s5+s2], $0x80, v4, vm1, $0xb8;
	[tilespmem:$0x18200] =	vst v63  }
0x203: {  	s25 =	simm.s32 $0x14600  }
0x204: {  	[tilespmem:s25], [sflag:$0x2] =	stream.indirect_vreg.gather [hbm4b:s3+s2], $0x80, v3, vm0, $0xb8;
	[tilespmem:$0x18200] =	vst v63  }
0x205: {  	s25 =	simm.s32 $0x14E00  }
0x206: {  	[tilespmem:s25], [sflag:$0x2] =	stream.indirect_vreg.gather [hbm4b:s5+s2], $0x80, v3, vm1, $0xb8;
	[tilespmem:$0x18200] =	vst v63  }
0x207: {  	v3 =	vld [tilespmem:$0x1E0];
	_ =	sdelay $0x4  }
0x208: {  	v62 =	vshrl.u32 v3, $0x3  }
0x209: {  	v4 =	vmul.u32 $0x18, v62  }
0x20a: {  	v3 =	vand.u32 $0x7, v3  }
0x20b: {  	v3 =	vor.u32 v3, v4  }
0x20c: {  	v4 =	vperm.xlane v3, v0;
	_ =	sdelay $0x1  }
0x20d: {  	v4 =	vadd.s32 v1, v4;
	_ =	sdelay $0x1  }
0x20e: {  	v3 =	vperm.xlane v3, v2;
	_ =	sdelay $0x1  }
0x20f: {  	s25 =	simm.s32 $0x15200;
	v3 =	vadd.s32 v1, v3  }
0x210: {  	[tilespmem:s25], [sflag:$0x2] =	stream.indirect_vreg.gather [hbm4b:s3+s2], $0x80, v4, vm0, $0xb8;
	[tilespmem:$0x18200] =	vst v63  }
0x211: {  	s25 =	simm.s32 $0x15A00  }
0x212: {  	[tilespmem:s25], [sflag:$0x2] =	stream.indirect_vreg.gather [hbm4b:s5+s2], $0x80, v4, vm1, $0xb8;
	[tilespmem:$0x18200] =	vst v63  }
0x213: {  	s25 =	simm.s32 $0x15E00  }
0x214: {  	[tilespmem:s25], [sflag:$0x2] =	stream.indirect_vreg.gather [hbm4b:s3+s2], $0x80, v3, vm0, $0xb8;
	[tilespmem:$0x18200] =	vst v63  }
0x215: {  	s25 =	simm.s32 $0x16600  }
0x216: {  	[tilespmem:s25], [sflag:$0x2] =	stream.indirect_vreg.gather [hbm4b:s5+s2], $0x80, v3, vm1, $0xb8;
	[tilespmem:$0x18200] =	vst v63  }
0x217: {  	v3 =	vld [tilespmem:$0x1F0];
	_ =	sdelay $0x4  }
0x218: {  	v63 =	vshrl.u32 v3, $0x3  }
0x219: {  	v4 =	vmul.u32 $0x18, v63  }
0x21a: {  	v3 =	vand.u32 $0x7, v3  }
0x21b: {  	v3 =	vor.u32 v3, v4  }
0x21c: {  	v4 =	vperm.xlane v3, v0;
	_ =	sdelay $0x1  }
0x21d: {  	v4 =	vadd.s32 v1, v4;
	_ =	sdelay $0x1  }
0x21e: {  	v3 =	vperm.xlane v3, v2;
	_ =	sdelay $0x1  }
0x21f: {  	s25 =	simm.s32 $0x16A00;
	v3 =	vadd.s32 v1, v3  }
0x220: {  	[tilespmem:s25], [sflag:$0x2] =	stream.indirect_vreg.gather [hbm4b:s3+s2], $0x80, v4, vm0, $0xb8;
	[tilespmem:$0x18200] =	vst v63  }
0x221: {  	s25 =	simm.s32 $0x17200  }
0x222: {  	[tilespmem:s25], [sflag:$0x2] =	stream.indirect_vreg.gather [hbm4b:s5+s2], $0x80, v4, vm1, $0xb8;
	[tilespmem:$0x18200] =	vst v63  }
0x223: {  	s25 =	simm.s32 $0x17600  }
0x224: {  	[tilespmem:s25], [sflag:$0x2] =	stream.indirect_vreg.gather [hbm4b:s3+s2], $0x80, v3, vm0, $0xb8;
	[tilespmem:$0x18200] =	vst v63  }
0x225: {  	s25 =	simm.s32 $0x17E00  }
0x226: {  	[tilespmem:s25], [sflag:$0x2] =	stream.indirect_vreg.gather [hbm4b:s5+s2], $0x80, v3, vm1, $0xb8;
	[tilespmem:$0x18200] =	vst v63  }
0x227: {  	_ =	swait.ge [sflag:s24], $0xC000  }
0x228: {  	[sflag:s24] =	ssyncset.done $0x0  }
0x229: {  	s1 =	simm.s32 $0x200;
	s25 =	rddreg [dreg:$0x4];
	[sflag:s24] =	ssyncadd.s32 $0xFFFF4000  }
0x22a: {  	[hbm4b:s25+s2] =	stream.linear.scatter [tilespmem:s1], [sflag:$0x3], $0xC000, $0x38;
	[tilespmem:$0x18200] =	vst v63  }
0x22b: {  	_ =	swait.ge [sflag:s7], $0xC000  }
0x22c: {  	[sflag:s7] =	ssyncset.done $0x0  }
0x22d: {  	[sflag:s7] =	ssyncadd.s32 $0xFFFF4000  }
0x22e: {  	_ =	swait.ge [sflag:s4], $0xC000  }
0x22f: {  	p0 =	sne.s32 s6, $0x1;
	[sflag:s4] =	ssyncset.done $0x0  }
.Ltmp0:
0x230: {  	s1 =	rddreg [dreg:$0x5];
	[sflag:s4] =	ssyncadd.s32 $0xFFFF4000;
	(pc) =	sbr.rel @p0 .LBB2_1-.Ltmp0, $4  }
0x231: {  	[hbm4b:s1+s2] =	stream.linear.scatter [tilespmem:s0], [sflag:$0x3], $0xC000, $0x38;
	[tilespmem:$0x18200] =	vst v63  }
0x232: {  	_ =	swait.ge [sflag:s7], $0xC000  }
0x233: {  	[sflag:s7] =	ssyncset.done $0x0  }
0x234: {  	s6 =	sadd.s32 $0xFFFFFFFF, s6;
	[sflag:s7] =	ssyncadd.s32 $0xFFFF4000  }
0x235: {  	_ =	sfence.sel $0x180000  }
0x236: {  	[bflag:$0x0] =	sbarrier.arrive $0xFFFF  }
0x237: {  	_ =	strace $0x9000004A  }
0x238: {  	s0 =	stileid.u32;
	[bflag:$0x2] =	sbarrier.arrive $0xFFFF  }
0x239: {  	p0 =	sne.s32 s0, $0x0;
	s0 =	rddreg [dreg:$0x1]  }
0x23a: {  	s0 =	sadd.s32 @!p0 $0x100000, s0  }
0x23b: {  	[sflag:s0] =	ssyncadd.tile.s32 @!p0 $0x1;
	_ =	shalt  }
.Lfunc_end2:
_tile_overlayer_lowered:
.L_overlay_start_2:
0x23c: {  	(tag) =	ssettag $0x2  }
0x23d: {  	s0 =	rddreg [dreg:$0x0];
	s2 =	stileid.u32  }
0x23e: {  	s1 =	rddreg [dreg:$0x1];
	p0 =	sne.s32 s2, $0x0  }
0x23f: {  	s3 =	rddreg [dreg:$0x2];
	[bflag:$0x3] =	sbarrier.arrive $0xFFFF;
	s2 =	simm.s32 @!p0 $0x1C03  }
0x240: {  	[timem:s3], [sflag:s2] =	dma.local @!p0 [hbm:s0], s1  }
0x241: {  	s0 =	simm.s32 @!p0 $0x3  }
0x242: {  	_ =	swait.ge @!p0 [sflag:s0], s1  }
0x243: {  	s1 =	ssub.s32 @!p0 $0x0, s1;
	[sflag:s0] =	ssyncset.done @!p0 $0x0  }
0x244: {  	[sflag:s0] =	ssyncadd.s32 @!p0 s1  }
0x245: {  	[bflag:$0x3] =	sbarrier.arrive $0xFFFF  }
0x246: {  	_ =	shalt  }

// kernel: kernel.24.cloned.1.call-start
scs
__scs_entry_jumppad:
0x0: {  	(pc) =	sbr.rel $0x88, $3  }
0x1: {  	(tag) =	ssettag $0x0;
	lr =	simm.s32 $0x1  }
0x2: {  	[smem:$0x3F92] =	sst lr;
	_ =	strace $0xD0000000  }
0x3: {  	_ = 	snop  }
0x4: {  	_ = 	snop  }
0x5: {  	_ = 	snop  }
0x6: {  	_ = 	snop  }
0x7: {  	_ = 	snop  }
__scs_overlays_trampoline_lowered:
0x8: {  	[smem:$0x3FA1] =	sst s0  }
0x9: {  	[smem:$0x3FA2] =	sst s1  }
0xa: {  	[smem:$0x3FA3] =	sst s2  }
0xb: {  	[smem:$0x3FA4] =	sst s3  }
0xc: {  	[smem:$0x3FA5] =	sst s4  }
0xd: {  	[smem:$0x3FA6] =	sst s5  }
0xe: {  	[smem:$0x3FA7] =	sst s6  }
0xf: {  	[smem:$0x3FA8] =	sst s7  }
0x10: {  	[smem:$0x3FA9] =	sst s8  }
0x11: {  	[smem:$0x3FAA] =	sst s9;
	s0 =	simm.s32 @!p0 $0x0  }
0x12: {  	s1 =	sld [smem:$0x3F90];
	s0 =	simm.s32 @p0 $0x1  }
0x13: {  	[smem:$0x3FAB] =	sst s0;
	s0 =	simm.s32 @!p1 $0x0  }
0x14: {  	s2 =	sld [smem:$0x3F8F];
	s0 =	simm.s32 @p1 $0x1  }
0x15: {  	[smem:$0x3FAC] =	sst s0;
	s0 =	simm.s32 @!p2 $0x0  }
0x16: {  	s3 =	sld [smem:$0x3FDB];
	s0 =	simm.s32 @p2 $0x1  }
0x17: {  	s4 =	simm.s32 $0x1BF5;
	[smem:$0x3FAE] =	sst s0  }
0x18: {  	s0 =	sld [smem:$0x3F91];
	_ =	swait.ge [sflag:s4], $0x0  }
0x19: {  	s7 =	sld [smem:$0x3F92]  }
0x1a: {  	s8 =	sadd.s32 $0xFFFFE003, lr  }
0x1b: {  	s9 =	sadd.s32 $0xFFFFFEF7, lr;
	s5 =	simm.s32 $0xFFFFFFFF;
	p2 =	slt.u32 s8, $0xFFFFF086  }
0x1c: {  	p1 =	slt.u32 s9, $0xF7A;
	s5 =	simm.s32 @!p2 $0x0  }
0x1d: {  	s5 =	simm.s32 @p1 $0x1;
	p0 =	seq.s32 s7, s2  }
0x1e: {  	s7 =	smul.u32 @!p0 $0xF7A, s2;
	p2 =	seq.s32 @!p0 s5, $0x0  }
0x1f: {  	s9 =	smul.u32 $0xF7A, s1;
	s8 =	simm.s32 @!p0 $0x1BF5;
	p2 =	por !p2, p0  }
0x20: {  	[sflag:s8] =	ssyncset.s32 @!p0 $0xFFFFF086;
	s6 =	sadd.s32 @!p0 s3, s7;
	s7 =	simm.s32 @!p0 $0x108  }
0x21: {  	s3 =	sadd.s32 s3, s9;
	s6 =	sadd.s32 @!p0 $0x88, s6;
	s7 =	simm.s32 @p2 $0x1082  }
0x22: {  	[simem:s7], [sflag:s8] =	dma.local @!p0 [hbm:s6], $0xF7A  }
0x23: {  	s9 =	sor.u32 $0xD0000000, s2;
	s6 =	simm.s32 $0x108;
	_ =	swait.ge @!p0 [sflag:s8], $0x0  }
0x24: {  	s3 =	sadd.s32 $0x88, s3;
	s6 =	simm.s32 @!p1 $0x1082;
	[sflag:s4] =	ssyncset.s32 $0xFFFFF086  }
0x25: {  	[simem:s6], [sflag:s4] =	dma.local [hbm:s3], $0xF7A  }
0x26: {  	[smem:$0x3F92] =	sst s1;
	(tag) =	ssettag s2;
	_ =	strace s9  }
0x27: {  	s1 =	sld [smem:$0x3FA2]  }
0x28: {  	s2 =	sld [smem:$0x3FA3]  }
0x29: {  	s4 =	sld [smem:$0x3FA5]  }
0x2a: {  	p0 =	seq.s32 s5, $0x0;
	s5 =	sld [smem:$0x3FA6]  }
0x2b: {  	s6 =	sld [smem:$0x3FA7]  }
0x2c: {  	s7 =	sld [smem:$0x3FA8]  }
0x2d: {  	s3 =	simm.s32 $0x108;
	s8 =	sld [smem:$0x3FA9]  }
0x2e: {  	s3 =	simm.s32 @!p0 $0x1082;
	s9 =	sld [smem:$0x3FAA]  }
0x2f: {  	lr =	sadd.s32 s0, s3;
	s0 =	sld [smem:$0x3FA1]  }
0x30: {  	s3 =	sld [smem:$0x3FA4]  }
0x31: {  	[smem:$0x3FAD] =	sst s10  }
0x32: {  	s10 =	sld [smem:$0x3FAB];
	_ =	sdelay $0x3  }
0x33: {  	p0 =	seq.s32 s10, $0x1;
	s10 =	sld [smem:$0x3FAD];
	_ =	sdelay $0x3  }
0x34: {  	[smem:$0x3FAD] =	sst s10  }
0x35: {  	s10 =	sld [smem:$0x3FAC];
	_ =	sdelay $0x3  }
0x36: {  	p1 =	seq.s32 s10, $0x1;
	s10 =	sld [smem:$0x3FAD];
	_ =	sdelay $0x3  }
0x37: {  	[smem:$0x3FAD] =	sst s10  }
0x38: {  	s10 =	sld [smem:$0x3FAE]  }
0x39: {  	_ = 	snop;
	(pc) =	sbr.ind lr, $3  }
0x3a: {  	_ = 	snop  }
0x3b: {  	_ = 	snop  }
0x3c: {  	p2 =	seq.s32 s10, $0x1;
	s10 =	sld [smem:$0x3FAD]  }
0x3d: {  	_ =	shalt  }
0x3e: {  	_ =	shalt  }
0x3f: {  	_ =	shalt  }
0x40: {  	_ =	shalt  }
0x41: {  	_ =	shalt  }
0x42: {  	_ =	shalt  }
0x43: {  	_ =	shalt  }
0x44: {  	_ =	shalt  }
0x45: {  	_ =	shalt  }
0x46: {  	_ =	shalt  }
0x47: {  	_ =	shalt  }
0x48: {  	_ =	shalt  }
0x49: {  	_ =	shalt  }
0x4a: {  	_ =	shalt  }
0x4b: {  	_ =	shalt  }
0x4c: {  	_ =	shalt  }
0x4d: {  	_ =	shalt  }
0x4e: {  	_ =	shalt  }
0x4f: {  	_ =	shalt  }
0x50: {  	_ =	shalt  }
0x51: {  	_ =	shalt  }
0x52: {  	_ =	shalt  }
0x53: {  	_ =	shalt  }
0x54: {  	_ =	shalt  }
0x55: {  	_ =	shalt  }
0x56: {  	_ =	shalt  }
0x57: {  	_ =	shalt  }
0x58: {  	_ =	shalt  }
0x59: {  	_ =	shalt  }
0x5a: {  	_ =	shalt  }
0x5b: {  	_ =	shalt  }
0x5c: {  	_ =	shalt  }
0x5d: {  	_ =	shalt  }
0x5e: {  	_ =	shalt  }
0x5f: {  	_ =	shalt  }
0x60: {  	_ =	shalt  }
0x61: {  	_ =	shalt  }
0x62: {  	_ =	shalt  }
0x63: {  	_ =	shalt  }
0x64: {  	_ =	shalt  }
0x65: {  	_ =	shalt  }
0x66: {  	_ =	shalt  }
0x67: {  	_ =	shalt  }
0x68: {  	_ =	shalt  }
0x69: {  	_ =	shalt  }
0x6a: {  	_ =	shalt  }
0x6b: {  	_ =	shalt  }
0x6c: {  	_ =	shalt  }
0x6d: {  	_ =	shalt  }
0x6e: {  	_ =	shalt  }
0x6f: {  	_ =	shalt  }
0x70: {  	_ =	shalt  }
0x71: {  	_ =	shalt  }
0x72: {  	_ =	shalt  }
0x73: {  	_ =	shalt  }
0x74: {  	_ =	shalt  }
0x75: {  	_ =	shalt  }
0x76: {  	_ =	shalt  }
0x77: {  	_ =	shalt  }
0x78: {  	_ =	shalt  }
0x79: {  	_ =	shalt  }
0x7a: {  	_ =	shalt  }
0x7b: {  	_ =	shalt  }
0x7c: {  	_ =	shalt  }
0x7d: {  	_ =	shalt  }
0x7e: {  	_ =	shalt  }
0x7f: {  	_ =	shalt  }
0x80: {  	_ =	shalt  }
0x81: {  	_ =	shalt  }
0x82: {  	_ =	shalt  }
0x83: {  	_ =	shalt  }
0x84: {  	_ =	shalt  }
0x85: {  	_ =	shalt  }
0x86: {  	_ =	shalt  }
0x87: {  	_ =	shalt  }
.Lfunc_end0:
.L_simem_size_0:
called_computation.3_lowered:
.L_overlay_start_0:
0x88: {  	s2 =	sld [smem:$0x3FD9]  }
0x89: {  	s3 =	sld [smem:$0x3FFE];
	_ =	sdelay $0x1  }
0x8a: {  	s1 =	srdreg.scid  }
0x8b: {  	s0 =	sand.u32 $0x1, s1  }
0x8c: {  	s17 =	sshll.u32 s0, $0xA;
	s2 =	sadd.s32 s3, s2  }
0x8d: {  	s2 =	sadd.s32 s2, s17  }
0x8e: {  	[smem:$0x3FB9] =	sst s2  }
0x8f: {  	_ = 	snop  }
0x90: {  	s2 =	sld [smem:$0x3FD0];
	(tm) =	ssettm $0x1  }
0x91: {  	s18 =	sld [smem:$0x3FFB];
	_ =	sdelay $0x3  }
0x92: {  	_ =	strace s18  }
0x93: {  	s3 =	sld [smem:$0x3FFC];
	_ =	sdelay $0x3  }
0x94: {  	_ =	strace s3  }
0x95: {  	s3 =	sld [smem:$0x3FFD];
	_ =	sdelay $0x3  }
0x96: {  	_ =	strace s3  }
0x97: {  	_ =	strace $0x8FFFFFFF  }
0x98: {  	s19 =	sld [smem:$0x3FDB];
	_ =	sdelay $0x1  }
0x99: {  	s4 =	simm.s32 $_scs_section_size  }
0x9a: {  	s5 =	simm.s32 $_size__tile_overlayer_lowered;
	s6 =	simm.s32 $_tile_overlayer_lowered  }
0x9b: {  	s22 =	simm.s32 $0x1BFF;
	s21 =	sshll.u32 s6, $0x1;
	s3 =	sadd.s32 s4, s19  }
0x9c: {  	s7 =	simm.s32 $0x0;
	s20 =	sshll.u32 s5, $0x1;
	s5 =	sadd.s32 s21, s3  }
0x9d: {  	[timem:s7], [sflag:s22] =	dma.local [hbm:s5], s20  }
0x9e: {  	_ =	swait.ge [sflag:s22], s20  }
0x9f: {  	s4 =	ssub.s32 $0x0, s20;
	[sflag:s22] =	ssyncset.done $0x0  }
0xa0: {  	[sflag:s22] =	ssyncadd.s32 s4;
	_ =	sdelay $0x1  }
0xa1: {  	s23 =	simm.s32 $0x1B8B  }
0xa2: {  	_ =	swait.ge [sflag:s23], $0x1  }
0xa3: {  	[sflag:s23] =	ssyncset.done $0x0  }
0xa4: {  	s25 =	simm.s32 $0x1B8E;
	s24 =	sld [smem:$0x3FFE];
	[sflag:s23] =	ssyncadd.s32 $0xFFFFFFFF  }
0xa5: {  	s26 =	simm.s32 $execute0_lowered;
	[smem:$0x3FD2] =	sst s25  }
0xa6: {  	s5 =	sshll.u32 s26, $0x1;
	_ =	strace $0x80000046;
	[dreg:$0x1] =	wrdreg $0xFFFFFFFF  }
0xa7: {  	s28 =	simm.s32 $_size_execute0_lowered;
	s3 =	sadd.s32 s3, s5;
	[dreg:$0x0] =	wrdreg $0x0  }
0xa8: {  	s5 =	sshll.u32 s28, $0x1;
	[dreg:$0x2] =	wrdreg s3  }
0xa9: {  	[dreg:$0x3] =	wrdreg s5  }
0xaa: {  	[dreg:$0x4] =	wrdreg $0xC0  }
0xab: {  	_ =	task [dreg:s7], $0x5FFFF  }
0xac: {  	[dreg:$0x1] =	wrdreg $0xFFFFFFFF  }
0xad: {  	[dreg:$0x0] =	wrdreg $0x60  }
0xae: {  	[dreg:$0x2] =	wrdreg s24  }
0xaf: {  	[dreg:$0x3] =	wrdreg s2  }
0xb0: {  	[dreg:$0x4] =	wrdreg $0xC  }
0xb1: {  	_ =	task.clear_ibuf [dreg:s7], $0x5FFFF;
	_ =	strace $0x90000046  }
0xb2: {  	s29 =	simm.s32 $0xC;
	_ =	strace $0x80000048  }
0xb3: {  	_ =	swait.ge [sflag:s29], $0x1  }
0xb4: {  	[sflag:s29] =	ssyncadd.s32 $0xFFFFFFFF  }
0xb5: {  	_ =	strace $0x90000048  }
0xb6: {  	_ =	sfence  }
0xb7: {  	s30 =	sld [smem:$0x0];
	_ =	sdelay $0x2  }
0xb8: {  	s31 =	sshll.u32 s1, $0xD;
	s1 =	sshrl.u32 s1, $0x2  }
0xb9: {  	s3 =	sand.u32 $0x4000, s31;
	s1 =	sadd.s32 s1, s30  }
0xba: {  	s0 =	sor.u32 s3, s0;
	s1 =	sshll.u32 s1, $0x11  }
0xbb: {  	s0 =	sor.u32 s1, s0  }
0xbc: {  	s0 =	sadd.s32 $0x8F2B, s0  }
0xbd: {  	[sflag:s0] =	ssyncadd.remote.s32 $0x1  }
0xbe: {  	_ =	sfence.sel $0xFFFF  }
0xbf: {  	[dreg:$0x0] =	wrdreg $0xFFFFFFFF;
	(pc) =	sbr.abs _section_cstart, $3  }
0xc0: {  	[dreg:$0x1] =	wrdreg $0xFFFFFFFF  }
0xc1: {  	_ =	task.clear_ibuf [dreg:s7], $0x2FFFF;
	_ =	strace $0x9FFFFFFF  }
0xc2: {  	(tm) =	ssettm $0x7FFFFFFF  }
0xc3: {  	_ =	shalt  }
tec
execute0_lowered:
.L_overlay_start_1:
0x0: {  	(tag) =	ssettag $0x1  }
0x1: {  	s0 =	srdreg.scid;
	s1 =	rddreg [dreg:$0x0]  }
0x2: {  	s2 =	stileid.u32;
	s4 =	rddreg [dreg:$0x1];
	s28 =	simm.s32 $0xE00  }
0x3: {  	s29 =	simm.s32 $0x1600;
	s30 =	simm.s32 $0x1A00;
	s31 =	simm.s32 $0x2200  }
0x4: {  	s10 =	simm.s32 $0x3A00;
	s11 =	simm.s32 $0x3E00;
	s12 =	simm.s32 $0x4600  }
0x5: {  	s13 =	simm.s32 $0x4A00;
	s14 =	simm.s32 $0x5200;
	s15 =	simm.s32 $0x5600  }
0x6: {  	s17 =	simm.s32 $0x5E00;
	s18 =	simm.s32 $0x6200;
	s19 =	simm.s32 $0x6A00  }
0x7: {  	s20 =	simm.s32 $0x7600;
	s21 =	simm.s32 $0x7A00;
	s16 =	simm.s32 $0x8E00  }
0x8: {  	s0 =	sand.u32 $0x1, s0;
	s3 =	sshll.u32 s2, $0x7;
	s2 =	simm.s32 $0x0  }
0x9: {  	s8 =	sadd.s32 $0x33200, s1;
	s5 =	sshll.u32 s0, $0x6;
	[smem:$0x7FF] =	sst s2  }
0xa: {  	s0 =	ssub.s32 $0x2, s0;
	s5 =	sor.u32 s5, s3;
	_ =	strace $0x80000047  }
0xb: {  	s3 =	sadd.s32 $0x3200, s1;
	s9 =	sshrl.u32 s0, $0x1;
	s6 =	smul.u32 $0x180, s5  }
0xc: {  	s7 =	smul.u32 $0xC00, s5;
	s4 =	sadd.s32 s4, s5;
	s0 =	ssub.s32 s0, s9  }
0xd: {  	s5 =	sadd.s32 $0x3300, s1;
	s9 =	simm.s32 $0x3200;
	[dreg:$0x3] =	wrdreg s4  }
0xe: {  	s4 =	simm.s32 $0x2;
	s6 =	sadd.s32 s8, s6;
	s22 =	sshrl.u32 s7, $0x3  }
0xf: {  	s7 =	simm.s32 $0x3;
	[dreg:$0x7] =	wrdreg s6;
	s23 =	sadd.s32 $0x1800, s6  }
0x10: {  	s24 =	sadd.s32 s8, s22;
	s6 =	smax.u32 s0, $0x1;
	s22 =	simm.s32 $0x8200  }
0x11: {  	v2 =	vlaneseq.u32;
	s8 =	simm.s32 $0x8600;
	[dreg:$0x4] =	wrdreg s23;
	s25 =	sadd.s32 $0x3000, s24  }
0x12: {  	vm0 =	vmmov $0xffff;
	vm1 =	vmmov $0xff;
	v1 =	vshrl.u32 v2, $0x3;
	s26 =	sadd.s32 $0x4800, s24;
	s23 =	simm.s32 $0x9200;
	[dreg:$0x5] =	wrdreg s25  }
0x13: {  	v0 =	vand.u32 $0x7, v2;
	v2 =	vor.u32 $0x8, v2;
	v1 =	vmul.u32 $0x8, v1;
	s24 =	simm.s32 $0x1;
	[dreg:$0x6] =	wrdreg s26;
	s26 =	simm.s32 $0xA00  }
.LBB2_1:
0x14: {  	s25 =	rddreg [dreg:$0x3]  }
0x15: {  	[tilespmem:s2], [sflag:$0x3] =	stream.linear.gather [hbm4b:s25+s2], $0x200, $0x38;
	[tilespmem:$0x18200] =	vst v63  }
0x16: {  	_ =	swait.ge [sflag:s7], $0x200  }
0x17: {  	[sflag:s7] =	ssyncset.done $0x0  }
0x18: {  	[sflag:s7] =	ssyncadd.s32 $0xFFFFFE00  }
0x19: {  	v3 =	vld [tilespmem:$0x0];
	_ =	sdelay $0x4  }
0x1a: {  	v4 =	vshrl.u32 v3, $0x3  }
0x1b: {  	v4 =	vmul.u32 $0x18, v4  }
0x1c: {  	v3 =	vand.u32 $0x7, v3  }
0x1d: {  	v3 =	vor.u32 v3, v4  }
0x1e: {  	v4 =	vperm.xlane v3, v0;
	_ =	sdelay $0x1  }
0x1f: {  	v4 =	vadd.s32 v1, v4;
	_ =	sdelay $0x1  }
0x20: {  	v3 =	vperm.xlane v3, v2;
	_ =	sdelay $0x1  }
0x21: {  	s0 =	simm.s32 $0x200;
	v3 =	vadd.s32 v1, v3  }
0x22: {  	[tilespmem:s0], [sflag:$0x1] =	stream.indirect_vreg.gather [hbm4b:s3+s2], $0x80, v4, vm0, $0xb8;
	[tilespmem:$0x18200] =	vst v63  }
0x23: {  	_ = 	snop  }
0x24: {  	[tilespmem:s26], [sflag:$0x1] =	stream.indirect_vreg.gather [hbm4b:s5+s2], $0x80, v4, vm1, $0xb8;
	[tilespmem:$0x18200] =	vst v63  }
0x25: {  	_ = 	snop  }
0x26: {  	[tilespmem:s28], [sflag:$0x1] =	stream.indirect_vreg.gather [hbm4b:s3+s2], $0x80, v3, vm0, $0xb8;
	[tilespmem:$0x18200] =	vst v63  }
0x27: {  	_ = 	snop  }
0x28: {  	[tilespmem:s29], [sflag:$0x1] =	stream.indirect_vreg.gather [hbm4b:s5+s2], $0x80, v3, vm1, $0xb8;
	[tilespmem:$0x18200] =	vst v63  }
0x29: {  	v3 =	vld [tilespmem:$0x10];
	_ =	sdelay $0x4  }
0x2a: {  	v33 =	vshrl.u32 v3, $0x3  }
0x2b: {  	v4 =	vmul.u32 $0x18, v33  }
0x2c: {  	v3 =	vand.u32 $0x7, v3  }
0x2d: {  	v3 =	vor.u32 v3, v4  }
0x2e: {  	v4 =	vperm.xlane v3, v0;
	_ =	sdelay $0x1  }
0x2f: {  	v4 =	vadd.s32 v1, v4;
	_ =	sdelay $0x1  }
0x30: {  	v3 =	vperm.xlane v3, v2;
	_ =	sdelay $0x1  }
0x31: {  	v3 =	vadd.s32 v1, v3  }
0x32: {  	[tilespmem:s30], [sflag:$0x1] =	stream.indirect_vreg.gather [hbm4b:s3+s2], $0x80, v4, vm0, $0xb8;
	[tilespmem:$0x18200] =	vst v63  }
0x33: {  	_ = 	snop  }
0x34: {  	[tilespmem:s31], [sflag:$0x1] =	stream.indirect_vreg.gather [hbm4b:s5+s2], $0x80, v4, vm1, $0xb8;
	[tilespmem:$0x18200] =	vst v63  }
0x35: {  	s25 =	simm.s32 $0x2600  }
0x36: {  	[tilespmem:s25], [sflag:$0x1] =	stream.indirect_vreg.gather [hbm4b:s3+s2], $0x80, v3, vm0, $0xb8;
	[tilespmem:$0x18200] =	vst v63  }
0x37: {  	s1 =	simm.s32 $0x2E00  }
0x38: {  	[tilespmem:s1], [sflag:$0x1] =	stream.indirect_vreg.gather [hbm4b:s5+s2], $0x80, v3, vm1, $0xb8;
	[tilespmem:$0x18200] =	vst v63  }
0x39: {  	v3 =	vld [tilespmem:$0x20];
	_ =	sdelay $0x4  }
0x3a: {  	v34 =	vshrl.u32 v3, $0x3  }
0x3b: {  	v4 =	vmul.u32 $0x18, v34  }
0x3c: {  	v3 =	vand.u32 $0x7, v3  }
0x3d: {  	v3 =	vor.u32 v3, v4  }
0x3e: {  	v4 =	vperm.xlane v3, v0;
	_ =	sdelay $0x1  }
0x3f: {  	v4 =	vadd.s32 v1, v4;
	_ =	sdelay $0x1  }
0x40: {  	v3 =	vperm.xlane v3, v2;
	_ =	sdelay $0x1  }
0x41: {  	v3 =	vadd.s32 v1, v3  }
0x42: {  	[tilespmem:s9], [sflag:$0x1] =	stream.indirect_vreg.gather [hbm4b:s3+s2], $0x80, v4, vm0, $0xb8;
	[tilespmem:$0x18200] =	vst v63  }
0x43: {  	_ = 	snop  }
0x44: {  	[tilespmem:s10], [sflag:$0x1] =	stream.indirect_vreg.gather [hbm4b:s5+s2], $0x80, v4, vm1, $0xb8;
	[tilespmem:$0x18200] =	vst v63  }
0x45: {  	_ = 	snop  }
0x46: {  	[tilespmem:s11], [sflag:$0x1] =	stream.indirect_vreg.gather [hbm4b:s3+s2], $0x80, v3, vm0, $0xb8;
	[tilespmem:$0x18200] =	vst v63  }
0x47: {  	_ = 	snop  }
0x48: {  	[tilespmem:s12], [sflag:$0x1] =	stream.indirect_vreg.gather [hbm4b:s5+s2], $0x80, v3, vm1, $0xb8;
	[tilespmem:$0x18200] =	vst v63  }
0x49: {  	v3 =	vld [tilespmem:$0x30];
	_ =	sdelay $0x4  }
0x4a: {  	v35 =	vshrl.u32 v3, $0x3  }
0x4b: {  	v4 =	vmul.u32 $0x18, v35  }
0x4c: {  	v3 =	vand.u32 $0x7, v3  }
0x4d: {  	v3 =	vor.u32 v3, v4  }
0x4e: {  	v4 =	vperm.xlane v3, v0;
	_ =	sdelay $0x1  }
0x4f: {  	v4 =	vadd.s32 v1, v4;
	_ =	sdelay $0x1  }
0x50: {  	v3 =	vperm.xlane v3, v2;
	_ =	sdelay $0x1  }
0x51: {  	v3 =	vadd.s32 v1, v3  }
0x52: {  	[tilespmem:s13], [sflag:$0x1] =	stream.indirect_vreg.gather [hbm4b:s3+s2], $0x80, v4, vm0, $0xb8;
	[tilespmem:$0x18200] =	vst v63  }
0x53: {  	_ = 	snop  }
0x54: {  	[tilespmem:s14], [sflag:$0x1] =	stream.indirect_vreg.gather [hbm4b:s5+s2], $0x80, v4, vm1, $0xb8;
	[tilespmem:$0x18200] =	vst v63  }
0x55: {  	_ = 	snop  }
0x56: {  	[tilespmem:s15], [sflag:$0x1] =	stream.indirect_vreg.gather [hbm4b:s3+s2], $0x80, v3, vm0, $0xb8;
	[tilespmem:$0x18200] =	vst v63  }
0x57: {  	_ = 	snop  }
0x58: {  	[tilespmem:s17], [sflag:$0x1] =	stream.indirect_vreg.gather [hbm4b:s5+s2], $0x80, v3, vm1, $0xb8;
	[tilespmem:$0x18200] =	vst v63  }
0x59: {  	v3 =	vld [tilespmem:$0x40];
	_ =	sdelay $0x4  }
0x5a: {  	v36 =	vshrl.u32 v3, $0x3  }
0x5b: {  	v4 =	vmul.u32 $0x18, v36  }
0x5c: {  	v3 =	vand.u32 $0x7, v3  }
0x5d: {  	v3 =	vor.u32 v3, v4  }
0x5e: {  	v4 =	vperm.xlane v3, v0;
	_ =	sdelay $0x1  }
0x5f: {  	v4 =	vadd.s32 v1, v4;
	_ =	sdelay $0x1  }
0x60: {  	v3 =	vperm.xlane v3, v2;
	_ =	sdelay $0x1  }
0x61: {  	v3 =	vadd.s32 v1, v3  }
0x62: {  	[tilespmem:s18], [sflag:$0x1] =	stream.indirect_vreg.gather [hbm4b:s3+s2], $0x80, v4, vm0, $0xb8;
	[tilespmem:$0x18200] =	vst v63  }
0x63: {  	_ = 	snop  }
0x64: {  	[tilespmem:s19], [sflag:$0x1] =	stream.indirect_vreg.gather [hbm4b:s5+s2], $0x80, v4, vm1, $0xb8;
	[tilespmem:$0x18200] =	vst v63  }
0x65: {  	s25 =	simm.s32 $0x6E00  }
0x66: {  	[tilespmem:s25], [sflag:$0x1] =	stream.indirect_vreg.gather [hbm4b:s3+s2], $0x80, v3, vm0, $0xb8;
	[tilespmem:$0x18200] =	vst v63  }
0x67: {  	_ = 	snop  }
0x68: {  	[tilespmem:s20], [sflag:$0x1] =	stream.indirect_vreg.gather [hbm4b:s5+s2], $0x80, v3, vm1, $0xb8;
	[tilespmem:$0x18200] =	vst v63  }
0x69: {  	v3 =	vld [tilespmem:$0x50];
	_ =	sdelay $0x4  }
0x6a: {  	v37 =	vshrl.u32 v3, $0x3  }
0x6b: {  	v4 =	vmul.u32 $0x18, v37  }
0x6c: {  	v3 =	vand.u32 $0x7, v3  }
0x6d: {  	v3 =	vor.u32 v3, v4  }
0x6e: {  	v4 =	vperm.xlane v3, v0;
	_ =	sdelay $0x1  }
0x6f: {  	v4 =	vadd.s32 v1, v4;
	_ =	sdelay $0x1  }
0x70: {  	v3 =	vperm.xlane v3, v2;
	_ =	sdelay $0x1  }
0x71: {  	v3 =	vadd.s32 v1, v3  }
0x72: {  	[tilespmem:s21], [sflag:$0x1] =	stream.indirect_vreg.gather [hbm4b:s3+s2], $0x80, v4, vm0, $0xb8;
	[tilespmem:$0x18200] =	vst v63  }
0x73: {  	_ = 	snop  }
0x74: {  	[tilespmem:s22], [sflag:$0x1] =	stream.indirect_vreg.gather [hbm4b:s5+s2], $0x80, v4, vm1, $0xb8;
	[tilespmem:$0x18200] =	vst v63  }
0x75: {  	_ = 	snop  }
0x76: {  	[tilespmem:s8], [sflag:$0x1] =	stream.indirect_vreg.gather [hbm4b:s3+s2], $0x80, v3, vm0, $0xb8;
	[tilespmem:$0x18200] =	vst v63  }
0x77: {  	_ = 	snop  }
0x78: {  	[tilespmem:s16], [sflag:$0x1] =	stream.indirect_vreg.gather [hbm4b:s5+s2], $0x80, v3, vm1, $0xb8;
	[tilespmem:$0x18200] =	vst v63  }
0x79: {  	v3 =	vld [tilespmem:$0x60];
	_ =	sdelay $0x4  }
0x7a: {  	v38 =	vshrl.u32 v3, $0x3  }
0x7b: {  	v4 =	vmul.u32 $0x18, v38  }
0x7c: {  	v3 =	vand.u32 $0x7, v3  }
0x7d: {  	v3 =	vor.u32 v3, v4  }
0x7e: {  	v4 =	vperm.xlane v3, v0;
	_ =	sdelay $0x1  }
0x7f: {  	v4 =	vadd.s32 v1, v4;
	_ =	sdelay $0x1  }
0x80: {  	v3 =	vperm.xlane v3, v2;
	_ =	sdelay $0x1  }
0x81: {  	v3 =	vadd.s32 v1, v3  }
0x82: {  	[tilespmem:s23], [sflag:$0x1] =	stream.indirect_vreg.gather [hbm4b:s3+s2], $0x80, v4, vm0, $0xb8;
	[tilespmem:$0x18200] =	vst v63  }
0x83: {  	s1 =	simm.s32 $0x9A00  }
0x84: {  	[tilespmem:s1], [sflag:$0x1] =	stream.indirect_vreg.gather [hbm4b:s5+s2], $0x80, v4, vm1, $0xb8;
	[tilespmem:$0x18200] =	vst v63  }
0x85: {  	s25 =	simm.s32 $0x9E00  }
0x86: {  	[tilespmem:s25], [sflag:$0x1] =	stream.indirect_vreg.gather [hbm4b:s3+s2], $0x80, v3, vm0, $0xb8;
	[tilespmem:$0x18200] =	vst v63  }
0x87: {  	s1 =	simm.s32 $0xA600  }
0x88: {  	[tilespmem:s1], [sflag:$0x1] =	stream.indirect_vreg.gather [hbm4b:s5+s2], $0x80, v3, vm1, $0xb8;
	[tilespmem:$0x18200] =	vst v63  }
0x89: {  	v3 =	vld [tilespmem:$0x70];
	_ =	sdelay $0x4  }
0x8a: {  	v39 =	vshrl.u32 v3, $0x3  }
0x8b: {  	v4 =	vmul.u32 $0x18, v39  }
0x8c: {  	v3 =	vand.u32 $0x7, v3  }
0x8d: {  	v3 =	vor.u32 v3, v4  }
0x8e: {  	v4 =	vperm.xlane v3, v0;
	_ =	sdelay $0x1  }
0x8f: {  	v4 =	vadd.s32 v1, v4;
	_ =	sdelay $0x1  }
0x90: {  	v3 =	vperm.xlane v3, v2;
	_ =	sdelay $0x1  }
0x91: {  	s25 =	simm.s32 $0xAA00;
	v3 =	vadd.s32 v1, v3  }
0x92: {  	[tilespmem:s25], [sflag:$0x1] =	stream.indirect_vreg.gather [hbm4b:s3+s2], $0x80, v4, vm0, $0xb8;
	[tilespmem:$0x18200] =	vst v63  }
0x93: {  	s1 =	simm.s32 $0xB200  }
0x94: {  	[tilespmem:s1], [sflag:$0x1] =	stream.indirect_vreg.gather [hbm4b:s5+s2], $0x80, v4, vm1, $0xb8;
	[tilespmem:$0x18200] =	vst v63  }
0x95: {  	s25 =	simm.s32 $0xB600  }
0x96: {  	[tilespmem:s25], [sflag:$0x1] =	stream.indirect_vreg.gather [hbm4b:s3+s2], $0x80, v3, vm0, $0xb8;
	[tilespmem:$0x18200] =	vst v63  }
0x97: {  	s1 =	simm.s32 $0xBE00  }
0x98: {  	[tilespmem:s1], [sflag:$0x1] =	stream.indirect_vreg.gather [hbm4b:s5+s2], $0x80, v3, vm1, $0xb8;
	[tilespmem:$0x18200] =	vst v63  }
0x99: {  	v3 =	vld [tilespmem:$0x80];
	_ =	sdelay $0x4  }
0x9a: {  	v40 =	vshrl.u32 v3, $0x3  }
0x9b: {  	v4 =	vmul.u32 $0x18, v40  }
0x9c: {  	v3 =	vand.u32 $0x7, v3  }
0x9d: {  	v3 =	vor.u32 v3, v4  }
0x9e: {  	v4 =	vperm.xlane v3, v0;
	_ =	sdelay $0x1  }
0x9f: {  	v4 =	vadd.s32 v1, v4;
	_ =	sdelay $0x1  }
0xa0: {  	v3 =	vperm.xlane v3, v2;
	_ =	sdelay $0x1  }
0xa1: {  	s0 =	simm.s32 $0xC200;
	v3 =	vadd.s32 v1, v3  }
0xa2: {  	[tilespmem:s0], [sflag:$0x2] =	stream.indirect_vreg.gather [hbm4b:s3+s2], $0x80, v4, vm0, $0xb8;
	[tilespmem:$0x18200] =	vst v63  }
0xa3: {  	s1 =	simm.s32 $0xCA00  }
0xa4: {  	[tilespmem:s1], [sflag:$0x2] =	stream.indirect_vreg.gather [hbm4b:s5+s2], $0x80, v4, vm1, $0xb8;
	[tilespmem:$0x18200] =	vst v63  }
0xa5: {  	s25 =	simm.s32 $0xCE00  }
0xa6: {  	[tilespmem:s25], [sflag:$0x2] =	stream.indirect_vreg.gather [hbm4b:s3+s2], $0x80, v3, vm0, $0xb8;
	[tilespmem:$0x18200] =	vst v63  }
0xa7: {  	s25 =	simm.s32 $0xD600  }
0xa8: {  	[tilespmem:s25], [sflag:$0x2] =	stream.indirect_vreg.gather [hbm4b:s5+s2], $0x80, v3, vm1, $0xb8;
	[tilespmem:$0x18200] =	vst v63  }
0xa9: {  	v3 =	vld [tilespmem:$0x90];
	_ =	sdelay $0x4  }
0xaa: {  	v41 =	vshrl.u32 v3, $0x3  }
0xab: {  	v4 =	vmul.u32 $0x18, v41  }
0xac: {  	v3 =	vand.u32 $0x7, v3  }
0xad: {  	v3 =	vor.u32 v3, v4  }
0xae: {  	v4 =	vperm.xlane v3, v0;
	_ =	sdelay $0x1  }
0xaf: {  	v4 =	vadd.s32 v1, v4;
	_ =	sdelay $0x1  }
0xb0: {  	v3 =	vperm.xlane v3, v2;
	_ =	sdelay $0x1  }
0xb1: {  	s25 =	simm.s32 $0xDA00;
	v3 =	vadd.s32 v1, v3  }
0xb2: {  	[tilespmem:s25], [sflag:$0x2] =	stream.indirect_vreg.gather [hbm4b:s3+s2], $0x80, v4, vm0, $0xb8;
	[tilespmem:$0x18200] =	vst v63  }
0xb3: {  	s25 =	simm.s32 $0xE200  }
0xb4: {  	[tilespmem:s25], [sflag:$0x2] =	stream.indirect_vreg.gather [hbm4b:s5+s2], $0x80, v4, vm1, $0xb8;
	[tilespmem:$0x18200] =	vst v63  }
0xb5: {  	s25 =	simm.s32 $0xE600  }
0xb6: {  	[tilespmem:s25], [sflag:$0x2] =	stream.indirect_vreg.gather [hbm4b:s3+s2], $0x80, v3, vm0, $0xb8;
	[tilespmem:$0x18200] =	vst v63  }
0xb7: {  	s25 =	simm.s32 $0xEE00  }
0xb8: {  	[tilespmem:s25], [sflag:$0x2] =	stream.indirect_vreg.gather [hbm4b:s5+s2], $0x80, v3, vm1, $0xb8;
	[tilespmem:$0x18200] =	vst v63  }
0xb9: {  	v3 =	vld [tilespmem:$0xA0];
	_ =	sdelay $0x4  }
0xba: {  	v42 =	vshrl.u32 v3, $0x3  }
0xbb: {  	v4 =	vmul.u32 $0x18, v42  }
0xbc: {  	v3 =	vand.u32 $0x7, v3  }
0xbd: {  	v3 =	vor.u32 v3, v4  }
0xbe: {  	v4 =	vperm.xlane v3, v0;
	_ =	sdelay $0x1  }
0xbf: {  	v4 =	vadd.s32 v1, v4;
	_ =	sdelay $0x1  }
0xc0: {  	v3 =	vperm.xlane v3, v2;
	_ =	sdelay $0x1  }
0xc1: {  	s25 =	simm.s32 $0xF200;
	v3 =	vadd.s32 v1, v3  }
0xc2: {  	[tilespmem:s25], [sflag:$0x2] =	stream.indirect_vreg.gather [hbm4b:s3+s2], $0x80, v4, vm0, $0xb8;
	[tilespmem:$0x18200] =	vst v63  }
0xc3: {  	s25 =	simm.s32 $0xFA00  }
0xc4: {  	[tilespmem:s25], [sflag:$0x2] =	stream.indirect_vreg.gather [hbm4b:s5+s2], $0x80, v4, vm1, $0xb8;
	[tilespmem:$0x18200] =	vst v63  }
0xc5: {  	s25 =	simm.s32 $0xFE00  }
0xc6: {  	[tilespmem:s25], [sflag:$0x2] =	stream.indirect_vreg.gather [hbm4b:s3+s2], $0x80, v3, vm0, $0xb8;
	[tilespmem:$0x18200] =	vst v63  }
0xc7: {  	s25 =	simm.s32 $0x10600  }
0xc8: {  	[tilespmem:s25], [sflag:$0x2] =	stream.indirect_vreg.gather [hbm4b:s5+s2], $0x80, v3, vm1, $0xb8;
	[tilespmem:$0x18200] =	vst v63  }
0xc9: {  	v3 =	vld [tilespmem:$0xB0];
	_ =	sdelay $0x4  }
0xca: {  	v43 =	vshrl.u32 v3, $0x3  }
0xcb: {  	v4 =	vmul.u32 $0x18, v43  }
0xcc: {  	v3 =	vand.u32 $0x7, v3  }
0xcd: {  	v3 =	vor.u32 v3, v4  }
0xce: {  	v4 =	vperm.xlane v3, v0;
	_ =	sdelay $0x1  }
0xcf: {  	v4 =	vadd.s32 v1, v4;
	_ =	sdelay $0x1  }
0xd0: {  	v3 =	vperm.xlane v3, v2;
	_ =	sdelay $0x1  }
0xd1: {  	s25 =	simm.s32 $0x10A00;
	v3 =	vadd.s32 v1, v3  }
0xd2: {  	[tilespmem:s25], [sflag:$0x2] =	stream.indirect_vreg.gather [hbm4b:s3+s2], $0x80, v4, vm0, $0xb8;
	[tilespmem:$0x18200] =	vst v63  }
0xd3: {  	s25 =	simm.s32 $0x11200  }
0xd4: {  	[tilespmem:s25], [sflag:$0x2] =	stream.indirect_vreg.gather [hbm4b:s5+s2], $0x80, v4, vm1, $0xb8;
	[tilespmem:$0x18200] =	vst v63  }
0xd5: {  	s25 =	simm.s32 $0x11600  }
0xd6: {  	[tilespmem:s25], [sflag:$0x2] =	stream.indirect_vreg.gather [hbm4b:s3+s2], $0x80, v3, vm0, $0xb8;
	[tilespmem:$0x18200] =	vst v63  }
0xd7: {  	s25 =	simm.s32 $0x11E00  }
0xd8: {  	[tilespmem:s25], [sflag:$0x2] =	stream.indirect_vreg.gather [hbm4b:s5+s2], $0x80, v3, vm1, $0xb8;
	[tilespmem:$0x18200] =	vst v63  }
0xd9: {  	v3 =	vld [tilespmem:$0xC0];
	_ =	sdelay $0x4  }
0xda: {  	v44 =	vshrl.u32 v3, $0x3  }
0xdb: {  	v4 =	vmul.u32 $0x18, v44  }
0xdc: {  	v3 =	vand.u32 $0x7, v3  }
0xdd: {  	v3 =	vor.u32 v3, v4  }
0xde: {  	v4 =	vperm.xlane v3, v0;
	_ =	sdelay $0x1  }
0xdf: {  	v4 =	vadd.s32 v1, v4;
	_ =	sdelay $0x1  }
0xe0: {  	v3 =	vperm.xlane v3, v2;
	_ =	sdelay $0x1  }
0xe1: {  	s25 =	simm.s32 $0x12200;
	v3 =	vadd.s32 v1, v3  }
0xe2: {  	[tilespmem:s25], [sflag:$0x2] =	stream.indirect_vreg.gather [hbm4b:s3+s2], $0x80, v4, vm0, $0xb8;
	[tilespmem:$0x18200] =	vst v63  }
0xe3: {  	s25 =	simm.s32 $0x12A00  }
0xe4: {  	[tilespmem:s25], [sflag:$0x2] =	stream.indirect_vreg.gather [hbm4b:s5+s2], $0x80, v4, vm1, $0xb8;
	[tilespmem:$0x18200] =	vst v63  }
0xe5: {  	s25 =	simm.s32 $0x12E00  }
0xe6: {  	[tilespmem:s25], [sflag:$0x2] =	stream.indirect_vreg.gather [hbm4b:s3+s2], $0x80, v3, vm0, $0xb8;
	[tilespmem:$0x18200] =	vst v63  }
0xe7: {  	s25 =	simm.s32 $0x13600  }
0xe8: {  	[tilespmem:s25], [sflag:$0x2] =	stream.indirect_vreg.gather [hbm4b:s5+s2], $0x80, v3, vm1, $0xb8;
	[tilespmem:$0x18200] =	vst v63  }
0xe9: {  	v3 =	vld [tilespmem:$0xD0];
	_ =	sdelay $0x4  }
0xea: {  	v45 =	vshrl.u32 v3, $0x3  }
0xeb: {  	v4 =	vmul.u32 $0x18, v45  }
0xec: {  	v3 =	vand.u32 $0x7, v3  }
0xed: {  	v3 =	vor.u32 v3, v4  }
0xee: {  	v4 =	vperm.xlane v3, v0;
	_ =	sdelay $0x1  }
0xef: {  	v4 =	vadd.s32 v1, v4;
	_ =	sdelay $0x1  }
0xf0: {  	v3 =	vperm.xlane v3, v2;
	_ =	sdelay $0x1  }
0xf1: {  	s25 =	simm.s32 $0x13A00;
	v3 =	vadd.s32 v1, v3  }
0xf2: {  	[tilespmem:s25], [sflag:$0x2] =	stream.indirect_vreg.gather [hbm4b:s3+s2], $0x80, v4, vm0, $0xb8;
	[tilespmem:$0x18200] =	vst v63  }
0xf3: {  	s25 =	simm.s32 $0x14200  }
0xf4: {  	[tilespmem:s25], [sflag:$0x2] =	stream.indirect_vreg.gather [hbm4b:s5+s2], $0x80, v4, vm1, $0xb8;
	[tilespmem:$0x18200] =	vst v63  }
0xf5: {  	s25 =	simm.s32 $0x14600  }
0xf6: {  	[tilespmem:s25], [sflag:$0x2] =	stream.indirect_vreg.gather [hbm4b:s3+s2], $0x80, v3, vm0, $0xb8;
	[tilespmem:$0x18200] =	vst v63  }
0xf7: {  	s25 =	simm.s32 $0x14E00  }
0xf8: {  	[tilespmem:s25], [sflag:$0x2] =	stream.indirect_vreg.gather [hbm4b:s5+s2], $0x80, v3, vm1, $0xb8;
	[tilespmem:$0x18200] =	vst v63  }
0xf9: {  	v3 =	vld [tilespmem:$0xE0];
	_ =	sdelay $0x4  }
0xfa: {  	v46 =	vshrl.u32 v3, $0x3  }
0xfb: {  	v4 =	vmul.u32 $0x18, v46  }
0xfc: {  	v3 =	vand.u32 $0x7, v3  }
0xfd: {  	v3 =	vor.u32 v3, v4  }
0xfe: {  	v4 =	vperm.xlane v3, v0;
	_ =	sdelay $0x1  }
0xff: {  	v4 =	vadd.s32 v1, v4;
	_ =	sdelay $0x1  }
0x100: {  	v3 =	vperm.xlane v3, v2;
	_ =	sdelay $0x1  }
0x101: {  	s25 =	simm.s32 $0x15200;
	v3 =	vadd.s32 v1, v3  }
0x102: {  	[tilespmem:s25], [sflag:$0x2] =	stream.indirect_vreg.gather [hbm4b:s3+s2], $0x80, v4, vm0, $0xb8;
	[tilespmem:$0x18200] =	vst v63  }
0x103: {  	s25 =	simm.s32 $0x15A00  }
0x104: {  	[tilespmem:s25], [sflag:$0x2] =	stream.indirect_vreg.gather [hbm4b:s5+s2], $0x80, v4, vm1, $0xb8;
	[tilespmem:$0x18200] =	vst v63  }
0x105: {  	s25 =	simm.s32 $0x15E00  }
0x106: {  	[tilespmem:s25], [sflag:$0x2] =	stream.indirect_vreg.gather [hbm4b:s3+s2], $0x80, v3, vm0, $0xb8;
	[tilespmem:$0x18200] =	vst v63  }
0x107: {  	s25 =	simm.s32 $0x16600  }
0x108: {  	[tilespmem:s25], [sflag:$0x2] =	stream.indirect_vreg.gather [hbm4b:s5+s2], $0x80, v3, vm1, $0xb8;
	[tilespmem:$0x18200] =	vst v63  }
0x109: {  	v3 =	vld [tilespmem:$0xF0];
	_ =	sdelay $0x4  }
0x10a: {  	v47 =	vshrl.u32 v3, $0x3  }
0x10b: {  	v4 =	vmul.u32 $0x18, v47  }
0x10c: {  	v3 =	vand.u32 $0x7, v3  }
0x10d: {  	v3 =	vor.u32 v3, v4  }
0x10e: {  	v4 =	vperm.xlane v3, v0;
	_ =	sdelay $0x1  }
0x10f: {  	v4 =	vadd.s32 v1, v4;
	_ =	sdelay $0x1  }
0x110: {  	v3 =	vperm.xlane v3, v2;
	_ =	sdelay $0x1  }
0x111: {  	s25 =	simm.s32 $0x16A00;
	v3 =	vadd.s32 v1, v3  }
0x112: {  	[tilespmem:s25], [sflag:$0x2] =	stream.indirect_vreg.gather [hbm4b:s3+s2], $0x80, v4, vm0, $0xb8;
	[tilespmem:$0x18200] =	vst v63  }
0x113: {  	s25 =	simm.s32 $0x17200  }
0x114: {  	[tilespmem:s25], [sflag:$0x2] =	stream.indirect_vreg.gather [hbm4b:s5+s2], $0x80, v4, vm1, $0xb8;
	[tilespmem:$0x18200] =	vst v63  }
0x115: {  	s25 =	simm.s32 $0x17600  }
0x116: {  	[tilespmem:s25], [sflag:$0x2] =	stream.indirect_vreg.gather [hbm4b:s3+s2], $0x80, v3, vm0, $0xb8;
	[tilespmem:$0x18200] =	vst v63  }
0x117: {  	s25 =	simm.s32 $0x17E00  }
0x118: {  	[tilespmem:s25], [sflag:$0x2] =	stream.indirect_vreg.gather [hbm4b:s5+s2], $0x80, v3, vm1, $0xb8;
	[tilespmem:$0x18200] =	vst v63  }
0x119: {  	_ =	swait.ge [sflag:s24], $0xC000  }
0x11a: {  	[sflag:s24] =	ssyncset.done $0x0  }
0x11b: {  	s1 =	simm.s32 $0x200;
	s25 =	rddreg [dreg:$0x7];
	[sflag:s24] =	ssyncadd.s32 $0xFFFF4000  }
0x11c: {  	[hbm4b:s25+s2] =	stream.linear.scatter [tilespmem:s1], [sflag:$0x3], $0xC000, $0x38;
	[tilespmem:$0x18200] =	vst v63  }
0x11d: {  	_ =	swait.ge [sflag:s7], $0xC000  }
0x11e: {  	[sflag:s7] =	ssyncset.done $0x0  }
0x11f: {  	[sflag:s7] =	ssyncadd.s32 $0xFFFF4000  }
0x120: {  	v3 =	vld [tilespmem:$0x100];
	_ =	sdelay $0x4  }
0x121: {  	v48 =	vshrl.u32 v3, $0x3  }
0x122: {  	v4 =	vmul.u32 $0x18, v48  }
0x123: {  	v3 =	vand.u32 $0x7, v3  }
0x124: {  	v3 =	vor.u32 v3, v4  }
0x125: {  	v4 =	vperm.xlane v3, v0;
	_ =	sdelay $0x1  }
0x126: {  	v4 =	vadd.s32 v1, v4;
	_ =	sdelay $0x1  }
0x127: {  	v3 =	vperm.xlane v3, v2;
	_ =	sdelay $0x1  }
0x128: {  	v3 =	vadd.s32 v1, v3  }
0x129: {  	[tilespmem:s1], [sflag:$0x1] =	stream.indirect_vreg.gather [hbm4b:s3+s2], $0x80, v4, vm0, $0xb8;
	[tilespmem:$0x18200] =	vst v63  }
0x12a: {  	_ = 	snop  }
0x12b: {  	[tilespmem:s26], [sflag:$0x1] =	stream.indirect_vreg.gather [hbm4b:s5+s2], $0x80, v4, vm1, $0xb8;
	[tilespmem:$0x18200] =	vst v63  }
0x12c: {  	_ = 	snop  }
0x12d: {  	[tilespmem:s28], [sflag:$0x1] =	stream.indirect_vreg.gather [hbm4b:s3+s2], $0x80, v3, vm0, $0xb8;
	[tilespmem:$0x18200] =	vst v63  }
0x12e: {  	_ = 	snop  }
0x12f: {  	[tilespmem:s29], [sflag:$0x1] =	stream.indirect_vreg.gather [hbm4b:s5+s2], $0x80, v3, vm1, $0xb8;
	[tilespmem:$0x18200] =	vst v63  }
0x130: {  	v3 =	vld [tilespmem:$0x110];
	_ =	sdelay $0x4  }
0x131: {  	v49 =	vshrl.u32 v3, $0x3  }
0x132: {  	v4 =	vmul.u32 $0x18, v49  }
0x133: {  	v3 =	vand.u32 $0x7, v3  }
0x134: {  	v3 =	vor.u32 v3, v4  }
0x135: {  	v4 =	vperm.xlane v3, v0;
	_ =	sdelay $0x1  }
0x136: {  	v4 =	vadd.s32 v1, v4;
	_ =	sdelay $0x1  }
0x137: {  	v3 =	vperm.xlane v3, v2;
	_ =	sdelay $0x1  }
0x138: {  	v3 =	vadd.s32 v1, v3  }
0x139: {  	[tilespmem:s30], [sflag:$0x1] =	stream.indirect_vreg.gather [hbm4b:s3+s2], $0x80, v4, vm0, $0xb8;
	[tilespmem:$0x18200] =	vst v63  }
0x13a: {  	_ = 	snop  }
0x13b: {  	[tilespmem:s31], [sflag:$0x1] =	stream.indirect_vreg.gather [hbm4b:s5+s2], $0x80, v4, vm1, $0xb8;
	[tilespmem:$0x18200] =	vst v63  }
0x13c: {  	s25 =	simm.s32 $0x2600  }
0x13d: {  	[tilespmem:s25], [sflag:$0x1] =	stream.indirect_vreg.gather [hbm4b:s3+s2], $0x80, v3, vm0, $0xb8;
	[tilespmem:$0x18200] =	vst v63  }
0x13e: {  	s25 =	simm.s32 $0x2E00  }
0x13f: {  	[tilespmem:s25], [sflag:$0x1] =	stream.indirect_vreg.gather [hbm4b:s5+s2], $0x80, v3, vm1, $0xb8;
	[tilespmem:$0x18200] =	vst v63  }
0x140: {  	v3 =	vld [tilespmem:$0x120];
	_ =	sdelay $0x4  }
0x141: {  	v50 =	vshrl.u32 v3, $0x3  }
0x142: {  	v4 =	vmul.u32 $0x18, v50  }
0x143: {  	v3 =	vand.u32 $0x7, v3  }
0x144: {  	v3 =	vor.u32 v3, v4  }
0x145: {  	v4 =	vperm.xlane v3, v0;
	_ =	sdelay $0x1  }
0x146: {  	v4 =	vadd.s32 v1, v4;
	_ =	sdelay $0x1  }
0x147: {  	v3 =	vperm.xlane v3, v2;
	_ =	sdelay $0x1  }
0x148: {  	v3 =	vadd.s32 v1, v3  }
0x149: {  	[tilespmem:s9], [sflag:$0x1] =	stream.indirect_vreg.gather [hbm4b:s3+s2], $0x80, v4, vm0, $0xb8;
	[tilespmem:$0x18200] =	vst v63  }
0x14a: {  	_ = 	snop  }
0x14b: {  	[tilespmem:s10], [sflag:$0x1] =	stream.indirect_vreg.gather [hbm4b:s5+s2], $0x80, v4, vm1, $0xb8;
	[tilespmem:$0x18200] =	vst v63  }
0x14c: {  	_ = 	snop  }
0x14d: {  	[tilespmem:s11], [sflag:$0x1] =	stream.indirect_vreg.gather [hbm4b:s3+s2], $0x80, v3, vm0, $0xb8;
	[tilespmem:$0x18200] =	vst v63  }
0x14e: {  	_ = 	snop  }
0x14f: {  	[tilespmem:s12], [sflag:$0x1] =	stream.indirect_vreg.gather [hbm4b:s5+s2], $0x80, v3, vm1, $0xb8;
	[tilespmem:$0x18200] =	vst v63  }
0x150: {  	v3 =	vld [tilespmem:$0x130];
	_ =	sdelay $0x4  }
0x151: {  	v51 =	vshrl.u32 v3, $0x3  }
0x152: {  	v4 =	vmul.u32 $0x18, v51  }
0x153: {  	v3 =	vand.u32 $0x7, v3  }
0x154: {  	v3 =	vor.u32 v3, v4  }
0x155: {  	v4 =	vperm.xlane v3, v0;
	_ =	sdelay $0x1  }
0x156: {  	v4 =	vadd.s32 v1, v4;
	_ =	sdelay $0x1  }
0x157: {  	v3 =	vperm.xlane v3, v2;
	_ =	sdelay $0x1  }
0x158: {  	v3 =	vadd.s32 v1, v3  }
0x159: {  	[tilespmem:s13], [sflag:$0x1] =	stream.indirect_vreg.gather [hbm4b:s3+s2], $0x80, v4, vm0, $0xb8;
	[tilespmem:$0x18200] =	vst v63  }
0x15a: {  	_ = 	snop  }
0x15b: {  	[tilespmem:s14], [sflag:$0x1] =	stream.indirect_vreg.gather [hbm4b:s5+s2], $0x80, v4, vm1, $0xb8;
	[tilespmem:$0x18200] =	vst v63  }
0x15c: {  	_ = 	snop  }
0x15d: {  	[tilespmem:s15], [sflag:$0x1] =	stream.indirect_vreg.gather [hbm4b:s3+s2], $0x80, v3, vm0, $0xb8;
	[tilespmem:$0x18200] =	vst v63  }
0x15e: {  	_ = 	snop  }
0x15f: {  	[tilespmem:s17], [sflag:$0x1] =	stream.indirect_vreg.gather [hbm4b:s5+s2], $0x80, v3, vm1, $0xb8;
	[tilespmem:$0x18200] =	vst v63  }
0x160: {  	v3 =	vld [tilespmem:$0x140];
	_ =	sdelay $0x4  }
0x161: {  	v52 =	vshrl.u32 v3, $0x3  }
0x162: {  	v4 =	vmul.u32 $0x18, v52  }
0x163: {  	v3 =	vand.u32 $0x7, v3  }
0x164: {  	v3 =	vor.u32 v3, v4  }
0x165: {  	v4 =	vperm.xlane v3, v0;
	_ =	sdelay $0x1  }
0x166: {  	v4 =	vadd.s32 v1, v4;
	_ =	sdelay $0x1  }
0x167: {  	v3 =	vperm.xlane v3, v2;
	_ =	sdelay $0x1  }
0x168: {  	v3 =	vadd.s32 v1, v3  }
0x169: {  	[tilespmem:s18], [sflag:$0x1] =	stream.indirect_vreg.gather [hbm4b:s3+s2], $0x80, v4, vm0, $0xb8;
	[tilespmem:$0x18200] =	vst v63  }
0x16a: {  	_ = 	snop  }
0x16b: {  	[tilespmem:s19], [sflag:$0x1] =	stream.indirect_vreg.gather [hbm4b:s5+s2], $0x80, v4, vm1, $0xb8;
	[tilespmem:$0x18200] =	vst v63  }
0x16c: {  	s25 =	simm.s32 $0x6E00  }
0x16d: {  	[tilespmem:s25], [sflag:$0x1] =	stream.indirect_vreg.gather [hbm4b:s3+s2], $0x80, v3, vm0, $0xb8;
	[tilespmem:$0x18200] =	vst v63  }
0x16e: {  	_ = 	snop  }
0x16f: {  	[tilespmem:s20], [sflag:$0x1] =	stream.indirect_vreg.gather [hbm4b:s5+s2], $0x80, v3, vm1, $0xb8;
	[tilespmem:$0x18200] =	vst v63  }
0x170: {  	v3 =	vld [tilespmem:$0x150];
	_ =	sdelay $0x4  }
0x171: {  	v53 =	vshrl.u32 v3, $0x3  }
0x172: {  	v4 =	vmul.u32 $0x18, v53  }
0x173: {  	v3 =	vand.u32 $0x7, v3  }
0x174: {  	v3 =	vor.u32 v3, v4  }
0x175: {  	v4 =	vperm.xlane v3, v0;
	_ =	sdelay $0x1  }
0x176: {  	v4 =	vadd.s32 v1, v4;
	_ =	sdelay $0x1  }
0x177: {  	v3 =	vperm.xlane v3, v2;
	_ =	sdelay $0x1  }
0x178: {  	v3 =	vadd.s32 v1, v3  }
0x179: {  	[tilespmem:s21], [sflag:$0x1] =	stream.indirect_vreg.gather [hbm4b:s3+s2], $0x80, v4, vm0, $0xb8;
	[tilespmem:$0x18200] =	vst v63  }
0x17a: {  	_ = 	snop  }
0x17b: {  	[tilespmem:s22], [sflag:$0x1] =	stream.indirect_vreg.gather [hbm4b:s5+s2], $0x80, v4, vm1, $0xb8;
	[tilespmem:$0x18200] =	vst v63  }
0x17c: {  	_ = 	snop  }
0x17d: {  	[tilespmem:s8], [sflag:$0x1] =	stream.indirect_vreg.gather [hbm4b:s3+s2], $0x80, v3, vm0, $0xb8;
	[tilespmem:$0x18200] =	vst v63  }
0x17e: {  	_ = 	snop  }
0x17f: {  	[tilespmem:s16], [sflag:$0x1] =	stream.indirect_vreg.gather [hbm4b:s5+s2], $0x80, v3, vm1, $0xb8;
	[tilespmem:$0x18200] =	vst v63  }
0x180: {  	v3 =	vld [tilespmem:$0x160];
	_ =	sdelay $0x4  }
0x181: {  	v54 =	vshrl.u32 v3, $0x3  }
0x182: {  	v4 =	vmul.u32 $0x18, v54  }
0x183: {  	v3 =	vand.u32 $0x7, v3  }
0x184: {  	v3 =	vor.u32 v3, v4  }
0x185: {  	v4 =	vperm.xlane v3, v0;
	_ =	sdelay $0x1  }
0x186: {  	v4 =	vadd.s32 v1, v4;
	_ =	sdelay $0x1  }
0x187: {  	v3 =	vperm.xlane v3, v2;
	_ =	sdelay $0x1  }
0x188: {  	v3 =	vadd.s32 v1, v3  }
0x189: {  	[tilespmem:s23], [sflag:$0x1] =	stream.indirect_vreg.gather [hbm4b:s3+s2], $0x80, v4, vm0, $0xb8;
	[tilespmem:$0x18200] =	vst v63  }
0x18a: {  	s25 =	simm.s32 $0x9A00  }
0x18b: {  	[tilespmem:s25], [sflag:$0x1] =	stream.indirect_vreg.gather [hbm4b:s5+s2], $0x80, v4, vm1, $0xb8;
	[tilespmem:$0x18200] =	vst v63  }
0x18c: {  	s25 =	simm.s32 $0x9E00  }
0x18d: {  	[tilespmem:s25], [sflag:$0x1] =	stream.indirect_vreg.gather [hbm4b:s3+s2], $0x80, v3, vm0, $0xb8;
	[tilespmem:$0x18200] =	vst v63  }
0x18e: {  	s25 =	simm.s32 $0xA600  }
0x18f: {  	[tilespmem:s25], [sflag:$0x1] =	stream.indirect_vreg.gather [hbm4b:s5+s2], $0x80, v3, vm1, $0xb8;
	[tilespmem:$0x18200] =	vst v63  }
0x190: {  	v3 =	vld [tilespmem:$0x170];
	_ =	sdelay $0x4  }
0x191: {  	v55 =	vshrl.u32 v3, $0x3  }
0x192: {  	v4 =	vmul.u32 $0x18, v55  }
0x193: {  	v3 =	vand.u32 $0x7, v3  }
0x194: {  	v3 =	vor.u32 v3, v4  }
0x195: {  	v4 =	vperm.xlane v3, v0;
	_ =	sdelay $0x1  }
0x196: {  	v4 =	vadd.s32 v1, v4;
	_ =	sdelay $0x1  }
0x197: {  	v3 =	vperm.xlane v3, v2;
	_ =	sdelay $0x1  }
0x198: {  	s25 =	simm.s32 $0xAA00;
	v3 =	vadd.s32 v1, v3  }
0x199: {  	[tilespmem:s25], [sflag:$0x1] =	stream.indirect_vreg.gather [hbm4b:s3+s2], $0x80, v4, vm0, $0xb8;
	[tilespmem:$0x18200] =	vst v63  }
0x19a: {  	s25 =	simm.s32 $0xB200  }
0x19b: {  	[tilespmem:s25], [sflag:$0x1] =	stream.indirect_vreg.gather [hbm4b:s5+s2], $0x80, v4, vm1, $0xb8;
	[tilespmem:$0x18200] =	vst v63  }
0x19c: {  	s25 =	simm.s32 $0xB600  }
0x19d: {  	[tilespmem:s25], [sflag:$0x1] =	stream.indirect_vreg.gather [hbm4b:s3+s2], $0x80, v3, vm0, $0xb8;
	[tilespmem:$0x18200] =	vst v63  }
0x19e: {  	s25 =	simm.s32 $0xBE00  }
0x19f: {  	[tilespmem:s25], [sflag:$0x1] =	stream.indirect_vreg.gather [hbm4b:s5+s2], $0x80, v3, vm1, $0xb8;
	[tilespmem:$0x18200] =	vst v63  }
0x1a0: {  	_ =	swait.ge [sflag:s4], $0xC000  }
0x1a1: {  	[sflag:s4] =	ssyncset.done $0x0  }
0x1a2: {  	s1 =	rddreg [dreg:$0x4];
	[sflag:s4] =	ssyncadd.s32 $0xFFFF4000  }
0x1a3: {  	[hbm4b:s1+s2] =	stream.linear.scatter [tilespmem:s0], [sflag:$0x3], $0xC000, $0x38;
	[tilespmem:$0x18200] =	vst v63  }
0x1a4: {  	_ =	swait.ge [sflag:s7], $0xC000  }
0x1a5: {  	[sflag:s7] =	ssyncset.done $0x0  }
0x1a6: {  	[sflag:s7] =	ssyncadd.s32 $0xFFFF4000  }
0x1a7: {  	v3 =	vld [tilespmem:$0x180];
	_ =	sdelay $0x4  }
0x1a8: {  	v56 =	vshrl.u32 v3, $0x3  }
0x1a9: {  	v4 =	vmul.u32 $0x18, v56  }
0x1aa: {  	v3 =	vand.u32 $0x7, v3  }
0x1ab: {  	v3 =	vor.u32 v3, v4  }
0x1ac: {  	v4 =	vperm.xlane v3, v0;
	_ =	sdelay $0x1  }
0x1ad: {  	v4 =	vadd.s32 v1, v4;
	_ =	sdelay $0x1  }
0x1ae: {  	v3 =	vperm.xlane v3, v2;
	_ =	sdelay $0x1  }
0x1af: {  	v3 =	vadd.s32 v1, v3  }
0x1b0: {  	[tilespmem:s0], [sflag:$0x2] =	stream.indirect_vreg.gather [hbm4b:s3+s2], $0x80, v4, vm0, $0xb8;
	[tilespmem:$0x18200] =	vst v63  }
0x1b1: {  	s25 =	simm.s32 $0xCA00  }
0x1b2: {  	[tilespmem:s25], [sflag:$0x2] =	stream.indirect_vreg.gather [hbm4b:s5+s2], $0x80, v4, vm1, $0xb8;
	[tilespmem:$0x18200] =	vst v63  }
0x1b3: {  	s25 =	simm.s32 $0xCE00  }
0x1b4: {  	[tilespmem:s25], [sflag:$0x2] =	stream.indirect_vreg.gather [hbm4b:s3+s2], $0x80, v3, vm0, $0xb8;
	[tilespmem:$0x18200] =	vst v63  }
0x1b5: {  	s25 =	simm.s32 $0xD600  }
0x1b6: {  	[tilespmem:s25], [sflag:$0x2] =	stream.indirect_vreg.gather [hbm4b:s5+s2], $0x80, v3, vm1, $0xb8;
	[tilespmem:$0x18200] =	vst v63  }
0x1b7: {  	v3 =	vld [tilespmem:$0x190];
	_ =	sdelay $0x4  }
0x1b8: {  	v57 =	vshrl.u32 v3, $0x3  }
0x1b9: {  	v4 =	vmul.u32 $0x18, v57  }
0x1ba: {  	v3 =	vand.u32 $0x7, v3  }
0x1bb: {  	v3 =	vor.u32 v3, v4  }
0x1bc: {  	v4 =	vperm.xlane v3, v0;
	_ =	sdelay $0x1  }
0x1bd: {  	v4 =	vadd.s32 v1, v4;
	_ =	sdelay $0x1  }
0x1be: {  	v3 =	vperm.xlane v3, v2;
	_ =	sdelay $0x1  }
0x1bf: {  	s25 =	simm.s32 $0xDA00;
	v3 =	vadd.s32 v1, v3  }
0x1c0: {  	[tilespmem:s25], [sflag:$0x2] =	stream.indirect_vreg.gather [hbm4b:s3+s2], $0x80, v4, vm0, $0xb8;
	[tilespmem:$0x18200] =	vst v63  }
0x1c1: {  	s25 =	simm.s32 $0xE200  }
0x1c2: {  	[tilespmem:s25], [sflag:$0x2] =	stream.indirect_vreg.gather [hbm4b:s5+s2], $0x80, v4, vm1, $0xb8;
	[tilespmem:$0x18200] =	vst v63  }
0x1c3: {  	s25 =	simm.s32 $0xE600  }
0x1c4: {  	[tilespmem:s25], [sflag:$0x2] =	stream.indirect_vreg.gather [hbm4b:s3+s2], $0x80, v3, vm0, $0xb8;
	[tilespmem:$0x18200] =	vst v63  }
0x1c5: {  	s25 =	simm.s32 $0xEE00  }
0x1c6: {  	[tilespmem:s25], [sflag:$0x2] =	stream.indirect_vreg.gather [hbm4b:s5+s2], $0x80, v3, vm1, $0xb8;
	[tilespmem:$0x18200] =	vst v63  }
0x1c7: {  	v3 =	vld [tilespmem:$0x1A0];
	_ =	sdelay $0x4  }
0x1c8: {  	v58 =	vshrl.u32 v3, $0x3  }
0x1c9: {  	v4 =	vmul.u32 $0x18, v58  }
0x1ca: {  	v3 =	vand.u32 $0x7, v3  }
0x1cb: {  	v3 =	vor.u32 v3, v4  }
0x1cc: {  	v4 =	vperm.xlane v3, v0;
	_ =	sdelay $0x1  }
0x1cd: {  	v4 =	vadd.s32 v1, v4;
	_ =	sdelay $0x1  }
0x1ce: {  	v3 =	vperm.xlane v3, v2;
	_ =	sdelay $0x1  }
0x1cf: {  	s25 =	simm.s32 $0xF200;
	v3 =	vadd.s32 v1, v3  }
0x1d0: {  	[tilespmem:s25], [sflag:$0x2] =	stream.indirect_vreg.gather [hbm4b:s3+s2], $0x80, v4, vm0, $0xb8;
	[tilespmem:$0x18200] =	vst v63  }
0x1d1: {  	s25 =	simm.s32 $0xFA00  }
0x1d2: {  	[tilespmem:s25], [sflag:$0x2] =	stream.indirect_vreg.gather [hbm4b:s5+s2], $0x80, v4, vm1, $0xb8;
	[tilespmem:$0x18200] =	vst v63  }
0x1d3: {  	s25 =	simm.s32 $0xFE00  }
0x1d4: {  	[tilespmem:s25], [sflag:$0x2] =	stream.indirect_vreg.gather [hbm4b:s3+s2], $0x80, v3, vm0, $0xb8;
	[tilespmem:$0x18200] =	vst v63  }
0x1d5: {  	s25 =	simm.s32 $0x10600  }
0x1d6: {  	[tilespmem:s25], [sflag:$0x2] =	stream.indirect_vreg.gather [hbm4b:s5+s2], $0x80, v3, vm1, $0xb8;
	[tilespmem:$0x18200] =	vst v63  }
0x1d7: {  	v3 =	vld [tilespmem:$0x1B0];
	_ =	sdelay $0x4  }
0x1d8: {  	v59 =	vshrl.u32 v3, $0x3  }
0x1d9: {  	v4 =	vmul.u32 $0x18, v59  }
0x1da: {  	v3 =	vand.u32 $0x7, v3  }
0x1db: {  	v3 =	vor.u32 v3, v4  }
0x1dc: {  	v4 =	vperm.xlane v3, v0;
	_ =	sdelay $0x1  }
0x1dd: {  	v4 =	vadd.s32 v1, v4;
	_ =	sdelay $0x1  }
0x1de: {  	v3 =	vperm.xlane v3, v2;
	_ =	sdelay $0x1  }
0x1df: {  	s25 =	simm.s32 $0x10A00;
	v3 =	vadd.s32 v1, v3  }
0x1e0: {  	[tilespmem:s25], [sflag:$0x2] =	stream.indirect_vreg.gather [hbm4b:s3+s2], $0x80, v4, vm0, $0xb8;
	[tilespmem:$0x18200] =	vst v63  }
0x1e1: {  	s25 =	simm.s32 $0x11200  }
0x1e2: {  	[tilespmem:s25], [sflag:$0x2] =	stream.indirect_vreg.gather [hbm4b:s5+s2], $0x80, v4, vm1, $0xb8;
	[tilespmem:$0x18200] =	vst v63  }
0x1e3: {  	s25 =	simm.s32 $0x11600  }
0x1e4: {  	[tilespmem:s25], [sflag:$0x2] =	stream.indirect_vreg.gather [hbm4b:s3+s2], $0x80, v3, vm0, $0xb8;
	[tilespmem:$0x18200] =	vst v63  }
0x1e5: {  	s25 =	simm.s32 $0x11E00  }
0x1e6: {  	[tilespmem:s25], [sflag:$0x2] =	stream.indirect_vreg.gather [hbm4b:s5+s2], $0x80, v3, vm1, $0xb8;
	[tilespmem:$0x18200] =	vst v63  }
0x1e7: {  	v3 =	vld [tilespmem:$0x1C0];
	_ =	sdelay $0x4  }
0x1e8: {  	v60 =	vshrl.u32 v3, $0x3  }
0x1e9: {  	v4 =	vmul.u32 $0x18, v60  }
0x1ea: {  	v3 =	vand.u32 $0x7, v3  }
0x1eb: {  	v3 =	vor.u32 v3, v4  }
0x1ec: {  	v4 =	vperm.xlane v3, v0;
	_ =	sdelay $0x1  }
0x1ed: {  	v4 =	vadd.s32 v1, v4;
	_ =	sdelay $0x1  }
0x1ee: {  	v3 =	vperm.xlane v3, v2;
	_ =	sdelay $0x1  }
0x1ef: {  	s25 =	simm.s32 $0x12200;
	v3 =	vadd.s32 v1, v3  }
0x1f0: {  	[tilespmem:s25], [sflag:$0x2] =	stream.indirect_vreg.gather [hbm4b:s3+s2], $0x80, v4, vm0, $0xb8;
	[tilespmem:$0x18200] =	vst v63  }
0x1f1: {  	s25 =	simm.s32 $0x12A00  }
0x1f2: {  	[tilespmem:s25], [sflag:$0x2] =	stream.indirect_vreg.gather [hbm4b:s5+s2], $0x80, v4, vm1, $0xb8;
	[tilespmem:$0x18200] =	vst v63  }
0x1f3: {  	s25 =	simm.s32 $0x12E00  }
0x1f4: {  	[tilespmem:s25], [sflag:$0x2] =	stream.indirect_vreg.gather [hbm4b:s3+s2], $0x80, v3, vm0, $0xb8;
	[tilespmem:$0x18200] =	vst v63  }
0x1f5: {  	s25 =	simm.s32 $0x13600  }
0x1f6: {  	[tilespmem:s25], [sflag:$0x2] =	stream.indirect_vreg.gather [hbm4b:s5+s2], $0x80, v3, vm1, $0xb8;
	[tilespmem:$0x18200] =	vst v63  }
0x1f7: {  	v3 =	vld [tilespmem:$0x1D0];
	_ =	sdelay $0x4  }
0x1f8: {  	v61 =	vshrl.u32 v3, $0x3  }
0x1f9: {  	v4 =	vmul.u32 $0x18, v61  }
0x1fa: {  	v3 =	vand.u32 $0x7, v3  }
0x1fb: {  	v3 =	vor.u32 v3, v4  }
0x1fc: {  	v4 =	vperm.xlane v3, v0;
	_ =	sdelay $0x1  }
0x1fd: {  	v4 =	vadd.s32 v1, v4;
	_ =	sdelay $0x1  }
0x1fe: {  	v3 =	vperm.xlane v3, v2;
	_ =	sdelay $0x1  }
0x1ff: {  	s25 =	simm.s32 $0x13A00;
	v3 =	vadd.s32 v1, v3  }
0x200: {  	[tilespmem:s25], [sflag:$0x2] =	stream.indirect_vreg.gather [hbm4b:s3+s2], $0x80, v4, vm0, $0xb8;
	[tilespmem:$0x18200] =	vst v63  }
0x201: {  	s25 =	simm.s32 $0x14200  }
0x202: {  	[tilespmem:s25], [sflag:$0x2] =	stream.indirect_vreg.gather [hbm4b:s5+s2], $0x80, v4, vm1, $0xb8;
	[tilespmem:$0x18200] =	vst v63  }
0x203: {  	s25 =	simm.s32 $0x14600  }
0x204: {  	[tilespmem:s25], [sflag:$0x2] =	stream.indirect_vreg.gather [hbm4b:s3+s2], $0x80, v3, vm0, $0xb8;
	[tilespmem:$0x18200] =	vst v63  }
0x205: {  	s25 =	simm.s32 $0x14E00  }
0x206: {  	[tilespmem:s25], [sflag:$0x2] =	stream.indirect_vreg.gather [hbm4b:s5+s2], $0x80, v3, vm1, $0xb8;
	[tilespmem:$0x18200] =	vst v63  }
0x207: {  	v3 =	vld [tilespmem:$0x1E0];
	_ =	sdelay $0x4  }
0x208: {  	v62 =	vshrl.u32 v3, $0x3  }
0x209: {  	v4 =	vmul.u32 $0x18, v62  }
0x20a: {  	v3 =	vand.u32 $0x7, v3  }
0x20b: {  	v3 =	vor.u32 v3, v4  }
0x20c: {  	v4 =	vperm.xlane v3, v0;
	_ =	sdelay $0x1  }
0x20d: {  	v4 =	vadd.s32 v1, v4;
	_ =	sdelay $0x1  }
0x20e: {  	v3 =	vperm.xlane v3, v2;
	_ =	sdelay $0x1  }
0x20f: {  	s25 =	simm.s32 $0x15200;
	v3 =	vadd.s32 v1, v3  }
0x210: {  	[tilespmem:s25], [sflag:$0x2] =	stream.indirect_vreg.gather [hbm4b:s3+s2], $0x80, v4, vm0, $0xb8;
	[tilespmem:$0x18200] =	vst v63  }
0x211: {  	s25 =	simm.s32 $0x15A00  }
0x212: {  	[tilespmem:s25], [sflag:$0x2] =	stream.indirect_vreg.gather [hbm4b:s5+s2], $0x80, v4, vm1, $0xb8;
	[tilespmem:$0x18200] =	vst v63  }
0x213: {  	s25 =	simm.s32 $0x15E00  }
0x214: {  	[tilespmem:s25], [sflag:$0x2] =	stream.indirect_vreg.gather [hbm4b:s3+s2], $0x80, v3, vm0, $0xb8;
	[tilespmem:$0x18200] =	vst v63  }
0x215: {  	s25 =	simm.s32 $0x16600  }
0x216: {  	[tilespmem:s25], [sflag:$0x2] =	stream.indirect_vreg.gather [hbm4b:s5+s2], $0x80, v3, vm1, $0xb8;
	[tilespmem:$0x18200] =	vst v63  }
0x217: {  	v3 =	vld [tilespmem:$0x1F0];
	_ =	sdelay $0x4  }
0x218: {  	v63 =	vshrl.u32 v3, $0x3  }
0x219: {  	v4 =	vmul.u32 $0x18, v63  }
0x21a: {  	v3 =	vand.u32 $0x7, v3  }
0x21b: {  	v3 =	vor.u32 v3, v4  }
0x21c: {  	v4 =	vperm.xlane v3, v0;
	_ =	sdelay $0x1  }
0x21d: {  	v4 =	vadd.s32 v1, v4;
	_ =	sdelay $0x1  }
0x21e: {  	v3 =	vperm.xlane v3, v2;
	_ =	sdelay $0x1  }
0x21f: {  	s25 =	simm.s32 $0x16A00;
	v3 =	vadd.s32 v1, v3  }
0x220: {  	[tilespmem:s25], [sflag:$0x2] =	stream.indirect_vreg.gather [hbm4b:s3+s2], $0x80, v4, vm0, $0xb8;
	[tilespmem:$0x18200] =	vst v63  }
0x221: {  	s25 =	simm.s32 $0x17200  }
0x222: {  	[tilespmem:s25], [sflag:$0x2] =	stream.indirect_vreg.gather [hbm4b:s5+s2], $0x80, v4, vm1, $0xb8;
	[tilespmem:$0x18200] =	vst v63  }
0x223: {  	s25 =	simm.s32 $0x17600  }
0x224: {  	[tilespmem:s25], [sflag:$0x2] =	stream.indirect_vreg.gather [hbm4b:s3+s2], $0x80, v3, vm0, $0xb8;
	[tilespmem:$0x18200] =	vst v63  }
0x225: {  	s25 =	simm.s32 $0x17E00  }
0x226: {  	[tilespmem:s25], [sflag:$0x2] =	stream.indirect_vreg.gather [hbm4b:s5+s2], $0x80, v3, vm1, $0xb8;
	[tilespmem:$0x18200] =	vst v63  }
0x227: {  	_ =	swait.ge [sflag:s24], $0xC000  }
0x228: {  	[sflag:s24] =	ssyncset.done $0x0  }
0x229: {  	s1 =	simm.s32 $0x200;
	s25 =	rddreg [dreg:$0x5];
	[sflag:s24] =	ssyncadd.s32 $0xFFFF4000  }
0x22a: {  	[hbm4b:s25+s2] =	stream.linear.scatter [tilespmem:s1], [sflag:$0x3], $0xC000, $0x38;
	[tilespmem:$0x18200] =	vst v63  }
0x22b: {  	_ =	swait.ge [sflag:s7], $0xC000  }
0x22c: {  	[sflag:s7] =	ssyncset.done $0x0  }
0x22d: {  	[sflag:s7] =	ssyncadd.s32 $0xFFFF4000  }
0x22e: {  	_ =	swait.ge [sflag:s4], $0xC000  }
0x22f: {  	p0 =	sne.s32 s6, $0x1;
	[sflag:s4] =	ssyncset.done $0x0  }
.Ltmp0:
0x230: {  	s1 =	rddreg [dreg:$0x6];
	[sflag:s4] =	ssyncadd.s32 $0xFFFF4000;
	(pc) =	sbr.rel @p0 .LBB2_1-.Ltmp0, $4  }
0x231: {  	[hbm4b:s1+s2] =	stream.linear.scatter [tilespmem:s0], [sflag:$0x3], $0xC000, $0x38;
	[tilespmem:$0x18200] =	vst v63  }
0x232: {  	_ =	swait.ge [sflag:s7], $0xC000  }
0x233: {  	[sflag:s7] =	ssyncset.done $0x0  }
0x234: {  	s6 =	sadd.s32 $0xFFFFFFFF, s6;
	[sflag:s7] =	ssyncadd.s32 $0xFFFF4000  }
0x235: {  	_ =	sfence.sel $0x180000  }
0x236: {  	[bflag:$0x0] =	sbarrier.arrive $0xFFFF  }
0x237: {  	_ =	strace $0x90000047  }
0x238: {  	s0 =	stileid.u32;
	[bflag:$0x2] =	sbarrier.arrive $0xFFFF  }
0x239: {  	p0 =	sne.s32 s0, $0x0;
	s0 =	rddreg [dreg:$0x2]  }
0x23a: {  	s0 =	sadd.s32 @!p0 $0x100000, s0  }
0x23b: {  	[sflag:s0] =	ssyncadd.tile.s32 @!p0 $0x1;
	_ =	shalt  }
.Lfunc_end2:
_tile_overlayer_lowered:
.L_overlay_start_2:
0x23c: {  	(tag) =	ssettag $0x2  }
0x23d: {  	s0 =	rddreg [dreg:$0x0];
	s2 =	stileid.u32  }
0x23e: {  	s1 =	rddreg [dreg:$0x1];
	p0 =	sne.s32 s2, $0x0  }
0x23f: {  	s3 =	rddreg [dreg:$0x2];
	[bflag:$0x3] =	sbarrier.arrive $0xFFFF;
	s2 =	simm.s32 @!p0 $0x1C03  }
0x240: {  	[timem:s3], [sflag:s2] =	dma.local @!p0 [hbm:s0], s1  }
0x241: {  	s0 =	simm.s32 @!p0 $0x3  }
0x242: {  	_ =	swait.ge @!p0 [sflag:s0], s1  }
0x243: {  	s1 =	ssub.s32 @!p0 $0x0, s1;
	[sflag:s0] =	ssyncset.done @!p0 $0x0  }
0x244: {  	[sflag:s0] =	ssyncadd.s32 @!p0 s1  }
0x245: {  	[bflag:$0x3] =	sbarrier.arrive $0xFFFF  }
0x246: {  	_ =	shalt  }

</sc_bundles>
